<compile_context>
chip_gen: v7x
topology: tpu7x:2x2x1
jax: 0.10.2.dev20260603
libtpu: 0.0.44.dev20260713+nightly
codegen_flags: <defaults>
</compile_context>

<pallas_src>
import functools

import jax
import jax.numpy as jnp
from jax import lax
from jax.experimental import pallas as pl
from jax.experimental.pallas import tpu as pltpu
from jax.experimental.pallas import tpu_sc as plsc

NC = 2
NS = 16
L = 16

_MESH = plsc.VectorSubcoreMesh(core_axis_name="c", subcore_axis_name="s")
_SC_PARAMS = pltpu.CompilerParams(needs_layout_passes=False,
                                  use_tc_tiling_on_sc=False)


def _maxes_kernel(E, N, EPT, NPT):

    @functools.partial(
        pl.kernel,
        out_type=jax.ShapeDtypeStruct((NC * NS, 2 * L), jnp.int32),
        mesh=_MESH,
        compiler_params=_SC_PARAMS,
        scratch_types=[
            pltpu.VMEM((EPT,), jnp.int32),
            pltpu.VMEM((NPT,), jnp.int32),
            pltpu.VMEM((2 * L,), jnp.int32),
            pltpu.SemaphoreType.DMA,
            pltpu.SemaphoreType.DMA,
        ],
    )
    def k(el_hbm, nl_hbm, out_hbm, ebuf, nbuf, obuf, sem, sem2):
        c = lax.axis_index("c")
        s = lax.axis_index("s")
        wid = c * NS + s
        zero16 = jnp.zeros((L,), jnp.int32)

        d_e = pltpu.async_copy(el_hbm.at[pl.ds(wid * EPT, EPT)], ebuf, sem)
        nbase = jnp.minimum(wid * NPT, N - NPT)
        d_n = pltpu.async_copy(nl_hbm.at[pl.ds(nbase, NPT)], nbuf, sem2)
        d_n.wait()

        def ngrp(i, m2):
            return jnp.maximum(m2, nbuf[pl.ds(i * L, L)])

        mn = lax.fori_loop(0, NPT // L, ngrp, zero16)
        d_e.wait()

        def grp(i, m2):
            return jnp.maximum(m2, ebuf[pl.ds(i * L, L)])

        me = lax.fori_loop(0, EPT // L, grp, zero16)

        obuf[pl.ds(0, L)] = me
        obuf[pl.ds(L, L)] = mn
        pltpu.sync_copy(obuf, out_hbm.at[wid])

    return k


def _edge_kernel(E, N, EPT):
    B = 2000
    NBLK = EPT // B
    GP = B // L
    NR = 16
    RW = 128
    HPS = (N * L) // NS
    ZB = 2000
    TB = E // 128
    WT = 17

    @functools.partial(
        pl.kernel,
        out_type=(
            jax.ShapeDtypeStruct((E,), jnp.float32),
            jax.ShapeDtypeStruct((E,), jnp.float32),
            jax.ShapeDtypeStruct((E,), jnp.float32),
            jax.ShapeDtypeStruct((NC, N * L), jnp.float32),
        ),
        mesh=_MESH,
        compiler_params=_SC_PARAMS,
        scratch_types=[
            pltpu.VMEM((N,), jnp.int32),
            pltpu.VMEM((2, WT, 2, 128), jnp.int32),
            pltpu.VMEM((2, B), jnp.int32),
            pltpu.VMEM((B,), jnp.float32),
            pltpu.VMEM((B,), jnp.float32),
            pltpu.VMEM((B,), jnp.float32),
            pltpu.VMEM((NR, RW), jnp.int32),
            pltpu.VMEM((NR, RW), jnp.float32),
            pltpu.VMEM((2, L), jnp.float32),
            pltpu.VMEM_SHARED((N * L,), jnp.float32),
            pltpu.SemaphoreType.DMA,
            pltpu.SemaphoreType.DMA,
            pltpu.SemaphoreType.DMA,
        ],
    )
    def k(ei_hbm, el_hbm, nl_hbm, inv_hbm, c0_hbm, c1_hbm, c2_hbm, part_hbm,
          nl_v, ei_v, elab_v, c0_v, c1_v, c2_v, hidx_v, ones_v, inv_v,
          hist_sh, sem_in, sem_sc, sem_out):
        c = lax.axis_index("c")
        s = lax.axis_index("s")
        wid = c * NS + s
        iota16 = lax.iota(jnp.int32, L)
        fz16 = jnp.zeros((L,), jnp.float32)

        pltpu.sync_copy(nl_hbm, nl_v)
        pltpu.sync_copy(inv_hbm, inv_v)

        def z_hidx(i, _):
            hidx_v[i // 8, pl.ds((i % 8) * L, L)] = jnp.zeros((L,), jnp.int32)
            ones_v[i // 8, pl.ds((i % 8) * L, L)] = jnp.where(
                i * L + iota16 < B, 1.0, 0.0)
            return 0

        lax.fori_loop(0, NR * 8, z_hidx, 0)

        def z_zb(i, _):
            c0_v[pl.ds(i * L, L)] = fz16
            return 0

        lax.fori_loop(0, ZB // L, z_zb, 0)

        def z_hist(j, _):
            pltpu.sync_copy(c0_v, hist_sh.at[pl.ds(s * HPS + j * ZB, ZB)])
            return 0

        lax.fori_loop(0, HPS // ZB, z_hist, 0)

        def lo(b, slot):
            base0 = wid * EPT + b * B
            tlo = jnp.minimum(base0 // 128, TB - WT)
            pltpu.async_copy(ei_hbm.at[pl.ds(tlo, WT)], ei_v.at[slot], sem_in)
            pltpu.async_copy(el_hbm.at[pl.ds(base0, B)], elab_v.at[slot],
                             sem_in)

        lo(0, 0)
        plsc.subcore_barrier()

        def blk(b, _):
            q = lax.rem(b, 2)
            base = wid * EPT + b * B
            tile_lo = jnp.minimum(base // 128, TB - WT)
            off = base - tile_lo * 128
            pltpu.make_async_copy(ei_hbm.at[pl.ds(0, WT)], ei_v.at[q],
                                  sem_in).wait()
            pltpu.make_async_copy(el_hbm.at[pl.ds(0, B)], elab_v.at[q],
                                  sem_in).wait()

            @pl.when(b + 1 < NBLK)
            def _prefetch():
                lo(b + 1, 1 - q)

            descs = []
            for sb in range(NR):
                ngr = min(8, GP - sb * 8)

                def grp(i, _, sb=sb):
                    g = sb * 8 + i
                    sl = pl.ds(g * L, L)
                    goff = off + g * L
                    t = goff // 128
                    cidx = goff - t * 128
                    si = ei_v[q, t, 0, pl.ds(cidx, L)]
                    di = ei_v[q, t, 1, pl.ds(cidx, L)]
                    el = elab_v[q, sl]
                    invmn = inv_v[0, :]
                    invme = inv_v[1, :]
                    u = plsc.load_gather(nl_v, [si]) + 1
                    v = plsc.load_gather(nl_v, [di]) + 1
                    uf = u.astype(jnp.float32) * invmn
                    vf = v.astype(jnp.float32) * invmn
                    wf = (el + 1).astype(jnp.float32) * invme
                    r = 1.0 / (uf + vf + wf)
                    c0_v[sl] = uf * r
                    c1_v[sl] = vf * r
                    c2_v[sl] = wf * r
                    hidx_v[sb, pl.ds(i * L, L)] = di * L + el
                    return 0

                lax.fori_loop(0, ngr, grp, 0)
                descs.append(pltpu.async_copy(
                    ones_v.at[sb], hist_sh.at[hidx_v.at[sb]], sem_sc,
                    add=True))

            descs.append(pltpu.async_copy(c0_v, c0_hbm.at[pl.ds(base, B)],
                                          sem_out))
            descs.append(pltpu.async_copy(c1_v, c1_hbm.at[pl.ds(base, B)],
                                          sem_out))
            descs.append(pltpu.async_copy(c2_v, c2_hbm.at[pl.ds(base, B)],
                                          sem_out))
            for d in descs:
                d.wait()
            return 0

        lax.fori_loop(0, NBLK, blk, 0)
        plsc.subcore_barrier()
        pltpu.sync_copy(hist_sh.at[pl.ds(s * HPS, HPS)],
                        part_hbm.at[c, pl.ds(s * HPS, HPS)])

    return k


def _nfeat_kernel(N, D):
    BR = 400
    grid = N // BR

    def body(lab_ref, part_ref, out_ref):
        lab = lab_ref[...]
        cols = lax.broadcasted_iota(jnp.int32, (BR, D), 1)
        oh = jnp.where(cols == lab, 1.0, 0.0).astype(jnp.float32)
        cnt = part_ref[0] + part_ref[1]
        deg = jnp.sum(cnt, axis=1, keepdims=True)
        emb = cnt / jnp.maximum(deg, 1.0)
        out_ref[:, :D] = oh
        out_ref[:, D:] = emb

    return pl.pallas_call(
        body,
        grid=(grid,),
        in_specs=[
            pl.BlockSpec((BR, 1), lambda i: (i, 0)),
            pl.BlockSpec((NC, BR, L), lambda i: (0, i, 0)),
        ],
        out_specs=pl.BlockSpec((BR, D + L), lambda i: (i, 0)),
        out_shape=jax.ShapeDtypeStruct((N, D + L), jnp.float32),
    )


def kernel(node_labels, edge_labels, edge_index, node_encoder, edge_encoder):
    N = node_labels.shape[0]
    E = edge_labels.shape[0]
    D = node_encoder.shape[0]
    NW = NC * NS
    EPT = E // NW
    assert E == EPT * NW and EPT % 2000 == 0
    NPT = 1568
    assert NPT % L == 0 and (N * L) % (NS * 2000) == 0

    node_labels = node_labels.astype(jnp.int32)
    edge_labels = edge_labels.astype(jnp.int32)
    edge_index = edge_index.astype(jnp.int32)

    mx = _maxes_kernel(E, N, EPT, NPT)(edge_labels, node_labels)
    max_el = jnp.max(mx[:, :L]).astype(jnp.float32)
    max_nl = (jnp.max(mx[:, L:]) + 1).astype(jnp.float32)
    inv = jnp.stack([jnp.full((L,), 1.0, jnp.float32) / max_nl,
                     jnp.full((L,), 1.0, jnp.float32) / max_el])

    ei_tiles = edge_index.reshape(2, E // 128, 128).transpose(1, 0, 2)
    c0, c1, c2, parts = _edge_kernel(E, N, EPT)(
        ei_tiles, edge_labels, node_labels, inv)
    e_feat = jnp.stack([c0, c1, c2], axis=1)

    n_feat = _nfeat_kernel(N, D)(
        node_labels.reshape(N, 1), parts.reshape(NC, N, L))
    return n_feat, e_feat

# --- scband reference (transcript-rebuilt; emitter-appended) ---
"""Pipeline reference for scband-graph-preprocessor-1151051235755 (READ-ONLY COPY).

The authoritative reference and input builder live on the scoring server;
editing this copy changes nothing except your own understanding.
"""

import jax, jax.numpy as jnp
import numpy as np

N_NODES = 50000
N_EDGES = 1600000
MAX_NLABEL = 128
MAX_ELABEL = 16


def normalize_features(mx):
    # Row-normalize tensor; inf (from zero row sums) -> 0, matching torch reference
    row_sum = jnp.sum(mx, axis=1)
    r_inv = jnp.where(row_sum == 0.0, 0.0, 1.0 / row_sum)
    return mx * r_inv[:, None]


def setup_inputs(seed: int = 0) -> dict:
    key = jax.random.key(seed)
    k1, k2, k3 = jax.random.split(key, 3)
    node_labels = jax.random.randint(k1, (N_NODES,), 0, MAX_NLABEL)
    edge_labels = jax.random.randint(k2, (N_EDGES,), 0, MAX_ELABEL)
    edge_index = jax.random.randint(k3, (2, N_EDGES), 0, N_NODES)
    # one-hot encoders (torch.eye in generate_encoder); materialized as float tables
    node_encoder = jnp.eye(MAX_NLABEL, dtype=jnp.float32)
    edge_encoder = jnp.eye(MAX_ELABEL, dtype=jnp.float32)
    return {
        'node_labels': node_labels,
        'edge_labels': edge_labels,
        'edge_index': edge_index,
        'node_encoder': node_encoder,
        'edge_encoder': edge_encoder,
    }


def reference(node_labels, edge_labels, edge_index, node_encoder, edge_encoder):
    src = edge_index[0]
    dst = edge_index[1]
    n = node_labels.shape[0]

    # --- node_udf: n_feat = one-hot(node_labels) ---
    n_feat = jnp.take(node_encoder, node_labels, axis=0)  # [N, MAX_NLABEL]

    # --- message_func (edge_labels + node_labels branch) ---
    # message = edge-label one-hot, gathered per edge (before label increments)
    message = jnp.take(edge_encoder, edge_labels, axis=0)  # [E, MAX_ELABEL]
    max_elabel = edge_labels.max().astype(jnp.float32)
    el2 = edge_labels + 1  # self.bg.edata['edge_labels'] += 1
    nl2 = node_labels + 1  # self.bg.ndata['node_labels'] += 1
    max_nlabel = nl2.max().astype(jnp.float32)
    edge_features = jnp.stack(
        [
            nl2[src].astype(jnp.float32) / max_nlabel,
            nl2[dst].astype(jnp.float32) / max_nlabel,
            el2.astype(jnp.float32) / max_elabel,
        ],
        axis=1,
    )  # [E, 3]
    e_feat = normalize_features(edge_features)

    # --- reduced_func: mean of incoming edge messages per dst node ---
    seg_sum = jax.ops.segment_sum(message, dst, num_segments=n)  # [N, MAX_ELABEL]
    deg = jax.ops.segment_sum(jnp.ones((dst.shape[0], 1), jnp.float32), dst, num_segments=n)
    edge_embedding = seg_sum / jnp.clip(deg, 1.0, None)
    n_feat = jnp.concatenate([n_feat, edge_embedding], axis=1)  # [N, MAX_NLABEL+MAX_ELABEL]
    return n_feat, e_feat

if __name__ == "__main__":
    import jax
    _d = setup_inputs()
    print(jax.jit(kernel)(*tuple(_d.values())))

</pallas_src>

<mosaic_0001>
#map = affine_map<(d0, d1) -> (0, 0, 0)>
#map1 = affine_map<(d0, d1) -> (0)>
#map2 = affine_map<(d0, d1) -> (0, 0)>
module attributes {stable_mosaic.version = 14 : i64} {
  func.func @k(%arg0: i32, %arg1: i32, %arg2: memref<12500x2x128xi32, #tpu.memory_space<hbm>>, %arg3: memref<1600000xi32, #tpu.memory_space<hbm>>, %arg4: memref<50000xi32, #tpu.memory_space<hbm>>, %arg5: memref<2x16xf32, #tpu.memory_space<hbm>>, %arg6: memref<1600000xf32, #tpu.memory_space<hbm>>, %arg7: memref<1600000xf32, #tpu.memory_space<hbm>>, %arg8: memref<1600000xf32, #tpu.memory_space<hbm>>, %arg9: memref<2x800000xf32, #tpu.memory_space<hbm>>, %arg10: memref<50000xi32, #tpu.memory_space<vmem>>, %arg11: memref<2x17x2x128xi32, #tpu.memory_space<vmem>>, %arg12: memref<2x2000xi32, #tpu.memory_space<vmem>>, %arg13: memref<2000xf32, #tpu.memory_space<vmem>>, %arg14: memref<2000xf32, #tpu.memory_space<vmem>>, %arg15: memref<2000xf32, #tpu.memory_space<vmem>>, %arg16: memref<16x128xi32, #tpu.memory_space<vmem>>, %arg17: memref<16x128xf32, #tpu.memory_space<vmem>>, %arg18: memref<2x16xf32, #tpu.memory_space<vmem>>, %arg19: memref<800000xf32, #tpu.memory_space<vmem_shared>>, %arg20: memref<!tpu.dma_semaphore, #tpu.memory_space<semaphore_mem>>, %arg21: memref<!tpu.dma_semaphore, #tpu.memory_space<semaphore_mem>>, %arg22: memref<!tpu.dma_semaphore, #tpu.memory_space<semaphore_mem>>) attributes {dimension_semantics = [#tpu.dimension_semantics<core_parallel>, #tpu.dimension_semantics<subcore_parallel>], iteration_bounds = array<i64: 2, 16>, scalar_prefetch = 0 : i64, scratch_operands = 13 : i64, tpu.core_type = #tpu.core_type<sc_vector_subcore>, window_params = [{transform_indices = #map}, {transform_indices = #map1}, {transform_indices = #map1}, {transform_indices = #map2}, {transform_indices = #map1}, {transform_indices = #map1}, {transform_indices = #map1}, {transform_indices = #map2}]} {
    %mul3A = arith.constant 16 : i32
    %mul3A_0 = arith.muli %arg0, %mul3A : i32
    %add3A = arith.addi %mul3A_0, %arg1 : i32
    %iota3A = tpu.iota {dimensions = array<i32: 0>} : vector<16xi32>
    %broadcast_in_dim3A = arith.constant 0.000000e+00 : f32
    %broadcast_in_dim3A_1 = vector.broadcast %broadcast_in_dim3A : f32 to vector<16xf32>
    "tpu.region"() ({
      %run_scoped3A = tpu.sem_alloc : memref<!tpu.dma_semaphore, #tpu.memory_space<semaphore_mem>>
      tpu.enqueue_dma source(%arg4 : memref<50000xi32, #tpu.memory_space<hbm>>) target(%arg10 : memref<50000xi32, #tpu.memory_space<vmem>>) target_semaphore(%run_scoped3A : memref<!tpu.dma_semaphore, #tpu.memory_space<semaphore_mem>>)
      tpu.wait_dma2 semaphore(%run_scoped3A : memref<!tpu.dma_semaphore, #tpu.memory_space<semaphore_mem>>) src(%arg4 : memref<50000xi32, #tpu.memory_space<hbm>>) dst(%arg10 : memref<50000xi32, #tpu.memory_space<vmem>>)
      tpu.yield
    }) : () -> ()
    "tpu.region"() ({
      %run_scoped3A = tpu.sem_alloc : memref<!tpu.dma_semaphore, #tpu.memory_space<semaphore_mem>>
      tpu.enqueue_dma source(%arg5 : memref<2x16xf32, #tpu.memory_space<hbm>>) target(%arg18 : memref<2x16xf32, #tpu.memory_space<vmem>>) target_semaphore(%run_scoped3A : memref<!tpu.dma_semaphore, #tpu.memory_space<semaphore_mem>>)
      tpu.wait_dma2 semaphore(%run_scoped3A : memref<!tpu.dma_semaphore, #tpu.memory_space<semaphore_mem>>) src(%arg5 : memref<2x16xf32, #tpu.memory_space<hbm>>) dst(%arg18 : memref<2x16xf32, #tpu.memory_space<vmem>>)
      tpu.yield
    }) : () -> ()
    %scan3A = arith.constant 0 : i32
    %scan3A_2 = arith.constant 0 : i32
    %scan3A_3 = arith.constant 128 : i32
    %scan3A_4 = arith.addi %scan3A_2, %scan3A_3 : i32
    %scan3A_5 = arith.constant 1 : i32
    %scan3A_6 = scf.for %scan3A_80 = %scan3A_2 to %scan3A_4 step %scan3A_5 iter_args(%scan3A_81 = %scan3A) -> (i32)  : i32 {
      %broadcast_in_dim3A_82 = arith.constant 0 : i32
      %broadcast_in_dim3A_83 = vector.broadcast %broadcast_in_dim3A_82 : i32 to vector<16xi32>
      %jit3A_84 = arith.constant 8 : i32
      %div3A_85 = arith.divsi %scan3A_80, %jit3A_84 : i32
      %sign3A_86 = arith.constant 0 : i32
      %sign3A_87 = arith.cmpi sgt, %scan3A_80, %sign3A_86 : i32
      %sign3A_88 = arith.extui %sign3A_87 : i1 to i32
      %sign3A_89 = arith.constant 0 : i32
      %sign3A_90 = arith.cmpi slt, %scan3A_80, %sign3A_89 : i32
      %sign3A_91 = arith.extui %sign3A_90 : i1 to i32
      %sign3A_92 = arith.subi %sign3A_88, %sign3A_91 : i32
      %sign3A_93 = arith.constant 0 : i32
      %sign3A_94 = arith.cmpi sgt, %jit3A_84, %sign3A_93 : i32
      %sign3A_95 = arith.extui %sign3A_94 : i1 to i32
      %sign3A_96 = arith.constant 0 : i32
      %sign3A_97 = arith.cmpi slt, %jit3A_84, %sign3A_96 : i32
      %sign3A_98 = arith.extui %sign3A_97 : i1 to i32
      %sign3A_99 = arith.subi %sign3A_95, %sign3A_98 : i32
      %ne3A_100 = arith.cmpi ne, %sign3A_92, %sign3A_99 : i32
      %rem3A_101 = arith.remsi %scan3A_80, %jit3A_84 : i32
      %ne3A_102 = arith.constant 0 : i32
      %ne3A_103 = arith.cmpi ne, %rem3A_101, %ne3A_102 : i32
      %and3A_104 = arith.andi %ne3A_100, %ne3A_103 : i1
      %sub3A_105 = arith.constant 1 : i32
      %sub3A_106 = arith.subi %div3A_85, %sub3A_105 : i32
      %select_n3A_107 = arith.select %and3A_104, %sub3A_106, %div3A_85 : i32
      %jit3A_108 = arith.constant 8 : i32
      %eq3A = arith.constant 0 : i32
      %eq3A_109 = arith.cmpi eq, %jit3A_108, %eq3A : i32
      %jit3A_110 = arith.constant 1 : i32
      %select_n3A_111 = arith.select %eq3A_109, %jit3A_110, %jit3A_108 : i32
      %rem3A_112 = arith.remsi %scan3A_80, %select_n3A_111 : i32
      %ne3A_113 = arith.constant 0 : i32
      %ne3A_114 = arith.cmpi ne, %rem3A_112, %ne3A_113 : i32
      %lt3A = arith.constant 0 : i32
      %lt3A_115 = arith.cmpi slt, %rem3A_112, %lt3A : i32
      %lt3A_116 = arith.constant 0 : i32
      %lt3A_117 = arith.cmpi slt, %select_n3A_111, %lt3A_116 : i32
      %ne3A_118 = arith.xori %lt3A_115, %lt3A_117 : i1
      %and3A_119 = arith.andi %ne3A_118, %ne3A_114 : i1
      %add3A_120 = arith.addi %rem3A_112, %select_n3A_111 : i32
      %select_n3A_121 = arith.select %and3A_119, %add3A_120, %rem3A_112 : i32
      %mul3A_122 = arith.constant 16 : i32
      %mul3A_123 = arith.muli %select_n3A_121, %mul3A_122 : i32
      %swap3A = arith.index_cast %select_n3A_107 : i32 to index
      %swap3A_124 = arith.index_cast %mul3A_123 : i32 to index
      %swap3A_125 = tpu.vector_load %arg16[%swap3A, %swap3A_124] {strides = array<i32>} : memref<16x128xi32, #tpu.memory_space<vmem>>, vector<16xi32>,
      tpu.vector_store %arg16[%swap3A, %swap3A_124], %broadcast_in_dim3A_83 {strides = array<i32>} : memref<16x128xi32, #tpu.memory_space<vmem>>, vector<16xi32>,
      %mul3A_126 = arith.constant 16 : i32
      %mul3A_127 = arith.muli %scan3A_80, %mul3A_126 : i32
      %add3A_128 = vector.broadcast %mul3A_127 : i32 to vector<16xi32>
      %add3A_129 = arith.addi %add3A_128, %iota3A : vector<16xi32>
      %lt3A_130 = arith.constant 2000 : i32
      %lt3A_131 = vector.broadcast %lt3A_130 : i32 to vector<16xi32>
      %lt3A_132 = arith.cmpi slt, %add3A_129, %lt3A_131 : vector<16xi32>
      %jit3A_133 = arith.constant 1.000000e+00 : f32
      %jit3A_134 = arith.constant 0.000000e+00 : f32
      %broadcast_in_dim3A_135 = vector.broadcast %jit3A_133 : f32 to vector<16xf32>
      %broadcast_in_dim3A_136 = vector.broadcast %jit3A_134 : f32 to vector<16xf32>
      %select_n3A_137 = arith.select %lt3A_132, %broadcast_in_dim3A_135, %broadcast_in_dim3A_136 : vector<16xi1>, vector<16xf32>
      %jit3A_138 = arith.constant 8 : i32
      %div3A_139 = arith.divsi %scan3A_80, %jit3A_138 : i32
      %sign3A_140 = arith.constant 0 : i32
      %sign3A_141 = arith.cmpi sgt, %scan3A_80, %sign3A_140 : i32
      %sign3A_142 = arith.extui %sign3A_141 : i1 to i32
      %sign3A_143 = arith.constant 0 : i32
      %sign3A_144 = arith.cmpi slt, %scan3A_80, %sign3A_143 : i32
      %sign3A_145 = arith.extui %sign3A_144 : i1 to i32
      %sign3A_146 = arith.subi %sign3A_142, %sign3A_145 : i32
      %sign3A_147 = arith.constant 0 : i32
      %sign3A_148 = arith.cmpi sgt, %jit3A_138, %sign3A_147 : i32
      %sign3A_149 = arith.extui %sign3A_148 : i1 to i32
      %sign3A_150 = arith.constant 0 : i32
      %sign3A_151 = arith.cmpi slt, %jit3A_138, %sign3A_150 : i32
      %sign3A_152 = arith.extui %sign3A_151 : i1 to i32
      %sign3A_153 = arith.subi %sign3A_149, %sign3A_152 : i32
      %ne3A_154 = arith.cmpi ne, %sign3A_146, %sign3A_153 : i32
      %rem3A_155 = arith.remsi %scan3A_80, %jit3A_138 : i32
      %ne3A_156 = arith.constant 0 : i32
      %ne3A_157 = arith.cmpi ne, %rem3A_155, %ne3A_156 : i32
      %and3A_158 = arith.andi %ne3A_154, %ne3A_157 : i1
      %sub3A_159 = arith.constant 1 : i32
      %sub3A_160 = arith.subi %div3A_139, %sub3A_159 : i32
      %select_n3A_161 = arith.select %and3A_158, %sub3A_160, %div3A_139 : i32
      %jit3A_162 = arith.constant 8 : i32
      %eq3A_163 = arith.constant 0 : i32
      %eq3A_164 = arith.cmpi eq, %jit3A_162, %eq3A_163 : i32
      %jit3A_165 = arith.constant 1 : i32
      %select_n3A_166 = arith.select %eq3A_164, %jit3A_165, %jit3A_162 : i32
      %rem3A_167 = arith.remsi %scan3A_80, %select_n3A_166 : i32
      %ne3A_168 = arith.constant 0 : i32
      %ne3A_169 = arith.cmpi ne, %rem3A_167, %ne3A_168 : i32
      %lt3A_170 = arith.constant 0 : i32
      %lt3A_171 = arith.cmpi slt, %rem3A_167, %lt3A_170 : i32
      %lt3A_172 = arith.constant 0 : i32
      %lt3A_173 = arith.cmpi slt, %select_n3A_166, %lt3A_172 : i32
      %ne3A_174 = arith.xori %lt3A_171, %lt3A_173 : i1
      %and3A_175 = arith.andi %ne3A_174, %ne3A_169 : i1
      %add3A_176 = arith.addi %rem3A_167, %select_n3A_166 : i32
      %select_n3A_177 = arith.select %and3A_175, %add3A_176, %rem3A_167 : i32
      %mul3A_178 = arith.constant 16 : i32
      %mul3A_179 = arith.muli %select_n3A_177, %mul3A_178 : i32
      %swap3A_180 = arith.index_cast %select_n3A_161 : i32 to index
      %swap3A_181 = arith.index_cast %mul3A_179 : i32 to index
      %swap3A_182 = tpu.vector_load %arg17[%swap3A_180, %swap3A_181] {strides = array<i32>} : memref<16x128xf32, #tpu.memory_space<vmem>>, vector<16xf32>,
      tpu.vector_store %arg17[%swap3A_180, %swap3A_181], %select_n3A_137 {strides = array<i32>} : memref<16x128xf32, #tpu.memory_space<vmem>>, vector<16xf32>,
      %scan3A_183 = arith.constant 0 : i32
      scf.yield %scan3A_183 : i32
    }
    %scan3A_7 = arith.constant 128 : i32
    %scan3A_8 = arith.constant 0 : i32
    %scan3A_9 = arith.constant 0 : i32
    %scan3A_10 = arith.constant 125 : i32
    %scan3A_11 = arith.addi %scan3A_9, %scan3A_10 : i32
    %scan3A_12 = arith.constant 1 : i32
    %scan3A_13 = scf.for %scan3A_80 = %scan3A_9 to %scan3A_11 step %scan3A_12 iter_args(%scan3A_81 = %scan3A_8) -> (i32)  : i32 {
      %mul3A_82 = arith.constant 16 : i32
      %mul3A_83 = arith.muli %scan3A_80, %mul3A_82 : i32
      %swap3A = arith.index_cast %mul3A_83 : i32 to index
      %swap3A_84 = tpu.vector_load %arg13[%swap3A] {strides = array<i32>} : memref<2000xf32, #tpu.memory_space<vmem>>, vector<16xf32>,
      tpu.vector_store %arg13[%swap3A], %broadcast_in_dim3A_1 {strides = array<i32>} : memref<2000xf32, #tpu.memory_space<vmem>>, vector<16xf32>,
      %scan3A_85 = arith.constant 0 : i32
      scf.yield %scan3A_85 : i32
    }
    %scan3A_14 = arith.constant 125 : i32
    %scan3A_15 = arith.constant 0 : i32
    %scan3A_16 = arith.constant 0 : i32
    %scan3A_17 = arith.constant 25 : i32
    %scan3A_18 = arith.addi %scan3A_16, %scan3A_17 : i32
    %scan3A_19 = arith.constant 1 : i32
    %scan3A_20 = scf.for %scan3A_80 = %scan3A_16 to %scan3A_18 step %scan3A_19 iter_args(%scan3A_81 = %scan3A_15) -> (i32)  : i32 {
      %mul3A_82 = arith.constant 50000 : i32
      %mul3A_83 = arith.muli %arg1, %mul3A_82 : i32
      %mul3A_84 = arith.constant 2000 : i32
      %mul3A_85 = arith.muli %scan3A_80, %mul3A_84 : i32
      %add3A_86 = arith.addi %mul3A_83, %mul3A_85 : i32
      "tpu.region"() ({
        %run_scoped3A = tpu.sem_alloc : memref<!tpu.dma_semaphore, #tpu.memory_space<semaphore_mem>>
        %dma_start3A_88 = tpu.memref_slice %arg19[%add3A_86] : memref<800000xf32, #tpu.memory_space<vmem_shared>> -> memref<2000xf32, #tpu.memory_space<vmem_shared>>
        %dma_start3A_89 = tpu.memref_slice %arg19[%add3A_86] : memref<800000xf32, #tpu.memory_space<vmem_shared>> -> memref<2000xf32, #tpu.memory_space<vmem_shared>>
        tpu.enqueue_dma source(%arg13 : memref<2000xf32, #tpu.memory_space<vmem>>) target(%dma_start3A_89 : memref<2000xf32, #tpu.memory_space<vmem_shared>>) target_semaphore(%run_scoped3A : memref<!tpu.dma_semaphore, #tpu.memory_space<semaphore_mem>>)
        %dma_wait3A = tpu.memref_slice %arg19[%add3A_86] : memref<800000xf32, #tpu.memory_space<vmem_shared>> -> memref<2000xf32, #tpu.memory_space<vmem_shared>>
        %dma_wait3A_90 = tpu.memref_slice %arg19[%add3A_86] : memref<800000xf32, #tpu.memory_space<vmem_shared>> -> memref<2000xf32, #tpu.memory_space<vmem_shared>>
        tpu.wait_dma2 semaphore(%run_scoped3A : memref<!tpu.dma_semaphore, #tpu.memory_space<semaphore_mem>>) src(%arg13 : memref<2000xf32, #tpu.memory_space<vmem>>) dst(%dma_wait3A_90 : memref<2000xf32, #tpu.memory_space<vmem_shared>>)
        tpu.yield
      }) : () -> ()
      %scan3A_87 = arith.constant 0 : i32
      scf.yield %scan3A_87 : i32
    }
    %scan3A_21 = arith.constant 25 : i32
    %mul3A_22 = arith.constant 50000 : i32
    %mul3A_23 = arith.muli %add3A, %mul3A_22 : i32
    %add3A_24 = arith.constant 0 : i32
    %add3A_25 = arith.addi %mul3A_23, %add3A_24 : i32
    %jit3A = arith.constant 128 : i32
    %div3A = arith.divsi %add3A_25, %jit3A : i32
    %sign3A = arith.constant 0 : i32
    %sign3A_26 = arith.cmpi sgt, %add3A_25, %sign3A : i32
    %sign3A_27 = arith.extui %sign3A_26 : i1 to i32
    %sign3A_28 = arith.constant 0 : i32
    %sign3A_29 = arith.cmpi slt, %add3A_25, %sign3A_28 : i32
    %sign3A_30 = arith.extui %sign3A_29 : i1 to i32
    %sign3A_31 = arith.subi %sign3A_27, %sign3A_30 : i32
    %sign3A_32 = arith.constant 0 : i32
    %sign3A_33 = arith.cmpi sgt, %jit3A, %sign3A_32 : i32
    %sign3A_34 = arith.extui %sign3A_33 : i1 to i32
    %sign3A_35 = arith.constant 0 : i32
    %sign3A_36 = arith.cmpi slt, %jit3A, %sign3A_35 : i32
    %sign3A_37 = arith.extui %sign3A_36 : i1 to i32
    %sign3A_38 = arith.subi %sign3A_34, %sign3A_37 : i32
    %ne3A = arith.cmpi ne, %sign3A_31, %sign3A_38 : i32
    %rem3A = arith.remsi %add3A_25, %jit3A : i32
    %ne3A_39 = arith.constant 0 : i32
    %ne3A_40 = arith.cmpi ne, %rem3A, %ne3A_39 : i32
    %and3A = arith.andi %ne3A, %ne3A_40 : i1
    %sub3A = arith.constant 1 : i32
    %sub3A_41 = arith.subi %div3A, %sub3A : i32
    %select_n3A = arith.select %and3A, %sub3A_41, %div3A : i32
    %min3A = arith.constant 12483 : i32
    %min3A_42 = arith.minsi %select_n3A, %min3A : i32
    %dma_start3A = arith.constant 0 : i32
    %dma_start3A_43 = arith.constant 0 : i32
    %dma_start3A_44 = arith.constant 0 : i32
    %dma_start3A_45 = arith.constant 0 : i32
    %dma_start3A_46 = tpu.memref_slice %arg11[%dma_start3A, %dma_start3A_43, %dma_start3A_44, %dma_start3A_45] : memref<2x17x2x128xi32, #tpu.memory_space<vmem>> -> memref<1x17x2x128xi32, #tpu.memory_space<vmem>>
    %dma_start3A_47 = tpu.memref_squeeze %dma_start3A_46 : memref<1x17x2x128xi32, #tpu.memory_space<vmem>> -> memref<17x2x128xi32, #tpu.memory_space<vmem>>
    %dma_start3A_48 = arith.constant 0 : i32
    %dma_start3A_49 = arith.constant 0 : i32
    %dma_start3A_50 = tpu.memref_slice %arg2[%min3A_42, %dma_start3A_48, %dma_start3A_49] : memref<12500x2x128xi32, #tpu.memory_space<hbm>> -> memref<17x2x128xi32, #tpu.memory_space<hbm>>
    %dma_start3A_51 = arith.constant 0 : i32
    %dma_start3A_52 = arith.constant 0 : i32
    %dma_start3A_53 = arith.constant 0 : i32
    %dma_start3A_54 = tpu.memref_slice %arg11[%dma_start3A, %dma_start3A_51, %dma_start3A_52, %dma_start3A_53] : memref<2x17x2x128xi32, #tpu.memory_space<vmem>> -> memref<1x17x2x128xi32, #tpu.memory_space<vmem>>
    %dma_start3A_55 = tpu.memref_squeeze %dma_start3A_54 : memref<1x17x2x128xi32, #tpu.memory_space<vmem>> -> memref<17x2x128xi32, #tpu.memory_space<vmem>>
    %dma_start3A_56 = arith.constant 0 : i32
    %dma_start3A_57 = arith.constant 0 : i32
    %dma_start3A_58 = tpu.memref_slice %arg2[%min3A_42, %dma_start3A_56, %dma_start3A_57] : memref<12500x2x128xi32, #tpu.memory_space<hbm>> -> memref<17x2x128xi32, #tpu.memory_space<hbm>>
    tpu.enqueue_dma source(%dma_start3A_58 : memref<17x2x128xi32, #tpu.memory_space<hbm>>) target(%dma_start3A_55 : memref<17x2x128xi32, #tpu.memory_space<vmem>>) target_semaphore(%arg20 : memref<!tpu.dma_semaphore, #tpu.memory_space<semaphore_mem>>)
    %dma_start3A_59 = arith.constant 0 : i32
    %dma_start3A_60 = arith.constant 0 : i32
    %dma_start3A_61 = tpu.memref_slice %arg12[%dma_start3A_59, %dma_start3A_60] : memref<2x2000xi32, #tpu.memory_space<vmem>> -> memref<1x2000xi32, #tpu.memory_space<vmem>>
    %dma_start3A_62 = tpu.memref_squeeze %dma_start3A_61 : memref<1x2000xi32, #tpu.memory_space<vmem>> -> memref<2000xi32, #tpu.memory_space<vmem>>
    %dma_start3A_63 = tpu.memref_slice %arg3[%add3A_25] : memref<1600000xi32, #tpu.memory_space<hbm>> -> memref<2000xi32, #tpu.memory_space<hbm>>
    %dma_start3A_64 = arith.constant 0 : i32
    %dma_start3A_65 = tpu.memref_slice %arg12[%dma_start3A_59, %dma_start3A_64] : memref<2x2000xi32, #tpu.memory_space<vmem>> -> memref<1x2000xi32, #tpu.memory_space<vmem>>
    %dma_start3A_66 = tpu.memref_squeeze %dma_start3A_65 : memref<1x2000xi32, #tpu.memory_space<vmem>> -> memref<2000xi32, #tpu.memory_space<vmem>>
    %dma_start3A_67 = tpu.memref_slice %arg3[%add3A_25] : memref<1600000xi32, #tpu.memory_space<hbm>> -> memref<2000xi32, #tpu.memory_space<hbm>>
    tpu.enqueue_dma source(%dma_start3A_67 : memref<2000xi32, #tpu.memory_space<hbm>>) target(%dma_start3A_66 : memref<2000xi32, #tpu.memory_space<vmem>>) target_semaphore(%arg20 : memref<!tpu.dma_semaphore, #tpu.memory_space<semaphore_mem>>)
    %barrier3A = arith.constant 0 : index
    tpu.barrier barrier_id(%barrier3A)
    %scan3A_68 = arith.constant 0 : i32
    %scan3A_69 = arith.constant 0 : i32
    %scan3A_70 = arith.constant 25 : i32
    %scan3A_71 = arith.addi %scan3A_69, %scan3A_70 : i32
    %scan3A_72 = arith.constant 1 : i32
    %scan3A_73 = scf.for %scan3A_80 = %scan3A_69 to %scan3A_71 step %scan3A_72 iter_args(%scan3A_81 = %scan3A_68) -> (i32)  : i32 {
      %rem3A_82 = arith.constant 2 : i32
      %rem3A_83 = arith.remsi %scan3A_80, %rem3A_82 : i32
      %mul3A_84 = arith.constant 50000 : i32
      %mul3A_85 = arith.muli %add3A, %mul3A_84 : i32
      %mul3A_86 = arith.constant 2000 : i32
      %mul3A_87 = arith.muli %scan3A_80, %mul3A_86 : i32
      %add3A_88 = arith.addi %mul3A_85, %mul3A_87 : i32
      %jit3A_89 = arith.constant 128 : i32
      %div3A_90 = arith.divsi %add3A_88, %jit3A_89 : i32
      %sign3A_91 = arith.constant 0 : i32
      %sign3A_92 = arith.cmpi sgt, %add3A_88, %sign3A_91 : i32
      %sign3A_93 = arith.extui %sign3A_92 : i1 to i32
      %sign3A_94 = arith.constant 0 : i32
      %sign3A_95 = arith.cmpi slt, %add3A_88, %sign3A_94 : i32
      %sign3A_96 = arith.extui %sign3A_95 : i1 to i32
      %sign3A_97 = arith.subi %sign3A_93, %sign3A_96 : i32
      %sign3A_98 = arith.constant 0 : i32
      %sign3A_99 = arith.cmpi sgt, %jit3A_89, %sign3A_98 : i32
      %sign3A_100 = arith.extui %sign3A_99 : i1 to i32
      %sign3A_101 = arith.constant 0 : i32
      %sign3A_102 = arith.cmpi slt, %jit3A_89, %sign3A_101 : i32
      %sign3A_103 = arith.extui %sign3A_102 : i1 to i32
      %sign3A_104 = arith.subi %sign3A_100, %sign3A_103 : i32
      %ne3A_105 = arith.cmpi ne, %sign3A_97, %sign3A_104 : i32
      %rem3A_106 = arith.remsi %add3A_88, %jit3A_89 : i32
      %ne3A_107 = arith.constant 0 : i32
      %ne3A_108 = arith.cmpi ne, %rem3A_106, %ne3A_107 : i32
      %and3A_109 = arith.andi %ne3A_105, %ne3A_108 : i1
      %sub3A_110 = arith.constant 1 : i32
      %sub3A_111 = arith.subi %div3A_90, %sub3A_110 : i32
      %select_n3A_112 = arith.select %and3A_109, %sub3A_111, %div3A_90 : i32
      %min3A_113 = arith.constant 12483 : i32
      %min3A_114 = arith.minsi %select_n3A_112, %min3A_113 : i32
      %mul3A_115 = arith.constant 128 : i32
      %mul3A_116 = arith.muli %min3A_114, %mul3A_115 : i32
      %sub3A_117 = arith.subi %add3A_88, %mul3A_116 : i32
      %dma_wait3A = arith.constant 0 : i32
      %dma_wait3A_118 = arith.constant 0 : i32
      %dma_wait3A_119 = arith.constant 0 : i32
      %dma_wait3A_120 = tpu.memref_slice %arg11[%rem3A_83, %dma_wait3A, %dma_wait3A_118, %dma_wait3A_119] : memref<2x17x2x128xi32, #tpu.memory_space<vmem>> -> memref<1x17x2x128xi32, #tpu.memory_space<vmem>>
      %dma_wait3A_121 = tpu.memref_squeeze %dma_wait3A_120 : memref<1x17x2x128xi32, #tpu.memory_space<vmem>> -> memref<17x2x128xi32, #tpu.memory_space<vmem>>
      %dma_wait3A_122 = arith.constant 0 : i32
      %dma_wait3A_123 = arith.constant 0 : i32
      %dma_wait3A_124 = arith.constant 0 : i32
      %dma_wait3A_125 = tpu.memref_slice %arg2[%dma_wait3A_122, %dma_wait3A_123, %dma_wait3A_124] : memref<12500x2x128xi32, #tpu.memory_space<hbm>> -> memref<17x2x128xi32, #tpu.memory_space<hbm>>
      %dma_wait3A_126 = arith.constant 0 : i32
      %dma_wait3A_127 = arith.constant 0 : i32
      %dma_wait3A_128 = arith.constant 0 : i32
      %dma_wait3A_129 = tpu.memref_slice %arg11[%rem3A_83, %dma_wait3A_126, %dma_wait3A_127, %dma_wait3A_128] : memref<2x17x2x128xi32, #tpu.memory_space<vmem>> -> memref<1x17x2x128xi32, #tpu.memory_space<vmem>>
      %dma_wait3A_130 = tpu.memref_squeeze %dma_wait3A_129 : memref<1x17x2x128xi32, #tpu.memory_space<vmem>> -> memref<17x2x128xi32, #tpu.memory_space<vmem>>
      %dma_wait3A_131 = arith.constant 0 : i32
      %dma_wait3A_132 = arith.constant 0 : i32
      %dma_wait3A_133 = arith.constant 0 : i32
      %dma_wait3A_134 = tpu.memref_slice %arg2[%dma_wait3A_131, %dma_wait3A_132, %dma_wait3A_133] : memref<12500x2x128xi32, #tpu.memory_space<hbm>> -> memref<17x2x128xi32, #tpu.memory_space<hbm>>
      tpu.wait_dma2 semaphore(%arg20 : memref<!tpu.dma_semaphore, #tpu.memory_space<semaphore_mem>>) src(%dma_wait3A_134 : memref<17x2x128xi32, #tpu.memory_space<hbm>>) dst(%dma_wait3A_130 : memref<17x2x128xi32, #tpu.memory_space<vmem>>)
      %dma_wait3A_135 = arith.constant 0 : i32
      %dma_wait3A_136 = tpu.memref_slice %arg12[%rem3A_83, %dma_wait3A_135] : memref<2x2000xi32, #tpu.memory_space<vmem>> -> memref<1x2000xi32, #tpu.memory_space<vmem>>
      %dma_wait3A_137 = tpu.memref_squeeze %dma_wait3A_136 : memref<1x2000xi32, #tpu.memory_space<vmem>> -> memref<2000xi32, #tpu.memory_space<vmem>>
      %dma_wait3A_138 = arith.constant 0 : i32
      %dma_wait3A_139 = tpu.memref_slice %arg3[%dma_wait3A_138] : memref<1600000xi32, #tpu.memory_space<hbm>> -> memref<2000xi32, #tpu.memory_space<hbm>>
      %dma_wait3A_140 = arith.constant 0 : i32
      %dma_wait3A_141 = tpu.memref_slice %arg12[%rem3A_83, %dma_wait3A_140] : memref<2x2000xi32, #tpu.memory_space<vmem>> -> memref<1x2000xi32, #tpu.memory_space<vmem>>
      %dma_wait3A_142 = tpu.memref_squeeze %dma_wait3A_141 : memref<1x2000xi32, #tpu.memory_space<vmem>> -> memref<2000xi32, #tpu.memory_space<vmem>>
      %dma_wait3A_143 = arith.constant 0 : i32
      %dma_wait3A_144 = tpu.memref_slice %arg3[%dma_wait3A_143] : memref<1600000xi32, #tpu.memory_space<hbm>> -> memref<2000xi32, #tpu.memory_space<hbm>>
      tpu.wait_dma2 semaphore(%arg20 : memref<!tpu.dma_semaphore, #tpu.memory_space<semaphore_mem>>) src(%dma_wait3A_144 : memref<2000xi32, #tpu.memory_space<hbm>>) dst(%dma_wait3A_142 : memref<2000xi32, #tpu.memory_space<vmem>>)
      %add3A_145 = arith.constant 1 : i32
      %add3A_146 = arith.addi %scan3A_80, %add3A_145 : i32
      %lt3A = arith.constant 25 : i32
      %lt3A_147 = arith.cmpi slt, %add3A_146, %lt3A : i32
      %convert_element_type3A = arith.extui %lt3A_147 : i1 to i32
      %cond3A = arith.constant 0 : i32
      %cond3A_148 = arith.cmpi ne, %convert_element_type3A, %cond3A : i32
      scf.if %cond3A_148 {
        %add3A_594 = arith.constant 1 : i32
        %add3A_595 = arith.addi %scan3A_80, %add3A_594 : i32
        %sub3A_596 = arith.constant 1 : i32
        %sub3A_597 = arith.subi %sub3A_596, %rem3A_83 : i32
        %mul3A_598 = arith.constant 50000 : i32
        %mul3A_599 = arith.muli %add3A, %mul3A_598 : i32
        %mul3A_600 = arith.constant 2000 : i32
        %mul3A_601 = arith.muli %add3A_595, %mul3A_600 : i32
        %add3A_602 = arith.addi %mul3A_599, %mul3A_601 : i32
        %jit3A_603 = arith.constant 128 : i32
        %div3A_604 = arith.divsi %add3A_602, %jit3A_603 : i32
        %sign3A_605 = arith.constant 0 : i32
        %sign3A_606 = arith.cmpi sgt, %add3A_602, %sign3A_605 : i32
        %sign3A_607 = arith.extui %sign3A_606 : i1 to i32
        %sign3A_608 = arith.constant 0 : i32
        %sign3A_609 = arith.cmpi slt, %add3A_602, %sign3A_608 : i32
        %sign3A_610 = arith.extui %sign3A_609 : i1 to i32
        %sign3A_611 = arith.subi %sign3A_607, %sign3A_610 : i32
        %sign3A_612 = arith.constant 0 : i32
        %sign3A_613 = arith.cmpi sgt, %jit3A_603, %sign3A_612 : i32
        %sign3A_614 = arith.extui %sign3A_613 : i1 to i32
        %sign3A_615 = arith.constant 0 : i32
        %sign3A_616 = arith.cmpi slt, %jit3A_603, %sign3A_615 : i32
        %sign3A_617 = arith.extui %sign3A_616 : i1 to i32
        %sign3A_618 = arith.subi %sign3A_614, %sign3A_617 : i32
        %ne3A_619 = arith.cmpi ne, %sign3A_611, %sign3A_618 : i32
        %rem3A_620 = arith.remsi %add3A_602, %jit3A_603 : i32
        %ne3A_621 = arith.constant 0 : i32
        %ne3A_622 = arith.cmpi ne, %rem3A_620, %ne3A_621 : i32
        %and3A_623 = arith.andi %ne3A_619, %ne3A_622 : i1
        %sub3A_624 = arith.constant 1 : i32
        %sub3A_625 = arith.subi %div3A_604, %sub3A_624 : i32
        %select_n3A_626 = arith.select %and3A_623, %sub3A_625, %div3A_604 : i32
        %min3A_627 = arith.constant 12483 : i32
        %min3A_628 = arith.minsi %select_n3A_626, %min3A_627 : i32
        %dma_start3A_629 = arith.constant 0 : i32
        %dma_start3A_630 = arith.constant 0 : i32
        %dma_start3A_631 = arith.constant 0 : i32
        %dma_start3A_632 = tpu.memref_slice %arg11[%sub3A_597, %dma_start3A_629, %dma_start3A_630, %dma_start3A_631] : memref<2x17x2x128xi32, #tpu.memory_space<vmem>> -> memref<1x17x2x128xi32, #tpu.memory_space<vmem>>
        %dma_start3A_633 = tpu.memref_squeeze %dma_start3A_632 : memref<1x17x2x128xi32, #tpu.memory_space<vmem>> -> memref<17x2x128xi32, #tpu.memory_space<vmem>>
        %dma_start3A_634 = arith.constant 0 : i32
        %dma_start3A_635 = arith.constant 0 : i32
        %dma_start3A_636 = tpu.memref_slice %arg2[%min3A_628, %dma_start3A_634, %dma_start3A_635] : memref<12500x2x128xi32, #tpu.memory_space<hbm>> -> memref<17x2x128xi32, #tpu.memory_space<hbm>>
        %dma_start3A_637 = arith.constant 0 : i32
        %dma_start3A_638 = arith.constant 0 : i32
        %dma_start3A_639 = arith.constant 0 : i32
        %dma_start3A_640 = tpu.memref_slice %arg11[%sub3A_597, %dma_start3A_637, %dma_start3A_638, %dma_start3A_639] : memref<2x17x2x128xi32, #tpu.memory_space<vmem>> -> memref<1x17x2x128xi32, #tpu.memory_space<vmem>>
        %dma_start3A_641 = tpu.memref_squeeze %dma_start3A_640 : memref<1x17x2x128xi32, #tpu.memory_space<vmem>> -> memref<17x2x128xi32, #tpu.memory_space<vmem>>
        %dma_start3A_642 = arith.constant 0 : i32
        %dma_start3A_643 = arith.constant 0 : i32
        %dma_start3A_644 = tpu.memref_slice %arg2[%min3A_628, %dma_start3A_642, %dma_start3A_643] : memref<12500x2x128xi32, #tpu.memory_space<hbm>> -> memref<17x2x128xi32, #tpu.memory_space<hbm>>
        tpu.enqueue_dma source(%dma_start3A_644 : memref<17x2x128xi32, #tpu.memory_space<hbm>>) target(%dma_start3A_641 : memref<17x2x128xi32, #tpu.memory_space<vmem>>) target_semaphore(%arg20 : memref<!tpu.dma_semaphore, #tpu.memory_space<semaphore_mem>>)
        %dma_start3A_645 = arith.constant 0 : i32
        %dma_start3A_646 = tpu.memref_slice %arg12[%sub3A_597, %dma_start3A_645] : memref<2x2000xi32, #tpu.memory_space<vmem>> -> memref<1x2000xi32, #tpu.memory_space<vmem>>
        %dma_start3A_647 = tpu.memref_squeeze %dma_start3A_646 : memref<1x2000xi32, #tpu.memory_space<vmem>> -> memref<2000xi32, #tpu.memory_space<vmem>>
        %dma_start3A_648 = tpu.memref_slice %arg3[%add3A_602] : memref<1600000xi32, #tpu.memory_space<hbm>> -> memref<2000xi32, #tpu.memory_space<hbm>>
        %dma_start3A_649 = arith.constant 0 : i32
        %dma_start3A_650 = tpu.memref_slice %arg12[%sub3A_597, %dma_start3A_649] : memref<2x2000xi32, #tpu.memory_space<vmem>> -> memref<1x2000xi32, #tpu.memory_space<vmem>>
        %dma_start3A_651 = tpu.memref_squeeze %dma_start3A_650 : memref<1x2000xi32, #tpu.memory_space<vmem>> -> memref<2000xi32, #tpu.memory_space<vmem>>
        %dma_start3A_652 = tpu.memref_slice %arg3[%add3A_602] : memref<1600000xi32, #tpu.memory_space<hbm>> -> memref<2000xi32, #tpu.memory_space<hbm>>
        tpu.enqueue_dma source(%dma_start3A_652 : memref<2000xi32, #tpu.memory_space<hbm>>) target(%dma_start3A_651 : memref<2000xi32, #tpu.memory_space<vmem>>) target_semaphore(%arg20 : memref<!tpu.dma_semaphore, #tpu.memory_space<semaphore_mem>>)
      } else {
      }
      %scan3A_149 = arith.constant 0 : i32
      %scan3A_150 = arith.constant 0 : i32
      %scan3A_151 = arith.constant 8 : i32
      %scan3A_152 = arith.addi %scan3A_150, %scan3A_151 : i32
      %scan3A_153 = arith.constant 1 : i32
      %scan3A_154 = scf.for %scan3A_594 = %scan3A_150 to %scan3A_152 step %scan3A_153 iter_args(%scan3A_595 = %scan3A_149) -> (i32)  : i32 {
        %add3A_596 = arith.constant 0 : i32
        %add3A_597 = arith.addi %add3A_596, %scan3A_594 : i32
        %mul3A_598 = arith.constant 16 : i32
        %mul3A_599 = arith.muli %add3A_597, %mul3A_598 : i32
        %mul3A_600 = arith.constant 16 : i32
        %mul3A_601 = arith.muli %add3A_597, %mul3A_600 : i32
        %add3A_602 = arith.addi %sub3A_117, %mul3A_601 : i32
        %jit3A_603 = arith.constant 128 : i32
        %div3A_604 = arith.divsi %add3A_602, %jit3A_603 : i32
        %sign3A_605 = arith.constant 0 : i32
        %sign3A_606 = arith.cmpi sgt, %add3A_602, %sign3A_605 : i32
        %sign3A_607 = arith.extui %sign3A_606 : i1 to i32
        %sign3A_608 = arith.constant 0 : i32
        %sign3A_609 = arith.cmpi slt, %add3A_602, %sign3A_608 : i32
        %sign3A_610 = arith.extui %sign3A_609 : i1 to i32
        %sign3A_611 = arith.subi %sign3A_607, %sign3A_610 : i32
        %sign3A_612 = arith.constant 0 : i32
        %sign3A_613 = arith.cmpi sgt, %jit3A_603, %sign3A_612 : i32
        %sign3A_614 = arith.extui %sign3A_613 : i1 to i32
        %sign3A_615 = arith.constant 0 : i32
        %sign3A_616 = arith.cmpi slt, %jit3A_603, %sign3A_615 : i32
        %sign3A_617 = arith.extui %sign3A_616 : i1 to i32
        %sign3A_618 = arith.subi %sign3A_614, %sign3A_617 : i32
        %ne3A_619 = arith.cmpi ne, %sign3A_611, %sign3A_618 : i32
        %rem3A_620 = arith.remsi %add3A_602, %jit3A_603 : i32
        %ne3A_621 = arith.constant 0 : i32
        %ne3A_622 = arith.cmpi ne, %rem3A_620, %ne3A_621 : i32
        %and3A_623 = arith.andi %ne3A_619, %ne3A_622 : i1
        %sub3A_624 = arith.constant 1 : i32
        %sub3A_625 = arith.subi %div3A_604, %sub3A_624 : i32
        %select_n3A_626 = arith.select %and3A_623, %sub3A_625, %div3A_604 : i32
        %mul3A_627 = arith.constant 128 : i32
        %mul3A_628 = arith.muli %select_n3A_626, %mul3A_627 : i32
        %sub3A_629 = arith.subi %add3A_602, %mul3A_628 : i32
        %get3A = arith.constant 0 : i32
        %get3A_630 = arith.index_cast %rem3A_83 : i32 to index
        %get3A_631 = arith.index_cast %select_n3A_626 : i32 to index
        %get3A_632 = arith.index_cast %get3A : i32 to index
        %get3A_633 = arith.index_cast %sub3A_629 : i32 to index
        %get3A_634 = tpu.vector_load %arg11[%get3A_630, %get3A_631, %get3A_632, %get3A_633] {strides = array<i32>} : memref<2x17x2x128xi32, #tpu.memory_space<vmem>>, vector<16xi32>,
        %get3A_635 = arith.constant 1 : i32
        %get3A_636 = arith.index_cast %rem3A_83 : i32 to index
        %get3A_637 = arith.index_cast %select_n3A_626 : i32 to index
        %get3A_638 = arith.index_cast %get3A_635 : i32 to index
        %get3A_639 = arith.index_cast %sub3A_629 : i32 to index
        %get3A_640 = tpu.vector_load %arg11[%get3A_636, %get3A_637, %get3A_638, %get3A_639] {strides = array<i32>} : memref<2x17x2x128xi32, #tpu.memory_space<vmem>>, vector<16xi32>,
        %get3A_641 = arith.index_cast %rem3A_83 : i32 to index
        %get3A_642 = arith.index_cast %mul3A_599 : i32 to index
        %get3A_643 = tpu.vector_load %arg12[%get3A_641, %get3A_642] {strides = array<i32>} : memref<2x2000xi32, #tpu.memory_space<vmem>>, vector<16xi32>,
        %get3A_644 = arith.constant 0 : i32
        %get3A_645 = arith.index_cast %get3A_644 : i32 to index
        %get3A_646 = arith.constant 0 : index
        %get3A_647 = tpu.vector_load %arg18[%get3A_645, %get3A_646] {strides = array<i32>} : memref<2x16xf32, #tpu.memory_space<vmem>>, vector<16xf32>,
        %get3A_648 = arith.constant 1 : i32
        %get3A_649 = arith.index_cast %get3A_648 : i32 to index
        %get3A_650 = arith.constant 0 : index
        %get3A_651 = tpu.vector_load %arg18[%get3A_649, %get3A_650] {strides = array<i32>} : memref<2x16xf32, #tpu.memory_space<vmem>>, vector<16xf32>,
        %gather3A = tpu.vector_load_idx %arg10[%get3A_634] : memref<50000xi32, #tpu.memory_space<vmem>>[vector<16xi32>], vector<16xi32>,
        %add3A_652 = arith.constant 1 : i32
        %add3A_653 = vector.broadcast %add3A_652 : i32 to vector<16xi32>
        %add3A_654 = arith.addi %gather3A, %add3A_653 : vector<16xi32>
        %gather3A_655 = tpu.vector_load_idx %arg10[%get3A_640] : memref<50000xi32, #tpu.memory_space<vmem>>[vector<16xi32>], vector<16xi32>,
        %add3A_656 = arith.constant 1 : i32
        %add3A_657 = vector.broadcast %add3A_656 : i32 to vector<16xi32>
        %add3A_658 = arith.addi %gather3A_655, %add3A_657 : vector<16xi32>
        %convert_element_type3A_659 = arith.sitofp %add3A_654 : vector<16xi32> to vector<16xf32>
        %mul3A_660 = arith.mulf %convert_element_type3A_659, %get3A_647 : vector<16xf32>
        %convert_element_type3A_661 = arith.sitofp %add3A_658 : vector<16xi32> to vector<16xf32>
        %mul3A_662 = arith.mulf %convert_element_type3A_661, %get3A_647 : vector<16xf32>
        %add3A_663 = arith.constant 1 : i32
        %add3A_664 = vector.broadcast %add3A_663 : i32 to vector<16xi32>
        %add3A_665 = arith.addi %get3A_643, %add3A_664 : vector<16xi32>
        %convert_element_type3A_666 = arith.sitofp %add3A_665 : vector<16xi32> to vector<16xf32>
        %mul3A_667 = arith.mulf %convert_element_type3A_666, %get3A_651 : vector<16xf32>
        %add3A_668 = arith.addf %mul3A_660, %mul3A_662 : vector<16xf32>
        %add3A_669 = arith.addf %add3A_668, %mul3A_667 : vector<16xf32>
        %div3A_670 = arith.constant 1.000000e+00 : f32
        %div3A_671 = vector.broadcast %div3A_670 : f32 to vector<16xf32>
        %div3A_672 = arith.divf %div3A_671, %add3A_669 : vector<16xf32>
        %mul3A_673 = arith.mulf %mul3A_660, %div3A_672 : vector<16xf32>
        %swap3A = arith.index_cast %mul3A_599 : i32 to index
        %swap3A_674 = tpu.vector_load %arg13[%swap3A] {strides = array<i32>} : memref<2000xf32, #tpu.memory_space<vmem>>, vector<16xf32>,
        tpu.vector_store %arg13[%swap3A], %mul3A_673 {strides = array<i32>} : memref<2000xf32, #tpu.memory_space<vmem>>, vector<16xf32>,
        %mul3A_675 = arith.mulf %mul3A_662, %div3A_672 : vector<16xf32>
        %swap3A_676 = arith.index_cast %mul3A_599 : i32 to index
        %swap3A_677 = tpu.vector_load %arg14[%swap3A_676] {strides = array<i32>} : memref<2000xf32, #tpu.memory_space<vmem>>, vector<16xf32>,
        tpu.vector_store %arg14[%swap3A_676], %mul3A_675 {strides = array<i32>} : memref<2000xf32, #tpu.memory_space<vmem>>, vector<16xf32>,
        %mul3A_678 = arith.mulf %mul3A_667, %div3A_672 : vector<16xf32>
        %swap3A_679 = arith.index_cast %mul3A_599 : i32 to index
        %swap3A_680 = tpu.vector_load %arg15[%swap3A_679] {strides = array<i32>} : memref<2000xf32, #tpu.memory_space<vmem>>, vector<16xf32>,
        tpu.vector_store %arg15[%swap3A_679], %mul3A_678 {strides = array<i32>} : memref<2000xf32, #tpu.memory_space<vmem>>, vector<16xf32>,
        %mul3A_681 = arith.constant 16 : i32
        %mul3A_682 = vector.broadcast %mul3A_681 : i32 to vector<16xi32>
        %mul3A_683 = arith.muli %get3A_640, %mul3A_682 : vector<16xi32>
        %add3A_684 = arith.addi %mul3A_683, %get3A_643 : vector<16xi32>
        %mul3A_685 = arith.constant 16 : i32
        %mul3A_686 = arith.muli %scan3A_594, %mul3A_685 : i32
        %swap3A_687 = arith.constant 0 : i32
        %swap3A_688 = arith.index_cast %swap3A_687 : i32 to index
        %swap3A_689 = arith.index_cast %mul3A_686 : i32 to index
        %swap3A_690 = tpu.vector_load %arg16[%swap3A_688, %swap3A_689] {strides = array<i32>} : memref<16x128xi32, #tpu.memory_space<vmem>>, vector<16xi32>,
        tpu.vector_store %arg16[%swap3A_688, %swap3A_689], %add3A_684 {strides = array<i32>} : memref<16x128xi32, #tpu.memory_space<vmem>>, vector<16xi32>,
        %scan3A_691 = arith.constant 0 : i32
        scf.yield %scan3A_691 : i32
      }
      %scan3A_155 = arith.constant 8 : i32
      %dma_start3A_156 = arith.constant 0 : i32
      %dma_start3A_157 = arith.constant 0 : i32
      %dma_start3A_158 = arith.constant 0 : i32
      %dma_start3A_159 = tpu.memref_slice %arg17[%dma_start3A_156, %dma_start3A_158] : memref<16x128xf32, #tpu.memory_space<vmem>> -> memref<1x128xf32, #tpu.memory_space<vmem>>
      %dma_start3A_160 = tpu.memref_squeeze %dma_start3A_159 : memref<1x128xf32, #tpu.memory_space<vmem>> -> memref<128xf32, #tpu.memory_space<vmem>>
      %dma_start3A_161 = arith.constant 0 : i32
      %dma_start3A_162 = tpu.memref_slice %arg16[%dma_start3A_157, %dma_start3A_161] : memref<16x128xi32, #tpu.memory_space<vmem>> -> memref<1x128xi32, #tpu.memory_space<vmem>>
      %dma_start3A_163 = tpu.memref_squeeze %dma_start3A_162 : memref<1x128xi32, #tpu.memory_space<vmem>> -> memref<128xi32, #tpu.memory_space<vmem>>
      %dma_start3A_164 = arith.constant 0 : i32
      %dma_start3A_165 = tpu.memref_slice %arg19[%dma_start3A_164] : memref<800000xf32, #tpu.memory_space<vmem_shared>> -> memref<800000xf32, #tpu.memory_space<vmem_shared>>
      tpu.enqueue_indirect_dma source(%dma_start3A_160 : memref<128xf32, #tpu.memory_space<vmem>>) target(%dma_start3A_165 : memref<800000xf32, #tpu.memory_space<vmem_shared>>) offsets(%dma_start3A_163 : memref<128xi32, #tpu.memory_space<vmem>>) semaphore(%arg21 : memref<!tpu.dma_semaphore, #tpu.memory_space<semaphore_mem>>) {add = true}
      %scan3A_166 = arith.constant 0 : i32
      %scan3A_167 = arith.constant 0 : i32
      %scan3A_168 = arith.constant 8 : i32
      %scan3A_169 = arith.addi %scan3A_167, %scan3A_168 : i32
      %scan3A_170 = arith.constant 1 : i32
      %scan3A_171 = scf.for %scan3A_594 = %scan3A_167 to %scan3A_169 step %scan3A_170 iter_args(%scan3A_595 = %scan3A_166) -> (i32)  : i32 {
        %add3A_596 = arith.constant 8 : i32
        %add3A_597 = arith.addi %add3A_596, %scan3A_594 : i32
        %mul3A_598 = arith.constant 16 : i32
        %mul3A_599 = arith.muli %add3A_597, %mul3A_598 : i32
        %mul3A_600 = arith.constant 16 : i32
        %mul3A_601 = arith.muli %add3A_597, %mul3A_600 : i32
        %add3A_602 = arith.addi %sub3A_117, %mul3A_601 : i32
        %jit3A_603 = arith.constant 128 : i32
        %div3A_604 = arith.divsi %add3A_602, %jit3A_603 : i32
        %sign3A_605 = arith.constant 0 : i32
        %sign3A_606 = arith.cmpi sgt, %add3A_602, %sign3A_605 : i32
        %sign3A_607 = arith.extui %sign3A_606 : i1 to i32
        %sign3A_608 = arith.constant 0 : i32
        %sign3A_609 = arith.cmpi slt, %add3A_602, %sign3A_608 : i32
        %sign3A_610 = arith.extui %sign3A_609 : i1 to i32
        %sign3A_611 = arith.subi %sign3A_607, %sign3A_610 : i32
        %sign3A_612 = arith.constant 0 : i32
        %sign3A_613 = arith.cmpi sgt, %jit3A_603, %sign3A_612 : i32
        %sign3A_614 = arith.extui %sign3A_613 : i1 to i32
        %sign3A_615 = arith.constant 0 : i32
        %sign3A_616 = arith.cmpi slt, %jit3A_603, %sign3A_615 : i32
        %sign3A_617 = arith.extui %sign3A_616 : i1 to i32
        %sign3A_618 = arith.subi %sign3A_614, %sign3A_617 : i32
        %ne3A_619 = arith.cmpi ne, %sign3A_611, %sign3A_618 : i32
        %rem3A_620 = arith.remsi %add3A_602, %jit3A_603 : i32
        %ne3A_621 = arith.constant 0 : i32
        %ne3A_622 = arith.cmpi ne, %rem3A_620, %ne3A_621 : i32
        %and3A_623 = arith.andi %ne3A_619, %ne3A_622 : i1
        %sub3A_624 = arith.constant 1 : i32
        %sub3A_625 = arith.subi %div3A_604, %sub3A_624 : i32
        %select_n3A_626 = arith.select %and3A_623, %sub3A_625, %div3A_604 : i32
        %mul3A_627 = arith.constant 128 : i32
        %mul3A_628 = arith.muli %select_n3A_626, %mul3A_627 : i32
        %sub3A_629 = arith.subi %add3A_602, %mul3A_628 : i32
        %get3A = arith.constant 0 : i32
        %get3A_630 = arith.index_cast %rem3A_83 : i32 to index
        %get3A_631 = arith.index_cast %select_n3A_626 : i32 to index
        %get3A_632 = arith.index_cast %get3A : i32 to index
        %get3A_633 = arith.index_cast %sub3A_629 : i32 to index
        %get3A_634 = tpu.vector_load %arg11[%get3A_630, %get3A_631, %get3A_632, %get3A_633] {strides = array<i32>} : memref<2x17x2x128xi32, #tpu.memory_space<vmem>>, vector<16xi32>,
        %get3A_635 = arith.constant 1 : i32
        %get3A_636 = arith.index_cast %rem3A_83 : i32 to index
        %get3A_637 = arith.index_cast %select_n3A_626 : i32 to index
        %get3A_638 = arith.index_cast %get3A_635 : i32 to index
        %get3A_639 = arith.index_cast %sub3A_629 : i32 to index
        %get3A_640 = tpu.vector_load %arg11[%get3A_636, %get3A_637, %get3A_638, %get3A_639] {strides = array<i32>} : memref<2x17x2x128xi32, #tpu.memory_space<vmem>>, vector<16xi32>,
        %get3A_641 = arith.index_cast %rem3A_83 : i32 to index
        %get3A_642 = arith.index_cast %mul3A_599 : i32 to index
        %get3A_643 = tpu.vector_load %arg12[%get3A_641, %get3A_642] {strides = array<i32>} : memref<2x2000xi32, #tpu.memory_space<vmem>>, vector<16xi32>,
        %get3A_644 = arith.constant 0 : i32
        %get3A_645 = arith.index_cast %get3A_644 : i32 to index
        %get3A_646 = arith.constant 0 : index
        %get3A_647 = tpu.vector_load %arg18[%get3A_645, %get3A_646] {strides = array<i32>} : memref<2x16xf32, #tpu.memory_space<vmem>>, vector<16xf32>,
        %get3A_648 = arith.constant 1 : i32
        %get3A_649 = arith.index_cast %get3A_648 : i32 to index
        %get3A_650 = arith.constant 0 : index
        %get3A_651 = tpu.vector_load %arg18[%get3A_649, %get3A_650] {strides = array<i32>} : memref<2x16xf32, #tpu.memory_space<vmem>>, vector<16xf32>,
        %gather3A = tpu.vector_load_idx %arg10[%get3A_634] : memref<50000xi32, #tpu.memory_space<vmem>>[vector<16xi32>], vector<16xi32>,
        %add3A_652 = arith.constant 1 : i32
        %add3A_653 = vector.broadcast %add3A_652 : i32 to vector<16xi32>
        %add3A_654 = arith.addi %gather3A, %add3A_653 : vector<16xi32>
        %gather3A_655 = tpu.vector_load_idx %arg10[%get3A_640] : memref<50000xi32, #tpu.memory_space<vmem>>[vector<16xi32>], vector<16xi32>,
        %add3A_656 = arith.constant 1 : i32
        %add3A_657 = vector.broadcast %add3A_656 : i32 to vector<16xi32>
        %add3A_658 = arith.addi %gather3A_655, %add3A_657 : vector<16xi32>
        %convert_element_type3A_659 = arith.sitofp %add3A_654 : vector<16xi32> to vector<16xf32>
        %mul3A_660 = arith.mulf %convert_element_type3A_659, %get3A_647 : vector<16xf32>
        %convert_element_type3A_661 = arith.sitofp %add3A_658 : vector<16xi32> to vector<16xf32>
        %mul3A_662 = arith.mulf %convert_element_type3A_661, %get3A_647 : vector<16xf32>
        %add3A_663 = arith.constant 1 : i32
        %add3A_664 = vector.broadcast %add3A_663 : i32 to vector<16xi32>
        %add3A_665 = arith.addi %get3A_643, %add3A_664 : vector<16xi32>
        %convert_element_type3A_666 = arith.sitofp %add3A_665 : vector<16xi32> to vector<16xf32>
        %mul3A_667 = arith.mulf %convert_element_type3A_666, %get3A_651 : vector<16xf32>
        %add3A_668 = arith.addf %mul3A_660, %mul3A_662 : vector<16xf32>
        %add3A_669 = arith.addf %add3A_668, %mul3A_667 : vector<16xf32>
        %div3A_670 = arith.constant 1.000000e+00 : f32
        %div3A_671 = vector.broadcast %div3A_670 : f32 to vector<16xf32>
        %div3A_672 = arith.divf %div3A_671, %add3A_669 : vector<16xf32>
        %mul3A_673 = arith.mulf %mul3A_660, %div3A_672 : vector<16xf32>
        %swap3A = arith.index_cast %mul3A_599 : i32 to index
        %swap3A_674 = tpu.vector_load %arg13[%swap3A] {strides = array<i32>} : memref<2000xf32, #tpu.memory_space<vmem>>, vector<16xf32>,
        tpu.vector_store %arg13[%swap3A], %mul3A_673 {strides = array<i32>} : memref<2000xf32, #tpu.memory_space<vmem>>, vector<16xf32>,
        %mul3A_675 = arith.mulf %mul3A_662, %div3A_672 : vector<16xf32>
        %swap3A_676 = arith.index_cast %mul3A_599 : i32 to index
        %swap3A_677 = tpu.vector_load %arg14[%swap3A_676] {strides = array<i32>} : memref<2000xf32, #tpu.memory_space<vmem>>, vector<16xf32>,
        tpu.vector_store %arg14[%swap3A_676], %mul3A_675 {strides = array<i32>} : memref<2000xf32, #tpu.memory_space<vmem>>, vector<16xf32>,
        %mul3A_678 = arith.mulf %mul3A_667, %div3A_672 : vector<16xf32>
        %swap3A_679 = arith.index_cast %mul3A_599 : i32 to index
        %swap3A_680 = tpu.vector_load %arg15[%swap3A_679] {strides = array<i32>} : memref<2000xf32, #tpu.memory_space<vmem>>, vector<16xf32>,
        tpu.vector_store %arg15[%swap3A_679], %mul3A_678 {strides = array<i32>} : memref<2000xf32, #tpu.memory_space<vmem>>, vector<16xf32>,
        %mul3A_681 = arith.constant 16 : i32
        %mul3A_682 = vector.broadcast %mul3A_681 : i32 to vector<16xi32>
        %mul3A_683 = arith.muli %get3A_640, %mul3A_682 : vector<16xi32>
        %add3A_684 = arith.addi %mul3A_683, %get3A_643 : vector<16xi32>
        %mul3A_685 = arith.constant 16 : i32
        %mul3A_686 = arith.muli %scan3A_594, %mul3A_685 : i32
        %swap3A_687 = arith.constant 1 : i32
        %swap3A_688 = arith.index_cast %swap3A_687 : i32 to index
        %swap3A_689 = arith.index_cast %mul3A_686 : i32 to index
        %swap3A_690 = tpu.vector_load %arg16[%swap3A_688, %swap3A_689] {strides = array<i32>} : memref<16x128xi32, #tpu.memory_space<vmem>>, vector<16xi32>,
        tpu.vector_store %arg16[%swap3A_688, %swap3A_689], %add3A_684 {strides = array<i32>} : memref<16x128xi32, #tpu.memory_space<vmem>>, vector<16xi32>,
        %scan3A_691 = arith.constant 0 : i32
        scf.yield %scan3A_691 : i32
      }
      %scan3A_172 = arith.constant 8 : i32
      %dma_start3A_173 = arith.constant 1 : i32
      %dma_start3A_174 = arith.constant 1 : i32
      %dma_start3A_175 = arith.constant 0 : i32
      %dma_start3A_176 = tpu.memref_slice %arg17[%dma_start3A_173, %dma_start3A_175] : memref<16x128xf32, #tpu.memory_space<vmem>> -> memref<1x128xf32, #tpu.memory_space<vmem>>
      %dma_start3A_177 = tpu.memref_squeeze %dma_start3A_176 : memref<1x128xf32, #tpu.memory_space<vmem>> -> memref<128xf32, #tpu.memory_space<vmem>>
      %dma_start3A_178 = arith.constant 0 : i32
      %dma_start3A_179 = tpu.memref_slice %arg16[%dma_start3A_174, %dma_start3A_178] : memref<16x128xi32, #tpu.memory_space<vmem>> -> memref<1x128xi32, #tpu.memory_space<vmem>>
      %dma_start3A_180 = tpu.memref_squeeze %dma_start3A_179 : memref<1x128xi32, #tpu.memory_space<vmem>> -> memref<128xi32, #tpu.memory_space<vmem>>
      %dma_start3A_181 = arith.constant 0 : i32
      %dma_start3A_182 = tpu.memref_slice %arg19[%dma_start3A_181] : memref<800000xf32, #tpu.memory_space<vmem_shared>> -> memref<800000xf32, #tpu.memory_space<vmem_shared>>
      tpu.enqueue_indirect_dma source(%dma_start3A_177 : memref<128xf32, #tpu.memory_space<vmem>>) target(%dma_start3A_182 : memref<800000xf32, #tpu.memory_space<vmem_shared>>) offsets(%dma_start3A_180 : memref<128xi32, #tpu.memory_space<vmem>>) semaphore(%arg21 : memref<!tpu.dma_semaphore, #tpu.memory_space<semaphore_mem>>) {add = true}
      %scan3A_183 = arith.constant 0 : i32
      %scan3A_184 = arith.constant 0 : i32
      %scan3A_185 = arith.constant 8 : i32
      %scan3A_186 = arith.addi %scan3A_184, %scan3A_185 : i32
      %scan3A_187 = arith.constant 1 : i32
      %scan3A_188 = scf.for %scan3A_594 = %scan3A_184 to %scan3A_186 step %scan3A_187 iter_args(%scan3A_595 = %scan3A_183) -> (i32)  : i32 {
        %add3A_596 = arith.constant 16 : i32
        %add3A_597 = arith.addi %add3A_596, %scan3A_594 : i32
        %mul3A_598 = arith.constant 16 : i32
        %mul3A_599 = arith.muli %add3A_597, %mul3A_598 : i32
        %mul3A_600 = arith.constant 16 : i32
        %mul3A_601 = arith.muli %add3A_597, %mul3A_600 : i32
        %add3A_602 = arith.addi %sub3A_117, %mul3A_601 : i32
        %jit3A_603 = arith.constant 128 : i32
        %div3A_604 = arith.divsi %add3A_602, %jit3A_603 : i32
        %sign3A_605 = arith.constant 0 : i32
        %sign3A_606 = arith.cmpi sgt, %add3A_602, %sign3A_605 : i32
        %sign3A_607 = arith.extui %sign3A_606 : i1 to i32
        %sign3A_608 = arith.constant 0 : i32
        %sign3A_609 = arith.cmpi slt, %add3A_602, %sign3A_608 : i32
        %sign3A_610 = arith.extui %sign3A_609 : i1 to i32
        %sign3A_611 = arith.subi %sign3A_607, %sign3A_610 : i32
        %sign3A_612 = arith.constant 0 : i32
        %sign3A_613 = arith.cmpi sgt, %jit3A_603, %sign3A_612 : i32
        %sign3A_614 = arith.extui %sign3A_613 : i1 to i32
        %sign3A_615 = arith.constant 0 : i32
        %sign3A_616 = arith.cmpi slt, %jit3A_603, %sign3A_615 : i32
        %sign3A_617 = arith.extui %sign3A_616 : i1 to i32
        %sign3A_618 = arith.subi %sign3A_614, %sign3A_617 : i32
        %ne3A_619 = arith.cmpi ne, %sign3A_611, %sign3A_618 : i32
        %rem3A_620 = arith.remsi %add3A_602, %jit3A_603 : i32
        %ne3A_621 = arith.constant 0 : i32
        %ne3A_622 = arith.cmpi ne, %rem3A_620, %ne3A_621 : i32
        %and3A_623 = arith.andi %ne3A_619, %ne3A_622 : i1
        %sub3A_624 = arith.constant 1 : i32
        %sub3A_625 = arith.subi %div3A_604, %sub3A_624 : i32
        %select_n3A_626 = arith.select %and3A_623, %sub3A_625, %div3A_604 : i32
        %mul3A_627 = arith.constant 128 : i32
        %mul3A_628 = arith.muli %select_n3A_626, %mul3A_627 : i32
        %sub3A_629 = arith.subi %add3A_602, %mul3A_628 : i32
        %get3A = arith.constant 0 : i32
        %get3A_630 = arith.index_cast %rem3A_83 : i32 to index
        %get3A_631 = arith.index_cast %select_n3A_626 : i32 to index
        %get3A_632 = arith.index_cast %get3A : i32 to index
        %get3A_633 = arith.index_cast %sub3A_629 : i32 to index
        %get3A_634 = tpu.vector_load %arg11[%get3A_630, %get3A_631, %get3A_632, %get3A_633] {strides = array<i32>} : memref<2x17x2x128xi32, #tpu.memory_space<vmem>>, vector<16xi32>,
        %get3A_635 = arith.constant 1 : i32
        %get3A_636 = arith.index_cast %rem3A_83 : i32 to index
        %get3A_637 = arith.index_cast %select_n3A_626 : i32 to index
        %get3A_638 = arith.index_cast %get3A_635 : i32 to index
        %get3A_639 = arith.index_cast %sub3A_629 : i32 to index
        %get3A_640 = tpu.vector_load %arg11[%get3A_636, %get3A_637, %get3A_638, %get3A_639] {strides = array<i32>} : memref<2x17x2x128xi32, #tpu.memory_space<vmem>>, vector<16xi32>,
        %get3A_641 = arith.index_cast %rem3A_83 : i32 to index
        %get3A_642 = arith.index_cast %mul3A_599 : i32 to index
        %get3A_643 = tpu.vector_load %arg12[%get3A_641, %get3A_642] {strides = array<i32>} : memref<2x2000xi32, #tpu.memory_space<vmem>>, vector<16xi32>,
        %get3A_644 = arith.constant 0 : i32
        %get3A_645 = arith.index_cast %get3A_644 : i32 to index
        %get3A_646 = arith.constant 0 : index
        %get3A_647 = tpu.vector_load %arg18[%get3A_645, %get3A_646] {strides = array<i32>} : memref<2x16xf32, #tpu.memory_space<vmem>>, vector<16xf32>,
        %get3A_648 = arith.constant 1 : i32
        %get3A_649 = arith.index_cast %get3A_648 : i32 to index
        %get3A_650 = arith.constant 0 : index
        %get3A_651 = tpu.vector_load %arg18[%get3A_649, %get3A_650] {strides = array<i32>} : memref<2x16xf32, #tpu.memory_space<vmem>>, vector<16xf32>,
        %gather3A = tpu.vector_load_idx %arg10[%get3A_634] : memref<50000xi32, #tpu.memory_space<vmem>>[vector<16xi32>], vector<16xi32>,
        %add3A_652 = arith.constant 1 : i32
        %add3A_653 = vector.broadcast %add3A_652 : i32 to vector<16xi32>
        %add3A_654 = arith.addi %gather3A, %add3A_653 : vector<16xi32>
        %gather3A_655 = tpu.vector_load_idx %arg10[%get3A_640] : memref<50000xi32, #tpu.memory_space<vmem>>[vector<16xi32>], vector<16xi32>,
        %add3A_656 = arith.constant 1 : i32
        %add3A_657 = vector.broadcast %add3A_656 : i32 to vector<16xi32>
        %add3A_658 = arith.addi %gather3A_655, %add3A_657 : vector<16xi32>
        %convert_element_type3A_659 = arith.sitofp %add3A_654 : vector<16xi32> to vector<16xf32>
        %mul3A_660 = arith.mulf %convert_element_type3A_659, %get3A_647 : vector<16xf32>
        %convert_element_type3A_661 = arith.sitofp %add3A_658 : vector<16xi32> to vector<16xf32>
        %mul3A_662 = arith.mulf %convert_element_type3A_661, %get3A_647 : vector<16xf32>
        %add3A_663 = arith.constant 1 : i32
        %add3A_664 = vector.broadcast %add3A_663 : i32 to vector<16xi32>
        %add3A_665 = arith.addi %get3A_643, %add3A_664 : vector<16xi32>
        %convert_element_type3A_666 = arith.sitofp %add3A_665 : vector<16xi32> to vector<16xf32>
        %mul3A_667 = arith.mulf %convert_element_type3A_666, %get3A_651 : vector<16xf32>
        %add3A_668 = arith.addf %mul3A_660, %mul3A_662 : vector<16xf32>
        %add3A_669 = arith.addf %add3A_668, %mul3A_667 : vector<16xf32>
        %div3A_670 = arith.constant 1.000000e+00 : f32
        %div3A_671 = vector.broadcast %div3A_670 : f32 to vector<16xf32>
        %div3A_672 = arith.divf %div3A_671, %add3A_669 : vector<16xf32>
        %mul3A_673 = arith.mulf %mul3A_660, %div3A_672 : vector<16xf32>
        %swap3A = arith.index_cast %mul3A_599 : i32 to index
        %swap3A_674 = tpu.vector_load %arg13[%swap3A] {strides = array<i32>} : memref<2000xf32, #tpu.memory_space<vmem>>, vector<16xf32>,
        tpu.vector_store %arg13[%swap3A], %mul3A_673 {strides = array<i32>} : memref<2000xf32, #tpu.memory_space<vmem>>, vector<16xf32>,
        %mul3A_675 = arith.mulf %mul3A_662, %div3A_672 : vector<16xf32>
        %swap3A_676 = arith.index_cast %mul3A_599 : i32 to index
        %swap3A_677 = tpu.vector_load %arg14[%swap3A_676] {strides = array<i32>} : memref<2000xf32, #tpu.memory_space<vmem>>, vector<16xf32>,
        tpu.vector_store %arg14[%swap3A_676], %mul3A_675 {strides = array<i32>} : memref<2000xf32, #tpu.memory_space<vmem>>, vector<16xf32>,
        %mul3A_678 = arith.mulf %mul3A_667, %div3A_672 : vector<16xf32>
        %swap3A_679 = arith.index_cast %mul3A_599 : i32 to index
        %swap3A_680 = tpu.vector_load %arg15[%swap3A_679] {strides = array<i32>} : memref<2000xf32, #tpu.memory_space<vmem>>, vector<16xf32>,
        tpu.vector_store %arg15[%swap3A_679], %mul3A_678 {strides = array<i32>} : memref<2000xf32, #tpu.memory_space<vmem>>, vector<16xf32>,
        %mul3A_681 = arith.constant 16 : i32
        %mul3A_682 = vector.broadcast %mul3A_681 : i32 to vector<16xi32>
        %mul3A_683 = arith.muli %get3A_640, %mul3A_682 : vector<16xi32>
        %add3A_684 = arith.addi %mul3A_683, %get3A_643 : vector<16xi32>
        %mul3A_685 = arith.constant 16 : i32
        %mul3A_686 = arith.muli %scan3A_594, %mul3A_685 : i32
        %swap3A_687 = arith.constant 2 : i32
        %swap3A_688 = arith.index_cast %swap3A_687 : i32 to index
        %swap3A_689 = arith.index_cast %mul3A_686 : i32 to index
        %swap3A_690 = tpu.vector_load %arg16[%swap3A_688, %swap3A_689] {strides = array<i32>} : memref<16x128xi32, #tpu.memory_space<vmem>>, vector<16xi32>,
        tpu.vector_store %arg16[%swap3A_688, %swap3A_689], %add3A_684 {strides = array<i32>} : memref<16x128xi32, #tpu.memory_space<vmem>>, vector<16xi32>,
        %scan3A_691 = arith.constant 0 : i32
        scf.yield %scan3A_691 : i32
      }
      %scan3A_189 = arith.constant 8 : i32
      %dma_start3A_190 = arith.constant 2 : i32
      %dma_start3A_191 = arith.constant 2 : i32
      %dma_start3A_192 = arith.constant 0 : i32
      %dma_start3A_193 = tpu.memref_slice %arg17[%dma_start3A_190, %dma_start3A_192] : memref<16x128xf32, #tpu.memory_space<vmem>> -> memref<1x128xf32, #tpu.memory_space<vmem>>
      %dma_start3A_194 = tpu.memref_squeeze %dma_start3A_193 : memref<1x128xf32, #tpu.memory_space<vmem>> -> memref<128xf32, #tpu.memory_space<vmem>>
      %dma_start3A_195 = arith.constant 0 : i32
      %dma_start3A_196 = tpu.memref_slice %arg16[%dma_start3A_191, %dma_start3A_195] : memref<16x128xi32, #tpu.memory_space<vmem>> -> memref<1x128xi32, #tpu.memory_space<vmem>>
      %dma_start3A_197 = tpu.memref_squeeze %dma_start3A_196 : memref<1x128xi32, #tpu.memory_space<vmem>> -> memref<128xi32, #tpu.memory_space<vmem>>
      %dma_start3A_198 = arith.constant 0 : i32
      %dma_start3A_199 = tpu.memref_slice %arg19[%dma_start3A_198] : memref<800000xf32, #tpu.memory_space<vmem_shared>> -> memref<800000xf32, #tpu.memory_space<vmem_shared>>
      tpu.enqueue_indirect_dma source(%dma_start3A_194 : memref<128xf32, #tpu.memory_space<vmem>>) target(%dma_start3A_199 : memref<800000xf32, #tpu.memory_space<vmem_shared>>) offsets(%dma_start3A_197 : memref<128xi32, #tpu.memory_space<vmem>>) semaphore(%arg21 : memref<!tpu.dma_semaphore, #tpu.memory_space<semaphore_mem>>) {add = true}
      %scan3A_200 = arith.constant 0 : i32
      %scan3A_201 = arith.constant 0 : i32
      %scan3A_202 = arith.constant 8 : i32
      %scan3A_203 = arith.addi %scan3A_201, %scan3A_202 : i32
      %scan3A_204 = arith.constant 1 : i32
      %scan3A_205 = scf.for %scan3A_594 = %scan3A_201 to %scan3A_203 step %scan3A_204 iter_args(%scan3A_595 = %scan3A_200) -> (i32)  : i32 {
        %add3A_596 = arith.constant 24 : i32
        %add3A_597 = arith.addi %add3A_596, %scan3A_594 : i32
        %mul3A_598 = arith.constant 16 : i32
        %mul3A_599 = arith.muli %add3A_597, %mul3A_598 : i32
        %mul3A_600 = arith.constant 16 : i32
        %mul3A_601 = arith.muli %add3A_597, %mul3A_600 : i32
        %add3A_602 = arith.addi %sub3A_117, %mul3A_601 : i32
        %jit3A_603 = arith.constant 128 : i32
        %div3A_604 = arith.divsi %add3A_602, %jit3A_603 : i32
        %sign3A_605 = arith.constant 0 : i32
        %sign3A_606 = arith.cmpi sgt, %add3A_602, %sign3A_605 : i32
        %sign3A_607 = arith.extui %sign3A_606 : i1 to i32
        %sign3A_608 = arith.constant 0 : i32
        %sign3A_609 = arith.cmpi slt, %add3A_602, %sign3A_608 : i32
        %sign3A_610 = arith.extui %sign3A_609 : i1 to i32
        %sign3A_611 = arith.subi %sign3A_607, %sign3A_610 : i32
        %sign3A_612 = arith.constant 0 : i32
        %sign3A_613 = arith.cmpi sgt, %jit3A_603, %sign3A_612 : i32
        %sign3A_614 = arith.extui %sign3A_613 : i1 to i32
        %sign3A_615 = arith.constant 0 : i32
        %sign3A_616 = arith.cmpi slt, %jit3A_603, %sign3A_615 : i32
        %sign3A_617 = arith.extui %sign3A_616 : i1 to i32
        %sign3A_618 = arith.subi %sign3A_614, %sign3A_617 : i32
        %ne3A_619 = arith.cmpi ne, %sign3A_611, %sign3A_618 : i32
        %rem3A_620 = arith.remsi %add3A_602, %jit3A_603 : i32
        %ne3A_621 = arith.constant 0 : i32
        %ne3A_622 = arith.cmpi ne, %rem3A_620, %ne3A_621 : i32
        %and3A_623 = arith.andi %ne3A_619, %ne3A_622 : i1
        %sub3A_624 = arith.constant 1 : i32
        %sub3A_625 = arith.subi %div3A_604, %sub3A_624 : i32
        %select_n3A_626 = arith.select %and3A_623, %sub3A_625, %div3A_604 : i32
        %mul3A_627 = arith.constant 128 : i32
        %mul3A_628 = arith.muli %select_n3A_626, %mul3A_627 : i32
        %sub3A_629 = arith.subi %add3A_602, %mul3A_628 : i32
        %get3A = arith.constant 0 : i32
        %get3A_630 = arith.index_cast %rem3A_83 : i32 to index
        %get3A_631 = arith.index_cast %select_n3A_626 : i32 to index
        %get3A_632 = arith.index_cast %get3A : i32 to index
        %get3A_633 = arith.index_cast %sub3A_629 : i32 to index
        %get3A_634 = tpu.vector_load %arg11[%get3A_630, %get3A_631, %get3A_632, %get3A_633] {strides = array<i32>} : memref<2x17x2x128xi32, #tpu.memory_space<vmem>>, vector<16xi32>,
        %get3A_635 = arith.constant 1 : i32
        %get3A_636 = arith.index_cast %rem3A_83 : i32 to index
        %get3A_637 = arith.index_cast %select_n3A_626 : i32 to index
        %get3A_638 = arith.index_cast %get3A_635 : i32 to index
        %get3A_639 = arith.index_cast %sub3A_629 : i32 to index
        %get3A_640 = tpu.vector_load %arg11[%get3A_636, %get3A_637, %get3A_638, %get3A_639] {strides = array<i32>} : memref<2x17x2x128xi32, #tpu.memory_space<vmem>>, vector<16xi32>,
        %get3A_641 = arith.index_cast %rem3A_83 : i32 to index
        %get3A_642 = arith.index_cast %mul3A_599 : i32 to index
        %get3A_643 = tpu.vector_load %arg12[%get3A_641, %get3A_642] {strides = array<i32>} : memref<2x2000xi32, #tpu.memory_space<vmem>>, vector<16xi32>,
        %get3A_644 = arith.constant 0 : i32
        %get3A_645 = arith.index_cast %get3A_644 : i32 to index
        %get3A_646 = arith.constant 0 : index
        %get3A_647 = tpu.vector_load %arg18[%get3A_645, %get3A_646] {strides = array<i32>} : memref<2x16xf32, #tpu.memory_space<vmem>>, vector<16xf32>,
        %get3A_648 = arith.constant 1 : i32
        %get3A_649 = arith.index_cast %get3A_648 : i32 to index
        %get3A_650 = arith.constant 0 : index
        %get3A_651 = tpu.vector_load %arg18[%get3A_649, %get3A_650] {strides = array<i32>} : memref<2x16xf32, #tpu.memory_space<vmem>>, vector<16xf32>,
        %gather3A = tpu.vector_load_idx %arg10[%get3A_634] : memref<50000xi32, #tpu.memory_space<vmem>>[vector<16xi32>], vector<16xi32>,
        %add3A_652 = arith.constant 1 : i32
        %add3A_653 = vector.broadcast %add3A_652 : i32 to vector<16xi32>
        %add3A_654 = arith.addi %gather3A, %add3A_653 : vector<16xi32>
        %gather3A_655 = tpu.vector_load_idx %arg10[%get3A_640] : memref<50000xi32, #tpu.memory_space<vmem>>[vector<16xi32>], vector<16xi32>,
        %add3A_656 = arith.constant 1 : i32
        %add3A_657 = vector.broadcast %add3A_656 : i32 to vector<16xi32>
        %add3A_658 = arith.addi %gather3A_655, %add3A_657 : vector<16xi32>
        %convert_element_type3A_659 = arith.sitofp %add3A_654 : vector<16xi32> to vector<16xf32>
        %mul3A_660 = arith.mulf %convert_element_type3A_659, %get3A_647 : vector<16xf32>
        %convert_element_type3A_661 = arith.sitofp %add3A_658 : vector<16xi32> to vector<16xf32>
        %mul3A_662 = arith.mulf %convert_element_type3A_661, %get3A_647 : vector<16xf32>
        %add3A_663 = arith.constant 1 : i32
        %add3A_664 = vector.broadcast %add3A_663 : i32 to vector<16xi32>
        %add3A_665 = arith.addi %get3A_643, %add3A_664 : vector<16xi32>
        %convert_element_type3A_666 = arith.sitofp %add3A_665 : vector<16xi32> to vector<16xf32>
        %mul3A_667 = arith.mulf %convert_element_type3A_666, %get3A_651 : vector<16xf32>
        %add3A_668 = arith.addf %mul3A_660, %mul3A_662 : vector<16xf32>
        %add3A_669 = arith.addf %add3A_668, %mul3A_667 : vector<16xf32>
        %div3A_670 = arith.constant 1.000000e+00 : f32
        %div3A_671 = vector.broadcast %div3A_670 : f32 to vector<16xf32>
        %div3A_672 = arith.divf %div3A_671, %add3A_669 : vector<16xf32>
        %mul3A_673 = arith.mulf %mul3A_660, %div3A_672 : vector<16xf32>
        %swap3A = arith.index_cast %mul3A_599 : i32 to index
        %swap3A_674 = tpu.vector_load %arg13[%swap3A] {strides = array<i32>} : memref<2000xf32, #tpu.memory_space<vmem>>, vector<16xf32>,
        tpu.vector_store %arg13[%swap3A], %mul3A_673 {strides = array<i32>} : memref<2000xf32, #tpu.memory_space<vmem>>, vector<16xf32>,
        %mul3A_675 = arith.mulf %mul3A_662, %div3A_672 : vector<16xf32>
        %swap3A_676 = arith.index_cast %mul3A_599 : i32 to index
        %swap3A_677 = tpu.vector_load %arg14[%swap3A_676] {strides = array<i32>} : memref<2000xf32, #tpu.memory_space<vmem>>, vector<16xf32>,
        tpu.vector_store %arg14[%swap3A_676], %mul3A_675 {strides = array<i32>} : memref<2000xf32, #tpu.memory_space<vmem>>, vector<16xf32>,
        %mul3A_678 = arith.mulf %mul3A_667, %div3A_672 : vector<16xf32>
        %swap3A_679 = arith.index_cast %mul3A_599 : i32 to index
        %swap3A_680 = tpu.vector_load %arg15[%swap3A_679] {strides = array<i32>} : memref<2000xf32, #tpu.memory_space<vmem>>, vector<16xf32>,
        tpu.vector_store %arg15[%swap3A_679], %mul3A_678 {strides = array<i32>} : memref<2000xf32, #tpu.memory_space<vmem>>, vector<16xf32>,
        %mul3A_681 = arith.constant 16 : i32
        %mul3A_682 = vector.broadcast %mul3A_681 : i32 to vector<16xi32>
        %mul3A_683 = arith.muli %get3A_640, %mul3A_682 : vector<16xi32>
        %add3A_684 = arith.addi %mul3A_683, %get3A_643 : vector<16xi32>
        %mul3A_685 = arith.constant 16 : i32
        %mul3A_686 = arith.muli %scan3A_594, %mul3A_685 : i32
        %swap3A_687 = arith.constant 3 : i32
        %swap3A_688 = arith.index_cast %swap3A_687 : i32 to index
        %swap3A_689 = arith.index_cast %mul3A_686 : i32 to index
        %swap3A_690 = tpu.vector_load %arg16[%swap3A_688, %swap3A_689] {strides = array<i32>} : memref<16x128xi32, #tpu.memory_space<vmem>>, vector<16xi32>,
        tpu.vector_store %arg16[%swap3A_688, %swap3A_689], %add3A_684 {strides = array<i32>} : memref<16x128xi32, #tpu.memory_space<vmem>>, vector<16xi32>,
        %scan3A_691 = arith.constant 0 : i32
        scf.yield %scan3A_691 : i32
      }
      %scan3A_206 = arith.constant 8 : i32
      %dma_start3A_207 = arith.constant 3 : i32
      %dma_start3A_208 = arith.constant 3 : i32
      %dma_start3A_209 = arith.constant 0 : i32
      %dma_start3A_210 = tpu.memref_slice %arg17[%dma_start3A_207, %dma_start3A_209] : memref<16x128xf32, #tpu.memory_space<vmem>> -> memref<1x128xf32, #tpu.memory_space<vmem>>
      %dma_start3A_211 = tpu.memref_squeeze %dma_start3A_210 : memref<1x128xf32, #tpu.memory_space<vmem>> -> memref<128xf32, #tpu.memory_space<vmem>>
      %dma_start3A_212 = arith.constant 0 : i32
      %dma_start3A_213 = tpu.memref_slice %arg16[%dma_start3A_208, %dma_start3A_212] : memref<16x128xi32, #tpu.memory_space<vmem>> -> memref<1x128xi32, #tpu.memory_space<vmem>>
      %dma_start3A_214 = tpu.memref_squeeze %dma_start3A_213 : memref<1x128xi32, #tpu.memory_space<vmem>> -> memref<128xi32, #tpu.memory_space<vmem>>
      %dma_start3A_215 = arith.constant 0 : i32
      %dma_start3A_216 = tpu.memref_slice %arg19[%dma_start3A_215] : memref<800000xf32, #tpu.memory_space<vmem_shared>> -> memref<800000xf32, #tpu.memory_space<vmem_shared>>
      tpu.enqueue_indirect_dma source(%dma_start3A_211 : memref<128xf32, #tpu.memory_space<vmem>>) target(%dma_start3A_216 : memref<800000xf32, #tpu.memory_space<vmem_shared>>) offsets(%dma_start3A_214 : memref<128xi32, #tpu.memory_space<vmem>>) semaphore(%arg21 : memref<!tpu.dma_semaphore, #tpu.memory_space<semaphore_mem>>) {add = true}
      %scan3A_217 = arith.constant 0 : i32
      %scan3A_218 = arith.constant 0 : i32
      %scan3A_219 = arith.constant 8 : i32
      %scan3A_220 = arith.addi %scan3A_218, %scan3A_219 : i32
      %scan3A_221 = arith.constant 1 : i32
      %scan3A_222 = scf.for %scan3A_594 = %scan3A_218 to %scan3A_220 step %scan3A_221 iter_args(%scan3A_595 = %scan3A_217) -> (i32)  : i32 {
        %add3A_596 = arith.constant 32 : i32
        %add3A_597 = arith.addi %add3A_596, %scan3A_594 : i32
        %mul3A_598 = arith.constant 16 : i32
        %mul3A_599 = arith.muli %add3A_597, %mul3A_598 : i32
        %mul3A_600 = arith.constant 16 : i32
        %mul3A_601 = arith.muli %add3A_597, %mul3A_600 : i32
        %add3A_602 = arith.addi %sub3A_117, %mul3A_601 : i32
        %jit3A_603 = arith.constant 128 : i32
        %div3A_604 = arith.divsi %add3A_602, %jit3A_603 : i32
        %sign3A_605 = arith.constant 0 : i32
        %sign3A_606 = arith.cmpi sgt, %add3A_602, %sign3A_605 : i32
        %sign3A_607 = arith.extui %sign3A_606 : i1 to i32
        %sign3A_608 = arith.constant 0 : i32
        %sign3A_609 = arith.cmpi slt, %add3A_602, %sign3A_608 : i32
        %sign3A_610 = arith.extui %sign3A_609 : i1 to i32
        %sign3A_611 = arith.subi %sign3A_607, %sign3A_610 : i32
        %sign3A_612 = arith.constant 0 : i32
        %sign3A_613 = arith.cmpi sgt, %jit3A_603, %sign3A_612 : i32
        %sign3A_614 = arith.extui %sign3A_613 : i1 to i32
        %sign3A_615 = arith.constant 0 : i32
        %sign3A_616 = arith.cmpi slt, %jit3A_603, %sign3A_615 : i32
        %sign3A_617 = arith.extui %sign3A_616 : i1 to i32
        %sign3A_618 = arith.subi %sign3A_614, %sign3A_617 : i32
        %ne3A_619 = arith.cmpi ne, %sign3A_611, %sign3A_618 : i32
        %rem3A_620 = arith.remsi %add3A_602, %jit3A_603 : i32
        %ne3A_621 = arith.constant 0 : i32
        %ne3A_622 = arith.cmpi ne, %rem3A_620, %ne3A_621 : i32
        %and3A_623 = arith.andi %ne3A_619, %ne3A_622 : i1
        %sub3A_624 = arith.constant 1 : i32
        %sub3A_625 = arith.subi %div3A_604, %sub3A_624 : i32
        %select_n3A_626 = arith.select %and3A_623, %sub3A_625, %div3A_604 : i32
        %mul3A_627 = arith.constant 128 : i32
        %mul3A_628 = arith.muli %select_n3A_626, %mul3A_627 : i32
        %sub3A_629 = arith.subi %add3A_602, %mul3A_628 : i32
        %get3A = arith.constant 0 : i32
        %get3A_630 = arith.index_cast %rem3A_83 : i32 to index
        %get3A_631 = arith.index_cast %select_n3A_626 : i32 to index
        %get3A_632 = arith.index_cast %get3A : i32 to index
        %get3A_633 = arith.index_cast %sub3A_629 : i32 to index
        %get3A_634 = tpu.vector_load %arg11[%get3A_630, %get3A_631, %get3A_632, %get3A_633] {strides = array<i32>} : memref<2x17x2x128xi32, #tpu.memory_space<vmem>>, vector<16xi32>,
        %get3A_635 = arith.constant 1 : i32
        %get3A_636 = arith.index_cast %rem3A_83 : i32 to index
        %get3A_637 = arith.index_cast %select_n3A_626 : i32 to index
        %get3A_638 = arith.index_cast %get3A_635 : i32 to index
        %get3A_639 = arith.index_cast %sub3A_629 : i32 to index
        %get3A_640 = tpu.vector_load %arg11[%get3A_636, %get3A_637, %get3A_638, %get3A_639] {strides = array<i32>} : memref<2x17x2x128xi32, #tpu.memory_space<vmem>>, vector<16xi32>,
        %get3A_641 = arith.index_cast %rem3A_83 : i32 to index
        %get3A_642 = arith.index_cast %mul3A_599 : i32 to index
        %get3A_643 = tpu.vector_load %arg12[%get3A_641, %get3A_642] {strides = array<i32>} : memref<2x2000xi32, #tpu.memory_space<vmem>>, vector<16xi32>,
        %get3A_644 = arith.constant 0 : i32
        %get3A_645 = arith.index_cast %get3A_644 : i32 to index
        %get3A_646 = arith.constant 0 : index
        %get3A_647 = tpu.vector_load %arg18[%get3A_645, %get3A_646] {strides = array<i32>} : memref<2x16xf32, #tpu.memory_space<vmem>>, vector<16xf32>,
        %get3A_648 = arith.constant 1 : i32
        %get3A_649 = arith.index_cast %get3A_648 : i32 to index
        %get3A_650 = arith.constant 0 : index
        %get3A_651 = tpu.vector_load %arg18[%get3A_649, %get3A_650] {strides = array<i32>} : memref<2x16xf32, #tpu.memory_space<vmem>>, vector<16xf32>,
        %gather3A = tpu.vector_load_idx %arg10[%get3A_634] : memref<50000xi32, #tpu.memory_space<vmem>>[vector<16xi32>], vector<16xi32>,
        %add3A_652 = arith.constant 1 : i32
        %add3A_653 = vector.broadcast %add3A_652 : i32 to vector<16xi32>
        %add3A_654 = arith.addi %gather3A, %add3A_653 : vector<16xi32>
        %gather3A_655 = tpu.vector_load_idx %arg10[%get3A_640] : memref<50000xi32, #tpu.memory_space<vmem>>[vector<16xi32>], vector<16xi32>,
        %add3A_656 = arith.constant 1 : i32
        %add3A_657 = vector.broadcast %add3A_656 : i32 to vector<16xi32>
        %add3A_658 = arith.addi %gather3A_655, %add3A_657 : vector<16xi32>
        %convert_element_type3A_659 = arith.sitofp %add3A_654 : vector<16xi32> to vector<16xf32>
        %mul3A_660 = arith.mulf %convert_element_type3A_659, %get3A_647 : vector<16xf32>
        %convert_element_type3A_661 = arith.sitofp %add3A_658 : vector<16xi32> to vector<16xf32>
        %mul3A_662 = arith.mulf %convert_element_type3A_661, %get3A_647 : vector<16xf32>
        %add3A_663 = arith.constant 1 : i32
        %add3A_664 = vector.broadcast %add3A_663 : i32 to vector<16xi32>
        %add3A_665 = arith.addi %get3A_643, %add3A_664 : vector<16xi32>
        %convert_element_type3A_666 = arith.sitofp %add3A_665 : vector<16xi32> to vector<16xf32>
        %mul3A_667 = arith.mulf %convert_element_type3A_666, %get3A_651 : vector<16xf32>
        %add3A_668 = arith.addf %mul3A_660, %mul3A_662 : vector<16xf32>
        %add3A_669 = arith.addf %add3A_668, %mul3A_667 : vector<16xf32>
        %div3A_670 = arith.constant 1.000000e+00 : f32
        %div3A_671 = vector.broadcast %div3A_670 : f32 to vector<16xf32>
        %div3A_672 = arith.divf %div3A_671, %add3A_669 : vector<16xf32>
        %mul3A_673 = arith.mulf %mul3A_660, %div3A_672 : vector<16xf32>
        %swap3A = arith.index_cast %mul3A_599 : i32 to index
        %swap3A_674 = tpu.vector_load %arg13[%swap3A] {strides = array<i32>} : memref<2000xf32, #tpu.memory_space<vmem>>, vector<16xf32>,
        tpu.vector_store %arg13[%swap3A], %mul3A_673 {strides = array<i32>} : memref<2000xf32, #tpu.memory_space<vmem>>, vector<16xf32>,
        %mul3A_675 = arith.mulf %mul3A_662, %div3A_672 : vector<16xf32>
        %swap3A_676 = arith.index_cast %mul3A_599 : i32 to index
        %swap3A_677 = tpu.vector_load %arg14[%swap3A_676] {strides = array<i32>} : memref<2000xf32, #tpu.memory_space<vmem>>, vector<16xf32>,
        tpu.vector_store %arg14[%swap3A_676], %mul3A_675 {strides = array<i32>} : memref<2000xf32, #tpu.memory_space<vmem>>, vector<16xf32>,
        %mul3A_678 = arith.mulf %mul3A_667, %div3A_672 : vector<16xf32>
        %swap3A_679 = arith.index_cast %mul3A_599 : i32 to index
        %swap3A_680 = tpu.vector_load %arg15[%swap3A_679] {strides = array<i32>} : memref<2000xf32, #tpu.memory_space<vmem>>, vector<16xf32>,
        tpu.vector_store %arg15[%swap3A_679], %mul3A_678 {strides = array<i32>} : memref<2000xf32, #tpu.memory_space<vmem>>, vector<16xf32>,
        %mul3A_681 = arith.constant 16 : i32
        %mul3A_682 = vector.broadcast %mul3A_681 : i32 to vector<16xi32>
        %mul3A_683 = arith.muli %get3A_640, %mul3A_682 : vector<16xi32>
        %add3A_684 = arith.addi %mul3A_683, %get3A_643 : vector<16xi32>
        %mul3A_685 = arith.constant 16 : i32
        %mul3A_686 = arith.muli %scan3A_594, %mul3A_685 : i32
        %swap3A_687 = arith.constant 4 : i32
        %swap3A_688 = arith.index_cast %swap3A_687 : i32 to index
        %swap3A_689 = arith.index_cast %mul3A_686 : i32 to index
        %swap3A_690 = tpu.vector_load %arg16[%swap3A_688, %swap3A_689] {strides = array<i32>} : memref<16x128xi32, #tpu.memory_space<vmem>>, vector<16xi32>,
        tpu.vector_store %arg16[%swap3A_688, %swap3A_689], %add3A_684 {strides = array<i32>} : memref<16x128xi32, #tpu.memory_space<vmem>>, vector<16xi32>,
        %scan3A_691 = arith.constant 0 : i32
        scf.yield %scan3A_691 : i32
      }
      %scan3A_223 = arith.constant 8 : i32
      %dma_start3A_224 = arith.constant 4 : i32
      %dma_start3A_225 = arith.constant 4 : i32
      %dma_start3A_226 = arith.constant 0 : i32
      %dma_start3A_227 = tpu.memref_slice %arg17[%dma_start3A_224, %dma_start3A_226] : memref<16x128xf32, #tpu.memory_space<vmem>> -> memref<1x128xf32, #tpu.memory_space<vmem>>
      %dma_start3A_228 = tpu.memref_squeeze %dma_start3A_227 : memref<1x128xf32, #tpu.memory_space<vmem>> -> memref<128xf32, #tpu.memory_space<vmem>>
      %dma_start3A_229 = arith.constant 0 : i32
      %dma_start3A_230 = tpu.memref_slice %arg16[%dma_start3A_225, %dma_start3A_229] : memref<16x128xi32, #tpu.memory_space<vmem>> -> memref<1x128xi32, #tpu.memory_space<vmem>>
      %dma_start3A_231 = tpu.memref_squeeze %dma_start3A_230 : memref<1x128xi32, #tpu.memory_space<vmem>> -> memref<128xi32, #tpu.memory_space<vmem>>
      %dma_start3A_232 = arith.constant 0 : i32
      %dma_start3A_233 = tpu.memref_slice %arg19[%dma_start3A_232] : memref<800000xf32, #tpu.memory_space<vmem_shared>> -> memref<800000xf32, #tpu.memory_space<vmem_shared>>
      tpu.enqueue_indirect_dma source(%dma_start3A_228 : memref<128xf32, #tpu.memory_space<vmem>>) target(%dma_start3A_233 : memref<800000xf32, #tpu.memory_space<vmem_shared>>) offsets(%dma_start3A_231 : memref<128xi32, #tpu.memory_space<vmem>>) semaphore(%arg21 : memref<!tpu.dma_semaphore, #tpu.memory_space<semaphore_mem>>) {add = true}
      %scan3A_234 = arith.constant 0 : i32
      %scan3A_235 = arith.constant 0 : i32
      %scan3A_236 = arith.constant 8 : i32
      %scan3A_237 = arith.addi %scan3A_235, %scan3A_236 : i32
      %scan3A_238 = arith.constant 1 : i32
      %scan3A_239 = scf.for %scan3A_594 = %scan3A_235 to %scan3A_237 step %scan3A_238 iter_args(%scan3A_595 = %scan3A_234) -> (i32)  : i32 {
        %add3A_596 = arith.constant 40 : i32
        %add3A_597 = arith.addi %add3A_596, %scan3A_594 : i32
        %mul3A_598 = arith.constant 16 : i32
        %mul3A_599 = arith.muli %add3A_597, %mul3A_598 : i32
        %mul3A_600 = arith.constant 16 : i32
        %mul3A_601 = arith.muli %add3A_597, %mul3A_600 : i32
        %add3A_602 = arith.addi %sub3A_117, %mul3A_601 : i32
        %jit3A_603 = arith.constant 128 : i32
        %div3A_604 = arith.divsi %add3A_602, %jit3A_603 : i32
        %sign3A_605 = arith.constant 0 : i32
        %sign3A_606 = arith.cmpi sgt, %add3A_602, %sign3A_605 : i32
        %sign3A_607 = arith.extui %sign3A_606 : i1 to i32
        %sign3A_608 = arith.constant 0 : i32
        %sign3A_609 = arith.cmpi slt, %add3A_602, %sign3A_608 : i32
        %sign3A_610 = arith.extui %sign3A_609 : i1 to i32
        %sign3A_611 = arith.subi %sign3A_607, %sign3A_610 : i32
        %sign3A_612 = arith.constant 0 : i32
        %sign3A_613 = arith.cmpi sgt, %jit3A_603, %sign3A_612 : i32
        %sign3A_614 = arith.extui %sign3A_613 : i1 to i32
        %sign3A_615 = arith.constant 0 : i32
        %sign3A_616 = arith.cmpi slt, %jit3A_603, %sign3A_615 : i32
        %sign3A_617 = arith.extui %sign3A_616 : i1 to i32
        %sign3A_618 = arith.subi %sign3A_614, %sign3A_617 : i32
        %ne3A_619 = arith.cmpi ne, %sign3A_611, %sign3A_618 : i32
        %rem3A_620 = arith.remsi %add3A_602, %jit3A_603 : i32
        %ne3A_621 = arith.constant 0 : i32
        %ne3A_622 = arith.cmpi ne, %rem3A_620, %ne3A_621 : i32
        %and3A_623 = arith.andi %ne3A_619, %ne3A_622 : i1
        %sub3A_624 = arith.constant 1 : i32
        %sub3A_625 = arith.subi %div3A_604, %sub3A_624 : i32
        %select_n3A_626 = arith.select %and3A_623, %sub3A_625, %div3A_604 : i32
        %mul3A_627 = arith.constant 128 : i32
        %mul3A_628 = arith.muli %select_n3A_626, %mul3A_627 : i32
        %sub3A_629 = arith.subi %add3A_602, %mul3A_628 : i32
        %get3A = arith.constant 0 : i32
        %get3A_630 = arith.index_cast %rem3A_83 : i32 to index
        %get3A_631 = arith.index_cast %select_n3A_626 : i32 to index
        %get3A_632 = arith.index_cast %get3A : i32 to index
        %get3A_633 = arith.index_cast %sub3A_629 : i32 to index
        %get3A_634 = tpu.vector_load %arg11[%get3A_630, %get3A_631, %get3A_632, %get3A_633] {strides = array<i32>} : memref<2x17x2x128xi32, #tpu.memory_space<vmem>>, vector<16xi32>,
        %get3A_635 = arith.constant 1 : i32
        %get3A_636 = arith.index_cast %rem3A_83 : i32 to index
        %get3A_637 = arith.index_cast %select_n3A_626 : i32 to index
        %get3A_638 = arith.index_cast %get3A_635 : i32 to index
        %get3A_639 = arith.index_cast %sub3A_629 : i32 to index
        %get3A_640 = tpu.vector_load %arg11[%get3A_636, %get3A_637, %get3A_638, %get3A_639] {strides = array<i32>} : memref<2x17x2x128xi32, #tpu.memory_space<vmem>>, vector<16xi32>,
        %get3A_641 = arith.index_cast %rem3A_83 : i32 to index
        %get3A_642 = arith.index_cast %mul3A_599 : i32 to index
        %get3A_643 = tpu.vector_load %arg12[%get3A_641, %get3A_642] {strides = array<i32>} : memref<2x2000xi32, #tpu.memory_space<vmem>>, vector<16xi32>,
        %get3A_644 = arith.constant 0 : i32
        %get3A_645 = arith.index_cast %get3A_644 : i32 to index
        %get3A_646 = arith.constant 0 : index
        %get3A_647 = tpu.vector_load %arg18[%get3A_645, %get3A_646] {strides = array<i32>} : memref<2x16xf32, #tpu.memory_space<vmem>>, vector<16xf32>,
        %get3A_648 = arith.constant 1 : i32
        %get3A_649 = arith.index_cast %get3A_648 : i32 to index
        %get3A_650 = arith.constant 0 : index
        %get3A_651 = tpu.vector_load %arg18[%get3A_649, %get3A_650] {strides = array<i32>} : memref<2x16xf32, #tpu.memory_space<vmem>>, vector<16xf32>,
        %gather3A = tpu.vector_load_idx %arg10[%get3A_634] : memref<50000xi32, #tpu.memory_space<vmem>>[vector<16xi32>], vector<16xi32>,
        %add3A_652 = arith.constant 1 : i32
        %add3A_653 = vector.broadcast %add3A_652 : i32 to vector<16xi32>
        %add3A_654 = arith.addi %gather3A, %add3A_653 : vector<16xi32>
        %gather3A_655 = tpu.vector_load_idx %arg10[%get3A_640] : memref<50000xi32, #tpu.memory_space<vmem>>[vector<16xi32>], vector<16xi32>,
        %add3A_656 = arith.constant 1 : i32
        %add3A_657 = vector.broadcast %add3A_656 : i32 to vector<16xi32>
        %add3A_658 = arith.addi %gather3A_655, %add3A_657 : vector<16xi32>
        %convert_element_type3A_659 = arith.sitofp %add3A_654 : vector<16xi32> to vector<16xf32>
        %mul3A_660 = arith.mulf %convert_element_type3A_659, %get3A_647 : vector<16xf32>
        %convert_element_type3A_661 = arith.sitofp %add3A_658 : vector<16xi32> to vector<16xf32>
        %mul3A_662 = arith.mulf %convert_element_type3A_661, %get3A_647 : vector<16xf32>
        %add3A_663 = arith.constant 1 : i32
        %add3A_664 = vector.broadcast %add3A_663 : i32 to vector<16xi32>
        %add3A_665 = arith.addi %get3A_643, %add3A_664 : vector<16xi32>
        %convert_element_type3A_666 = arith.sitofp %add3A_665 : vector<16xi32> to vector<16xf32>
        %mul3A_667 = arith.mulf %convert_element_type3A_666, %get3A_651 : vector<16xf32>
        %add3A_668 = arith.addf %mul3A_660, %mul3A_662 : vector<16xf32>
        %add3A_669 = arith.addf %add3A_668, %mul3A_667 : vector<16xf32>
        %div3A_670 = arith.constant 1.000000e+00 : f32
        %div3A_671 = vector.broadcast %div3A_670 : f32 to vector<16xf32>
        %div3A_672 = arith.divf %div3A_671, %add3A_669 : vector<16xf32>
        %mul3A_673 = arith.mulf %mul3A_660, %div3A_672 : vector<16xf32>
        %swap3A = arith.index_cast %mul3A_599 : i32 to index
        %swap3A_674 = tpu.vector_load %arg13[%swap3A] {strides = array<i32>} : memref<2000xf32, #tpu.memory_space<vmem>>, vector<16xf32>,
        tpu.vector_store %arg13[%swap3A], %mul3A_673 {strides = array<i32>} : memref<2000xf32, #tpu.memory_space<vmem>>, vector<16xf32>,
        %mul3A_675 = arith.mulf %mul3A_662, %div3A_672 : vector<16xf32>
        %swap3A_676 = arith.index_cast %mul3A_599 : i32 to index
        %swap3A_677 = tpu.vector_load %arg14[%swap3A_676] {strides = array<i32>} : memref<2000xf32, #tpu.memory_space<vmem>>, vector<16xf32>,
        tpu.vector_store %arg14[%swap3A_676], %mul3A_675 {strides = array<i32>} : memref<2000xf32, #tpu.memory_space<vmem>>, vector<16xf32>,
        %mul3A_678 = arith.mulf %mul3A_667, %div3A_672 : vector<16xf32>
        %swap3A_679 = arith.index_cast %mul3A_599 : i32 to index
        %swap3A_680 = tpu.vector_load %arg15[%swap3A_679] {strides = array<i32>} : memref<2000xf32, #tpu.memory_space<vmem>>, vector<16xf32>,
        tpu.vector_store %arg15[%swap3A_679], %mul3A_678 {strides = array<i32>} : memref<2000xf32, #tpu.memory_space<vmem>>, vector<16xf32>,
        %mul3A_681 = arith.constant 16 : i32
        %mul3A_682 = vector.broadcast %mul3A_681 : i32 to vector<16xi32>
        %mul3A_683 = arith.muli %get3A_640, %mul3A_682 : vector<16xi32>
        %add3A_684 = arith.addi %mul3A_683, %get3A_643 : vector<16xi32>
        %mul3A_685 = arith.constant 16 : i32
        %mul3A_686 = arith.muli %scan3A_594, %mul3A_685 : i32
        %swap3A_687 = arith.constant 5 : i32
        %swap3A_688 = arith.index_cast %swap3A_687 : i32 to index
        %swap3A_689 = arith.index_cast %mul3A_686 : i32 to index
        %swap3A_690 = tpu.vector_load %arg16[%swap3A_688, %swap3A_689] {strides = array<i32>} : memref<16x128xi32, #tpu.memory_space<vmem>>, vector<16xi32>,
        tpu.vector_store %arg16[%swap3A_688, %swap3A_689], %add3A_684 {strides = array<i32>} : memref<16x128xi32, #tpu.memory_space<vmem>>, vector<16xi32>,
        %scan3A_691 = arith.constant 0 : i32
        scf.yield %scan3A_691 : i32
      }
      %scan3A_240 = arith.constant 8 : i32
      %dma_start3A_241 = arith.constant 5 : i32
      %dma_start3A_242 = arith.constant 5 : i32
      %dma_start3A_243 = arith.constant 0 : i32
      %dma_start3A_244 = tpu.memref_slice %arg17[%dma_start3A_241, %dma_start3A_243] : memref<16x128xf32, #tpu.memory_space<vmem>> -> memref<1x128xf32, #tpu.memory_space<vmem>>
      %dma_start3A_245 = tpu.memref_squeeze %dma_start3A_244 : memref<1x128xf32, #tpu.memory_space<vmem>> -> memref<128xf32, #tpu.memory_space<vmem>>
      %dma_start3A_246 = arith.constant 0 : i32
      %dma_start3A_247 = tpu.memref_slice %arg16[%dma_start3A_242, %dma_start3A_246] : memref<16x128xi32, #tpu.memory_space<vmem>> -> memref<1x128xi32, #tpu.memory_space<vmem>>
      %dma_start3A_248 = tpu.memref_squeeze %dma_start3A_247 : memref<1x128xi32, #tpu.memory_space<vmem>> -> memref<128xi32, #tpu.memory_space<vmem>>
      %dma_start3A_249 = arith.constant 0 : i32
      %dma_start3A_250 = tpu.memref_slice %arg19[%dma_start3A_249] : memref<800000xf32, #tpu.memory_space<vmem_shared>> -> memref<800000xf32, #tpu.memory_space<vmem_shared>>
      tpu.enqueue_indirect_dma source(%dma_start3A_245 : memref<128xf32, #tpu.memory_space<vmem>>) target(%dma_start3A_250 : memref<800000xf32, #tpu.memory_space<vmem_shared>>) offsets(%dma_start3A_248 : memref<128xi32, #tpu.memory_space<vmem>>) semaphore(%arg21 : memref<!tpu.dma_semaphore, #tpu.memory_space<semaphore_mem>>) {add = true}
      %scan3A_251 = arith.constant 0 : i32
      %scan3A_252 = arith.constant 0 : i32
      %scan3A_253 = arith.constant 8 : i32
      %scan3A_254 = arith.addi %scan3A_252, %scan3A_253 : i32
      %scan3A_255 = arith.constant 1 : i32
      %scan3A_256 = scf.for %scan3A_594 = %scan3A_252 to %scan3A_254 step %scan3A_255 iter_args(%scan3A_595 = %scan3A_251) -> (i32)  : i32 {
        %add3A_596 = arith.constant 48 : i32
        %add3A_597 = arith.addi %add3A_596, %scan3A_594 : i32
        %mul3A_598 = arith.constant 16 : i32
        %mul3A_599 = arith.muli %add3A_597, %mul3A_598 : i32
        %mul3A_600 = arith.constant 16 : i32
        %mul3A_601 = arith.muli %add3A_597, %mul3A_600 : i32
        %add3A_602 = arith.addi %sub3A_117, %mul3A_601 : i32
        %jit3A_603 = arith.constant 128 : i32
        %div3A_604 = arith.divsi %add3A_602, %jit3A_603 : i32
        %sign3A_605 = arith.constant 0 : i32
        %sign3A_606 = arith.cmpi sgt, %add3A_602, %sign3A_605 : i32
        %sign3A_607 = arith.extui %sign3A_606 : i1 to i32
        %sign3A_608 = arith.constant 0 : i32
        %sign3A_609 = arith.cmpi slt, %add3A_602, %sign3A_608 : i32
        %sign3A_610 = arith.extui %sign3A_609 : i1 to i32
        %sign3A_611 = arith.subi %sign3A_607, %sign3A_610 : i32
        %sign3A_612 = arith.constant 0 : i32
        %sign3A_613 = arith.cmpi sgt, %jit3A_603, %sign3A_612 : i32
        %sign3A_614 = arith.extui %sign3A_613 : i1 to i32
        %sign3A_615 = arith.constant 0 : i32
        %sign3A_616 = arith.cmpi slt, %jit3A_603, %sign3A_615 : i32
        %sign3A_617 = arith.extui %sign3A_616 : i1 to i32
        %sign3A_618 = arith.subi %sign3A_614, %sign3A_617 : i32
        %ne3A_619 = arith.cmpi ne, %sign3A_611, %sign3A_618 : i32
        %rem3A_620 = arith.remsi %add3A_602, %jit3A_603 : i32
        %ne3A_621 = arith.constant 0 : i32
        %ne3A_622 = arith.cmpi ne, %rem3A_620, %ne3A_621 : i32
        %and3A_623 = arith.andi %ne3A_619, %ne3A_622 : i1
        %sub3A_624 = arith.constant 1 : i32
        %sub3A_625 = arith.subi %div3A_604, %sub3A_624 : i32
        %select_n3A_626 = arith.select %and3A_623, %sub3A_625, %div3A_604 : i32
        %mul3A_627 = arith.constant 128 : i32
        %mul3A_628 = arith.muli %select_n3A_626, %mul3A_627 : i32
        %sub3A_629 = arith.subi %add3A_602, %mul3A_628 : i32
        %get3A = arith.constant 0 : i32
        %get3A_630 = arith.index_cast %rem3A_83 : i32 to index
        %get3A_631 = arith.index_cast %select_n3A_626 : i32 to index
        %get3A_632 = arith.index_cast %get3A : i32 to index
        %get3A_633 = arith.index_cast %sub3A_629 : i32 to index
        %get3A_634 = tpu.vector_load %arg11[%get3A_630, %get3A_631, %get3A_632, %get3A_633] {strides = array<i32>} : memref<2x17x2x128xi32, #tpu.memory_space<vmem>>, vector<16xi32>,
        %get3A_635 = arith.constant 1 : i32
        %get3A_636 = arith.index_cast %rem3A_83 : i32 to index
        %get3A_637 = arith.index_cast %select_n3A_626 : i32 to index
        %get3A_638 = arith.index_cast %get3A_635 : i32 to index
        %get3A_639 = arith.index_cast %sub3A_629 : i32 to index
        %get3A_640 = tpu.vector_load %arg11[%get3A_636, %get3A_637, %get3A_638, %get3A_639] {strides = array<i32>} : memref<2x17x2x128xi32, #tpu.memory_space<vmem>>, vector<16xi32>,
        %get3A_641 = arith.index_cast %rem3A_83 : i32 to index
        %get3A_642 = arith.index_cast %mul3A_599 : i32 to index
        %get3A_643 = tpu.vector_load %arg12[%get3A_641, %get3A_642] {strides = array<i32>} : memref<2x2000xi32, #tpu.memory_space<vmem>>, vector<16xi32>,
        %get3A_644 = arith.constant 0 : i32
        %get3A_645 = arith.index_cast %get3A_644 : i32 to index
        %get3A_646 = arith.constant 0 : index
        %get3A_647 = tpu.vector_load %arg18[%get3A_645, %get3A_646] {strides = array<i32>} : memref<2x16xf32, #tpu.memory_space<vmem>>, vector<16xf32>,
        %get3A_648 = arith.constant 1 : i32
        %get3A_649 = arith.index_cast %get3A_648 : i32 to index
        %get3A_650 = arith.constant 0 : index
        %get3A_651 = tpu.vector_load %arg18[%get3A_649, %get3A_650] {strides = array<i32>} : memref<2x16xf32, #tpu.memory_space<vmem>>, vector<16xf32>,
        %gather3A = tpu.vector_load_idx %arg10[%get3A_634] : memref<50000xi32, #tpu.memory_space<vmem>>[vector<16xi32>], vector<16xi32>,
        %add3A_652 = arith.constant 1 : i32
        %add3A_653 = vector.broadcast %add3A_652 : i32 to vector<16xi32>
        %add3A_654 = arith.addi %gather3A, %add3A_653 : vector<16xi32>
        %gather3A_655 = tpu.vector_load_idx %arg10[%get3A_640] : memref<50000xi32, #tpu.memory_space<vmem>>[vector<16xi32>], vector<16xi32>,
        %add3A_656 = arith.constant 1 : i32
        %add3A_657 = vector.broadcast %add3A_656 : i32 to vector<16xi32>
        %add3A_658 = arith.addi %gather3A_655, %add3A_657 : vector<16xi32>
        %convert_element_type3A_659 = arith.sitofp %add3A_654 : vector<16xi32> to vector<16xf32>
        %mul3A_660 = arith.mulf %convert_element_type3A_659, %get3A_647 : vector<16xf32>
        %convert_element_type3A_661 = arith.sitofp %add3A_658 : vector<16xi32> to vector<16xf32>
        %mul3A_662 = arith.mulf %convert_element_type3A_661, %get3A_647 : vector<16xf32>
        %add3A_663 = arith.constant 1 : i32
        %add3A_664 = vector.broadcast %add3A_663 : i32 to vector<16xi32>
        %add3A_665 = arith.addi %get3A_643, %add3A_664 : vector<16xi32>
        %convert_element_type3A_666 = arith.sitofp %add3A_665 : vector<16xi32> to vector<16xf32>
        %mul3A_667 = arith.mulf %convert_element_type3A_666, %get3A_651 : vector<16xf32>
        %add3A_668 = arith.addf %mul3A_660, %mul3A_662 : vector<16xf32>
        %add3A_669 = arith.addf %add3A_668, %mul3A_667 : vector<16xf32>
        %div3A_670 = arith.constant 1.000000e+00 : f32
        %div3A_671 = vector.broadcast %div3A_670 : f32 to vector<16xf32>
        %div3A_672 = arith.divf %div3A_671, %add3A_669 : vector<16xf32>
        %mul3A_673 = arith.mulf %mul3A_660, %div3A_672 : vector<16xf32>
        %swap3A = arith.index_cast %mul3A_599 : i32 to index
        %swap3A_674 = tpu.vector_load %arg13[%swap3A] {strides = array<i32>} : memref<2000xf32, #tpu.memory_space<vmem>>, vector<16xf32>,
        tpu.vector_store %arg13[%swap3A], %mul3A_673 {strides = array<i32>} : memref<2000xf32, #tpu.memory_space<vmem>>, vector<16xf32>,
        %mul3A_675 = arith.mulf %mul3A_662, %div3A_672 : vector<16xf32>
        %swap3A_676 = arith.index_cast %mul3A_599 : i32 to index
        %swap3A_677 = tpu.vector_load %arg14[%swap3A_676] {strides = array<i32>} : memref<2000xf32, #tpu.memory_space<vmem>>, vector<16xf32>,
        tpu.vector_store %arg14[%swap3A_676], %mul3A_675 {strides = array<i32>} : memref<2000xf32, #tpu.memory_space<vmem>>, vector<16xf32>,
        %mul3A_678 = arith.mulf %mul3A_667, %div3A_672 : vector<16xf32>
        %swap3A_679 = arith.index_cast %mul3A_599 : i32 to index
        %swap3A_680 = tpu.vector_load %arg15[%swap3A_679] {strides = array<i32>} : memref<2000xf32, #tpu.memory_space<vmem>>, vector<16xf32>,
        tpu.vector_store %arg15[%swap3A_679], %mul3A_678 {strides = array<i32>} : memref<2000xf32, #tpu.memory_space<vmem>>, vector<16xf32>,
        %mul3A_681 = arith.constant 16 : i32
        %mul3A_682 = vector.broadcast %mul3A_681 : i32 to vector<16xi32>
        %mul3A_683 = arith.muli %get3A_640, %mul3A_682 : vector<16xi32>
        %add3A_684 = arith.addi %mul3A_683, %get3A_643 : vector<16xi32>
        %mul3A_685 = arith.constant 16 : i32
        %mul3A_686 = arith.muli %scan3A_594, %mul3A_685 : i32
        %swap3A_687 = arith.constant 6 : i32
        %swap3A_688 = arith.index_cast %swap3A_687 : i32 to index
        %swap3A_689 = arith.index_cast %mul3A_686 : i32 to index
        %swap3A_690 = tpu.vector_load %arg16[%swap3A_688, %swap3A_689] {strides = array<i32>} : memref<16x128xi32, #tpu.memory_space<vmem>>, vector<16xi32>,
        tpu.vector_store %arg16[%swap3A_688, %swap3A_689], %add3A_684 {strides = array<i32>} : memref<16x128xi32, #tpu.memory_space<vmem>>, vector<16xi32>,
        %scan3A_691 = arith.constant 0 : i32
        scf.yield %scan3A_691 : i32
      }
      %scan3A_257 = arith.constant 8 : i32
      %dma_start3A_258 = arith.constant 6 : i32
      %dma_start3A_259 = arith.constant 6 : i32
      %dma_start3A_260 = arith.constant 0 : i32
      %dma_start3A_261 = tpu.memref_slice %arg17[%dma_start3A_258, %dma_start3A_260] : memref<16x128xf32, #tpu.memory_space<vmem>> -> memref<1x128xf32, #tpu.memory_space<vmem>>
      %dma_start3A_262 = tpu.memref_squeeze %dma_start3A_261 : memref<1x128xf32, #tpu.memory_space<vmem>> -> memref<128xf32, #tpu.memory_space<vmem>>
      %dma_start3A_263 = arith.constant 0 : i32
      %dma_start3A_264 = tpu.memref_slice %arg16[%dma_start3A_259, %dma_start3A_263] : memref<16x128xi32, #tpu.memory_space<vmem>> -> memref<1x128xi32, #tpu.memory_space<vmem>>
      %dma_start3A_265 = tpu.memref_squeeze %dma_start3A_264 : memref<1x128xi32, #tpu.memory_space<vmem>> -> memref<128xi32, #tpu.memory_space<vmem>>
      %dma_start3A_266 = arith.constant 0 : i32
      %dma_start3A_267 = tpu.memref_slice %arg19[%dma_start3A_266] : memref<800000xf32, #tpu.memory_space<vmem_shared>> -> memref<800000xf32, #tpu.memory_space<vmem_shared>>
      tpu.enqueue_indirect_dma source(%dma_start3A_262 : memref<128xf32, #tpu.memory_space<vmem>>) target(%dma_start3A_267 : memref<800000xf32, #tpu.memory_space<vmem_shared>>) offsets(%dma_start3A_265 : memref<128xi32, #tpu.memory_space<vmem>>) semaphore(%arg21 : memref<!tpu.dma_semaphore, #tpu.memory_space<semaphore_mem>>) {add = true}
      %scan3A_268 = arith.constant 0 : i32
      %scan3A_269 = arith.constant 0 : i32
      %scan3A_270 = arith.constant 8 : i32
      %scan3A_271 = arith.addi %scan3A_269, %scan3A_270 : i32
      %scan3A_272 = arith.constant 1 : i32
      %scan3A_273 = scf.for %scan3A_594 = %scan3A_269 to %scan3A_271 step %scan3A_272 iter_args(%scan3A_595 = %scan3A_268) -> (i32)  : i32 {
        %add3A_596 = arith.constant 56 : i32
        %add3A_597 = arith.addi %add3A_596, %scan3A_594 : i32
        %mul3A_598 = arith.constant 16 : i32
        %mul3A_599 = arith.muli %add3A_597, %mul3A_598 : i32
        %mul3A_600 = arith.constant 16 : i32
        %mul3A_601 = arith.muli %add3A_597, %mul3A_600 : i32
        %add3A_602 = arith.addi %sub3A_117, %mul3A_601 : i32
        %jit3A_603 = arith.constant 128 : i32
        %div3A_604 = arith.divsi %add3A_602, %jit3A_603 : i32
        %sign3A_605 = arith.constant 0 : i32
        %sign3A_606 = arith.cmpi sgt, %add3A_602, %sign3A_605 : i32
        %sign3A_607 = arith.extui %sign3A_606 : i1 to i32
        %sign3A_608 = arith.constant 0 : i32
        %sign3A_609 = arith.cmpi slt, %add3A_602, %sign3A_608 : i32
        %sign3A_610 = arith.extui %sign3A_609 : i1 to i32
        %sign3A_611 = arith.subi %sign3A_607, %sign3A_610 : i32
        %sign3A_612 = arith.constant 0 : i32
        %sign3A_613 = arith.cmpi sgt, %jit3A_603, %sign3A_612 : i32
        %sign3A_614 = arith.extui %sign3A_613 : i1 to i32
        %sign3A_615 = arith.constant 0 : i32
        %sign3A_616 = arith.cmpi slt, %jit3A_603, %sign3A_615 : i32
        %sign3A_617 = arith.extui %sign3A_616 : i1 to i32
        %sign3A_618 = arith.subi %sign3A_614, %sign3A_617 : i32
        %ne3A_619 = arith.cmpi ne, %sign3A_611, %sign3A_618 : i32
        %rem3A_620 = arith.remsi %add3A_602, %jit3A_603 : i32
        %ne3A_621 = arith.constant 0 : i32
        %ne3A_622 = arith.cmpi ne, %rem3A_620, %ne3A_621 : i32
        %and3A_623 = arith.andi %ne3A_619, %ne3A_622 : i1
        %sub3A_624 = arith.constant 1 : i32
        %sub3A_625 = arith.subi %div3A_604, %sub3A_624 : i32
        %select_n3A_626 = arith.select %and3A_623, %sub3A_625, %div3A_604 : i32
        %mul3A_627 = arith.constant 128 : i32
        %mul3A_628 = arith.muli %select_n3A_626, %mul3A_627 : i32
        %sub3A_629 = arith.subi %add3A_602, %mul3A_628 : i32
        %get3A = arith.constant 0 : i32
        %get3A_630 = arith.index_cast %rem3A_83 : i32 to index
        %get3A_631 = arith.index_cast %select_n3A_626 : i32 to index
        %get3A_632 = arith.index_cast %get3A : i32 to index
        %get3A_633 = arith.index_cast %sub3A_629 : i32 to index
        %get3A_634 = tpu.vector_load %arg11[%get3A_630, %get3A_631, %get3A_632, %get3A_633] {strides = array<i32>} : memref<2x17x2x128xi32, #tpu.memory_space<vmem>>, vector<16xi32>,
        %get3A_635 = arith.constant 1 : i32
        %get3A_636 = arith.index_cast %rem3A_83 : i32 to index
        %get3A_637 = arith.index_cast %select_n3A_626 : i32 to index
        %get3A_638 = arith.index_cast %get3A_635 : i32 to index
        %get3A_639 = arith.index_cast %sub3A_629 : i32 to index
        %get3A_640 = tpu.vector_load %arg11[%get3A_636, %get3A_637, %get3A_638, %get3A_639] {strides = array<i32>} : memref<2x17x2x128xi32, #tpu.memory_space<vmem>>, vector<16xi32>,
        %get3A_641 = arith.index_cast %rem3A_83 : i32 to index
        %get3A_642 = arith.index_cast %mul3A_599 : i32 to index
        %get3A_643 = tpu.vector_load %arg12[%get3A_641, %get3A_642] {strides = array<i32>} : memref<2x2000xi32, #tpu.memory_space<vmem>>, vector<16xi32>,
        %get3A_644 = arith.constant 0 : i32
        %get3A_645 = arith.index_cast %get3A_644 : i32 to index
        %get3A_646 = arith.constant 0 : index
        %get3A_647 = tpu.vector_load %arg18[%get3A_645, %get3A_646] {strides = array<i32>} : memref<2x16xf32, #tpu.memory_space<vmem>>, vector<16xf32>,
        %get3A_648 = arith.constant 1 : i32
        %get3A_649 = arith.index_cast %get3A_648 : i32 to index
        %get3A_650 = arith.constant 0 : index
        %get3A_651 = tpu.vector_load %arg18[%get3A_649, %get3A_650] {strides = array<i32>} : memref<2x16xf32, #tpu.memory_space<vmem>>, vector<16xf32>,
        %gather3A = tpu.vector_load_idx %arg10[%get3A_634] : memref<50000xi32, #tpu.memory_space<vmem>>[vector<16xi32>], vector<16xi32>,
        %add3A_652 = arith.constant 1 : i32
        %add3A_653 = vector.broadcast %add3A_652 : i32 to vector<16xi32>
        %add3A_654 = arith.addi %gather3A, %add3A_653 : vector<16xi32>
        %gather3A_655 = tpu.vector_load_idx %arg10[%get3A_640] : memref<50000xi32, #tpu.memory_space<vmem>>[vector<16xi32>], vector<16xi32>,
        %add3A_656 = arith.constant 1 : i32
        %add3A_657 = vector.broadcast %add3A_656 : i32 to vector<16xi32>
        %add3A_658 = arith.addi %gather3A_655, %add3A_657 : vector<16xi32>
        %convert_element_type3A_659 = arith.sitofp %add3A_654 : vector<16xi32> to vector<16xf32>
        %mul3A_660 = arith.mulf %convert_element_type3A_659, %get3A_647 : vector<16xf32>
        %convert_element_type3A_661 = arith.sitofp %add3A_658 : vector<16xi32> to vector<16xf32>
        %mul3A_662 = arith.mulf %convert_element_type3A_661, %get3A_647 : vector<16xf32>
        %add3A_663 = arith.constant 1 : i32
        %add3A_664 = vector.broadcast %add3A_663 : i32 to vector<16xi32>
        %add3A_665 = arith.addi %get3A_643, %add3A_664 : vector<16xi32>
        %convert_element_type3A_666 = arith.sitofp %add3A_665 : vector<16xi32> to vector<16xf32>
        %mul3A_667 = arith.mulf %convert_element_type3A_666, %get3A_651 : vector<16xf32>
        %add3A_668 = arith.addf %mul3A_660, %mul3A_662 : vector<16xf32>
        %add3A_669 = arith.addf %add3A_668, %mul3A_667 : vector<16xf32>
        %div3A_670 = arith.constant 1.000000e+00 : f32
        %div3A_671 = vector.broadcast %div3A_670 : f32 to vector<16xf32>
        %div3A_672 = arith.divf %div3A_671, %add3A_669 : vector<16xf32>
        %mul3A_673 = arith.mulf %mul3A_660, %div3A_672 : vector<16xf32>
        %swap3A = arith.index_cast %mul3A_599 : i32 to index
        %swap3A_674 = tpu.vector_load %arg13[%swap3A] {strides = array<i32>} : memref<2000xf32, #tpu.memory_space<vmem>>, vector<16xf32>,
        tpu.vector_store %arg13[%swap3A], %mul3A_673 {strides = array<i32>} : memref<2000xf32, #tpu.memory_space<vmem>>, vector<16xf32>,
        %mul3A_675 = arith.mulf %mul3A_662, %div3A_672 : vector<16xf32>
        %swap3A_676 = arith.index_cast %mul3A_599 : i32 to index
        %swap3A_677 = tpu.vector_load %arg14[%swap3A_676] {strides = array<i32>} : memref<2000xf32, #tpu.memory_space<vmem>>, vector<16xf32>,
        tpu.vector_store %arg14[%swap3A_676], %mul3A_675 {strides = array<i32>} : memref<2000xf32, #tpu.memory_space<vmem>>, vector<16xf32>,
        %mul3A_678 = arith.mulf %mul3A_667, %div3A_672 : vector<16xf32>
        %swap3A_679 = arith.index_cast %mul3A_599 : i32 to index
        %swap3A_680 = tpu.vector_load %arg15[%swap3A_679] {strides = array<i32>} : memref<2000xf32, #tpu.memory_space<vmem>>, vector<16xf32>,
        tpu.vector_store %arg15[%swap3A_679], %mul3A_678 {strides = array<i32>} : memref<2000xf32, #tpu.memory_space<vmem>>, vector<16xf32>,
        %mul3A_681 = arith.constant 16 : i32
        %mul3A_682 = vector.broadcast %mul3A_681 : i32 to vector<16xi32>
        %mul3A_683 = arith.muli %get3A_640, %mul3A_682 : vector<16xi32>
        %add3A_684 = arith.addi %mul3A_683, %get3A_643 : vector<16xi32>
        %mul3A_685 = arith.constant 16 : i32
        %mul3A_686 = arith.muli %scan3A_594, %mul3A_685 : i32
        %swap3A_687 = arith.constant 7 : i32
        %swap3A_688 = arith.index_cast %swap3A_687 : i32 to index
        %swap3A_689 = arith.index_cast %mul3A_686 : i32 to index
        %swap3A_690 = tpu.vector_load %arg16[%swap3A_688, %swap3A_689] {strides = array<i32>} : memref<16x128xi32, #tpu.memory_space<vmem>>, vector<16xi32>,
        tpu.vector_store %arg16[%swap3A_688, %swap3A_689], %add3A_684 {strides = array<i32>} : memref<16x128xi32, #tpu.memory_space<vmem>>, vector<16xi32>,
        %scan3A_691 = arith.constant 0 : i32
        scf.yield %scan3A_691 : i32
      }
      %scan3A_274 = arith.constant 8 : i32
      %dma_start3A_275 = arith.constant 7 : i32
      %dma_start3A_276 = arith.constant 7 : i32
      %dma_start3A_277 = arith.constant 0 : i32
      %dma_start3A_278 = tpu.memref_slice %arg17[%dma_start3A_275, %dma_start3A_277] : memref<16x128xf32, #tpu.memory_space<vmem>> -> memref<1x128xf32, #tpu.memory_space<vmem>>
      %dma_start3A_279 = tpu.memref_squeeze %dma_start3A_278 : memref<1x128xf32, #tpu.memory_space<vmem>> -> memref<128xf32, #tpu.memory_space<vmem>>
      %dma_start3A_280 = arith.constant 0 : i32
      %dma_start3A_281 = tpu.memref_slice %arg16[%dma_start3A_276, %dma_start3A_280] : memref<16x128xi32, #tpu.memory_space<vmem>> -> memref<1x128xi32, #tpu.memory_space<vmem>>
      %dma_start3A_282 = tpu.memref_squeeze %dma_start3A_281 : memref<1x128xi32, #tpu.memory_space<vmem>> -> memref<128xi32, #tpu.memory_space<vmem>>
      %dma_start3A_283 = arith.constant 0 : i32
      %dma_start3A_284 = tpu.memref_slice %arg19[%dma_start3A_283] : memref<800000xf32, #tpu.memory_space<vmem_shared>> -> memref<800000xf32, #tpu.memory_space<vmem_shared>>
      tpu.enqueue_indirect_dma source(%dma_start3A_279 : memref<128xf32, #tpu.memory_space<vmem>>) target(%dma_start3A_284 : memref<800000xf32, #tpu.memory_space<vmem_shared>>) offsets(%dma_start3A_282 : memref<128xi32, #tpu.memory_space<vmem>>) semaphore(%arg21 : memref<!tpu.dma_semaphore, #tpu.memory_space<semaphore_mem>>) {add = true}
      %scan3A_285 = arith.constant 0 : i32
      %scan3A_286 = arith.constant 0 : i32
      %scan3A_287 = arith.constant 8 : i32
      %scan3A_288 = arith.addi %scan3A_286, %scan3A_287 : i32
      %scan3A_289 = arith.constant 1 : i32
      %scan3A_290 = scf.for %scan3A_594 = %scan3A_286 to %scan3A_288 step %scan3A_289 iter_args(%scan3A_595 = %scan3A_285) -> (i32)  : i32 {
        %add3A_596 = arith.constant 64 : i32
        %add3A_597 = arith.addi %add3A_596, %scan3A_594 : i32
        %mul3A_598 = arith.constant 16 : i32
        %mul3A_599 = arith.muli %add3A_597, %mul3A_598 : i32
        %mul3A_600 = arith.constant 16 : i32
        %mul3A_601 = arith.muli %add3A_597, %mul3A_600 : i32
        %add3A_602 = arith.addi %sub3A_117, %mul3A_601 : i32
        %jit3A_603 = arith.constant 128 : i32
        %div3A_604 = arith.divsi %add3A_602, %jit3A_603 : i32
        %sign3A_605 = arith.constant 0 : i32
        %sign3A_606 = arith.cmpi sgt, %add3A_602, %sign3A_605 : i32
        %sign3A_607 = arith.extui %sign3A_606 : i1 to i32
        %sign3A_608 = arith.constant 0 : i32
        %sign3A_609 = arith.cmpi slt, %add3A_602, %sign3A_608 : i32
        %sign3A_610 = arith.extui %sign3A_609 : i1 to i32
        %sign3A_611 = arith.subi %sign3A_607, %sign3A_610 : i32
        %sign3A_612 = arith.constant 0 : i32
        %sign3A_613 = arith.cmpi sgt, %jit3A_603, %sign3A_612 : i32
        %sign3A_614 = arith.extui %sign3A_613 : i1 to i32
        %sign3A_615 = arith.constant 0 : i32
        %sign3A_616 = arith.cmpi slt, %jit3A_603, %sign3A_615 : i32
        %sign3A_617 = arith.extui %sign3A_616 : i1 to i32
        %sign3A_618 = arith.subi %sign3A_614, %sign3A_617 : i32
        %ne3A_619 = arith.cmpi ne, %sign3A_611, %sign3A_618 : i32
        %rem3A_620 = arith.remsi %add3A_602, %jit3A_603 : i32
        %ne3A_621 = arith.constant 0 : i32
        %ne3A_622 = arith.cmpi ne, %rem3A_620, %ne3A_621 : i32
        %and3A_623 = arith.andi %ne3A_619, %ne3A_622 : i1
        %sub3A_624 = arith.constant 1 : i32
        %sub3A_625 = arith.subi %div3A_604, %sub3A_624 : i32
        %select_n3A_626 = arith.select %and3A_623, %sub3A_625, %div3A_604 : i32
        %mul3A_627 = arith.constant 128 : i32
        %mul3A_628 = arith.muli %select_n3A_626, %mul3A_627 : i32
        %sub3A_629 = arith.subi %add3A_602, %mul3A_628 : i32
        %get3A = arith.constant 0 : i32
        %get3A_630 = arith.index_cast %rem3A_83 : i32 to index
        %get3A_631 = arith.index_cast %select_n3A_626 : i32 to index
        %get3A_632 = arith.index_cast %get3A : i32 to index
        %get3A_633 = arith.index_cast %sub3A_629 : i32 to index
        %get3A_634 = tpu.vector_load %arg11[%get3A_630, %get3A_631, %get3A_632, %get3A_633] {strides = array<i32>} : memref<2x17x2x128xi32, #tpu.memory_space<vmem>>, vector<16xi32>,
        %get3A_635 = arith.constant 1 : i32
        %get3A_636 = arith.index_cast %rem3A_83 : i32 to index
        %get3A_637 = arith.index_cast %select_n3A_626 : i32 to index
        %get3A_638 = arith.index_cast %get3A_635 : i32 to index
        %get3A_639 = arith.index_cast %sub3A_629 : i32 to index
        %get3A_640 = tpu.vector_load %arg11[%get3A_636, %get3A_637, %get3A_638, %get3A_639] {strides = array<i32>} : memref<2x17x2x128xi32, #tpu.memory_space<vmem>>, vector<16xi32>,
        %get3A_641 = arith.index_cast %rem3A_83 : i32 to index
        %get3A_642 = arith.index_cast %mul3A_599 : i32 to index
        %get3A_643 = tpu.vector_load %arg12[%get3A_641, %get3A_642] {strides = array<i32>} : memref<2x2000xi32, #tpu.memory_space<vmem>>, vector<16xi32>,
        %get3A_644 = arith.constant 0 : i32
        %get3A_645 = arith.index_cast %get3A_644 : i32 to index
        %get3A_646 = arith.constant 0 : index
        %get3A_647 = tpu.vector_load %arg18[%get3A_645, %get3A_646] {strides = array<i32>} : memref<2x16xf32, #tpu.memory_space<vmem>>, vector<16xf32>,
        %get3A_648 = arith.constant 1 : i32
        %get3A_649 = arith.index_cast %get3A_648 : i32 to index
        %get3A_650 = arith.constant 0 : index
        %get3A_651 = tpu.vector_load %arg18[%get3A_649, %get3A_650] {strides = array<i32>} : memref<2x16xf32, #tpu.memory_space<vmem>>, vector<16xf32>,
        %gather3A = tpu.vector_load_idx %arg10[%get3A_634] : memref<50000xi32, #tpu.memory_space<vmem>>[vector<16xi32>], vector<16xi32>,
        %add3A_652 = arith.constant 1 : i32
        %add3A_653 = vector.broadcast %add3A_652 : i32 to vector<16xi32>
        %add3A_654 = arith.addi %gather3A, %add3A_653 : vector<16xi32>
        %gather3A_655 = tpu.vector_load_idx %arg10[%get3A_640] : memref<50000xi32, #tpu.memory_space<vmem>>[vector<16xi32>], vector<16xi32>,
        %add3A_656 = arith.constant 1 : i32
        %add3A_657 = vector.broadcast %add3A_656 : i32 to vector<16xi32>
        %add3A_658 = arith.addi %gather3A_655, %add3A_657 : vector<16xi32>
        %convert_element_type3A_659 = arith.sitofp %add3A_654 : vector<16xi32> to vector<16xf32>
        %mul3A_660 = arith.mulf %convert_element_type3A_659, %get3A_647 : vector<16xf32>
        %convert_element_type3A_661 = arith.sitofp %add3A_658 : vector<16xi32> to vector<16xf32>
        %mul3A_662 = arith.mulf %convert_element_type3A_661, %get3A_647 : vector<16xf32>
        %add3A_663 = arith.constant 1 : i32
        %add3A_664 = vector.broadcast %add3A_663 : i32 to vector<16xi32>
        %add3A_665 = arith.addi %get3A_643, %add3A_664 : vector<16xi32>
        %convert_element_type3A_666 = arith.sitofp %add3A_665 : vector<16xi32> to vector<16xf32>
        %mul3A_667 = arith.mulf %convert_element_type3A_666, %get3A_651 : vector<16xf32>
        %add3A_668 = arith.addf %mul3A_660, %mul3A_662 : vector<16xf32>
        %add3A_669 = arith.addf %add3A_668, %mul3A_667 : vector<16xf32>
        %div3A_670 = arith.constant 1.000000e+00 : f32
        %div3A_671 = vector.broadcast %div3A_670 : f32 to vector<16xf32>
        %div3A_672 = arith.divf %div3A_671, %add3A_669 : vector<16xf32>
        %mul3A_673 = arith.mulf %mul3A_660, %div3A_672 : vector<16xf32>
        %swap3A = arith.index_cast %mul3A_599 : i32 to index
        %swap3A_674 = tpu.vector_load %arg13[%swap3A] {strides = array<i32>} : memref<2000xf32, #tpu.memory_space<vmem>>, vector<16xf32>,
        tpu.vector_store %arg13[%swap3A], %mul3A_673 {strides = array<i32>} : memref<2000xf32, #tpu.memory_space<vmem>>, vector<16xf32>,
        %mul3A_675 = arith.mulf %mul3A_662, %div3A_672 : vector<16xf32>
        %swap3A_676 = arith.index_cast %mul3A_599 : i32 to index
        %swap3A_677 = tpu.vector_load %arg14[%swap3A_676] {strides = array<i32>} : memref<2000xf32, #tpu.memory_space<vmem>>, vector<16xf32>,
        tpu.vector_store %arg14[%swap3A_676], %mul3A_675 {strides = array<i32>} : memref<2000xf32, #tpu.memory_space<vmem>>, vector<16xf32>,
        %mul3A_678 = arith.mulf %mul3A_667, %div3A_672 : vector<16xf32>
        %swap3A_679 = arith.index_cast %mul3A_599 : i32 to index
        %swap3A_680 = tpu.vector_load %arg15[%swap3A_679] {strides = array<i32>} : memref<2000xf32, #tpu.memory_space<vmem>>, vector<16xf32>,
        tpu.vector_store %arg15[%swap3A_679], %mul3A_678 {strides = array<i32>} : memref<2000xf32, #tpu.memory_space<vmem>>, vector<16xf32>,
        %mul3A_681 = arith.constant 16 : i32
        %mul3A_682 = vector.broadcast %mul3A_681 : i32 to vector<16xi32>
        %mul3A_683 = arith.muli %get3A_640, %mul3A_682 : vector<16xi32>
        %add3A_684 = arith.addi %mul3A_683, %get3A_643 : vector<16xi32>
        %mul3A_685 = arith.constant 16 : i32
        %mul3A_686 = arith.muli %scan3A_594, %mul3A_685 : i32
        %swap3A_687 = arith.constant 8 : i32
        %swap3A_688 = arith.index_cast %swap3A_687 : i32 to index
        %swap3A_689 = arith.index_cast %mul3A_686 : i32 to index
        %swap3A_690 = tpu.vector_load %arg16[%swap3A_688, %swap3A_689] {strides = array<i32>} : memref<16x128xi32, #tpu.memory_space<vmem>>, vector<16xi32>,
        tpu.vector_store %arg16[%swap3A_688, %swap3A_689], %add3A_684 {strides = array<i32>} : memref<16x128xi32, #tpu.memory_space<vmem>>, vector<16xi32>,
        %scan3A_691 = arith.constant 0 : i32
        scf.yield %scan3A_691 : i32
      }
      %scan3A_291 = arith.constant 8 : i32
      %dma_start3A_292 = arith.constant 8 : i32
      %dma_start3A_293 = arith.constant 8 : i32
      %dma_start3A_294 = arith.constant 0 : i32
      %dma_start3A_295 = tpu.memref_slice %arg17[%dma_start3A_292, %dma_start3A_294] : memref<16x128xf32, #tpu.memory_space<vmem>> -> memref<1x128xf32, #tpu.memory_space<vmem>>
      %dma_start3A_296 = tpu.memref_squeeze %dma_start3A_295 : memref<1x128xf32, #tpu.memory_space<vmem>> -> memref<128xf32, #tpu.memory_space<vmem>>
      %dma_start3A_297 = arith.constant 0 : i32
      %dma_start3A_298 = tpu.memref_slice %arg16[%dma_start3A_293, %dma_start3A_297] : memref<16x128xi32, #tpu.memory_space<vmem>> -> memref<1x128xi32, #tpu.memory_space<vmem>>
      %dma_start3A_299 = tpu.memref_squeeze %dma_start3A_298 : memref<1x128xi32, #tpu.memory_space<vmem>> -> memref<128xi32, #tpu.memory_space<vmem>>
      %dma_start3A_300 = arith.constant 0 : i32
      %dma_start3A_301 = tpu.memref_slice %arg19[%dma_start3A_300] : memref<800000xf32, #tpu.memory_space<vmem_shared>> -> memref<800000xf32, #tpu.memory_space<vmem_shared>>
      tpu.enqueue_indirect_dma source(%dma_start3A_296 : memref<128xf32, #tpu.memory_space<vmem>>) target(%dma_start3A_301 : memref<800000xf32, #tpu.memory_space<vmem_shared>>) offsets(%dma_start3A_299 : memref<128xi32, #tpu.memory_space<vmem>>) semaphore(%arg21 : memref<!tpu.dma_semaphore, #tpu.memory_space<semaphore_mem>>) {add = true}
      %scan3A_302 = arith.constant 0 : i32
      %scan3A_303 = arith.constant 0 : i32
      %scan3A_304 = arith.constant 8 : i32
      %scan3A_305 = arith.addi %scan3A_303, %scan3A_304 : i32
      %scan3A_306 = arith.constant 1 : i32
      %scan3A_307 = scf.for %scan3A_594 = %scan3A_303 to %scan3A_305 step %scan3A_306 iter_args(%scan3A_595 = %scan3A_302) -> (i32)  : i32 {
        %add3A_596 = arith.constant 72 : i32
        %add3A_597 = arith.addi %add3A_596, %scan3A_594 : i32
        %mul3A_598 = arith.constant 16 : i32
        %mul3A_599 = arith.muli %add3A_597, %mul3A_598 : i32
        %mul3A_600 = arith.constant 16 : i32
        %mul3A_601 = arith.muli %add3A_597, %mul3A_600 : i32
        %add3A_602 = arith.addi %sub3A_117, %mul3A_601 : i32
        %jit3A_603 = arith.constant 128 : i32
        %div3A_604 = arith.divsi %add3A_602, %jit3A_603 : i32
        %sign3A_605 = arith.constant 0 : i32
        %sign3A_606 = arith.cmpi sgt, %add3A_602, %sign3A_605 : i32
        %sign3A_607 = arith.extui %sign3A_606 : i1 to i32
        %sign3A_608 = arith.constant 0 : i32
        %sign3A_609 = arith.cmpi slt, %add3A_602, %sign3A_608 : i32
        %sign3A_610 = arith.extui %sign3A_609 : i1 to i32
        %sign3A_611 = arith.subi %sign3A_607, %sign3A_610 : i32
        %sign3A_612 = arith.constant 0 : i32
        %sign3A_613 = arith.cmpi sgt, %jit3A_603, %sign3A_612 : i32
        %sign3A_614 = arith.extui %sign3A_613 : i1 to i32
        %sign3A_615 = arith.constant 0 : i32
        %sign3A_616 = arith.cmpi slt, %jit3A_603, %sign3A_615 : i32
        %sign3A_617 = arith.extui %sign3A_616 : i1 to i32
        %sign3A_618 = arith.subi %sign3A_614, %sign3A_617 : i32
        %ne3A_619 = arith.cmpi ne, %sign3A_611, %sign3A_618 : i32
        %rem3A_620 = arith.remsi %add3A_602, %jit3A_603 : i32
        %ne3A_621 = arith.constant 0 : i32
        %ne3A_622 = arith.cmpi ne, %rem3A_620, %ne3A_621 : i32
        %and3A_623 = arith.andi %ne3A_619, %ne3A_622 : i1
        %sub3A_624 = arith.constant 1 : i32
        %sub3A_625 = arith.subi %div3A_604, %sub3A_624 : i32
        %select_n3A_626 = arith.select %and3A_623, %sub3A_625, %div3A_604 : i32
        %mul3A_627 = arith.constant 128 : i32
        %mul3A_628 = arith.muli %select_n3A_626, %mul3A_627 : i32
        %sub3A_629 = arith.subi %add3A_602, %mul3A_628 : i32
        %get3A = arith.constant 0 : i32
        %get3A_630 = arith.index_cast %rem3A_83 : i32 to index
        %get3A_631 = arith.index_cast %select_n3A_626 : i32 to index
        %get3A_632 = arith.index_cast %get3A : i32 to index
        %get3A_633 = arith.index_cast %sub3A_629 : i32 to index
        %get3A_634 = tpu.vector_load %arg11[%get3A_630, %get3A_631, %get3A_632, %get3A_633] {strides = array<i32>} : memref<2x17x2x128xi32, #tpu.memory_space<vmem>>, vector<16xi32>,
        %get3A_635 = arith.constant 1 : i32
        %get3A_636 = arith.index_cast %rem3A_83 : i32 to index
        %get3A_637 = arith.index_cast %select_n3A_626 : i32 to index
        %get3A_638 = arith.index_cast %get3A_635 : i32 to index
        %get3A_639 = arith.index_cast %sub3A_629 : i32 to index
        %get3A_640 = tpu.vector_load %arg11[%get3A_636, %get3A_637, %get3A_638, %get3A_639] {strides = array<i32>} : memref<2x17x2x128xi32, #tpu.memory_space<vmem>>, vector<16xi32>,
        %get3A_641 = arith.index_cast %rem3A_83 : i32 to index
        %get3A_642 = arith.index_cast %mul3A_599 : i32 to index
        %get3A_643 = tpu.vector_load %arg12[%get3A_641, %get3A_642] {strides = array<i32>} : memref<2x2000xi32, #tpu.memory_space<vmem>>, vector<16xi32>,
        %get3A_644 = arith.constant 0 : i32
        %get3A_645 = arith.index_cast %get3A_644 : i32 to index
        %get3A_646 = arith.constant 0 : index
        %get3A_647 = tpu.vector_load %arg18[%get3A_645, %get3A_646] {strides = array<i32>} : memref<2x16xf32, #tpu.memory_space<vmem>>, vector<16xf32>,
        %get3A_648 = arith.constant 1 : i32
        %get3A_649 = arith.index_cast %get3A_648 : i32 to index
        %get3A_650 = arith.constant 0 : index
        %get3A_651 = tpu.vector_load %arg18[%get3A_649, %get3A_650] {strides = array<i32>} : memref<2x16xf32, #tpu.memory_space<vmem>>, vector<16xf32>,
        %gather3A = tpu.vector_load_idx %arg10[%get3A_634] : memref<50000xi32, #tpu.memory_space<vmem>>[vector<16xi32>], vector<16xi32>,
        %add3A_652 = arith.constant 1 : i32
        %add3A_653 = vector.broadcast %add3A_652 : i32 to vector<16xi32>
        %add3A_654 = arith.addi %gather3A, %add3A_653 : vector<16xi32>
        %gather3A_655 = tpu.vector_load_idx %arg10[%get3A_640] : memref<50000xi32, #tpu.memory_space<vmem>>[vector<16xi32>], vector<16xi32>,
        %add3A_656 = arith.constant 1 : i32
        %add3A_657 = vector.broadcast %add3A_656 : i32 to vector<16xi32>
        %add3A_658 = arith.addi %gather3A_655, %add3A_657 : vector<16xi32>
        %convert_element_type3A_659 = arith.sitofp %add3A_654 : vector<16xi32> to vector<16xf32>
        %mul3A_660 = arith.mulf %convert_element_type3A_659, %get3A_647 : vector<16xf32>
        %convert_element_type3A_661 = arith.sitofp %add3A_658 : vector<16xi32> to vector<16xf32>
        %mul3A_662 = arith.mulf %convert_element_type3A_661, %get3A_647 : vector<16xf32>
        %add3A_663 = arith.constant 1 : i32
        %add3A_664 = vector.broadcast %add3A_663 : i32 to vector<16xi32>
        %add3A_665 = arith.addi %get3A_643, %add3A_664 : vector<16xi32>
        %convert_element_type3A_666 = arith.sitofp %add3A_665 : vector<16xi32> to vector<16xf32>
        %mul3A_667 = arith.mulf %convert_element_type3A_666, %get3A_651 : vector<16xf32>
        %add3A_668 = arith.addf %mul3A_660, %mul3A_662 : vector<16xf32>
        %add3A_669 = arith.addf %add3A_668, %mul3A_667 : vector<16xf32>
        %div3A_670 = arith.constant 1.000000e+00 : f32
        %div3A_671 = vector.broadcast %div3A_670 : f32 to vector<16xf32>
        %div3A_672 = arith.divf %div3A_671, %add3A_669 : vector<16xf32>
        %mul3A_673 = arith.mulf %mul3A_660, %div3A_672 : vector<16xf32>
        %swap3A = arith.index_cast %mul3A_599 : i32 to index
        %swap3A_674 = tpu.vector_load %arg13[%swap3A] {strides = array<i32>} : memref<2000xf32, #tpu.memory_space<vmem>>, vector<16xf32>,
        tpu.vector_store %arg13[%swap3A], %mul3A_673 {strides = array<i32>} : memref<2000xf32, #tpu.memory_space<vmem>>, vector<16xf32>,
        %mul3A_675 = arith.mulf %mul3A_662, %div3A_672 : vector<16xf32>
        %swap3A_676 = arith.index_cast %mul3A_599 : i32 to index
        %swap3A_677 = tpu.vector_load %arg14[%swap3A_676] {strides = array<i32>} : memref<2000xf32, #tpu.memory_space<vmem>>, vector<16xf32>,
        tpu.vector_store %arg14[%swap3A_676], %mul3A_675 {strides = array<i32>} : memref<2000xf32, #tpu.memory_space<vmem>>, vector<16xf32>,
        %mul3A_678 = arith.mulf %mul3A_667, %div3A_672 : vector<16xf32>
        %swap3A_679 = arith.index_cast %mul3A_599 : i32 to index
        %swap3A_680 = tpu.vector_load %arg15[%swap3A_679] {strides = array<i32>} : memref<2000xf32, #tpu.memory_space<vmem>>, vector<16xf32>,
        tpu.vector_store %arg15[%swap3A_679], %mul3A_678 {strides = array<i32>} : memref<2000xf32, #tpu.memory_space<vmem>>, vector<16xf32>,
        %mul3A_681 = arith.constant 16 : i32
        %mul3A_682 = vector.broadcast %mul3A_681 : i32 to vector<16xi32>
        %mul3A_683 = arith.muli %get3A_640, %mul3A_682 : vector<16xi32>
        %add3A_684 = arith.addi %mul3A_683, %get3A_643 : vector<16xi32>
        %mul3A_685 = arith.constant 16 : i32
        %mul3A_686 = arith.muli %scan3A_594, %mul3A_685 : i32
        %swap3A_687 = arith.constant 9 : i32
        %swap3A_688 = arith.index_cast %swap3A_687 : i32 to index
        %swap3A_689 = arith.index_cast %mul3A_686 : i32 to index
        %swap3A_690 = tpu.vector_load %arg16[%swap3A_688, %swap3A_689] {strides = array<i32>} : memref<16x128xi32, #tpu.memory_space<vmem>>, vector<16xi32>,
        tpu.vector_store %arg16[%swap3A_688, %swap3A_689], %add3A_684 {strides = array<i32>} : memref<16x128xi32, #tpu.memory_space<vmem>>, vector<16xi32>,
        %scan3A_691 = arith.constant 0 : i32
        scf.yield %scan3A_691 : i32
      }
      %scan3A_308 = arith.constant 8 : i32
      %dma_start3A_309 = arith.constant 9 : i32
      %dma_start3A_310 = arith.constant 9 : i32
      %dma_start3A_311 = arith.constant 0 : i32
      %dma_start3A_312 = tpu.memref_slice %arg17[%dma_start3A_309, %dma_start3A_311] : memref<16x128xf32, #tpu.memory_space<vmem>> -> memref<1x128xf32, #tpu.memory_space<vmem>>
      %dma_start3A_313 = tpu.memref_squeeze %dma_start3A_312 : memref<1x128xf32, #tpu.memory_space<vmem>> -> memref<128xf32, #tpu.memory_space<vmem>>
      %dma_start3A_314 = arith.constant 0 : i32
      %dma_start3A_315 = tpu.memref_slice %arg16[%dma_start3A_310, %dma_start3A_314] : memref<16x128xi32, #tpu.memory_space<vmem>> -> memref<1x128xi32, #tpu.memory_space<vmem>>
      %dma_start3A_316 = tpu.memref_squeeze %dma_start3A_315 : memref<1x128xi32, #tpu.memory_space<vmem>> -> memref<128xi32, #tpu.memory_space<vmem>>
      %dma_start3A_317 = arith.constant 0 : i32
      %dma_start3A_318 = tpu.memref_slice %arg19[%dma_start3A_317] : memref<800000xf32, #tpu.memory_space<vmem_shared>> -> memref<800000xf32, #tpu.memory_space<vmem_shared>>
      tpu.enqueue_indirect_dma source(%dma_start3A_313 : memref<128xf32, #tpu.memory_space<vmem>>) target(%dma_start3A_318 : memref<800000xf32, #tpu.memory_space<vmem_shared>>) offsets(%dma_start3A_316 : memref<128xi32, #tpu.memory_space<vmem>>) semaphore(%arg21 : memref<!tpu.dma_semaphore, #tpu.memory_space<semaphore_mem>>) {add = true}
      %scan3A_319 = arith.constant 0 : i32
      %scan3A_320 = arith.constant 0 : i32
      %scan3A_321 = arith.constant 8 : i32
      %scan3A_322 = arith.addi %scan3A_320, %scan3A_321 : i32
      %scan3A_323 = arith.constant 1 : i32
      %scan3A_324 = scf.for %scan3A_594 = %scan3A_320 to %scan3A_322 step %scan3A_323 iter_args(%scan3A_595 = %scan3A_319) -> (i32)  : i32 {
        %add3A_596 = arith.constant 80 : i32
        %add3A_597 = arith.addi %add3A_596, %scan3A_594 : i32
        %mul3A_598 = arith.constant 16 : i32
        %mul3A_599 = arith.muli %add3A_597, %mul3A_598 : i32
        %mul3A_600 = arith.constant 16 : i32
        %mul3A_601 = arith.muli %add3A_597, %mul3A_600 : i32
        %add3A_602 = arith.addi %sub3A_117, %mul3A_601 : i32
        %jit3A_603 = arith.constant 128 : i32
        %div3A_604 = arith.divsi %add3A_602, %jit3A_603 : i32
        %sign3A_605 = arith.constant 0 : i32
        %sign3A_606 = arith.cmpi sgt, %add3A_602, %sign3A_605 : i32
        %sign3A_607 = arith.extui %sign3A_606 : i1 to i32
        %sign3A_608 = arith.constant 0 : i32
        %sign3A_609 = arith.cmpi slt, %add3A_602, %sign3A_608 : i32
        %sign3A_610 = arith.extui %sign3A_609 : i1 to i32
        %sign3A_611 = arith.subi %sign3A_607, %sign3A_610 : i32
        %sign3A_612 = arith.constant 0 : i32
        %sign3A_613 = arith.cmpi sgt, %jit3A_603, %sign3A_612 : i32
        %sign3A_614 = arith.extui %sign3A_613 : i1 to i32
        %sign3A_615 = arith.constant 0 : i32
        %sign3A_616 = arith.cmpi slt, %jit3A_603, %sign3A_615 : i32
        %sign3A_617 = arith.extui %sign3A_616 : i1 to i32
        %sign3A_618 = arith.subi %sign3A_614, %sign3A_617 : i32
        %ne3A_619 = arith.cmpi ne, %sign3A_611, %sign3A_618 : i32
        %rem3A_620 = arith.remsi %add3A_602, %jit3A_603 : i32
        %ne3A_621 = arith.constant 0 : i32
        %ne3A_622 = arith.cmpi ne, %rem3A_620, %ne3A_621 : i32
        %and3A_623 = arith.andi %ne3A_619, %ne3A_622 : i1
        %sub3A_624 = arith.constant 1 : i32
        %sub3A_625 = arith.subi %div3A_604, %sub3A_624 : i32
        %select_n3A_626 = arith.select %and3A_623, %sub3A_625, %div3A_604 : i32
        %mul3A_627 = arith.constant 128 : i32
        %mul3A_628 = arith.muli %select_n3A_626, %mul3A_627 : i32
        %sub3A_629 = arith.subi %add3A_602, %mul3A_628 : i32
        %get3A = arith.constant 0 : i32
        %get3A_630 = arith.index_cast %rem3A_83 : i32 to index
        %get3A_631 = arith.index_cast %select_n3A_626 : i32 to index
        %get3A_632 = arith.index_cast %get3A : i32 to index
        %get3A_633 = arith.index_cast %sub3A_629 : i32 to index
        %get3A_634 = tpu.vector_load %arg11[%get3A_630, %get3A_631, %get3A_632, %get3A_633] {strides = array<i32>} : memref<2x17x2x128xi32, #tpu.memory_space<vmem>>, vector<16xi32>,
        %get3A_635 = arith.constant 1 : i32
        %get3A_636 = arith.index_cast %rem3A_83 : i32 to index
        %get3A_637 = arith.index_cast %select_n3A_626 : i32 to index
        %get3A_638 = arith.index_cast %get3A_635 : i32 to index
        %get3A_639 = arith.index_cast %sub3A_629 : i32 to index
        %get3A_640 = tpu.vector_load %arg11[%get3A_636, %get3A_637, %get3A_638, %get3A_639] {strides = array<i32>} : memref<2x17x2x128xi32, #tpu.memory_space<vmem>>, vector<16xi32>,
        %get3A_641 = arith.index_cast %rem3A_83 : i32 to index
        %get3A_642 = arith.index_cast %mul3A_599 : i32 to index
        %get3A_643 = tpu.vector_load %arg12[%get3A_641, %get3A_642] {strides = array<i32>} : memref<2x2000xi32, #tpu.memory_space<vmem>>, vector<16xi32>,
        %get3A_644 = arith.constant 0 : i32
        %get3A_645 = arith.index_cast %get3A_644 : i32 to index
        %get3A_646 = arith.constant 0 : index
        %get3A_647 = tpu.vector_load %arg18[%get3A_645, %get3A_646] {strides = array<i32>} : memref<2x16xf32, #tpu.memory_space<vmem>>, vector<16xf32>,
        %get3A_648 = arith.constant 1 : i32
        %get3A_649 = arith.index_cast %get3A_648 : i32 to index
        %get3A_650 = arith.constant 0 : index
        %get3A_651 = tpu.vector_load %arg18[%get3A_649, %get3A_650] {strides = array<i32>} : memref<2x16xf32, #tpu.memory_space<vmem>>, vector<16xf32>,
        %gather3A = tpu.vector_load_idx %arg10[%get3A_634] : memref<50000xi32, #tpu.memory_space<vmem>>[vector<16xi32>], vector<16xi32>,
        %add3A_652 = arith.constant 1 : i32
        %add3A_653 = vector.broadcast %add3A_652 : i32 to vector<16xi32>
        %add3A_654 = arith.addi %gather3A, %add3A_653 : vector<16xi32>
        %gather3A_655 = tpu.vector_load_idx %arg10[%get3A_640] : memref<50000xi32, #tpu.memory_space<vmem>>[vector<16xi32>], vector<16xi32>,
        %add3A_656 = arith.constant 1 : i32
        %add3A_657 = vector.broadcast %add3A_656 : i32 to vector<16xi32>
        %add3A_658 = arith.addi %gather3A_655, %add3A_657 : vector<16xi32>
        %convert_element_type3A_659 = arith.sitofp %add3A_654 : vector<16xi32> to vector<16xf32>
        %mul3A_660 = arith.mulf %convert_element_type3A_659, %get3A_647 : vector<16xf32>
        %convert_element_type3A_661 = arith.sitofp %add3A_658 : vector<16xi32> to vector<16xf32>
        %mul3A_662 = arith.mulf %convert_element_type3A_661, %get3A_647 : vector<16xf32>
        %add3A_663 = arith.constant 1 : i32
        %add3A_664 = vector.broadcast %add3A_663 : i32 to vector<16xi32>
        %add3A_665 = arith.addi %get3A_643, %add3A_664 : vector<16xi32>
        %convert_element_type3A_666 = arith.sitofp %add3A_665 : vector<16xi32> to vector<16xf32>
        %mul3A_667 = arith.mulf %convert_element_type3A_666, %get3A_651 : vector<16xf32>
        %add3A_668 = arith.addf %mul3A_660, %mul3A_662 : vector<16xf32>
        %add3A_669 = arith.addf %add3A_668, %mul3A_667 : vector<16xf32>
        %div3A_670 = arith.constant 1.000000e+00 : f32
        %div3A_671 = vector.broadcast %div3A_670 : f32 to vector<16xf32>
        %div3A_672 = arith.divf %div3A_671, %add3A_669 : vector<16xf32>
        %mul3A_673 = arith.mulf %mul3A_660, %div3A_672 : vector<16xf32>
        %swap3A = arith.index_cast %mul3A_599 : i32 to index
        %swap3A_674 = tpu.vector_load %arg13[%swap3A] {strides = array<i32>} : memref<2000xf32, #tpu.memory_space<vmem>>, vector<16xf32>,
        tpu.vector_store %arg13[%swap3A], %mul3A_673 {strides = array<i32>} : memref<2000xf32, #tpu.memory_space<vmem>>, vector<16xf32>,
        %mul3A_675 = arith.mulf %mul3A_662, %div3A_672 : vector<16xf32>
        %swap3A_676 = arith.index_cast %mul3A_599 : i32 to index
        %swap3A_677 = tpu.vector_load %arg14[%swap3A_676] {strides = array<i32>} : memref<2000xf32, #tpu.memory_space<vmem>>, vector<16xf32>,
        tpu.vector_store %arg14[%swap3A_676], %mul3A_675 {strides = array<i32>} : memref<2000xf32, #tpu.memory_space<vmem>>, vector<16xf32>,
        %mul3A_678 = arith.mulf %mul3A_667, %div3A_672 : vector<16xf32>
        %swap3A_679 = arith.index_cast %mul3A_599 : i32 to index
        %swap3A_680 = tpu.vector_load %arg15[%swap3A_679] {strides = array<i32>} : memref<2000xf32, #tpu.memory_space<vmem>>, vector<16xf32>,
        tpu.vector_store %arg15[%swap3A_679], %mul3A_678 {strides = array<i32>} : memref<2000xf32, #tpu.memory_space<vmem>>, vector<16xf32>,
        %mul3A_681 = arith.constant 16 : i32
        %mul3A_682 = vector.broadcast %mul3A_681 : i32 to vector<16xi32>
        %mul3A_683 = arith.muli %get3A_640, %mul3A_682 : vector<16xi32>
        %add3A_684 = arith.addi %mul3A_683, %get3A_643 : vector<16xi32>
        %mul3A_685 = arith.constant 16 : i32
        %mul3A_686 = arith.muli %scan3A_594, %mul3A_685 : i32
        %swap3A_687 = arith.constant 10 : i32
        %swap3A_688 = arith.index_cast %swap3A_687 : i32 to index
        %swap3A_689 = arith.index_cast %mul3A_686 : i32 to index
        %swap3A_690 = tpu.vector_load %arg16[%swap3A_688, %swap3A_689] {strides = array<i32>} : memref<16x128xi32, #tpu.memory_space<vmem>>, vector<16xi32>,
        tpu.vector_store %arg16[%swap3A_688, %swap3A_689], %add3A_684 {strides = array<i32>} : memref<16x128xi32, #tpu.memory_space<vmem>>, vector<16xi32>,
        %scan3A_691 = arith.constant 0 : i32
        scf.yield %scan3A_691 : i32
      }
      %scan3A_325 = arith.constant 8 : i32
      %dma_start3A_326 = arith.constant 10 : i32
      %dma_start3A_327 = arith.constant 10 : i32
      %dma_start3A_328 = arith.constant 0 : i32
      %dma_start3A_329 = tpu.memref_slice %arg17[%dma_start3A_326, %dma_start3A_328] : memref<16x128xf32, #tpu.memory_space<vmem>> -> memref<1x128xf32, #tpu.memory_space<vmem>>
      %dma_start3A_330 = tpu.memref_squeeze %dma_start3A_329 : memref<1x128xf32, #tpu.memory_space<vmem>> -> memref<128xf32, #tpu.memory_space<vmem>>
      %dma_start3A_331 = arith.constant 0 : i32
      %dma_start3A_332 = tpu.memref_slice %arg16[%dma_start3A_327, %dma_start3A_331] : memref<16x128xi32, #tpu.memory_space<vmem>> -> memref<1x128xi32, #tpu.memory_space<vmem>>
      %dma_start3A_333 = tpu.memref_squeeze %dma_start3A_332 : memref<1x128xi32, #tpu.memory_space<vmem>> -> memref<128xi32, #tpu.memory_space<vmem>>
      %dma_start3A_334 = arith.constant 0 : i32
      %dma_start3A_335 = tpu.memref_slice %arg19[%dma_start3A_334] : memref<800000xf32, #tpu.memory_space<vmem_shared>> -> memref<800000xf32, #tpu.memory_space<vmem_shared>>
      tpu.enqueue_indirect_dma source(%dma_start3A_330 : memref<128xf32, #tpu.memory_space<vmem>>) target(%dma_start3A_335 : memref<800000xf32, #tpu.memory_space<vmem_shared>>) offsets(%dma_start3A_333 : memref<128xi32, #tpu.memory_space<vmem>>) semaphore(%arg21 : memref<!tpu.dma_semaphore, #tpu.memory_space<semaphore_mem>>) {add = true}
      %scan3A_336 = arith.constant 0 : i32
      %scan3A_337 = arith.constant 0 : i32
      %scan3A_338 = arith.constant 8 : i32
      %scan3A_339 = arith.addi %scan3A_337, %scan3A_338 : i32
      %scan3A_340 = arith.constant 1 : i32
      %scan3A_341 = scf.for %scan3A_594 = %scan3A_337 to %scan3A_339 step %scan3A_340 iter_args(%scan3A_595 = %scan3A_336) -> (i32)  : i32 {
        %add3A_596 = arith.constant 88 : i32
        %add3A_597 = arith.addi %add3A_596, %scan3A_594 : i32
        %mul3A_598 = arith.constant 16 : i32
        %mul3A_599 = arith.muli %add3A_597, %mul3A_598 : i32
        %mul3A_600 = arith.constant 16 : i32
        %mul3A_601 = arith.muli %add3A_597, %mul3A_600 : i32
        %add3A_602 = arith.addi %sub3A_117, %mul3A_601 : i32
        %jit3A_603 = arith.constant 128 : i32
        %div3A_604 = arith.divsi %add3A_602, %jit3A_603 : i32
        %sign3A_605 = arith.constant 0 : i32
        %sign3A_606 = arith.cmpi sgt, %add3A_602, %sign3A_605 : i32
        %sign3A_607 = arith.extui %sign3A_606 : i1 to i32
        %sign3A_608 = arith.constant 0 : i32
        %sign3A_609 = arith.cmpi slt, %add3A_602, %sign3A_608 : i32
        %sign3A_610 = arith.extui %sign3A_609 : i1 to i32
        %sign3A_611 = arith.subi %sign3A_607, %sign3A_610 : i32
        %sign3A_612 = arith.constant 0 : i32
        %sign3A_613 = arith.cmpi sgt, %jit3A_603, %sign3A_612 : i32
        %sign3A_614 = arith.extui %sign3A_613 : i1 to i32
        %sign3A_615 = arith.constant 0 : i32
        %sign3A_616 = arith.cmpi slt, %jit3A_603, %sign3A_615 : i32
        %sign3A_617 = arith.extui %sign3A_616 : i1 to i32
        %sign3A_618 = arith.subi %sign3A_614, %sign3A_617 : i32
        %ne3A_619 = arith.cmpi ne, %sign3A_611, %sign3A_618 : i32
        %rem3A_620 = arith.remsi %add3A_602, %jit3A_603 : i32
        %ne3A_621 = arith.constant 0 : i32
        %ne3A_622 = arith.cmpi ne, %rem3A_620, %ne3A_621 : i32
        %and3A_623 = arith.andi %ne3A_619, %ne3A_622 : i1
        %sub3A_624 = arith.constant 1 : i32
        %sub3A_625 = arith.subi %div3A_604, %sub3A_624 : i32
        %select_n3A_626 = arith.select %and3A_623, %sub3A_625, %div3A_604 : i32
        %mul3A_627 = arith.constant 128 : i32
        %mul3A_628 = arith.muli %select_n3A_626, %mul3A_627 : i32
        %sub3A_629 = arith.subi %add3A_602, %mul3A_628 : i32
        %get3A = arith.constant 0 : i32
        %get3A_630 = arith.index_cast %rem3A_83 : i32 to index
        %get3A_631 = arith.index_cast %select_n3A_626 : i32 to index
        %get3A_632 = arith.index_cast %get3A : i32 to index
        %get3A_633 = arith.index_cast %sub3A_629 : i32 to index
        %get3A_634 = tpu.vector_load %arg11[%get3A_630, %get3A_631, %get3A_632, %get3A_633] {strides = array<i32>} : memref<2x17x2x128xi32, #tpu.memory_space<vmem>>, vector<16xi32>,
        %get3A_635 = arith.constant 1 : i32
        %get3A_636 = arith.index_cast %rem3A_83 : i32 to index
        %get3A_637 = arith.index_cast %select_n3A_626 : i32 to index
        %get3A_638 = arith.index_cast %get3A_635 : i32 to index
        %get3A_639 = arith.index_cast %sub3A_629 : i32 to index
        %get3A_640 = tpu.vector_load %arg11[%get3A_636, %get3A_637, %get3A_638, %get3A_639] {strides = array<i32>} : memref<2x17x2x128xi32, #tpu.memory_space<vmem>>, vector<16xi32>,
        %get3A_641 = arith.index_cast %rem3A_83 : i32 to index
        %get3A_642 = arith.index_cast %mul3A_599 : i32 to index
        %get3A_643 = tpu.vector_load %arg12[%get3A_641, %get3A_642] {strides = array<i32>} : memref<2x2000xi32, #tpu.memory_space<vmem>>, vector<16xi32>,
        %get3A_644 = arith.constant 0 : i32
        %get3A_645 = arith.index_cast %get3A_644 : i32 to index
        %get3A_646 = arith.constant 0 : index
        %get3A_647 = tpu.vector_load %arg18[%get3A_645, %get3A_646] {strides = array<i32>} : memref<2x16xf32, #tpu.memory_space<vmem>>, vector<16xf32>,
        %get3A_648 = arith.constant 1 : i32
        %get3A_649 = arith.index_cast %get3A_648 : i32 to index
        %get3A_650 = arith.constant 0 : index
        %get3A_651 = tpu.vector_load %arg18[%get3A_649, %get3A_650] {strides = array<i32>} : memref<2x16xf32, #tpu.memory_space<vmem>>, vector<16xf32>,
        %gather3A = tpu.vector_load_idx %arg10[%get3A_634] : memref<50000xi32, #tpu.memory_space<vmem>>[vector<16xi32>], vector<16xi32>,
        %add3A_652 = arith.constant 1 : i32
        %add3A_653 = vector.broadcast %add3A_652 : i32 to vector<16xi32>
        %add3A_654 = arith.addi %gather3A, %add3A_653 : vector<16xi32>
        %gather3A_655 = tpu.vector_load_idx %arg10[%get3A_640] : memref<50000xi32, #tpu.memory_space<vmem>>[vector<16xi32>], vector<16xi32>,
        %add3A_656 = arith.constant 1 : i32
        %add3A_657 = vector.broadcast %add3A_656 : i32 to vector<16xi32>
        %add3A_658 = arith.addi %gather3A_655, %add3A_657 : vector<16xi32>
        %convert_element_type3A_659 = arith.sitofp %add3A_654 : vector<16xi32> to vector<16xf32>
        %mul3A_660 = arith.mulf %convert_element_type3A_659, %get3A_647 : vector<16xf32>
        %convert_element_type3A_661 = arith.sitofp %add3A_658 : vector<16xi32> to vector<16xf32>
        %mul3A_662 = arith.mulf %convert_element_type3A_661, %get3A_647 : vector<16xf32>
        %add3A_663 = arith.constant 1 : i32
        %add3A_664 = vector.broadcast %add3A_663 : i32 to vector<16xi32>
        %add3A_665 = arith.addi %get3A_643, %add3A_664 : vector<16xi32>
        %convert_element_type3A_666 = arith.sitofp %add3A_665 : vector<16xi32> to vector<16xf32>
        %mul3A_667 = arith.mulf %convert_element_type3A_666, %get3A_651 : vector<16xf32>
        %add3A_668 = arith.addf %mul3A_660, %mul3A_662 : vector<16xf32>
        %add3A_669 = arith.addf %add3A_668, %mul3A_667 : vector<16xf32>
        %div3A_670 = arith.constant 1.000000e+00 : f32
        %div3A_671 = vector.broadcast %div3A_670 : f32 to vector<16xf32>
        %div3A_672 = arith.divf %div3A_671, %add3A_669 : vector<16xf32>
        %mul3A_673 = arith.mulf %mul3A_660, %div3A_672 : vector<16xf32>
        %swap3A = arith.index_cast %mul3A_599 : i32 to index
        %swap3A_674 = tpu.vector_load %arg13[%swap3A] {strides = array<i32>} : memref<2000xf32, #tpu.memory_space<vmem>>, vector<16xf32>,
        tpu.vector_store %arg13[%swap3A], %mul3A_673 {strides = array<i32>} : memref<2000xf32, #tpu.memory_space<vmem>>, vector<16xf32>,
        %mul3A_675 = arith.mulf %mul3A_662, %div3A_672 : vector<16xf32>
        %swap3A_676 = arith.index_cast %mul3A_599 : i32 to index
        %swap3A_677 = tpu.vector_load %arg14[%swap3A_676] {strides = array<i32>} : memref<2000xf32, #tpu.memory_space<vmem>>, vector<16xf32>,
        tpu.vector_store %arg14[%swap3A_676], %mul3A_675 {strides = array<i32>} : memref<2000xf32, #tpu.memory_space<vmem>>, vector<16xf32>,
        %mul3A_678 = arith.mulf %mul3A_667, %div3A_672 : vector<16xf32>
        %swap3A_679 = arith.index_cast %mul3A_599 : i32 to index
        %swap3A_680 = tpu.vector_load %arg15[%swap3A_679] {strides = array<i32>} : memref<2000xf32, #tpu.memory_space<vmem>>, vector<16xf32>,
        tpu.vector_store %arg15[%swap3A_679], %mul3A_678 {strides = array<i32>} : memref<2000xf32, #tpu.memory_space<vmem>>, vector<16xf32>,
        %mul3A_681 = arith.constant 16 : i32
        %mul3A_682 = vector.broadcast %mul3A_681 : i32 to vector<16xi32>
        %mul3A_683 = arith.muli %get3A_640, %mul3A_682 : vector<16xi32>
        %add3A_684 = arith.addi %mul3A_683, %get3A_643 : vector<16xi32>
        %mul3A_685 = arith.constant 16 : i32
        %mul3A_686 = arith.muli %scan3A_594, %mul3A_685 : i32
        %swap3A_687 = arith.constant 11 : i32
        %swap3A_688 = arith.index_cast %swap3A_687 : i32 to index
        %swap3A_689 = arith.index_cast %mul3A_686 : i32 to index
        %swap3A_690 = tpu.vector_load %arg16[%swap3A_688, %swap3A_689] {strides = array<i32>} : memref<16x128xi32, #tpu.memory_space<vmem>>, vector<16xi32>,
        tpu.vector_store %arg16[%swap3A_688, %swap3A_689], %add3A_684 {strides = array<i32>} : memref<16x128xi32, #tpu.memory_space<vmem>>, vector<16xi32>,
        %scan3A_691 = arith.constant 0 : i32
        scf.yield %scan3A_691 : i32
      }
      %scan3A_342 = arith.constant 8 : i32
      %dma_start3A_343 = arith.constant 11 : i32
      %dma_start3A_344 = arith.constant 11 : i32
      %dma_start3A_345 = arith.constant 0 : i32
      %dma_start3A_346 = tpu.memref_slice %arg17[%dma_start3A_343, %dma_start3A_345] : memref<16x128xf32, #tpu.memory_space<vmem>> -> memref<1x128xf32, #tpu.memory_space<vmem>>
      %dma_start3A_347 = tpu.memref_squeeze %dma_start3A_346 : memref<1x128xf32, #tpu.memory_space<vmem>> -> memref<128xf32, #tpu.memory_space<vmem>>
      %dma_start3A_348 = arith.constant 0 : i32
      %dma_start3A_349 = tpu.memref_slice %arg16[%dma_start3A_344, %dma_start3A_348] : memref<16x128xi32, #tpu.memory_space<vmem>> -> memref<1x128xi32, #tpu.memory_space<vmem>>
      %dma_start3A_350 = tpu.memref_squeeze %dma_start3A_349 : memref<1x128xi32, #tpu.memory_space<vmem>> -> memref<128xi32, #tpu.memory_space<vmem>>
      %dma_start3A_351 = arith.constant 0 : i32
      %dma_start3A_352 = tpu.memref_slice %arg19[%dma_start3A_351] : memref<800000xf32, #tpu.memory_space<vmem_shared>> -> memref<800000xf32, #tpu.memory_space<vmem_shared>>
      tpu.enqueue_indirect_dma source(%dma_start3A_347 : memref<128xf32, #tpu.memory_space<vmem>>) target(%dma_start3A_352 : memref<800000xf32, #tpu.memory_space<vmem_shared>>) offsets(%dma_start3A_350 : memref<128xi32, #tpu.memory_space<vmem>>) semaphore(%arg21 : memref<!tpu.dma_semaphore, #tpu.memory_space<semaphore_mem>>) {add = true}
      %scan3A_353 = arith.constant 0 : i32
      %scan3A_354 = arith.constant 0 : i32
      %scan3A_355 = arith.constant 8 : i32
      %scan3A_356 = arith.addi %scan3A_354, %scan3A_355 : i32
      %scan3A_357 = arith.constant 1 : i32
      %scan3A_358 = scf.for %scan3A_594 = %scan3A_354 to %scan3A_356 step %scan3A_357 iter_args(%scan3A_595 = %scan3A_353) -> (i32)  : i32 {
        %add3A_596 = arith.constant 96 : i32
        %add3A_597 = arith.addi %add3A_596, %scan3A_594 : i32
        %mul3A_598 = arith.constant 16 : i32
        %mul3A_599 = arith.muli %add3A_597, %mul3A_598 : i32
        %mul3A_600 = arith.constant 16 : i32
        %mul3A_601 = arith.muli %add3A_597, %mul3A_600 : i32
        %add3A_602 = arith.addi %sub3A_117, %mul3A_601 : i32
        %jit3A_603 = arith.constant 128 : i32
        %div3A_604 = arith.divsi %add3A_602, %jit3A_603 : i32
        %sign3A_605 = arith.constant 0 : i32
        %sign3A_606 = arith.cmpi sgt, %add3A_602, %sign3A_605 : i32
        %sign3A_607 = arith.extui %sign3A_606 : i1 to i32
        %sign3A_608 = arith.constant 0 : i32
        %sign3A_609 = arith.cmpi slt, %add3A_602, %sign3A_608 : i32
        %sign3A_610 = arith.extui %sign3A_609 : i1 to i32
        %sign3A_611 = arith.subi %sign3A_607, %sign3A_610 : i32
        %sign3A_612 = arith.constant 0 : i32
        %sign3A_613 = arith.cmpi sgt, %jit3A_603, %sign3A_612 : i32
        %sign3A_614 = arith.extui %sign3A_613 : i1 to i32
        %sign3A_615 = arith.constant 0 : i32
        %sign3A_616 = arith.cmpi slt, %jit3A_603, %sign3A_615 : i32
        %sign3A_617 = arith.extui %sign3A_616 : i1 to i32
        %sign3A_618 = arith.subi %sign3A_614, %sign3A_617 : i32
        %ne3A_619 = arith.cmpi ne, %sign3A_611, %sign3A_618 : i32
        %rem3A_620 = arith.remsi %add3A_602, %jit3A_603 : i32
        %ne3A_621 = arith.constant 0 : i32
        %ne3A_622 = arith.cmpi ne, %rem3A_620, %ne3A_621 : i32
        %and3A_623 = arith.andi %ne3A_619, %ne3A_622 : i1
        %sub3A_624 = arith.constant 1 : i32
        %sub3A_625 = arith.subi %div3A_604, %sub3A_624 : i32
        %select_n3A_626 = arith.select %and3A_623, %sub3A_625, %div3A_604 : i32
        %mul3A_627 = arith.constant 128 : i32
        %mul3A_628 = arith.muli %select_n3A_626, %mul3A_627 : i32
        %sub3A_629 = arith.subi %add3A_602, %mul3A_628 : i32
        %get3A = arith.constant 0 : i32
        %get3A_630 = arith.index_cast %rem3A_83 : i32 to index
        %get3A_631 = arith.index_cast %select_n3A_626 : i32 to index
        %get3A_632 = arith.index_cast %get3A : i32 to index
        %get3A_633 = arith.index_cast %sub3A_629 : i32 to index
        %get3A_634 = tpu.vector_load %arg11[%get3A_630, %get3A_631, %get3A_632, %get3A_633] {strides = array<i32>} : memref<2x17x2x128xi32, #tpu.memory_space<vmem>>, vector<16xi32>,
        %get3A_635 = arith.constant 1 : i32
        %get3A_636 = arith.index_cast %rem3A_83 : i32 to index
        %get3A_637 = arith.index_cast %select_n3A_626 : i32 to index
        %get3A_638 = arith.index_cast %get3A_635 : i32 to index
        %get3A_639 = arith.index_cast %sub3A_629 : i32 to index
        %get3A_640 = tpu.vector_load %arg11[%get3A_636, %get3A_637, %get3A_638, %get3A_639] {strides = array<i32>} : memref<2x17x2x128xi32, #tpu.memory_space<vmem>>, vector<16xi32>,
        %get3A_641 = arith.index_cast %rem3A_83 : i32 to index
        %get3A_642 = arith.index_cast %mul3A_599 : i32 to index
        %get3A_643 = tpu.vector_load %arg12[%get3A_641, %get3A_642] {strides = array<i32>} : memref<2x2000xi32, #tpu.memory_space<vmem>>, vector<16xi32>,
        %get3A_644 = arith.constant 0 : i32
        %get3A_645 = arith.index_cast %get3A_644 : i32 to index
        %get3A_646 = arith.constant 0 : index
        %get3A_647 = tpu.vector_load %arg18[%get3A_645, %get3A_646] {strides = array<i32>} : memref<2x16xf32, #tpu.memory_space<vmem>>, vector<16xf32>,
        %get3A_648 = arith.constant 1 : i32
        %get3A_649 = arith.index_cast %get3A_648 : i32 to index
        %get3A_650 = arith.constant 0 : index
        %get3A_651 = tpu.vector_load %arg18[%get3A_649, %get3A_650] {strides = array<i32>} : memref<2x16xf32, #tpu.memory_space<vmem>>, vector<16xf32>,
        %gather3A = tpu.vector_load_idx %arg10[%get3A_634] : memref<50000xi32, #tpu.memory_space<vmem>>[vector<16xi32>], vector<16xi32>,
        %add3A_652 = arith.constant 1 : i32
        %add3A_653 = vector.broadcast %add3A_652 : i32 to vector<16xi32>
        %add3A_654 = arith.addi %gather3A, %add3A_653 : vector<16xi32>
        %gather3A_655 = tpu.vector_load_idx %arg10[%get3A_640] : memref<50000xi32, #tpu.memory_space<vmem>>[vector<16xi32>], vector<16xi32>,
        %add3A_656 = arith.constant 1 : i32
        %add3A_657 = vector.broadcast %add3A_656 : i32 to vector<16xi32>
        %add3A_658 = arith.addi %gather3A_655, %add3A_657 : vector<16xi32>
        %convert_element_type3A_659 = arith.sitofp %add3A_654 : vector<16xi32> to vector<16xf32>
        %mul3A_660 = arith.mulf %convert_element_type3A_659, %get3A_647 : vector<16xf32>
        %convert_element_type3A_661 = arith.sitofp %add3A_658 : vector<16xi32> to vector<16xf32>
        %mul3A_662 = arith.mulf %convert_element_type3A_661, %get3A_647 : vector<16xf32>
        %add3A_663 = arith.constant 1 : i32
        %add3A_664 = vector.broadcast %add3A_663 : i32 to vector<16xi32>
        %add3A_665 = arith.addi %get3A_643, %add3A_664 : vector<16xi32>
        %convert_element_type3A_666 = arith.sitofp %add3A_665 : vector<16xi32> to vector<16xf32>
        %mul3A_667 = arith.mulf %convert_element_type3A_666, %get3A_651 : vector<16xf32>
        %add3A_668 = arith.addf %mul3A_660, %mul3A_662 : vector<16xf32>
        %add3A_669 = arith.addf %add3A_668, %mul3A_667 : vector<16xf32>
        %div3A_670 = arith.constant 1.000000e+00 : f32
        %div3A_671 = vector.broadcast %div3A_670 : f32 to vector<16xf32>
        %div3A_672 = arith.divf %div3A_671, %add3A_669 : vector<16xf32>
        %mul3A_673 = arith.mulf %mul3A_660, %div3A_672 : vector<16xf32>
        %swap3A = arith.index_cast %mul3A_599 : i32 to index
        %swap3A_674 = tpu.vector_load %arg13[%swap3A] {strides = array<i32>} : memref<2000xf32, #tpu.memory_space<vmem>>, vector<16xf32>,
        tpu.vector_store %arg13[%swap3A], %mul3A_673 {strides = array<i32>} : memref<2000xf32, #tpu.memory_space<vmem>>, vector<16xf32>,
        %mul3A_675 = arith.mulf %mul3A_662, %div3A_672 : vector<16xf32>
        %swap3A_676 = arith.index_cast %mul3A_599 : i32 to index
        %swap3A_677 = tpu.vector_load %arg14[%swap3A_676] {strides = array<i32>} : memref<2000xf32, #tpu.memory_space<vmem>>, vector<16xf32>,
        tpu.vector_store %arg14[%swap3A_676], %mul3A_675 {strides = array<i32>} : memref<2000xf32, #tpu.memory_space<vmem>>, vector<16xf32>,
        %mul3A_678 = arith.mulf %mul3A_667, %div3A_672 : vector<16xf32>
        %swap3A_679 = arith.index_cast %mul3A_599 : i32 to index
        %swap3A_680 = tpu.vector_load %arg15[%swap3A_679] {strides = array<i32>} : memref<2000xf32, #tpu.memory_space<vmem>>, vector<16xf32>,
        tpu.vector_store %arg15[%swap3A_679], %mul3A_678 {strides = array<i32>} : memref<2000xf32, #tpu.memory_space<vmem>>, vector<16xf32>,
        %mul3A_681 = arith.constant 16 : i32
        %mul3A_682 = vector.broadcast %mul3A_681 : i32 to vector<16xi32>
        %mul3A_683 = arith.muli %get3A_640, %mul3A_682 : vector<16xi32>
        %add3A_684 = arith.addi %mul3A_683, %get3A_643 : vector<16xi32>
        %mul3A_685 = arith.constant 16 : i32
        %mul3A_686 = arith.muli %scan3A_594, %mul3A_685 : i32
        %swap3A_687 = arith.constant 12 : i32
        %swap3A_688 = arith.index_cast %swap3A_687 : i32 to index
        %swap3A_689 = arith.index_cast %mul3A_686 : i32 to index
        %swap3A_690 = tpu.vector_load %arg16[%swap3A_688, %swap3A_689] {strides = array<i32>} : memref<16x128xi32, #tpu.memory_space<vmem>>, vector<16xi32>,
        tpu.vector_store %arg16[%swap3A_688, %swap3A_689], %add3A_684 {strides = array<i32>} : memref<16x128xi32, #tpu.memory_space<vmem>>, vector<16xi32>,
        %scan3A_691 = arith.constant 0 : i32
        scf.yield %scan3A_691 : i32
      }
      %scan3A_359 = arith.constant 8 : i32
      %dma_start3A_360 = arith.constant 12 : i32
      %dma_start3A_361 = arith.constant 12 : i32
      %dma_start3A_362 = arith.constant 0 : i32
      %dma_start3A_363 = tpu.memref_slice %arg17[%dma_start3A_360, %dma_start3A_362] : memref<16x128xf32, #tpu.memory_space<vmem>> -> memref<1x128xf32, #tpu.memory_space<vmem>>
      %dma_start3A_364 = tpu.memref_squeeze %dma_start3A_363 : memref<1x128xf32, #tpu.memory_space<vmem>> -> memref<128xf32, #tpu.memory_space<vmem>>
      %dma_start3A_365 = arith.constant 0 : i32
      %dma_start3A_366 = tpu.memref_slice %arg16[%dma_start3A_361, %dma_start3A_365] : memref<16x128xi32, #tpu.memory_space<vmem>> -> memref<1x128xi32, #tpu.memory_space<vmem>>
      %dma_start3A_367 = tpu.memref_squeeze %dma_start3A_366 : memref<1x128xi32, #tpu.memory_space<vmem>> -> memref<128xi32, #tpu.memory_space<vmem>>
      %dma_start3A_368 = arith.constant 0 : i32
      %dma_start3A_369 = tpu.memref_slice %arg19[%dma_start3A_368] : memref<800000xf32, #tpu.memory_space<vmem_shared>> -> memref<800000xf32, #tpu.memory_space<vmem_shared>>
      tpu.enqueue_indirect_dma source(%dma_start3A_364 : memref<128xf32, #tpu.memory_space<vmem>>) target(%dma_start3A_369 : memref<800000xf32, #tpu.memory_space<vmem_shared>>) offsets(%dma_start3A_367 : memref<128xi32, #tpu.memory_space<vmem>>) semaphore(%arg21 : memref<!tpu.dma_semaphore, #tpu.memory_space<semaphore_mem>>) {add = true}
      %scan3A_370 = arith.constant 0 : i32
      %scan3A_371 = arith.constant 0 : i32
      %scan3A_372 = arith.constant 8 : i32
      %scan3A_373 = arith.addi %scan3A_371, %scan3A_372 : i32
      %scan3A_374 = arith.constant 1 : i32
      %scan3A_375 = scf.for %scan3A_594 = %scan3A_371 to %scan3A_373 step %scan3A_374 iter_args(%scan3A_595 = %scan3A_370) -> (i32)  : i32 {
        %add3A_596 = arith.constant 104 : i32
        %add3A_597 = arith.addi %add3A_596, %scan3A_594 : i32
        %mul3A_598 = arith.constant 16 : i32
        %mul3A_599 = arith.muli %add3A_597, %mul3A_598 : i32
        %mul3A_600 = arith.constant 16 : i32
        %mul3A_601 = arith.muli %add3A_597, %mul3A_600 : i32
        %add3A_602 = arith.addi %sub3A_117, %mul3A_601 : i32
        %jit3A_603 = arith.constant 128 : i32
        %div3A_604 = arith.divsi %add3A_602, %jit3A_603 : i32
        %sign3A_605 = arith.constant 0 : i32
        %sign3A_606 = arith.cmpi sgt, %add3A_602, %sign3A_605 : i32
        %sign3A_607 = arith.extui %sign3A_606 : i1 to i32
        %sign3A_608 = arith.constant 0 : i32
        %sign3A_609 = arith.cmpi slt, %add3A_602, %sign3A_608 : i32
        %sign3A_610 = arith.extui %sign3A_609 : i1 to i32
        %sign3A_611 = arith.subi %sign3A_607, %sign3A_610 : i32
        %sign3A_612 = arith.constant 0 : i32
        %sign3A_613 = arith.cmpi sgt, %jit3A_603, %sign3A_612 : i32
        %sign3A_614 = arith.extui %sign3A_613 : i1 to i32
        %sign3A_615 = arith.constant 0 : i32
        %sign3A_616 = arith.cmpi slt, %jit3A_603, %sign3A_615 : i32
        %sign3A_617 = arith.extui %sign3A_616 : i1 to i32
        %sign3A_618 = arith.subi %sign3A_614, %sign3A_617 : i32
        %ne3A_619 = arith.cmpi ne, %sign3A_611, %sign3A_618 : i32
        %rem3A_620 = arith.remsi %add3A_602, %jit3A_603 : i32
        %ne3A_621 = arith.constant 0 : i32
        %ne3A_622 = arith.cmpi ne, %rem3A_620, %ne3A_621 : i32
        %and3A_623 = arith.andi %ne3A_619, %ne3A_622 : i1
        %sub3A_624 = arith.constant 1 : i32
        %sub3A_625 = arith.subi %div3A_604, %sub3A_624 : i32
        %select_n3A_626 = arith.select %and3A_623, %sub3A_625, %div3A_604 : i32
        %mul3A_627 = arith.constant 128 : i32
        %mul3A_628 = arith.muli %select_n3A_626, %mul3A_627 : i32
        %sub3A_629 = arith.subi %add3A_602, %mul3A_628 : i32
        %get3A = arith.constant 0 : i32
        %get3A_630 = arith.index_cast %rem3A_83 : i32 to index
        %get3A_631 = arith.index_cast %select_n3A_626 : i32 to index
        %get3A_632 = arith.index_cast %get3A : i32 to index
        %get3A_633 = arith.index_cast %sub3A_629 : i32 to index
        %get3A_634 = tpu.vector_load %arg11[%get3A_630, %get3A_631, %get3A_632, %get3A_633] {strides = array<i32>} : memref<2x17x2x128xi32, #tpu.memory_space<vmem>>, vector<16xi32>,
        %get3A_635 = arith.constant 1 : i32
        %get3A_636 = arith.index_cast %rem3A_83 : i32 to index
        %get3A_637 = arith.index_cast %select_n3A_626 : i32 to index
        %get3A_638 = arith.index_cast %get3A_635 : i32 to index
        %get3A_639 = arith.index_cast %sub3A_629 : i32 to index
        %get3A_640 = tpu.vector_load %arg11[%get3A_636, %get3A_637, %get3A_638, %get3A_639] {strides = array<i32>} : memref<2x17x2x128xi32, #tpu.memory_space<vmem>>, vector<16xi32>,
        %get3A_641 = arith.index_cast %rem3A_83 : i32 to index
        %get3A_642 = arith.index_cast %mul3A_599 : i32 to index
        %get3A_643 = tpu.vector_load %arg12[%get3A_641, %get3A_642] {strides = array<i32>} : memref<2x2000xi32, #tpu.memory_space<vmem>>, vector<16xi32>,
        %get3A_644 = arith.constant 0 : i32
        %get3A_645 = arith.index_cast %get3A_644 : i32 to index
        %get3A_646 = arith.constant 0 : index
        %get3A_647 = tpu.vector_load %arg18[%get3A_645, %get3A_646] {strides = array<i32>} : memref<2x16xf32, #tpu.memory_space<vmem>>, vector<16xf32>,
        %get3A_648 = arith.constant 1 : i32
        %get3A_649 = arith.index_cast %get3A_648 : i32 to index
        %get3A_650 = arith.constant 0 : index
        %get3A_651 = tpu.vector_load %arg18[%get3A_649, %get3A_650] {strides = array<i32>} : memref<2x16xf32, #tpu.memory_space<vmem>>, vector<16xf32>,
        %gather3A = tpu.vector_load_idx %arg10[%get3A_634] : memref<50000xi32, #tpu.memory_space<vmem>>[vector<16xi32>], vector<16xi32>,
        %add3A_652 = arith.constant 1 : i32
        %add3A_653 = vector.broadcast %add3A_652 : i32 to vector<16xi32>
        %add3A_654 = arith.addi %gather3A, %add3A_653 : vector<16xi32>
        %gather3A_655 = tpu.vector_load_idx %arg10[%get3A_640] : memref<50000xi32, #tpu.memory_space<vmem>>[vector<16xi32>], vector<16xi32>,
        %add3A_656 = arith.constant 1 : i32
        %add3A_657 = vector.broadcast %add3A_656 : i32 to vector<16xi32>
        %add3A_658 = arith.addi %gather3A_655, %add3A_657 : vector<16xi32>
        %convert_element_type3A_659 = arith.sitofp %add3A_654 : vector<16xi32> to vector<16xf32>
        %mul3A_660 = arith.mulf %convert_element_type3A_659, %get3A_647 : vector<16xf32>
        %convert_element_type3A_661 = arith.sitofp %add3A_658 : vector<16xi32> to vector<16xf32>
        %mul3A_662 = arith.mulf %convert_element_type3A_661, %get3A_647 : vector<16xf32>
        %add3A_663 = arith.constant 1 : i32
        %add3A_664 = vector.broadcast %add3A_663 : i32 to vector<16xi32>
        %add3A_665 = arith.addi %get3A_643, %add3A_664 : vector<16xi32>
        %convert_element_type3A_666 = arith.sitofp %add3A_665 : vector<16xi32> to vector<16xf32>
        %mul3A_667 = arith.mulf %convert_element_type3A_666, %get3A_651 : vector<16xf32>
        %add3A_668 = arith.addf %mul3A_660, %mul3A_662 : vector<16xf32>
        %add3A_669 = arith.addf %add3A_668, %mul3A_667 : vector<16xf32>
        %div3A_670 = arith.constant 1.000000e+00 : f32
        %div3A_671 = vector.broadcast %div3A_670 : f32 to vector<16xf32>
        %div3A_672 = arith.divf %div3A_671, %add3A_669 : vector<16xf32>
        %mul3A_673 = arith.mulf %mul3A_660, %div3A_672 : vector<16xf32>
        %swap3A = arith.index_cast %mul3A_599 : i32 to index
        %swap3A_674 = tpu.vector_load %arg13[%swap3A] {strides = array<i32>} : memref<2000xf32, #tpu.memory_space<vmem>>, vector<16xf32>,
        tpu.vector_store %arg13[%swap3A], %mul3A_673 {strides = array<i32>} : memref<2000xf32, #tpu.memory_space<vmem>>, vector<16xf32>,
        %mul3A_675 = arith.mulf %mul3A_662, %div3A_672 : vector<16xf32>
        %swap3A_676 = arith.index_cast %mul3A_599 : i32 to index
        %swap3A_677 = tpu.vector_load %arg14[%swap3A_676] {strides = array<i32>} : memref<2000xf32, #tpu.memory_space<vmem>>, vector<16xf32>,
        tpu.vector_store %arg14[%swap3A_676], %mul3A_675 {strides = array<i32>} : memref<2000xf32, #tpu.memory_space<vmem>>, vector<16xf32>,
        %mul3A_678 = arith.mulf %mul3A_667, %div3A_672 : vector<16xf32>
        %swap3A_679 = arith.index_cast %mul3A_599 : i32 to index
        %swap3A_680 = tpu.vector_load %arg15[%swap3A_679] {strides = array<i32>} : memref<2000xf32, #tpu.memory_space<vmem>>, vector<16xf32>,
        tpu.vector_store %arg15[%swap3A_679], %mul3A_678 {strides = array<i32>} : memref<2000xf32, #tpu.memory_space<vmem>>, vector<16xf32>,
        %mul3A_681 = arith.constant 16 : i32
        %mul3A_682 = vector.broadcast %mul3A_681 : i32 to vector<16xi32>
        %mul3A_683 = arith.muli %get3A_640, %mul3A_682 : vector<16xi32>
        %add3A_684 = arith.addi %mul3A_683, %get3A_643 : vector<16xi32>
        %mul3A_685 = arith.constant 16 : i32
        %mul3A_686 = arith.muli %scan3A_594, %mul3A_685 : i32
        %swap3A_687 = arith.constant 13 : i32
        %swap3A_688 = arith.index_cast %swap3A_687 : i32 to index
        %swap3A_689 = arith.index_cast %mul3A_686 : i32 to index
        %swap3A_690 = tpu.vector_load %arg16[%swap3A_688, %swap3A_689] {strides = array<i32>} : memref<16x128xi32, #tpu.memory_space<vmem>>, vector<16xi32>,
        tpu.vector_store %arg16[%swap3A_688, %swap3A_689], %add3A_684 {strides = array<i32>} : memref<16x128xi32, #tpu.memory_space<vmem>>, vector<16xi32>,
        %scan3A_691 = arith.constant 0 : i32
        scf.yield %scan3A_691 : i32
      }
      %scan3A_376 = arith.constant 8 : i32
      %dma_start3A_377 = arith.constant 13 : i32
      %dma_start3A_378 = arith.constant 13 : i32
      %dma_start3A_379 = arith.constant 0 : i32
      %dma_start3A_380 = tpu.memref_slice %arg17[%dma_start3A_377, %dma_start3A_379] : memref<16x128xf32, #tpu.memory_space<vmem>> -> memref<1x128xf32, #tpu.memory_space<vmem>>
      %dma_start3A_381 = tpu.memref_squeeze %dma_start3A_380 : memref<1x128xf32, #tpu.memory_space<vmem>> -> memref<128xf32, #tpu.memory_space<vmem>>
      %dma_start3A_382 = arith.constant 0 : i32
      %dma_start3A_383 = tpu.memref_slice %arg16[%dma_start3A_378, %dma_start3A_382] : memref<16x128xi32, #tpu.memory_space<vmem>> -> memref<1x128xi32, #tpu.memory_space<vmem>>
      %dma_start3A_384 = tpu.memref_squeeze %dma_start3A_383 : memref<1x128xi32, #tpu.memory_space<vmem>> -> memref<128xi32, #tpu.memory_space<vmem>>
      %dma_start3A_385 = arith.constant 0 : i32
      %dma_start3A_386 = tpu.memref_slice %arg19[%dma_start3A_385] : memref<800000xf32, #tpu.memory_space<vmem_shared>> -> memref<800000xf32, #tpu.memory_space<vmem_shared>>
      tpu.enqueue_indirect_dma source(%dma_start3A_381 : memref<128xf32, #tpu.memory_space<vmem>>) target(%dma_start3A_386 : memref<800000xf32, #tpu.memory_space<vmem_shared>>) offsets(%dma_start3A_384 : memref<128xi32, #tpu.memory_space<vmem>>) semaphore(%arg21 : memref<!tpu.dma_semaphore, #tpu.memory_space<semaphore_mem>>) {add = true}
      %scan3A_387 = arith.constant 0 : i32
      %scan3A_388 = arith.constant 0 : i32
      %scan3A_389 = arith.constant 8 : i32
      %scan3A_390 = arith.addi %scan3A_388, %scan3A_389 : i32
      %scan3A_391 = arith.constant 1 : i32
      %scan3A_392 = scf.for %scan3A_594 = %scan3A_388 to %scan3A_390 step %scan3A_391 iter_args(%scan3A_595 = %scan3A_387) -> (i32)  : i32 {
        %add3A_596 = arith.constant 112 : i32
        %add3A_597 = arith.addi %add3A_596, %scan3A_594 : i32
        %mul3A_598 = arith.constant 16 : i32
        %mul3A_599 = arith.muli %add3A_597, %mul3A_598 : i32
        %mul3A_600 = arith.constant 16 : i32
        %mul3A_601 = arith.muli %add3A_597, %mul3A_600 : i32
        %add3A_602 = arith.addi %sub3A_117, %mul3A_601 : i32
        %jit3A_603 = arith.constant 128 : i32
        %div3A_604 = arith.divsi %add3A_602, %jit3A_603 : i32
        %sign3A_605 = arith.constant 0 : i32
        %sign3A_606 = arith.cmpi sgt, %add3A_602, %sign3A_605 : i32
        %sign3A_607 = arith.extui %sign3A_606 : i1 to i32
        %sign3A_608 = arith.constant 0 : i32
        %sign3A_609 = arith.cmpi slt, %add3A_602, %sign3A_608 : i32
        %sign3A_610 = arith.extui %sign3A_609 : i1 to i32
        %sign3A_611 = arith.subi %sign3A_607, %sign3A_610 : i32
        %sign3A_612 = arith.constant 0 : i32
        %sign3A_613 = arith.cmpi sgt, %jit3A_603, %sign3A_612 : i32
        %sign3A_614 = arith.extui %sign3A_613 : i1 to i32
        %sign3A_615 = arith.constant 0 : i32
        %sign3A_616 = arith.cmpi slt, %jit3A_603, %sign3A_615 : i32
        %sign3A_617 = arith.extui %sign3A_616 : i1 to i32
        %sign3A_618 = arith.subi %sign3A_614, %sign3A_617 : i32
        %ne3A_619 = arith.cmpi ne, %sign3A_611, %sign3A_618 : i32
        %rem3A_620 = arith.remsi %add3A_602, %jit3A_603 : i32
        %ne3A_621 = arith.constant 0 : i32
        %ne3A_622 = arith.cmpi ne, %rem3A_620, %ne3A_621 : i32
        %and3A_623 = arith.andi %ne3A_619, %ne3A_622 : i1
        %sub3A_624 = arith.constant 1 : i32
        %sub3A_625 = arith.subi %div3A_604, %sub3A_624 : i32
        %select_n3A_626 = arith.select %and3A_623, %sub3A_625, %div3A_604 : i32
        %mul3A_627 = arith.constant 128 : i32
        %mul3A_628 = arith.muli %select_n3A_626, %mul3A_627 : i32
        %sub3A_629 = arith.subi %add3A_602, %mul3A_628 : i32
        %get3A = arith.constant 0 : i32
        %get3A_630 = arith.index_cast %rem3A_83 : i32 to index
        %get3A_631 = arith.index_cast %select_n3A_626 : i32 to index
        %get3A_632 = arith.index_cast %get3A : i32 to index
        %get3A_633 = arith.index_cast %sub3A_629 : i32 to index
        %get3A_634 = tpu.vector_load %arg11[%get3A_630, %get3A_631, %get3A_632, %get3A_633] {strides = array<i32>} : memref<2x17x2x128xi32, #tpu.memory_space<vmem>>, vector<16xi32>,
        %get3A_635 = arith.constant 1 : i32
        %get3A_636 = arith.index_cast %rem3A_83 : i32 to index
        %get3A_637 = arith.index_cast %select_n3A_626 : i32 to index
        %get3A_638 = arith.index_cast %get3A_635 : i32 to index
        %get3A_639 = arith.index_cast %sub3A_629 : i32 to index
        %get3A_640 = tpu.vector_load %arg11[%get3A_636, %get3A_637, %get3A_638, %get3A_639] {strides = array<i32>} : memref<2x17x2x128xi32, #tpu.memory_space<vmem>>, vector<16xi32>,
        %get3A_641 = arith.index_cast %rem3A_83 : i32 to index
        %get3A_642 = arith.index_cast %mul3A_599 : i32 to index
        %get3A_643 = tpu.vector_load %arg12[%get3A_641, %get3A_642] {strides = array<i32>} : memref<2x2000xi32, #tpu.memory_space<vmem>>, vector<16xi32>,
        %get3A_644 = arith.constant 0 : i32
        %get3A_645 = arith.index_cast %get3A_644 : i32 to index
        %get3A_646 = arith.constant 0 : index
        %get3A_647 = tpu.vector_load %arg18[%get3A_645, %get3A_646] {strides = array<i32>} : memref<2x16xf32, #tpu.memory_space<vmem>>, vector<16xf32>,
        %get3A_648 = arith.constant 1 : i32
        %get3A_649 = arith.index_cast %get3A_648 : i32 to index
        %get3A_650 = arith.constant 0 : index
        %get3A_651 = tpu.vector_load %arg18[%get3A_649, %get3A_650] {strides = array<i32>} : memref<2x16xf32, #tpu.memory_space<vmem>>, vector<16xf32>,
        %gather3A = tpu.vector_load_idx %arg10[%get3A_634] : memref<50000xi32, #tpu.memory_space<vmem>>[vector<16xi32>], vector<16xi32>,
        %add3A_652 = arith.constant 1 : i32
        %add3A_653 = vector.broadcast %add3A_652 : i32 to vector<16xi32>
        %add3A_654 = arith.addi %gather3A, %add3A_653 : vector<16xi32>
        %gather3A_655 = tpu.vector_load_idx %arg10[%get3A_640] : memref<50000xi32, #tpu.memory_space<vmem>>[vector<16xi32>], vector<16xi32>,
        %add3A_656 = arith.constant 1 : i32
        %add3A_657 = vector.broadcast %add3A_656 : i32 to vector<16xi32>
        %add3A_658 = arith.addi %gather3A_655, %add3A_657 : vector<16xi32>
        %convert_element_type3A_659 = arith.sitofp %add3A_654 : vector<16xi32> to vector<16xf32>
        %mul3A_660 = arith.mulf %convert_element_type3A_659, %get3A_647 : vector<16xf32>
        %convert_element_type3A_661 = arith.sitofp %add3A_658 : vector<16xi32> to vector<16xf32>
        %mul3A_662 = arith.mulf %convert_element_type3A_661, %get3A_647 : vector<16xf32>
        %add3A_663 = arith.constant 1 : i32
        %add3A_664 = vector.broadcast %add3A_663 : i32 to vector<16xi32>
        %add3A_665 = arith.addi %get3A_643, %add3A_664 : vector<16xi32>
        %convert_element_type3A_666 = arith.sitofp %add3A_665 : vector<16xi32> to vector<16xf32>
        %mul3A_667 = arith.mulf %convert_element_type3A_666, %get3A_651 : vector<16xf32>
        %add3A_668 = arith.addf %mul3A_660, %mul3A_662 : vector<16xf32>
        %add3A_669 = arith.addf %add3A_668, %mul3A_667 : vector<16xf32>
        %div3A_670 = arith.constant 1.000000e+00 : f32
        %div3A_671 = vector.broadcast %div3A_670 : f32 to vector<16xf32>
        %div3A_672 = arith.divf %div3A_671, %add3A_669 : vector<16xf32>
        %mul3A_673 = arith.mulf %mul3A_660, %div3A_672 : vector<16xf32>
        %swap3A = arith.index_cast %mul3A_599 : i32 to index
        %swap3A_674 = tpu.vector_load %arg13[%swap3A] {strides = array<i32>} : memref<2000xf32, #tpu.memory_space<vmem>>, vector<16xf32>,
        tpu.vector_store %arg13[%swap3A], %mul3A_673 {strides = array<i32>} : memref<2000xf32, #tpu.memory_space<vmem>>, vector<16xf32>,
        %mul3A_675 = arith.mulf %mul3A_662, %div3A_672 : vector<16xf32>
        %swap3A_676 = arith.index_cast %mul3A_599 : i32 to index
        %swap3A_677 = tpu.vector_load %arg14[%swap3A_676] {strides = array<i32>} : memref<2000xf32, #tpu.memory_space<vmem>>, vector<16xf32>,
        tpu.vector_store %arg14[%swap3A_676], %mul3A_675 {strides = array<i32>} : memref<2000xf32, #tpu.memory_space<vmem>>, vector<16xf32>,
        %mul3A_678 = arith.mulf %mul3A_667, %div3A_672 : vector<16xf32>
        %swap3A_679 = arith.index_cast %mul3A_599 : i32 to index
        %swap3A_680 = tpu.vector_load %arg15[%swap3A_679] {strides = array<i32>} : memref<2000xf32, #tpu.memory_space<vmem>>, vector<16xf32>,
        tpu.vector_store %arg15[%swap3A_679], %mul3A_678 {strides = array<i32>} : memref<2000xf32, #tpu.memory_space<vmem>>, vector<16xf32>,
        %mul3A_681 = arith.constant 16 : i32
        %mul3A_682 = vector.broadcast %mul3A_681 : i32 to vector<16xi32>
        %mul3A_683 = arith.muli %get3A_640, %mul3A_682 : vector<16xi32>
        %add3A_684 = arith.addi %mul3A_683, %get3A_643 : vector<16xi32>
        %mul3A_685 = arith.constant 16 : i32
        %mul3A_686 = arith.muli %scan3A_594, %mul3A_685 : i32
        %swap3A_687 = arith.constant 14 : i32
        %swap3A_688 = arith.index_cast %swap3A_687 : i32 to index
        %swap3A_689 = arith.index_cast %mul3A_686 : i32 to index
        %swap3A_690 = tpu.vector_load %arg16[%swap3A_688, %swap3A_689] {strides = array<i32>} : memref<16x128xi32, #tpu.memory_space<vmem>>, vector<16xi32>,
        tpu.vector_store %arg16[%swap3A_688, %swap3A_689], %add3A_684 {strides = array<i32>} : memref<16x128xi32, #tpu.memory_space<vmem>>, vector<16xi32>,
        %scan3A_691 = arith.constant 0 : i32
        scf.yield %scan3A_691 : i32
      }
      %scan3A_393 = arith.constant 8 : i32
      %dma_start3A_394 = arith.constant 14 : i32
      %dma_start3A_395 = arith.constant 14 : i32
      %dma_start3A_396 = arith.constant 0 : i32
      %dma_start3A_397 = tpu.memref_slice %arg17[%dma_start3A_394, %dma_start3A_396] : memref<16x128xf32, #tpu.memory_space<vmem>> -> memref<1x128xf32, #tpu.memory_space<vmem>>
      %dma_start3A_398 = tpu.memref_squeeze %dma_start3A_397 : memref<1x128xf32, #tpu.memory_space<vmem>> -> memref<128xf32, #tpu.memory_space<vmem>>
      %dma_start3A_399 = arith.constant 0 : i32
      %dma_start3A_400 = tpu.memref_slice %arg16[%dma_start3A_395, %dma_start3A_399] : memref<16x128xi32, #tpu.memory_space<vmem>> -> memref<1x128xi32, #tpu.memory_space<vmem>>
      %dma_start3A_401 = tpu.memref_squeeze %dma_start3A_400 : memref<1x128xi32, #tpu.memory_space<vmem>> -> memref<128xi32, #tpu.memory_space<vmem>>
      %dma_start3A_402 = arith.constant 0 : i32
      %dma_start3A_403 = tpu.memref_slice %arg19[%dma_start3A_402] : memref<800000xf32, #tpu.memory_space<vmem_shared>> -> memref<800000xf32, #tpu.memory_space<vmem_shared>>
      tpu.enqueue_indirect_dma source(%dma_start3A_398 : memref<128xf32, #tpu.memory_space<vmem>>) target(%dma_start3A_403 : memref<800000xf32, #tpu.memory_space<vmem_shared>>) offsets(%dma_start3A_401 : memref<128xi32, #tpu.memory_space<vmem>>) semaphore(%arg21 : memref<!tpu.dma_semaphore, #tpu.memory_space<semaphore_mem>>) {add = true}
      %scan3A_404 = arith.constant 0 : i32
      %scan3A_405 = arith.constant 0 : i32
      %scan3A_406 = arith.constant 5 : i32
      %scan3A_407 = arith.addi %scan3A_405, %scan3A_406 : i32
      %scan3A_408 = arith.constant 1 : i32
      %scan3A_409 = scf.for %scan3A_594 = %scan3A_405 to %scan3A_407 step %scan3A_408 iter_args(%scan3A_595 = %scan3A_404) -> (i32)  : i32 {
        %add3A_596 = arith.constant 120 : i32
        %add3A_597 = arith.addi %add3A_596, %scan3A_594 : i32
        %mul3A_598 = arith.constant 16 : i32
        %mul3A_599 = arith.muli %add3A_597, %mul3A_598 : i32
        %mul3A_600 = arith.constant 16 : i32
        %mul3A_601 = arith.muli %add3A_597, %mul3A_600 : i32
        %add3A_602 = arith.addi %sub3A_117, %mul3A_601 : i32
        %jit3A_603 = arith.constant 128 : i32
        %div3A_604 = arith.divsi %add3A_602, %jit3A_603 : i32
        %sign3A_605 = arith.constant 0 : i32
        %sign3A_606 = arith.cmpi sgt, %add3A_602, %sign3A_605 : i32
        %sign3A_607 = arith.extui %sign3A_606 : i1 to i32
        %sign3A_608 = arith.constant 0 : i32
        %sign3A_609 = arith.cmpi slt, %add3A_602, %sign3A_608 : i32
        %sign3A_610 = arith.extui %sign3A_609 : i1 to i32
        %sign3A_611 = arith.subi %sign3A_607, %sign3A_610 : i32
        %sign3A_612 = arith.constant 0 : i32
        %sign3A_613 = arith.cmpi sgt, %jit3A_603, %sign3A_612 : i32
        %sign3A_614 = arith.extui %sign3A_613 : i1 to i32
        %sign3A_615 = arith.constant 0 : i32
        %sign3A_616 = arith.cmpi slt, %jit3A_603, %sign3A_615 : i32
        %sign3A_617 = arith.extui %sign3A_616 : i1 to i32
        %sign3A_618 = arith.subi %sign3A_614, %sign3A_617 : i32
        %ne3A_619 = arith.cmpi ne, %sign3A_611, %sign3A_618 : i32
        %rem3A_620 = arith.remsi %add3A_602, %jit3A_603 : i32
        %ne3A_621 = arith.constant 0 : i32
        %ne3A_622 = arith.cmpi ne, %rem3A_620, %ne3A_621 : i32
        %and3A_623 = arith.andi %ne3A_619, %ne3A_622 : i1
        %sub3A_624 = arith.constant 1 : i32
        %sub3A_625 = arith.subi %div3A_604, %sub3A_624 : i32
        %select_n3A_626 = arith.select %and3A_623, %sub3A_625, %div3A_604 : i32
        %mul3A_627 = arith.constant 128 : i32
        %mul3A_628 = arith.muli %select_n3A_626, %mul3A_627 : i32
        %sub3A_629 = arith.subi %add3A_602, %mul3A_628 : i32
        %get3A = arith.constant 0 : i32
        %get3A_630 = arith.index_cast %rem3A_83 : i32 to index
        %get3A_631 = arith.index_cast %select_n3A_626 : i32 to index
        %get3A_632 = arith.index_cast %get3A : i32 to index
        %get3A_633 = arith.index_cast %sub3A_629 : i32 to index
        %get3A_634 = tpu.vector_load %arg11[%get3A_630, %get3A_631, %get3A_632, %get3A_633] {strides = array<i32>} : memref<2x17x2x128xi32, #tpu.memory_space<vmem>>, vector<16xi32>,
        %get3A_635 = arith.constant 1 : i32
        %get3A_636 = arith.index_cast %rem3A_83 : i32 to index
        %get3A_637 = arith.index_cast %select_n3A_626 : i32 to index
        %get3A_638 = arith.index_cast %get3A_635 : i32 to index
        %get3A_639 = arith.index_cast %sub3A_629 : i32 to index
        %get3A_640 = tpu.vector_load %arg11[%get3A_636, %get3A_637, %get3A_638, %get3A_639] {strides = array<i32>} : memref<2x17x2x128xi32, #tpu.memory_space<vmem>>, vector<16xi32>,
        %get3A_641 = arith.index_cast %rem3A_83 : i32 to index
        %get3A_642 = arith.index_cast %mul3A_599 : i32 to index
        %get3A_643 = tpu.vector_load %arg12[%get3A_641, %get3A_642] {strides = array<i32>} : memref<2x2000xi32, #tpu.memory_space<vmem>>, vector<16xi32>,
        %get3A_644 = arith.constant 0 : i32
        %get3A_645 = arith.index_cast %get3A_644 : i32 to index
        %get3A_646 = arith.constant 0 : index
        %get3A_647 = tpu.vector_load %arg18[%get3A_645, %get3A_646] {strides = array<i32>} : memref<2x16xf32, #tpu.memory_space<vmem>>, vector<16xf32>,
        %get3A_648 = arith.constant 1 : i32
        %get3A_649 = arith.index_cast %get3A_648 : i32 to index
        %get3A_650 = arith.constant 0 : index
        %get3A_651 = tpu.vector_load %arg18[%get3A_649, %get3A_650] {strides = array<i32>} : memref<2x16xf32, #tpu.memory_space<vmem>>, vector<16xf32>,
        %gather3A = tpu.vector_load_idx %arg10[%get3A_634] : memref<50000xi32, #tpu.memory_space<vmem>>[vector<16xi32>], vector<16xi32>,
        %add3A_652 = arith.constant 1 : i32
        %add3A_653 = vector.broadcast %add3A_652 : i32 to vector<16xi32>
        %add3A_654 = arith.addi %gather3A, %add3A_653 : vector<16xi32>
        %gather3A_655 = tpu.vector_load_idx %arg10[%get3A_640] : memref<50000xi32, #tpu.memory_space<vmem>>[vector<16xi32>], vector<16xi32>,
        %add3A_656 = arith.constant 1 : i32
        %add3A_657 = vector.broadcast %add3A_656 : i32 to vector<16xi32>
        %add3A_658 = arith.addi %gather3A_655, %add3A_657 : vector<16xi32>
        %convert_element_type3A_659 = arith.sitofp %add3A_654 : vector<16xi32> to vector<16xf32>
        %mul3A_660 = arith.mulf %convert_element_type3A_659, %get3A_647 : vector<16xf32>
        %convert_element_type3A_661 = arith.sitofp %add3A_658 : vector<16xi32> to vector<16xf32>
        %mul3A_662 = arith.mulf %convert_element_type3A_661, %get3A_647 : vector<16xf32>
        %add3A_663 = arith.constant 1 : i32
        %add3A_664 = vector.broadcast %add3A_663 : i32 to vector<16xi32>
        %add3A_665 = arith.addi %get3A_643, %add3A_664 : vector<16xi32>
        %convert_element_type3A_666 = arith.sitofp %add3A_665 : vector<16xi32> to vector<16xf32>
        %mul3A_667 = arith.mulf %convert_element_type3A_666, %get3A_651 : vector<16xf32>
        %add3A_668 = arith.addf %mul3A_660, %mul3A_662 : vector<16xf32>
        %add3A_669 = arith.addf %add3A_668, %mul3A_667 : vector<16xf32>
        %div3A_670 = arith.constant 1.000000e+00 : f32
        %div3A_671 = vector.broadcast %div3A_670 : f32 to vector<16xf32>
        %div3A_672 = arith.divf %div3A_671, %add3A_669 : vector<16xf32>
        %mul3A_673 = arith.mulf %mul3A_660, %div3A_672 : vector<16xf32>
        %swap3A = arith.index_cast %mul3A_599 : i32 to index
        %swap3A_674 = tpu.vector_load %arg13[%swap3A] {strides = array<i32>} : memref<2000xf32, #tpu.memory_space<vmem>>, vector<16xf32>,
        tpu.vector_store %arg13[%swap3A], %mul3A_673 {strides = array<i32>} : memref<2000xf32, #tpu.memory_space<vmem>>, vector<16xf32>,
        %mul3A_675 = arith.mulf %mul3A_662, %div3A_672 : vector<16xf32>
        %swap3A_676 = arith.index_cast %mul3A_599 : i32 to index
        %swap3A_677 = tpu.vector_load %arg14[%swap3A_676] {strides = array<i32>} : memref<2000xf32, #tpu.memory_space<vmem>>, vector<16xf32>,
        tpu.vector_store %arg14[%swap3A_676], %mul3A_675 {strides = array<i32>} : memref<2000xf32, #tpu.memory_space<vmem>>, vector<16xf32>,
        %mul3A_678 = arith.mulf %mul3A_667, %div3A_672 : vector<16xf32>
        %swap3A_679 = arith.index_cast %mul3A_599 : i32 to index
        %swap3A_680 = tpu.vector_load %arg15[%swap3A_679] {strides = array<i32>} : memref<2000xf32, #tpu.memory_space<vmem>>, vector<16xf32>,
        tpu.vector_store %arg15[%swap3A_679], %mul3A_678 {strides = array<i32>} : memref<2000xf32, #tpu.memory_space<vmem>>, vector<16xf32>,
        %mul3A_681 = arith.constant 16 : i32
        %mul3A_682 = vector.broadcast %mul3A_681 : i32 to vector<16xi32>
        %mul3A_683 = arith.muli %get3A_640, %mul3A_682 : vector<16xi32>
        %add3A_684 = arith.addi %mul3A_683, %get3A_643 : vector<16xi32>
        %mul3A_685 = arith.constant 16 : i32
        %mul3A_686 = arith.muli %scan3A_594, %mul3A_685 : i32
        %swap3A_687 = arith.constant 15 : i32
        %swap3A_688 = arith.index_cast %swap3A_687 : i32 to index
        %swap3A_689 = arith.index_cast %mul3A_686 : i32 to index
        %swap3A_690 = tpu.vector_load %arg16[%swap3A_688, %swap3A_689] {strides = array<i32>} : memref<16x128xi32, #tpu.memory_space<vmem>>, vector<16xi32>,
        tpu.vector_store %arg16[%swap3A_688, %swap3A_689], %add3A_684 {strides = array<i32>} : memref<16x128xi32, #tpu.memory_space<vmem>>, vector<16xi32>,
        %scan3A_691 = arith.constant 0 : i32
        scf.yield %scan3A_691 : i32
      }
      %scan3A_410 = arith.constant 5 : i32
      %dma_start3A_411 = arith.constant 15 : i32
      %dma_start3A_412 = arith.constant 15 : i32
      %dma_start3A_413 = arith.constant 0 : i32
      %dma_start3A_414 = tpu.memref_slice %arg17[%dma_start3A_411, %dma_start3A_413] : memref<16x128xf32, #tpu.memory_space<vmem>> -> memref<1x128xf32, #tpu.memory_space<vmem>>
      %dma_start3A_415 = tpu.memref_squeeze %dma_start3A_414 : memref<1x128xf32, #tpu.memory_space<vmem>> -> memref<128xf32, #tpu.memory_space<vmem>>
      %dma_start3A_416 = arith.constant 0 : i32
      %dma_start3A_417 = tpu.memref_slice %arg16[%dma_start3A_412, %dma_start3A_416] : memref<16x128xi32, #tpu.memory_space<vmem>> -> memref<1x128xi32, #tpu.memory_space<vmem>>
      %dma_start3A_418 = tpu.memref_squeeze %dma_start3A_417 : memref<1x128xi32, #tpu.memory_space<vmem>> -> memref<128xi32, #tpu.memory_space<vmem>>
      %dma_start3A_419 = arith.constant 0 : i32
      %dma_start3A_420 = tpu.memref_slice %arg19[%dma_start3A_419] : memref<800000xf32, #tpu.memory_space<vmem_shared>> -> memref<800000xf32, #tpu.memory_space<vmem_shared>>
      tpu.enqueue_indirect_dma source(%dma_start3A_415 : memref<128xf32, #tpu.memory_space<vmem>>) target(%dma_start3A_420 : memref<800000xf32, #tpu.memory_space<vmem_shared>>) offsets(%dma_start3A_418 : memref<128xi32, #tpu.memory_space<vmem>>) semaphore(%arg21 : memref<!tpu.dma_semaphore, #tpu.memory_space<semaphore_mem>>) {add = true}
      %dma_start3A_421 = tpu.memref_slice %arg6[%add3A_88] : memref<1600000xf32, #tpu.memory_space<hbm>> -> memref<2000xf32, #tpu.memory_space<hbm>>
      %dma_start3A_422 = tpu.memref_slice %arg6[%add3A_88] : memref<1600000xf32, #tpu.memory_space<hbm>> -> memref<2000xf32, #tpu.memory_space<hbm>>
      tpu.enqueue_dma source(%arg13 : memref<2000xf32, #tpu.memory_space<vmem>>) target(%dma_start3A_422 : memref<2000xf32, #tpu.memory_space<hbm>>) target_semaphore(%arg22 : memref<!tpu.dma_semaphore, #tpu.memory_space<semaphore_mem>>)
      %dma_start3A_423 = tpu.memref_slice %arg7[%add3A_88] : memref<1600000xf32, #tpu.memory_space<hbm>> -> memref<2000xf32, #tpu.memory_space<hbm>>
      %dma_start3A_424 = tpu.memref_slice %arg7[%add3A_88] : memref<1600000xf32, #tpu.memory_space<hbm>> -> memref<2000xf32, #tpu.memory_space<hbm>>
      tpu.enqueue_dma source(%arg14 : memref<2000xf32, #tpu.memory_space<vmem>>) target(%dma_start3A_424 : memref<2000xf32, #tpu.memory_space<hbm>>) target_semaphore(%arg22 : memref<!tpu.dma_semaphore, #tpu.memory_space<semaphore_mem>>)
      %dma_start3A_425 = tpu.memref_slice %arg8[%add3A_88] : memref<1600000xf32, #tpu.memory_space<hbm>> -> memref<2000xf32, #tpu.memory_space<hbm>>
      %dma_start3A_426 = tpu.memref_slice %arg8[%add3A_88] : memref<1600000xf32, #tpu.memory_space<hbm>> -> memref<2000xf32, #tpu.memory_space<hbm>>
      tpu.enqueue_dma source(%arg15 : memref<2000xf32, #tpu.memory_space<vmem>>) target(%dma_start3A_426 : memref<2000xf32, #tpu.memory_space<hbm>>) target_semaphore(%arg22 : memref<!tpu.dma_semaphore, #tpu.memory_space<semaphore_mem>>)
      %dma_wait3A_427 = arith.constant 0 : i32
      %dma_wait3A_428 = arith.constant 0 : i32
      %dma_wait3A_429 = arith.constant 0 : i32
      %dma_wait3A_430 = tpu.memref_slice %arg17[%dma_wait3A_427, %dma_wait3A_429] : memref<16x128xf32, #tpu.memory_space<vmem>> -> memref<1x128xf32, #tpu.memory_space<vmem>>
      %dma_wait3A_431 = tpu.memref_squeeze %dma_wait3A_430 : memref<1x128xf32, #tpu.memory_space<vmem>> -> memref<128xf32, #tpu.memory_space<vmem>>
      %dma_wait3A_432 = arith.constant 0 : i32
      %dma_wait3A_433 = tpu.memref_slice %arg16[%dma_wait3A_428, %dma_wait3A_432] : memref<16x128xi32, #tpu.memory_space<vmem>> -> memref<1x128xi32, #tpu.memory_space<vmem>>
      %dma_wait3A_434 = tpu.memref_squeeze %dma_wait3A_433 : memref<1x128xi32, #tpu.memory_space<vmem>> -> memref<128xi32, #tpu.memory_space<vmem>>
      %dma_wait3A_435 = arith.constant 0 : i32
      %dma_wait3A_436 = tpu.memref_slice %arg19[%dma_wait3A_435] : memref<800000xf32, #tpu.memory_space<vmem_shared>> -> memref<800000xf32, #tpu.memory_space<vmem_shared>>
      tpu.wait_indirect_dma semaphore(%arg21 : memref<!tpu.dma_semaphore, #tpu.memory_space<semaphore_mem>>) src(%dma_wait3A_431 : memref<128xf32, #tpu.memory_space<vmem>>) dst(%dma_wait3A_436 : memref<800000xf32, #tpu.memory_space<vmem_shared>>)
      %dma_wait3A_437 = arith.constant 1 : i32
      %dma_wait3A_438 = arith.constant 1 : i32
      %dma_wait3A_439 = arith.constant 0 : i32
      %dma_wait3A_440 = tpu.memref_slice %arg17[%dma_wait3A_437, %dma_wait3A_439] : memref<16x128xf32, #tpu.memory_space<vmem>> -> memref<1x128xf32, #tpu.memory_space<vmem>>
      %dma_wait3A_441 = tpu.memref_squeeze %dma_wait3A_440 : memref<1x128xf32, #tpu.memory_space<vmem>> -> memref<128xf32, #tpu.memory_space<vmem>>
      %dma_wait3A_442 = arith.constant 0 : i32
      %dma_wait3A_443 = tpu.memref_slice %arg16[%dma_wait3A_438, %dma_wait3A_442] : memref<16x128xi32, #tpu.memory_space<vmem>> -> memref<1x128xi32, #tpu.memory_space<vmem>>
      %dma_wait3A_444 = tpu.memref_squeeze %dma_wait3A_443 : memref<1x128xi32, #tpu.memory_space<vmem>> -> memref<128xi32, #tpu.memory_space<vmem>>
      %dma_wait3A_445 = arith.constant 0 : i32
      %dma_wait3A_446 = tpu.memref_slice %arg19[%dma_wait3A_445] : memref<800000xf32, #tpu.memory_space<vmem_shared>> -> memref<800000xf32, #tpu.memory_space<vmem_shared>>
      tpu.wait_indirect_dma semaphore(%arg21 : memref<!tpu.dma_semaphore, #tpu.memory_space<semaphore_mem>>) src(%dma_wait3A_441 : memref<128xf32, #tpu.memory_space<vmem>>) dst(%dma_wait3A_446 : memref<800000xf32, #tpu.memory_space<vmem_shared>>)
      %dma_wait3A_447 = arith.constant 2 : i32
      %dma_wait3A_448 = arith.constant 2 : i32
      %dma_wait3A_449 = arith.constant 0 : i32
      %dma_wait3A_450 = tpu.memref_slice %arg17[%dma_wait3A_447, %dma_wait3A_449] : memref<16x128xf32, #tpu.memory_space<vmem>> -> memref<1x128xf32, #tpu.memory_space<vmem>>
      %dma_wait3A_451 = tpu.memref_squeeze %dma_wait3A_450 : memref<1x128xf32, #tpu.memory_space<vmem>> -> memref<128xf32, #tpu.memory_space<vmem>>
      %dma_wait3A_452 = arith.constant 0 : i32
      %dma_wait3A_453 = tpu.memref_slice %arg16[%dma_wait3A_448, %dma_wait3A_452] : memref<16x128xi32, #tpu.memory_space<vmem>> -> memref<1x128xi32, #tpu.memory_space<vmem>>
      %dma_wait3A_454 = tpu.memref_squeeze %dma_wait3A_453 : memref<1x128xi32, #tpu.memory_space<vmem>> -> memref<128xi32, #tpu.memory_space<vmem>>
      %dma_wait3A_455 = arith.constant 0 : i32
      %dma_wait3A_456 = tpu.memref_slice %arg19[%dma_wait3A_455] : memref<800000xf32, #tpu.memory_space<vmem_shared>> -> memref<800000xf32, #tpu.memory_space<vmem_shared>>
      tpu.wait_indirect_dma semaphore(%arg21 : memref<!tpu.dma_semaphore, #tpu.memory_space<semaphore_mem>>) src(%dma_wait3A_451 : memref<128xf32, #tpu.memory_space<vmem>>) dst(%dma_wait3A_456 : memref<800000xf32, #tpu.memory_space<vmem_shared>>)
      %dma_wait3A_457 = arith.constant 3 : i32
      %dma_wait3A_458 = arith.constant 3 : i32
      %dma_wait3A_459 = arith.constant 0 : i32
      %dma_wait3A_460 = tpu.memref_slice %arg17[%dma_wait3A_457, %dma_wait3A_459] : memref<16x128xf32, #tpu.memory_space<vmem>> -> memref<1x128xf32, #tpu.memory_space<vmem>>
      %dma_wait3A_461 = tpu.memref_squeeze %dma_wait3A_460 : memref<1x128xf32, #tpu.memory_space<vmem>> -> memref<128xf32, #tpu.memory_space<vmem>>
      %dma_wait3A_462 = arith.constant 0 : i32
      %dma_wait3A_463 = tpu.memref_slice %arg16[%dma_wait3A_458, %dma_wait3A_462] : memref<16x128xi32, #tpu.memory_space<vmem>> -> memref<1x128xi32, #tpu.memory_space<vmem>>
      %dma_wait3A_464 = tpu.memref_squeeze %dma_wait3A_463 : memref<1x128xi32, #tpu.memory_space<vmem>> -> memref<128xi32, #tpu.memory_space<vmem>>
      %dma_wait3A_465 = arith.constant 0 : i32
      %dma_wait3A_466 = tpu.memref_slice %arg19[%dma_wait3A_465] : memref<800000xf32, #tpu.memory_space<vmem_shared>> -> memref<800000xf32, #tpu.memory_space<vmem_shared>>
      tpu.wait_indirect_dma semaphore(%arg21 : memref<!tpu.dma_semaphore, #tpu.memory_space<semaphore_mem>>) src(%dma_wait3A_461 : memref<128xf32, #tpu.memory_space<vmem>>) dst(%dma_wait3A_466 : memref<800000xf32, #tpu.memory_space<vmem_shared>>)
      %dma_wait3A_467 = arith.constant 4 : i32
      %dma_wait3A_468 = arith.constant 4 : i32
      %dma_wait3A_469 = arith.constant 0 : i32
      %dma_wait3A_470 = tpu.memref_slice %arg17[%dma_wait3A_467, %dma_wait3A_469] : memref<16x128xf32, #tpu.memory_space<vmem>> -> memref<1x128xf32, #tpu.memory_space<vmem>>
      %dma_wait3A_471 = tpu.memref_squeeze %dma_wait3A_470 : memref<1x128xf32, #tpu.memory_space<vmem>> -> memref<128xf32, #tpu.memory_space<vmem>>
      %dma_wait3A_472 = arith.constant 0 : i32
      %dma_wait3A_473 = tpu.memref_slice %arg16[%dma_wait3A_468, %dma_wait3A_472] : memref<16x128xi32, #tpu.memory_space<vmem>> -> memref<1x128xi32, #tpu.memory_space<vmem>>
      %dma_wait3A_474 = tpu.memref_squeeze %dma_wait3A_473 : memref<1x128xi32, #tpu.memory_space<vmem>> -> memref<128xi32, #tpu.memory_space<vmem>>
      %dma_wait3A_475 = arith.constant 0 : i32
      %dma_wait3A_476 = tpu.memref_slice %arg19[%dma_wait3A_475] : memref<800000xf32, #tpu.memory_space<vmem_shared>> -> memref<800000xf32, #tpu.memory_space<vmem_shared>>
      tpu.wait_indirect_dma semaphore(%arg21 : memref<!tpu.dma_semaphore, #tpu.memory_space<semaphore_mem>>) src(%dma_wait3A_471 : memref<128xf32, #tpu.memory_space<vmem>>) dst(%dma_wait3A_476 : memref<800000xf32, #tpu.memory_space<vmem_shared>>)
      %dma_wait3A_477 = arith.constant 5 : i32
      %dma_wait3A_478 = arith.constant 5 : i32
      %dma_wait3A_479 = arith.constant 0 : i32
      %dma_wait3A_480 = tpu.memref_slice %arg17[%dma_wait3A_477, %dma_wait3A_479] : memref<16x128xf32, #tpu.memory_space<vmem>> -> memref<1x128xf32, #tpu.memory_space<vmem>>
      %dma_wait3A_481 = tpu.memref_squeeze %dma_wait3A_480 : memref<1x128xf32, #tpu.memory_space<vmem>> -> memref<128xf32, #tpu.memory_space<vmem>>
      %dma_wait3A_482 = arith.constant 0 : i32
      %dma_wait3A_483 = tpu.memref_slice %arg16[%dma_wait3A_478, %dma_wait3A_482] : memref<16x128xi32, #tpu.memory_space<vmem>> -> memref<1x128xi32, #tpu.memory_space<vmem>>
      %dma_wait3A_484 = tpu.memref_squeeze %dma_wait3A_483 : memref<1x128xi32, #tpu.memory_space<vmem>> -> memref<128xi32, #tpu.memory_space<vmem>>
      %dma_wait3A_485 = arith.constant 0 : i32
      %dma_wait3A_486 = tpu.memref_slice %arg19[%dma_wait3A_485] : memref<800000xf32, #tpu.memory_space<vmem_shared>> -> memref<800000xf32, #tpu.memory_space<vmem_shared>>
      tpu.wait_indirect_dma semaphore(%arg21 : memref<!tpu.dma_semaphore, #tpu.memory_space<semaphore_mem>>) src(%dma_wait3A_481 : memref<128xf32, #tpu.memory_space<vmem>>) dst(%dma_wait3A_486 : memref<800000xf32, #tpu.memory_space<vmem_shared>>)
      %dma_wait3A_487 = arith.constant 6 : i32
      %dma_wait3A_488 = arith.constant 6 : i32
      %dma_wait3A_489 = arith.constant 0 : i32
      %dma_wait3A_490 = tpu.memref_slice %arg17[%dma_wait3A_487, %dma_wait3A_489] : memref<16x128xf32, #tpu.memory_space<vmem>> -> memref<1x128xf32, #tpu.memory_space<vmem>>
      %dma_wait3A_491 = tpu.memref_squeeze %dma_wait3A_490 : memref<1x128xf32, #tpu.memory_space<vmem>> -> memref<128xf32, #tpu.memory_space<vmem>>
      %dma_wait3A_492 = arith.constant 0 : i32
      %dma_wait3A_493 = tpu.memref_slice %arg16[%dma_wait3A_488, %dma_wait3A_492] : memref<16x128xi32, #tpu.memory_space<vmem>> -> memref<1x128xi32, #tpu.memory_space<vmem>>
      %dma_wait3A_494 = tpu.memref_squeeze %dma_wait3A_493 : memref<1x128xi32, #tpu.memory_space<vmem>> -> memref<128xi32, #tpu.memory_space<vmem>>
      %dma_wait3A_495 = arith.constant 0 : i32
      %dma_wait3A_496 = tpu.memref_slice %arg19[%dma_wait3A_495] : memref<800000xf32, #tpu.memory_space<vmem_shared>> -> memref<800000xf32, #tpu.memory_space<vmem_shared>>
      tpu.wait_indirect_dma semaphore(%arg21 : memref<!tpu.dma_semaphore, #tpu.memory_space<semaphore_mem>>) src(%dma_wait3A_491 : memref<128xf32, #tpu.memory_space<vmem>>) dst(%dma_wait3A_496 : memref<800000xf32, #tpu.memory_space<vmem_shared>>)
      %dma_wait3A_497 = arith.constant 7 : i32
      %dma_wait3A_498 = arith.constant 7 : i32
      %dma_wait3A_499 = arith.constant 0 : i32
      %dma_wait3A_500 = tpu.memref_slice %arg17[%dma_wait3A_497, %dma_wait3A_499] : memref<16x128xf32, #tpu.memory_space<vmem>> -> memref<1x128xf32, #tpu.memory_space<vmem>>
      %dma_wait3A_501 = tpu.memref_squeeze %dma_wait3A_500 : memref<1x128xf32, #tpu.memory_space<vmem>> -> memref<128xf32, #tpu.memory_space<vmem>>
      %dma_wait3A_502 = arith.constant 0 : i32
      %dma_wait3A_503 = tpu.memref_slice %arg16[%dma_wait3A_498, %dma_wait3A_502] : memref<16x128xi32, #tpu.memory_space<vmem>> -> memref<1x128xi32, #tpu.memory_space<vmem>>
      %dma_wait3A_504 = tpu.memref_squeeze %dma_wait3A_503 : memref<1x128xi32, #tpu.memory_space<vmem>> -> memref<128xi32, #tpu.memory_space<vmem>>
      %dma_wait3A_505 = arith.constant 0 : i32
      %dma_wait3A_506 = tpu.memref_slice %arg19[%dma_wait3A_505] : memref<800000xf32, #tpu.memory_space<vmem_shared>> -> memref<800000xf32, #tpu.memory_space<vmem_shared>>
      tpu.wait_indirect_dma semaphore(%arg21 : memref<!tpu.dma_semaphore, #tpu.memory_space<semaphore_mem>>) src(%dma_wait3A_501 : memref<128xf32, #tpu.memory_space<vmem>>) dst(%dma_wait3A_506 : memref<800000xf32, #tpu.memory_space<vmem_shared>>)
      %dma_wait3A_507 = arith.constant 8 : i32
      %dma_wait3A_508 = arith.constant 8 : i32
      %dma_wait3A_509 = arith.constant 0 : i32
      %dma_wait3A_510 = tpu.memref_slice %arg17[%dma_wait3A_507, %dma_wait3A_509] : memref<16x128xf32, #tpu.memory_space<vmem>> -> memref<1x128xf32, #tpu.memory_space<vmem>>
      %dma_wait3A_511 = tpu.memref_squeeze %dma_wait3A_510 : memref<1x128xf32, #tpu.memory_space<vmem>> -> memref<128xf32, #tpu.memory_space<vmem>>
      %dma_wait3A_512 = arith.constant 0 : i32
      %dma_wait3A_513 = tpu.memref_slice %arg16[%dma_wait3A_508, %dma_wait3A_512] : memref<16x128xi32, #tpu.memory_space<vmem>> -> memref<1x128xi32, #tpu.memory_space<vmem>>
      %dma_wait3A_514 = tpu.memref_squeeze %dma_wait3A_513 : memref<1x128xi32, #tpu.memory_space<vmem>> -> memref<128xi32, #tpu.memory_space<vmem>>
      %dma_wait3A_515 = arith.constant 0 : i32
      %dma_wait3A_516 = tpu.memref_slice %arg19[%dma_wait3A_515] : memref<800000xf32, #tpu.memory_space<vmem_shared>> -> memref<800000xf32, #tpu.memory_space<vmem_shared>>
      tpu.wait_indirect_dma semaphore(%arg21 : memref<!tpu.dma_semaphore, #tpu.memory_space<semaphore_mem>>) src(%dma_wait3A_511 : memref<128xf32, #tpu.memory_space<vmem>>) dst(%dma_wait3A_516 : memref<800000xf32, #tpu.memory_space<vmem_shared>>)
      %dma_wait3A_517 = arith.constant 9 : i32
      %dma_wait3A_518 = arith.constant 9 : i32
      %dma_wait3A_519 = arith.constant 0 : i32
      %dma_wait3A_520 = tpu.memref_slice %arg17[%dma_wait3A_517, %dma_wait3A_519] : memref<16x128xf32, #tpu.memory_space<vmem>> -> memref<1x128xf32, #tpu.memory_space<vmem>>
      %dma_wait3A_521 = tpu.memref_squeeze %dma_wait3A_520 : memref<1x128xf32, #tpu.memory_space<vmem>> -> memref<128xf32, #tpu.memory_space<vmem>>
      %dma_wait3A_522 = arith.constant 0 : i32
      %dma_wait3A_523 = tpu.memref_slice %arg16[%dma_wait3A_518, %dma_wait3A_522] : memref<16x128xi32, #tpu.memory_space<vmem>> -> memref<1x128xi32, #tpu.memory_space<vmem>>
      %dma_wait3A_524 = tpu.memref_squeeze %dma_wait3A_523 : memref<1x128xi32, #tpu.memory_space<vmem>> -> memref<128xi32, #tpu.memory_space<vmem>>
      %dma_wait3A_525 = arith.constant 0 : i32
      %dma_wait3A_526 = tpu.memref_slice %arg19[%dma_wait3A_525] : memref<800000xf32, #tpu.memory_space<vmem_shared>> -> memref<800000xf32, #tpu.memory_space<vmem_shared>>
      tpu.wait_indirect_dma semaphore(%arg21 : memref<!tpu.dma_semaphore, #tpu.memory_space<semaphore_mem>>) src(%dma_wait3A_521 : memref<128xf32, #tpu.memory_space<vmem>>) dst(%dma_wait3A_526 : memref<800000xf32, #tpu.memory_space<vmem_shared>>)
      %dma_wait3A_527 = arith.constant 10 : i32
      %dma_wait3A_528 = arith.constant 10 : i32
      %dma_wait3A_529 = arith.constant 0 : i32
      %dma_wait3A_530 = tpu.memref_slice %arg17[%dma_wait3A_527, %dma_wait3A_529] : memref<16x128xf32, #tpu.memory_space<vmem>> -> memref<1x128xf32, #tpu.memory_space<vmem>>
      %dma_wait3A_531 = tpu.memref_squeeze %dma_wait3A_530 : memref<1x128xf32, #tpu.memory_space<vmem>> -> memref<128xf32, #tpu.memory_space<vmem>>
      %dma_wait3A_532 = arith.constant 0 : i32
      %dma_wait3A_533 = tpu.memref_slice %arg16[%dma_wait3A_528, %dma_wait3A_532] : memref<16x128xi32, #tpu.memory_space<vmem>> -> memref<1x128xi32, #tpu.memory_space<vmem>>
      %dma_wait3A_534 = tpu.memref_squeeze %dma_wait3A_533 : memref<1x128xi32, #tpu.memory_space<vmem>> -> memref<128xi32, #tpu.memory_space<vmem>>
      %dma_wait3A_535 = arith.constant 0 : i32
      %dma_wait3A_536 = tpu.memref_slice %arg19[%dma_wait3A_535] : memref<800000xf32, #tpu.memory_space<vmem_shared>> -> memref<800000xf32, #tpu.memory_space<vmem_shared>>
      tpu.wait_indirect_dma semaphore(%arg21 : memref<!tpu.dma_semaphore, #tpu.memory_space<semaphore_mem>>) src(%dma_wait3A_531 : memref<128xf32, #tpu.memory_space<vmem>>) dst(%dma_wait3A_536 : memref<800000xf32, #tpu.memory_space<vmem_shared>>)
      %dma_wait3A_537 = arith.constant 11 : i32
      %dma_wait3A_538 = arith.constant 11 : i32
      %dma_wait3A_539 = arith.constant 0 : i32
      %dma_wait3A_540 = tpu.memref_slice %arg17[%dma_wait3A_537, %dma_wait3A_539] : memref<16x128xf32, #tpu.memory_space<vmem>> -> memref<1x128xf32, #tpu.memory_space<vmem>>
      %dma_wait3A_541 = tpu.memref_squeeze %dma_wait3A_540 : memref<1x128xf32, #tpu.memory_space<vmem>> -> memref<128xf32, #tpu.memory_space<vmem>>
      %dma_wait3A_542 = arith.constant 0 : i32
      %dma_wait3A_543 = tpu.memref_slice %arg16[%dma_wait3A_538, %dma_wait3A_542] : memref<16x128xi32, #tpu.memory_space<vmem>> -> memref<1x128xi32, #tpu.memory_space<vmem>>
      %dma_wait3A_544 = tpu.memref_squeeze %dma_wait3A_543 : memref<1x128xi32, #tpu.memory_space<vmem>> -> memref<128xi32, #tpu.memory_space<vmem>>
      %dma_wait3A_545 = arith.constant 0 : i32
      %dma_wait3A_546 = tpu.memref_slice %arg19[%dma_wait3A_545] : memref<800000xf32, #tpu.memory_space<vmem_shared>> -> memref<800000xf32, #tpu.memory_space<vmem_shared>>
      tpu.wait_indirect_dma semaphore(%arg21 : memref<!tpu.dma_semaphore, #tpu.memory_space<semaphore_mem>>) src(%dma_wait3A_541 : memref<128xf32, #tpu.memory_space<vmem>>) dst(%dma_wait3A_546 : memref<800000xf32, #tpu.memory_space<vmem_shared>>)
      %dma_wait3A_547 = arith.constant 12 : i32
      %dma_wait3A_548 = arith.constant 12 : i32
      %dma_wait3A_549 = arith.constant 0 : i32
      %dma_wait3A_550 = tpu.memref_slice %arg17[%dma_wait3A_547, %dma_wait3A_549] : memref<16x128xf32, #tpu.memory_space<vmem>> -> memref<1x128xf32, #tpu.memory_space<vmem>>
      %dma_wait3A_551 = tpu.memref_squeeze %dma_wait3A_550 : memref<1x128xf32, #tpu.memory_space<vmem>> -> memref<128xf32, #tpu.memory_space<vmem>>
      %dma_wait3A_552 = arith.constant 0 : i32
      %dma_wait3A_553 = tpu.memref_slice %arg16[%dma_wait3A_548, %dma_wait3A_552] : memref<16x128xi32, #tpu.memory_space<vmem>> -> memref<1x128xi32, #tpu.memory_space<vmem>>
      %dma_wait3A_554 = tpu.memref_squeeze %dma_wait3A_553 : memref<1x128xi32, #tpu.memory_space<vmem>> -> memref<128xi32, #tpu.memory_space<vmem>>
      %dma_wait3A_555 = arith.constant 0 : i32
      %dma_wait3A_556 = tpu.memref_slice %arg19[%dma_wait3A_555] : memref<800000xf32, #tpu.memory_space<vmem_shared>> -> memref<800000xf32, #tpu.memory_space<vmem_shared>>
      tpu.wait_indirect_dma semaphore(%arg21 : memref<!tpu.dma_semaphore, #tpu.memory_space<semaphore_mem>>) src(%dma_wait3A_551 : memref<128xf32, #tpu.memory_space<vmem>>) dst(%dma_wait3A_556 : memref<800000xf32, #tpu.memory_space<vmem_shared>>)
      %dma_wait3A_557 = arith.constant 13 : i32
      %dma_wait3A_558 = arith.constant 13 : i32
      %dma_wait3A_559 = arith.constant 0 : i32
      %dma_wait3A_560 = tpu.memref_slice %arg17[%dma_wait3A_557, %dma_wait3A_559] : memref<16x128xf32, #tpu.memory_space<vmem>> -> memref<1x128xf32, #tpu.memory_space<vmem>>
      %dma_wait3A_561 = tpu.memref_squeeze %dma_wait3A_560 : memref<1x128xf32, #tpu.memory_space<vmem>> -> memref<128xf32, #tpu.memory_space<vmem>>
      %dma_wait3A_562 = arith.constant 0 : i32
      %dma_wait3A_563 = tpu.memref_slice %arg16[%dma_wait3A_558, %dma_wait3A_562] : memref<16x128xi32, #tpu.memory_space<vmem>> -> memref<1x128xi32, #tpu.memory_space<vmem>>
      %dma_wait3A_564 = tpu.memref_squeeze %dma_wait3A_563 : memref<1x128xi32, #tpu.memory_space<vmem>> -> memref<128xi32, #tpu.memory_space<vmem>>
      %dma_wait3A_565 = arith.constant 0 : i32
      %dma_wait3A_566 = tpu.memref_slice %arg19[%dma_wait3A_565] : memref<800000xf32, #tpu.memory_space<vmem_shared>> -> memref<800000xf32, #tpu.memory_space<vmem_shared>>
      tpu.wait_indirect_dma semaphore(%arg21 : memref<!tpu.dma_semaphore, #tpu.memory_space<semaphore_mem>>) src(%dma_wait3A_561 : memref<128xf32, #tpu.memory_space<vmem>>) dst(%dma_wait3A_566 : memref<800000xf32, #tpu.memory_space<vmem_shared>>)
      %dma_wait3A_567 = arith.constant 14 : i32
      %dma_wait3A_568 = arith.constant 14 : i32
      %dma_wait3A_569 = arith.constant 0 : i32
      %dma_wait3A_570 = tpu.memref_slice %arg17[%dma_wait3A_567, %dma_wait3A_569] : memref<16x128xf32, #tpu.memory_space<vmem>> -> memref<1x128xf32, #tpu.memory_space<vmem>>
      %dma_wait3A_571 = tpu.memref_squeeze %dma_wait3A_570 : memref<1x128xf32, #tpu.memory_space<vmem>> -> memref<128xf32, #tpu.memory_space<vmem>>
      %dma_wait3A_572 = arith.constant 0 : i32
      %dma_wait3A_573 = tpu.memref_slice %arg16[%dma_wait3A_568, %dma_wait3A_572] : memref<16x128xi32, #tpu.memory_space<vmem>> -> memref<1x128xi32, #tpu.memory_space<vmem>>
      %dma_wait3A_574 = tpu.memref_squeeze %dma_wait3A_573 : memref<1x128xi32, #tpu.memory_space<vmem>> -> memref<128xi32, #tpu.memory_space<vmem>>
      %dma_wait3A_575 = arith.constant 0 : i32
      %dma_wait3A_576 = tpu.memref_slice %arg19[%dma_wait3A_575] : memref<800000xf32, #tpu.memory_space<vmem_shared>> -> memref<800000xf32, #tpu.memory_space<vmem_shared>>
      tpu.wait_indirect_dma semaphore(%arg21 : memref<!tpu.dma_semaphore, #tpu.memory_space<semaphore_mem>>) src(%dma_wait3A_571 : memref<128xf32, #tpu.memory_space<vmem>>) dst(%dma_wait3A_576 : memref<800000xf32, #tpu.memory_space<vmem_shared>>)
      %dma_wait3A_577 = arith.constant 15 : i32
      %dma_wait3A_578 = arith.constant 15 : i32
      %dma_wait3A_579 = arith.constant 0 : i32
      %dma_wait3A_580 = tpu.memref_slice %arg17[%dma_wait3A_577, %dma_wait3A_579] : memref<16x128xf32, #tpu.memory_space<vmem>> -> memref<1x128xf32, #tpu.memory_space<vmem>>
      %dma_wait3A_581 = tpu.memref_squeeze %dma_wait3A_580 : memref<1x128xf32, #tpu.memory_space<vmem>> -> memref<128xf32, #tpu.memory_space<vmem>>
      %dma_wait3A_582 = arith.constant 0 : i32
      %dma_wait3A_583 = tpu.memref_slice %arg16[%dma_wait3A_578, %dma_wait3A_582] : memref<16x128xi32, #tpu.memory_space<vmem>> -> memref<1x128xi32, #tpu.memory_space<vmem>>
      %dma_wait3A_584 = tpu.memref_squeeze %dma_wait3A_583 : memref<1x128xi32, #tpu.memory_space<vmem>> -> memref<128xi32, #tpu.memory_space<vmem>>
      %dma_wait3A_585 = arith.constant 0 : i32
      %dma_wait3A_586 = tpu.memref_slice %arg19[%dma_wait3A_585] : memref<800000xf32, #tpu.memory_space<vmem_shared>> -> memref<800000xf32, #tpu.memory_space<vmem_shared>>
      tpu.wait_indirect_dma semaphore(%arg21 : memref<!tpu.dma_semaphore, #tpu.memory_space<semaphore_mem>>) src(%dma_wait3A_581 : memref<128xf32, #tpu.memory_space<vmem>>) dst(%dma_wait3A_586 : memref<800000xf32, #tpu.memory_space<vmem_shared>>)
      %dma_wait3A_587 = tpu.memref_slice %arg6[%add3A_88] : memref<1600000xf32, #tpu.memory_space<hbm>> -> memref<2000xf32, #tpu.memory_space<hbm>>
      %dma_wait3A_588 = tpu.memref_slice %arg6[%add3A_88] : memref<1600000xf32, #tpu.memory_space<hbm>> -> memref<2000xf32, #tpu.memory_space<hbm>>
      tpu.wait_dma2 semaphore(%arg22 : memref<!tpu.dma_semaphore, #tpu.memory_space<semaphore_mem>>) src(%arg13 : memref<2000xf32, #tpu.memory_space<vmem>>) dst(%dma_wait3A_588 : memref<2000xf32, #tpu.memory_space<hbm>>)
      %dma_wait3A_589 = tpu.memref_slice %arg7[%add3A_88] : memref<1600000xf32, #tpu.memory_space<hbm>> -> memref<2000xf32, #tpu.memory_space<hbm>>
      %dma_wait3A_590 = tpu.memref_slice %arg7[%add3A_88] : memref<1600000xf32, #tpu.memory_space<hbm>> -> memref<2000xf32, #tpu.memory_space<hbm>>
      tpu.wait_dma2 semaphore(%arg22 : memref<!tpu.dma_semaphore, #tpu.memory_space<semaphore_mem>>) src(%arg14 : memref<2000xf32, #tpu.memory_space<vmem>>) dst(%dma_wait3A_590 : memref<2000xf32, #tpu.memory_space<hbm>>)
      %dma_wait3A_591 = tpu.memref_slice %arg8[%add3A_88] : memref<1600000xf32, #tpu.memory_space<hbm>> -> memref<2000xf32, #tpu.memory_space<hbm>>
      %dma_wait3A_592 = tpu.memref_slice %arg8[%add3A_88] : memref<1600000xf32, #tpu.memory_space<hbm>> -> memref<2000xf32, #tpu.memory_space<hbm>>
      tpu.wait_dma2 semaphore(%arg22 : memref<!tpu.dma_semaphore, #tpu.memory_space<semaphore_mem>>) src(%arg15 : memref<2000xf32, #tpu.memory_space<vmem>>) dst(%dma_wait3A_592 : memref<2000xf32, #tpu.memory_space<hbm>>)
      %scan3A_593 = arith.constant 0 : i32
      scf.yield %scan3A_593 : i32
    }
    %scan3A_74 = arith.constant 25 : i32
    %barrier3A_75 = arith.constant 0 : index
    tpu.barrier barrier_id(%barrier3A_75)
    %mul3A_76 = arith.constant 50000 : i32
    %mul3A_77 = arith.muli %arg1, %mul3A_76 : i32
    %mul3A_78 = arith.constant 50000 : i32
    %mul3A_79 = arith.muli %arg1, %mul3A_78 : i32
    "tpu.region"() ({
      %run_scoped3A = tpu.sem_alloc : memref<!tpu.dma_semaphore, #tpu.memory_space<semaphore_mem>>
      %dma_start3A_80 = tpu.memref_slice %arg9[%arg0, %mul3A_79] : memref<2x800000xf32, #tpu.memory_space<hbm>> -> memref<1x50000xf32, #tpu.memory_space<hbm>>
      %dma_start3A_81 = tpu.memref_squeeze %dma_start3A_80 : memref<1x50000xf32, #tpu.memory_space<hbm>> -> memref<50000xf32, #tpu.memory_space<hbm>>
      %dma_start3A_82 = tpu.memref_slice %arg19[%mul3A_77] : memref<800000xf32, #tpu.memory_space<vmem_shared>> -> memref<50000xf32, #tpu.memory_space<vmem_shared>>
      tpu.enqueue_dma source(%dma_start3A_82 : memref<50000xf32, #tpu.memory_space<vmem_shared>>) target(%dma_start3A_81 : memref<50000xf32, #tpu.memory_space<hbm>>) target_semaphore(%run_scoped3A : memref<!tpu.dma_semaphore, #tpu.memory_space<semaphore_mem>>)
      %dma_wait3A = tpu.memref_slice %arg9[%arg0, %mul3A_79] : memref<2x800000xf32, #tpu.memory_space<hbm>> -> memref<1x50000xf32, #tpu.memory_space<hbm>>
      %dma_wait3A_83 = tpu.memref_squeeze %dma_wait3A : memref<1x50000xf32, #tpu.memory_space<hbm>> -> memref<50000xf32, #tpu.memory_space<hbm>>
      %dma_wait3A_84 = tpu.memref_slice %arg19[%mul3A_77] : memref<800000xf32, #tpu.memory_space<vmem_shared>> -> memref<50000xf32, #tpu.memory_space<vmem_shared>>
      tpu.wait_dma2 semaphore(%run_scoped3A : memref<!tpu.dma_semaphore, #tpu.memory_space<semaphore_mem>>) src(%dma_wait3A_84 : memref<50000xf32, #tpu.memory_space<vmem_shared>>) dst(%dma_wait3A_83 : memref<50000xf32, #tpu.memory_space<hbm>>)
      tpu.yield
    }) : () -> ()
    return
  }
}

#map = affine_map<(d0, d1) -> (0)>
#map1 = affine_map<(d0, d1) -> (0, 0)>
module attributes {stable_mosaic.version = 14 : i64} {
  func.func @k(%arg0: i32, %arg1: i32, %arg2: memref<1600000xi32, #tpu.memory_space<hbm>>, %arg3: memref<50000xi32, #tpu.memory_space<hbm>>, %arg4: memref<32x32xi32, #tpu.memory_space<hbm>>, %arg5: memref<50000xi32, #tpu.memory_space<vmem>>, %arg6: memref<1568xi32, #tpu.memory_space<vmem>>, %arg7: memref<32xi32, #tpu.memory_space<vmem>>, %arg8: memref<!tpu.dma_semaphore, #tpu.memory_space<semaphore_mem>>, %arg9: memref<!tpu.dma_semaphore, #tpu.memory_space<semaphore_mem>>) attributes {dimension_semantics = [#tpu.dimension_semantics<core_parallel>, #tpu.dimension_semantics<subcore_parallel>], iteration_bounds = array<i64: 2, 16>, scalar_prefetch = 0 : i64, scratch_operands = 5 : i64, tpu.core_type = #tpu.core_type<sc_vector_subcore>, window_params = [{transform_indices = #map}, {transform_indices = #map}, {transform_indices = #map1}]} {
    %mul3A = arith.constant 16 : i32
    %mul3A_0 = arith.muli %arg0, %mul3A : i32
    %add3A = arith.addi %mul3A_0, %arg1 : i32
    %broadcast_in_dim3A = arith.constant 0 : i32
    %broadcast_in_dim3A_1 = vector.broadcast %broadcast_in_dim3A : i32 to vector<16xi32>
    %mul3A_2 = arith.constant 50000 : i32
    %mul3A_3 = arith.muli %add3A, %mul3A_2 : i32
    %dma_start3A = tpu.memref_slice %arg2[%mul3A_3] : memref<1600000xi32, #tpu.memory_space<hbm>> -> memref<50000xi32, #tpu.memory_space<hbm>>
    %dma_start3A_4 = tpu.memref_slice %arg2[%mul3A_3] : memref<1600000xi32, #tpu.memory_space<hbm>> -> memref<50000xi32, #tpu.memory_space<hbm>>
    tpu.enqueue_dma source(%dma_start3A_4 : memref<50000xi32, #tpu.memory_space<hbm>>) target(%arg5 : memref<50000xi32, #tpu.memory_space<vmem>>) target_semaphore(%arg8 : memref<!tpu.dma_semaphore, #tpu.memory_space<semaphore_mem>>)
    %mul3A_5 = arith.constant 1568 : i32
    %mul3A_6 = arith.muli %add3A, %mul3A_5 : i32
    %min3A = arith.constant 48432 : i32
    %min3A_7 = arith.minsi %mul3A_6, %min3A : i32
    %dma_start3A_8 = tpu.memref_slice %arg3[%min3A_7] : memref<50000xi32, #tpu.memory_space<hbm>> -> memref<1568xi32, #tpu.memory_space<hbm>>
    %dma_start3A_9 = tpu.memref_slice %arg3[%min3A_7] : memref<50000xi32, #tpu.memory_space<hbm>> -> memref<1568xi32, #tpu.memory_space<hbm>>
    tpu.enqueue_dma source(%dma_start3A_9 : memref<1568xi32, #tpu.memory_space<hbm>>) target(%arg6 : memref<1568xi32, #tpu.memory_space<vmem>>) target_semaphore(%arg9 : memref<!tpu.dma_semaphore, #tpu.memory_space<semaphore_mem>>)
    %dma_wait3A = tpu.memref_slice %arg3[%min3A_7] : memref<50000xi32, #tpu.memory_space<hbm>> -> memref<1568xi32, #tpu.memory_space<hbm>>
    %dma_wait3A_10 = tpu.memref_slice %arg3[%min3A_7] : memref<50000xi32, #tpu.memory_space<hbm>> -> memref<1568xi32, #tpu.memory_space<hbm>>
    tpu.wait_dma2 semaphore(%arg9 : memref<!tpu.dma_semaphore, #tpu.memory_space<semaphore_mem>>) src(%dma_wait3A_10 : memref<1568xi32, #tpu.memory_space<hbm>>) dst(%arg6 : memref<1568xi32, #tpu.memory_space<vmem>>)
    %scan3A = arith.constant 0 : i32
    %scan3A_11 = arith.constant 98 : i32
    %scan3A_12 = arith.addi %scan3A, %scan3A_11 : i32
    %scan3A_13 = arith.constant 1 : i32
    %scan3A_14 = scf.for %scan3A_27 = %scan3A to %scan3A_12 step %scan3A_13 iter_args(%scan3A_28 = %broadcast_in_dim3A_1) -> (vector<16xi32>)  : i32 {
      %mul3A_29 = arith.constant 16 : i32
      %mul3A_30 = arith.muli %scan3A_27, %mul3A_29 : i32
      %get3A = arith.index_cast %mul3A_30 : i32 to index
      %get3A_31 = tpu.vector_load %arg6[%get3A] {strides = array<i32>} : memref<1568xi32, #tpu.memory_space<vmem>>, vector<16xi32>,
      %max3A = arith.maxsi %scan3A_28, %get3A_31 : vector<16xi32>
      scf.yield %max3A : vector<16xi32>
    }
    %scan3A_15 = arith.constant 98 : i32
    %dma_wait3A_16 = tpu.memref_slice %arg2[%mul3A_3] : memref<1600000xi32, #tpu.memory_space<hbm>> -> memref<50000xi32, #tpu.memory_space<hbm>>
    %dma_wait3A_17 = tpu.memref_slice %arg2[%mul3A_3] : memref<1600000xi32, #tpu.memory_space<hbm>> -> memref<50000xi32, #tpu.memory_space<hbm>>
    tpu.wait_dma2 semaphore(%arg8 : memref<!tpu.dma_semaphore, #tpu.memory_space<semaphore_mem>>) src(%dma_wait3A_17 : memref<50000xi32, #tpu.memory_space<hbm>>) dst(%arg5 : memref<50000xi32, #tpu.memory_space<vmem>>)
    %scan3A_18 = arith.constant 0 : i32
    %scan3A_19 = arith.constant 3125 : i32
    %scan3A_20 = arith.addi %scan3A_18, %scan3A_19 : i32
    %scan3A_21 = arith.constant 1 : i32
    %scan3A_22 = scf.for %scan3A_27 = %scan3A_18 to %scan3A_20 step %scan3A_21 iter_args(%scan3A_28 = %broadcast_in_dim3A_1) -> (vector<16xi32>)  : i32 {
      %mul3A_29 = arith.constant 16 : i32
      %mul3A_30 = arith.muli %scan3A_27, %mul3A_29 : i32
      %get3A = arith.index_cast %mul3A_30 : i32 to index
      %get3A_31 = tpu.vector_load %arg5[%get3A] {strides = array<i32>} : memref<50000xi32, #tpu.memory_space<vmem>>, vector<16xi32>,
      %max3A = arith.maxsi %scan3A_28, %get3A_31 : vector<16xi32>
      scf.yield %max3A : vector<16xi32>
    }
    %scan3A_23 = arith.constant 3125 : i32
    %swap3A = arith.constant 0 : index
    %swap3A_24 = tpu.vector_load %arg7[%swap3A] {strides = array<i32>} : memref<32xi32, #tpu.memory_space<vmem>>, vector<16xi32>,
    tpu.vector_store %arg7[%swap3A], %scan3A_22 {strides = array<i32>} : memref<32xi32, #tpu.memory_space<vmem>>, vector<16xi32>,
    %swap3A_25 = arith.constant 16 : index
    %swap3A_26 = tpu.vector_load %arg7[%swap3A_25] {strides = array<i32>} : memref<32xi32, #tpu.memory_space<vmem>>, vector<16xi32>,
    tpu.vector_store %arg7[%swap3A_25], %scan3A_14 {strides = array<i32>} : memref<32xi32, #tpu.memory_space<vmem>>, vector<16xi32>,
    "tpu.region"() ({
      %run_scoped3A = tpu.sem_alloc : memref<!tpu.dma_semaphore, #tpu.memory_space<semaphore_mem>>
      %dma_start3A_27 = arith.constant 0 : i32
      %dma_start3A_28 = tpu.memref_slice %arg4[%add3A, %dma_start3A_27] : memref<32x32xi32, #tpu.memory_space<hbm>> -> memref<1x32xi32, #tpu.memory_space<hbm>>
      %dma_start3A_29 = tpu.memref_squeeze %dma_start3A_28 : memref<1x32xi32, #tpu.memory_space<hbm>> -> memref<32xi32, #tpu.memory_space<hbm>>
      %dma_start3A_30 = arith.constant 0 : i32
      %dma_start3A_31 = tpu.memref_slice %arg4[%add3A, %dma_start3A_30] : memref<32x32xi32, #tpu.memory_space<hbm>> -> memref<1x32xi32, #tpu.memory_space<hbm>>
      %dma_start3A_32 = tpu.memref_squeeze %dma_start3A_31 : memref<1x32xi32, #tpu.memory_space<hbm>> -> memref<32xi32, #tpu.memory_space<hbm>>
      tpu.enqueue_dma source(%arg7 : memref<32xi32, #tpu.memory_space<vmem>>) target(%dma_start3A_32 : memref<32xi32, #tpu.memory_space<hbm>>) target_semaphore(%run_scoped3A : memref<!tpu.dma_semaphore, #tpu.memory_space<semaphore_mem>>)
      %dma_wait3A_33 = arith.constant 0 : i32
      %dma_wait3A_34 = tpu.memref_slice %arg4[%add3A, %dma_wait3A_33] : memref<32x32xi32, #tpu.memory_space<hbm>> -> memref<1x32xi32, #tpu.memory_space<hbm>>
      %dma_wait3A_35 = tpu.memref_squeeze %dma_wait3A_34 : memref<1x32xi32, #tpu.memory_space<hbm>> -> memref<32xi32, #tpu.memory_space<hbm>>
      %dma_wait3A_36 = arith.constant 0 : i32
      %dma_wait3A_37 = tpu.memref_slice %arg4[%add3A, %dma_wait3A_36] : memref<32x32xi32, #tpu.memory_space<hbm>> -> memref<1x32xi32, #tpu.memory_space<hbm>>
      %dma_wait3A_38 = tpu.memref_squeeze %dma_wait3A_37 : memref<1x32xi32, #tpu.memory_space<hbm>> -> memref<32xi32, #tpu.memory_space<hbm>>
      tpu.wait_dma2 semaphore(%run_scoped3A : memref<!tpu.dma_semaphore, #tpu.memory_space<semaphore_mem>>) src(%arg7 : memref<32xi32, #tpu.memory_space<vmem>>) dst(%dma_wait3A_38 : memref<32xi32, #tpu.memory_space<hbm>>)
      tpu.yield
    }) : () -> ()
    return
  }
}

module attributes {stable_mosaic.version = 14 : i64} {
  func.func @body(%arg0: i32, %arg1: memref<400x1xi32, #tpu.memory_space<vmem>>, %arg2: memref<2x400x16xf32, #tpu.memory_space<vmem>>, %arg3: memref<400x144xf32, #tpu.memory_space<vmem>>) attributes {dimension_semantics = [#tpu.dimension_semantics<arbitrary>], iteration_bounds = array<i64: 125>, scalar_prefetch = 0 : i64, scratch_operands = 0 : i64, tpu.core_type = #tpu.core_type<tc>, window_params = [{transform_indices = @transform_0, window_bounds = array<i64: 400, 1>}, {transform_indices = @transform_1, window_bounds = array<i64: 2, 400, 16>}, {transform_indices = @transform_2, window_bounds = array<i64: 400, 144>}]} {
    %get3A = arith.constant 0 : index
    %get3A_0 = arith.constant 0 : index
    %get3A_1 = vector.load %arg1[%get3A, %get3A_0] : memref<400x1xi32, #tpu.memory_space<vmem>>, vector<400x1xi32>
    %iota3A = tpu.iota {dimensions = array<i32: 1>} : vector<400x128xi32>
    %eq3A = vector.broadcast %get3A_1 : vector<400x1xi32> to vector<400x128xi32>
    %eq3A_2 = arith.cmpi eq, %iota3A, %eq3A : vector<400x128xi32>
    %jit3A = arith.constant 1.000000e+00 : f32
    %jit3A_3 = arith.constant 0.000000e+00 : f32
    %broadcast_in_dim3A = vector.broadcast %jit3A : f32 to vector<400x128xf32>
    %broadcast_in_dim3A_4 = vector.broadcast %jit3A_3 : f32 to vector<400x128xf32>
    %select_n3A = arith.select %eq3A_2, %broadcast_in_dim3A, %broadcast_in_dim3A_4 : vector<400x128xi1>, vector<400x128xf32>
    %get3A_5 = arith.constant 0 : index
    %get3A_6 = arith.constant 0 : index
    %get3A_7 = arith.constant 0 : index
    %get3A_8 = vector.load %arg2[%get3A_5, %get3A_6, %get3A_7] : memref<2x400x16xf32, #tpu.memory_space<vmem>>, vector<1x400x16xf32>
    %get3A_9 = vector.shape_cast %get3A_8 : vector<1x400x16xf32> to vector<400x16xf32>
    %get3A_10 = arith.constant 1 : index
    %get3A_11 = arith.constant 0 : index
    %get3A_12 = arith.constant 0 : index
    %get3A_13 = vector.load %arg2[%get3A_10, %get3A_11, %get3A_12] : memref<2x400x16xf32, #tpu.memory_space<vmem>>, vector<1x400x16xf32>
    %get3A_14 = vector.shape_cast %get3A_13 : vector<1x400x16xf32> to vector<400x16xf32>
    %add3A = arith.addf %get3A_9, %get3A_14 : vector<400x16xf32>
    %reduce_sum3A = arith.constant dense<0.000000e+00> : vector<400xf32>
    %reduce_sum3A_15 = vector.multi_reduction <add>, %add3A, %reduce_sum3A [1] : vector<400x16xf32> to vector<400xf32>
    %broadcast_in_dim3A_16 = vector.shape_cast %reduce_sum3A_15 : vector<400xf32> to vector<400x1xf32>
    %max3A = arith.constant 1.000000e+00 : f32
    %max3A_17 = vector.broadcast %max3A : f32 to vector<400x1xf32>
    %max3A_18 = arith.maximumf %broadcast_in_dim3A_16, %max3A_17 : vector<400x1xf32>
    %div3A = vector.broadcast %max3A_18 : vector<400x1xf32> to vector<400x16xf32>
    %div3A_19 = arith.divf %add3A, %div3A : vector<400x16xf32>
    %swap3A = arith.constant 0 : index
    %swap3A_20 = arith.constant 0 : index
    %swap3A_21 = vector.load %arg3[%swap3A, %swap3A_20] : memref<400x144xf32, #tpu.memory_space<vmem>>, vector<400x128xf32>
    tpu.vector_store %arg3[%swap3A, %swap3A_20], %select_n3A {strides = array<i32>} : memref<400x144xf32, #tpu.memory_space<vmem>>, vector<400x128xf32>,
    %swap3A_22 = arith.constant 0 : index
    %swap3A_23 = arith.constant 128 : index
    %swap3A_24 = vector.load %arg3[%swap3A_22, %swap3A_23] : memref<400x144xf32, #tpu.memory_space<vmem>>, vector<400x16xf32>
    tpu.vector_store %arg3[%swap3A_22, %swap3A_23], %div3A_19 {strides = array<i32>} : memref<400x144xf32, #tpu.memory_space<vmem>>, vector<400x16xf32>,
    return
  }
  func.func @transform_0(%arg0: i32) -> (i32, i32) {
    %c0_i32 = arith.constant 0 : i32
    %c0_i32_0 = arith.constant 0 : i32
    return %arg0, %c0_i32 : i32, i32
  }
  func.func @transform_1(%arg0: i32) -> (i32, i32, i32) {
    %c0_i32 = arith.constant 0 : i32
    %c0_i32_0 = arith.constant 0 : i32
    %c0_i32_1 = arith.constant 0 : i32
    return %c0_i32, %arg0, %c0_i32_0 : i32, i32, i32
  }
  func.func @transform_2(%arg0: i32) -> (i32, i32) {
    %c0_i32 = arith.constant 0 : i32
    %c0_i32_0 = arith.constant 0 : i32
    return %arg0, %c0_i32 : i32, i32
  }
}

</mosaic_0001>

<sc_bundles>
// kernel: kernel.5.cloned.1.call-start
scs
__scs_entry_jumppad:
0x0: {  	(pc) =	sbr.rel $0x88, $3  }
0x1: {  	(tag) =	ssettag $0x0;
	lr =	simm.s32 $0x1  }
0x2: {  	[smem:$0x3F9E] =	sst lr;
	_ =	strace $0xD0000000  }
0x3: {  	_ = 	snop  }
0x4: {  	_ = 	snop  }
0x5: {  	_ = 	snop  }
0x6: {  	_ = 	snop  }
0x7: {  	_ = 	snop  }
__scs_overlays_trampoline_lowered:
0x8: {  	[smem:$0x3FAD] =	sst s0  }
0x9: {  	[smem:$0x3FAE] =	sst s1  }
0xa: {  	[smem:$0x3FAF] =	sst s2  }
0xb: {  	[smem:$0x3FB0] =	sst s3  }
0xc: {  	[smem:$0x3FB1] =	sst s4  }
0xd: {  	[smem:$0x3FB2] =	sst s5  }
0xe: {  	[smem:$0x3FB3] =	sst s6  }
0xf: {  	[smem:$0x3FB4] =	sst s7  }
0x10: {  	[smem:$0x3FB5] =	sst s8  }
0x11: {  	[smem:$0x3FB6] =	sst s9;
	s0 =	simm.s32 @!p0 $0x0  }
0x12: {  	s1 =	sld [smem:$0x3F9C];
	s0 =	simm.s32 @p0 $0x1  }
0x13: {  	[smem:$0x3FB7] =	sst s0;
	s0 =	simm.s32 @!p1 $0x0  }
0x14: {  	s2 =	sld [smem:$0x3F9B];
	s0 =	simm.s32 @p1 $0x1  }
0x15: {  	[smem:$0x3FB8] =	sst s0;
	s0 =	simm.s32 @!p2 $0x0  }
0x16: {  	s3 =	sld [smem:$0x3FDB];
	s0 =	simm.s32 @p2 $0x1  }
0x17: {  	s4 =	simm.s32 $0x1BF5;
	[smem:$0x3FBA] =	sst s0  }
0x18: {  	s0 =	sld [smem:$0x3F9D];
	_ =	swait.ge [sflag:s4], $0x0  }
0x19: {  	s7 =	sld [smem:$0x3F9E]  }
0x1a: {  	s8 =	sadd.s32 $0xFFFFE003, lr  }
0x1b: {  	s9 =	sadd.s32 $0xFFFFFEF7, lr;
	s5 =	simm.s32 $0xFFFFFFFF;
	p2 =	slt.u32 s8, $0xFFFFF086  }
0x1c: {  	p1 =	slt.u32 s9, $0xF7A;
	s5 =	simm.s32 @!p2 $0x0  }
0x1d: {  	s5 =	simm.s32 @p1 $0x1;
	p0 =	seq.s32 s7, s2  }
0x1e: {  	s7 =	smul.u32 @!p0 $0xF7A, s2;
	p2 =	seq.s32 @!p0 s5, $0x0  }
0x1f: {  	s9 =	smul.u32 $0xF7A, s1;
	s8 =	simm.s32 @!p0 $0x1BF5;
	p2 =	por !p2, p0  }
0x20: {  	[sflag:s8] =	ssyncset.s32 @!p0 $0xFFFFF086;
	s6 =	sadd.s32 @!p0 s3, s7;
	s7 =	simm.s32 @!p0 $0x108  }
0x21: {  	s3 =	sadd.s32 s3, s9;
	s6 =	sadd.s32 @!p0 $0x88, s6;
	s7 =	simm.s32 @p2 $0x1082  }
0x22: {  	[simem:s7], [sflag:s8] =	dma.local @!p0 [hbm:s6], $0xF7A  }
0x23: {  	s9 =	sor.u32 $0xD0000000, s2;
	s6 =	simm.s32 $0x108;
	_ =	swait.ge @!p0 [sflag:s8], $0x0  }
0x24: {  	s3 =	sadd.s32 $0x88, s3;
	s6 =	simm.s32 @!p1 $0x1082;
	[sflag:s4] =	ssyncset.s32 $0xFFFFF086  }
0x25: {  	[simem:s6], [sflag:s4] =	dma.local [hbm:s3], $0xF7A  }
0x26: {  	[smem:$0x3F9E] =	sst s1;
	(tag) =	ssettag s2;
	_ =	strace s9  }
0x27: {  	s1 =	sld [smem:$0x3FAE]  }
0x28: {  	s2 =	sld [smem:$0x3FAF]  }
0x29: {  	s4 =	sld [smem:$0x3FB1]  }
0x2a: {  	p0 =	seq.s32 s5, $0x0;
	s5 =	sld [smem:$0x3FB2]  }
0x2b: {  	s6 =	sld [smem:$0x3FB3]  }
0x2c: {  	s7 =	sld [smem:$0x3FB4]  }
0x2d: {  	s3 =	simm.s32 $0x108;
	s8 =	sld [smem:$0x3FB5]  }
0x2e: {  	s3 =	simm.s32 @!p0 $0x1082;
	s9 =	sld [smem:$0x3FB6]  }
0x2f: {  	lr =	sadd.s32 s0, s3;
	s0 =	sld [smem:$0x3FAD]  }
0x30: {  	s3 =	sld [smem:$0x3FB0]  }
0x31: {  	[smem:$0x3FB9] =	sst s10  }
0x32: {  	s10 =	sld [smem:$0x3FB7];
	_ =	sdelay $0x3  }
0x33: {  	p0 =	seq.s32 s10, $0x1;
	s10 =	sld [smem:$0x3FB9];
	_ =	sdelay $0x3  }
0x34: {  	[smem:$0x3FB9] =	sst s10  }
0x35: {  	s10 =	sld [smem:$0x3FB8];
	_ =	sdelay $0x3  }
0x36: {  	p1 =	seq.s32 s10, $0x1;
	s10 =	sld [smem:$0x3FB9];
	_ =	sdelay $0x3  }
0x37: {  	[smem:$0x3FB9] =	sst s10  }
0x38: {  	s10 =	sld [smem:$0x3FBA]  }
0x39: {  	_ = 	snop;
	(pc) =	sbr.ind lr, $3  }
0x3a: {  	_ = 	snop  }
0x3b: {  	_ = 	snop  }
0x3c: {  	p2 =	seq.s32 s10, $0x1;
	s10 =	sld [smem:$0x3FB9]  }
0x3d: {  	_ =	shalt  }
0x3e: {  	_ =	shalt  }
0x3f: {  	_ =	shalt  }
0x40: {  	_ =	shalt  }
0x41: {  	_ =	shalt  }
0x42: {  	_ =	shalt  }
0x43: {  	_ =	shalt  }
0x44: {  	_ =	shalt  }
0x45: {  	_ =	shalt  }
0x46: {  	_ =	shalt  }
0x47: {  	_ =	shalt  }
0x48: {  	_ =	shalt  }
0x49: {  	_ =	shalt  }
0x4a: {  	_ =	shalt  }
0x4b: {  	_ =	shalt  }
0x4c: {  	_ =	shalt  }
0x4d: {  	_ =	shalt  }
0x4e: {  	_ =	shalt  }
0x4f: {  	_ =	shalt  }
0x50: {  	_ =	shalt  }
0x51: {  	_ =	shalt  }
0x52: {  	_ =	shalt  }
0x53: {  	_ =	shalt  }
0x54: {  	_ =	shalt  }
0x55: {  	_ =	shalt  }
0x56: {  	_ =	shalt  }
0x57: {  	_ =	shalt  }
0x58: {  	_ =	shalt  }
0x59: {  	_ =	shalt  }
0x5a: {  	_ =	shalt  }
0x5b: {  	_ =	shalt  }
0x5c: {  	_ =	shalt  }
0x5d: {  	_ =	shalt  }
0x5e: {  	_ =	shalt  }
0x5f: {  	_ =	shalt  }
0x60: {  	_ =	shalt  }
0x61: {  	_ =	shalt  }
0x62: {  	_ =	shalt  }
0x63: {  	_ =	shalt  }
0x64: {  	_ =	shalt  }
0x65: {  	_ =	shalt  }
0x66: {  	_ =	shalt  }
0x67: {  	_ =	shalt  }
0x68: {  	_ =	shalt  }
0x69: {  	_ =	shalt  }
0x6a: {  	_ =	shalt  }
0x6b: {  	_ =	shalt  }
0x6c: {  	_ =	shalt  }
0x6d: {  	_ =	shalt  }
0x6e: {  	_ =	shalt  }
0x6f: {  	_ =	shalt  }
0x70: {  	_ =	shalt  }
0x71: {  	_ =	shalt  }
0x72: {  	_ =	shalt  }
0x73: {  	_ =	shalt  }
0x74: {  	_ =	shalt  }
0x75: {  	_ =	shalt  }
0x76: {  	_ =	shalt  }
0x77: {  	_ =	shalt  }
0x78: {  	_ =	shalt  }
0x79: {  	_ =	shalt  }
0x7a: {  	_ =	shalt  }
0x7b: {  	_ =	shalt  }
0x7c: {  	_ =	shalt  }
0x7d: {  	_ =	shalt  }
0x7e: {  	_ =	shalt  }
0x7f: {  	_ =	shalt  }
0x80: {  	_ =	shalt  }
0x81: {  	_ =	shalt  }
0x82: {  	_ =	shalt  }
0x83: {  	_ =	shalt  }
0x84: {  	_ =	shalt  }
0x85: {  	_ =	shalt  }
0x86: {  	_ =	shalt  }
0x87: {  	_ =	shalt  }
.Lfunc_end0:
.L_simem_size_0:
called_computation_lowered:
.L_overlay_start_0:
0x88: {  	s2 =	sld [smem:$0x3FD9]  }
0x89: {  	s3 =	sld [smem:$0x3FFE];
	_ =	sdelay $0x1  }
0x8a: {  	s1 =	srdreg.scid  }
0x8b: {  	s0 =	sand.u32 $0x1, s1  }
0x8c: {  	s15 =	sshll.u32 s0, $0xA;
	s2 =	sadd.s32 s3, s2  }
0x8d: {  	s2 =	sadd.s32 s2, s15  }
0x8e: {  	[smem:$0x3FC5] =	sst s2  }
0x8f: {  	_ = 	snop  }
0x90: {  	s2 =	sld [smem:$0x3FD0];
	_ =	sdelay $0x1  }
0x91: {  	s16 =	sld [smem:$0x3FC9]  }
0x92: {  	s5 =	simm.s32 $0xA;
	s6 =	simm.s32 $0x10;
	s4 =	sld [smem:$0x3FC8]  }
0x93: {  	[smem:s6], [sflag:s5] =	dma.local [hbm:s2], $0x1  }
0x94: {  	_ =	swait.eq [sflag:s5], $0x1  }
0x95: {  	[sflag:s5] =	ssyncset.done $0x0  }
0x96: {  	[sflag:s5] =	ssyncadd.s32 $0xFFFFFFFF  }
0x97: {  	s17 =	sld [smem:$0x11];
	(tm) =	ssettm $0x1  }
0x98: {  	s18 =	sld [smem:$0x3FFB];
	_ =	sdelay $0x3  }
0x99: {  	_ =	strace s18  }
0x9a: {  	s5 =	sld [smem:$0x3FFC];
	_ =	sdelay $0x3  }
0x9b: {  	_ =	strace s5  }
0x9c: {  	s5 =	sld [smem:$0x3FFD];
	_ =	sdelay $0x3  }
0x9d: {  	_ =	strace s5  }
0x9e: {  	_ =	strace $0x8FFFFFFF  }
0x9f: {  	s19 =	sld [smem:$0x3FDB];
	_ =	sdelay $0x1  }
0xa0: {  	s20 =	simm.s32 $_scs_section_size  }
0xa1: {  	s7 =	simm.s32 $_size__tile_overlayer_lowered;
	s8 =	simm.s32 $_tile_overlayer_lowered  }
0xa2: {  	s23 =	simm.s32 $0x1BFF;
	s22 =	sshll.u32 s8, $0x1;
	s5 =	sadd.s32 s20, s19  }
0xa3: {  	s9 =	simm.s32 $0x0;
	s21 =	sshll.u32 s7, $0x1;
	s7 =	sadd.s32 s22, s5  }
0xa4: {  	[timem:s9], [sflag:s23] =	dma.local [hbm:s7], s21  }
0xa5: {  	_ =	swait.ge [sflag:s23], s21  }
0xa6: {  	s6 =	ssub.s32 $0x0, s21;
	[sflag:s23] =	ssyncset.done $0x0  }
0xa7: {  	[sflag:s23] =	ssyncadd.s32 s6;
	_ =	sdelay $0x1  }
0xa8: {  	s24 =	simm.s32 $0x1B8B  }
0xa9: {  	_ =	swait.ge [sflag:s24], $0x1  }
0xaa: {  	[sflag:s24] =	ssyncset.done $0x0  }
0xab: {  	s25 =	simm.s32 $0x1B8E;
	[sflag:s24] =	ssyncadd.s32 $0xFFFFFFFF  }
0xac: {  	s26 =	simm.s32 $execute0_lowered;
	[smem:$0x3FD2] =	sst s25  }
0xad: {  	s6 =	sshll.u32 s26, $0x1;
	_ =	strace $0x80000046;
	[dreg:$0x1] =	wrdreg $0xFFFFFFFF  }
0xae: {  	s28 =	simm.s32 $_size_execute0_lowered;
	s5 =	sadd.s32 s5, s6;
	[dreg:$0x0] =	wrdreg $0x0  }
0xaf: {  	s6 =	sshll.u32 s28, $0x1;
	[dreg:$0x2] =	wrdreg s5  }
0xb0: {  	[dreg:$0x3] =	wrdreg s6  }
0xb1: {  	[dreg:$0x4] =	wrdreg $0xC0  }
0xb2: {  	_ =	task [dreg:s9], $0x5FFFF  }
0xb3: {  	[dreg:$0x1] =	wrdreg $0xFFFFFFFF  }
0xb4: {  	[dreg:$0x0] =	wrdreg $0x60  }
0xb5: {  	[dreg:$0x2] =	wrdreg s4  }
0xb6: {  	[dreg:$0x3] =	wrdreg s16  }
0xb7: {  	[dreg:$0x4] =	wrdreg s17  }
0xb8: {  	[dreg:$0x5] =	wrdreg $0x9  }
0xb9: {  	_ =	task.clear_ibuf [dreg:s9], $0x6FFFF;
	_ =	strace $0x90000046  }
0xba: {  	s29 =	simm.s32 $0x9;
	_ =	strace $0x80000048  }
0xbb: {  	_ =	swait.ge [sflag:s29], $0x1  }
0xbc: {  	[sflag:s29] =	ssyncadd.s32 $0xFFFFFFFF  }
0xbd: {  	_ =	strace $0x90000048  }
0xbe: {  	_ =	sfence  }
0xbf: {  	s30 =	sld [smem:$0x0];
	_ =	sdelay $0x2  }
0xc0: {  	s31 =	sshll.u32 s1, $0xD;
	s1 =	sshrl.u32 s1, $0x2  }
0xc1: {  	s3 =	sand.u32 $0x4000, s31;
	s1 =	sadd.s32 s1, s30  }
0xc2: {  	s0 =	sor.u32 s3, s0;
	s1 =	sshll.u32 s1, $0x11  }
0xc3: {  	s0 =	sor.u32 s1, s0  }
0xc4: {  	s0 =	sadd.s32 $0x8F2B, s0  }
0xc5: {  	[sflag:s0] =	ssyncadd.remote.s32 $0x1  }
0xc6: {  	_ =	sfence.sel $0xFFFF  }
0xc7: {  	[dreg:$0x0] =	wrdreg $0xFFFFFFFF;
	(pc) =	sbr.abs _section_cstart, $3  }
0xc8: {  	[dreg:$0x1] =	wrdreg $0xFFFFFFFF  }
0xc9: {  	_ =	task.clear_ibuf [dreg:s9], $0x2FFFF;
	_ =	strace $0x9FFFFFFF  }
0xca: {  	(tm) =	ssettm $0x7FFFFFFF  }
0xcb: {  	_ =	shalt  }
tec
execute0_lowered:
.L_overlay_start_1:
0x0: {  	(tag) =	ssettag $0x1  }
0x1: {  	s3 =	rddreg [dreg:$0x0]  }
0x2: {  	s0 =	srdreg.scid;
	s4 =	rddreg [dreg:$0x1]  }
0x3: {  	s6 =	rddreg [dreg:$0x2];
	s1 =	stileid.u32;
	s5 =	sand.u32 $0x1, s0  }
0x4: {  	s11 =	simm.s32 $0x3;
	s12 =	simm.s32 $0x0;
	s2 =	sshll.u32 s5, $0x4  }
0x5: {  	s0 =	rddreg [dreg:$0x3];
	s5 =	ssub.s32 $0x2, s5;
	s7 =	sor.u32 s1, s2  }
0x6: {  	s2 =	simm.s32 $0x0;
	s9 =	sshrl.u32 s5, $0x1;
	s8 =	smul.u32 $0x620, s7  }
0x7: {  	[smem:$0x7FF] =	sst s2;
	s10 =	smul.u32 $0x186A, s7;
	s9 =	ssub.s32 s5, s9  }
0x8: {  	s7 =	sshll.u32 s7, $0x2;
	_ =	strace $0x80000047;
	s31 =	smin.u32 s8, $0xBD30  }
0x9: {  	s3 =	sadd.s32 s3, s10;
	s8 =	simm.s32 $0x2;
	s5 =	sshrl.u32 s31, $0x3  }
0xa: {  	s10 =	simm.s32 $0xC970;
	s4 =	sadd.s32 s4, s5;
	s5 =	sadd.s32 s6, s7  }
0xb: {  	s6 =	smax.u32 s9, $0x1;
	s7 =	simm.s32 $0xC350;
	s9 =	simm.s32 $0x1  }
.LBB2_1:
0xc: {  	[tilespmem:s2], [sflag:$0x1] =	stream.linear.gather [hbm4b:s3+s2], $0xC350, $0x38;
	[tilespmem:$0xC990] =	vst v63  }
0xd: {  	_ = 	snop  }
0xe: {  	[tilespmem:s7], [sflag:$0x2] =	stream.linear.gather [hbm4b:s4+s2], $0x620, $0x38;
	[tilespmem:$0xC990] =	vst v63  }
0xf: {  	_ =	swait.ge [sflag:s8], $0x620  }
0x10: {  	[sflag:s8] =	ssyncset.done $0x0  }
0x11: {  	s14 =	simm.s32 $0x0;
	[sflag:s8] =	ssyncadd.s32 $0xFFFFF9E0  }
0x12: {  	v0 =	vimm.s32 $0x0;
	s13 =	simm.s32 $0x40;
	v1 =	vld [tilespmem:s14+$0xC350]  }
.LBB2_2:
0x13: {  	p0 =	sne.s32 s13, $0x1840  }
.Ltmp0:
0x14: {  	_ = 	snop;
	(pc) =	sbr.rel @p0 .LBB2_2-.Ltmp0, $3  }
0x15: {  	_ =	sdelay $0x1  }
0x16: {  	s14 =	sshra.s32 s13, $0x2;
	s13 =	sadd.s32 $0x40, s13;
	vm0 =	vgt.s32 v0, v1  }
0x17: {  	v0 =	vsel vm0, v0, v1;
	v1 =	vld [tilespmem:s14+$0xC350]  }
0x18: {  	_ =	sdelay $0x1  }
0x19: {  	_ =	swait.ge [sflag:s9], $0xC350  }
0x1a: {  	[sflag:s9] =	ssyncset.done $0x0  }
0x1b: {  	s14 =	simm.s32 $0x0;
	[sflag:s9] =	ssyncadd.s32 $0xFFFF3CB0;
	vm0 =	vgt.s32 v0, v1  }
0x1c: {  	s13 =	simm.s32 $0x40;
	v2 =	vld [tilespmem:s14+$0x0];
	v0 =	vsel vm0, v0, v1;
	v1 =	vimm.s32 $0x0  }
.LBB2_4:
0x1d: {  	p0 =	sne.s32 s13, $0x30D00  }
.Ltmp1:
0x1e: {  	_ = 	snop;
	(pc) =	sbr.rel @p0 .LBB2_4-.Ltmp1, $3  }
0x1f: {  	_ =	sdelay $0x1  }
0x20: {  	s14 =	sshra.s32 s13, $0x2;
	s13 =	sadd.s32 $0x40, s13;
	vm0 =	vgt.s32 v1, v2  }
0x21: {  	v1 =	vsel vm0, v1, v2;
	v2 =	vld [tilespmem:s14+$0x0]  }
0x22: {  	_ =	sdelay $0x3  }
0x23: {  	s12 =	sadd.s32 $0x1, s12;
	vm0 =	vgt.s32 v1, v2  }
0x24: {  	[tilespmem:$0xC980] =	vst v0;
	p0 =	sne.s32 s12, s6;
	v1 =	vsel vm0, v1, v2  }
.Ltmp2:
0x25: {  	[tilespmem:$0xC970] =	vst v1;
	(pc) =	sbr.rel @p0 .LBB2_1-.Ltmp2, $4  }
0x26: {  	[hbm4b:s5+s2] =	stream.linear.scatter [tilespmem:s10], [sflag:$0x3], $0x20, $0x38;
	[tilespmem:$0xC990] =	vst v63  }
0x27: {  	_ =	swait.ge [sflag:s11], $0x20  }
0x28: {  	[sflag:s11] =	ssyncset.done $0x0  }
0x29: {  	[sflag:s11] =	ssyncadd.s32 $0xFFFFFFE0  }
0x2a: {  	_ =	sfence.sel $0x180000  }
0x2b: {  	[bflag:$0x0] =	sbarrier.arrive $0xFFFF  }
0x2c: {  	p0 =	sne.s32 s1, $0x0;
	_ =	strace $0x90000047  }
0x2d: {  	s0 =	sadd.s32 @!p0 $0x100000, s0;
	[bflag:$0x2] =	sbarrier.arrive $0xFFFF  }
0x2e: {  	[sflag:s0] =	ssyncadd.tile.s32 @!p0 $0x1;
	_ =	shalt  }
.Lfunc_end2:
_tile_overlayer_lowered:
.L_overlay_start_2:
0x2f: {  	(tag) =	ssettag $0x2  }
0x30: {  	s0 =	rddreg [dreg:$0x0];
	s2 =	stileid.u32  }
0x31: {  	s1 =	rddreg [dreg:$0x1];
	p0 =	sne.s32 s2, $0x0  }
0x32: {  	s3 =	rddreg [dreg:$0x2];
	[bflag:$0x3] =	sbarrier.arrive $0xFFFF;
	s2 =	simm.s32 @!p0 $0x1C03  }
0x33: {  	[timem:s3], [sflag:s2] =	dma.local @!p0 [hbm:s0], s1  }
0x34: {  	s0 =	simm.s32 @!p0 $0x3  }
0x35: {  	_ =	swait.ge @!p0 [sflag:s0], s1  }
0x36: {  	s1 =	ssub.s32 @!p0 $0x0, s1;
	[sflag:s0] =	ssyncset.done @!p0 $0x0  }
0x37: {  	[sflag:s0] =	ssyncadd.s32 @!p0 s1  }
0x38: {  	[bflag:$0x3] =	sbarrier.arrive $0xFFFF  }
0x39: {  	_ =	shalt  }

// kernel: kernel.8.cloned.1.call-start
scs
__scs_entry_jumppad:
0x0: {  	(pc) =	sbr.rel $0x88, $3  }
0x1: {  	(tag) =	ssettag $0x0;
	lr =	simm.s32 $0x1  }
0x2: {  	[smem:$0x3F9E] =	sst lr;
	_ =	strace $0xD0000000  }
0x3: {  	_ = 	snop  }
0x4: {  	_ = 	snop  }
0x5: {  	_ = 	snop  }
0x6: {  	_ = 	snop  }
0x7: {  	_ = 	snop  }
__scs_overlays_trampoline_lowered:
0x8: {  	[smem:$0x3FAD] =	sst s0  }
0x9: {  	[smem:$0x3FAE] =	sst s1  }
0xa: {  	[smem:$0x3FAF] =	sst s2  }
0xb: {  	[smem:$0x3FB0] =	sst s3  }
0xc: {  	[smem:$0x3FB1] =	sst s4  }
0xd: {  	[smem:$0x3FB2] =	sst s5  }
0xe: {  	[smem:$0x3FB3] =	sst s6  }
0xf: {  	[smem:$0x3FB4] =	sst s7  }
0x10: {  	[smem:$0x3FB5] =	sst s8  }
0x11: {  	[smem:$0x3FB6] =	sst s9;
	s0 =	simm.s32 @!p0 $0x0  }
0x12: {  	s1 =	sld [smem:$0x3F9C];
	s0 =	simm.s32 @p0 $0x1  }
0x13: {  	[smem:$0x3FB7] =	sst s0;
	s0 =	simm.s32 @!p1 $0x0  }
0x14: {  	s2 =	sld [smem:$0x3F9B];
	s0 =	simm.s32 @p1 $0x1  }
0x15: {  	[smem:$0x3FB8] =	sst s0;
	s0 =	simm.s32 @!p2 $0x0  }
0x16: {  	s3 =	sld [smem:$0x3FDB];
	s0 =	simm.s32 @p2 $0x1  }
0x17: {  	s4 =	simm.s32 $0x1BF5;
	[smem:$0x3FBA] =	sst s0  }
0x18: {  	s0 =	sld [smem:$0x3F9D];
	_ =	swait.ge [sflag:s4], $0x0  }
0x19: {  	s7 =	sld [smem:$0x3F9E]  }
0x1a: {  	s8 =	sadd.s32 $0xFFFFE003, lr  }
0x1b: {  	s9 =	sadd.s32 $0xFFFFFEF7, lr;
	s5 =	simm.s32 $0xFFFFFFFF;
	p2 =	slt.u32 s8, $0xFFFFF086  }
0x1c: {  	p1 =	slt.u32 s9, $0xF7A;
	s5 =	simm.s32 @!p2 $0x0  }
0x1d: {  	s5 =	simm.s32 @p1 $0x1;
	p0 =	seq.s32 s7, s2  }
0x1e: {  	s7 =	smul.u32 @!p0 $0xF7A, s2;
	p2 =	seq.s32 @!p0 s5, $0x0  }
0x1f: {  	s9 =	smul.u32 $0xF7A, s1;
	s8 =	simm.s32 @!p0 $0x1BF5;
	p2 =	por !p2, p0  }
0x20: {  	[sflag:s8] =	ssyncset.s32 @!p0 $0xFFFFF086;
	s6 =	sadd.s32 @!p0 s3, s7;
	s7 =	simm.s32 @!p0 $0x108  }
0x21: {  	s3 =	sadd.s32 s3, s9;
	s6 =	sadd.s32 @!p0 $0x88, s6;
	s7 =	simm.s32 @p2 $0x1082  }
0x22: {  	[simem:s7], [sflag:s8] =	dma.local @!p0 [hbm:s6], $0xF7A  }
0x23: {  	s9 =	sor.u32 $0xD0000000, s2;
	s6 =	simm.s32 $0x108;
	_ =	swait.ge @!p0 [sflag:s8], $0x0  }
0x24: {  	s3 =	sadd.s32 $0x88, s3;
	s6 =	simm.s32 @!p1 $0x1082;
	[sflag:s4] =	ssyncset.s32 $0xFFFFF086  }
0x25: {  	[simem:s6], [sflag:s4] =	dma.local [hbm:s3], $0xF7A  }
0x26: {  	[smem:$0x3F9E] =	sst s1;
	(tag) =	ssettag s2;
	_ =	strace s9  }
0x27: {  	s1 =	sld [smem:$0x3FAE]  }
0x28: {  	s2 =	sld [smem:$0x3FAF]  }
0x29: {  	s4 =	sld [smem:$0x3FB1]  }
0x2a: {  	p0 =	seq.s32 s5, $0x0;
	s5 =	sld [smem:$0x3FB2]  }
0x2b: {  	s6 =	sld [smem:$0x3FB3]  }
0x2c: {  	s7 =	sld [smem:$0x3FB4]  }
0x2d: {  	s3 =	simm.s32 $0x108;
	s8 =	sld [smem:$0x3FB5]  }
0x2e: {  	s3 =	simm.s32 @!p0 $0x1082;
	s9 =	sld [smem:$0x3FB6]  }
0x2f: {  	lr =	sadd.s32 s0, s3;
	s0 =	sld [smem:$0x3FAD]  }
0x30: {  	s3 =	sld [smem:$0x3FB0]  }
0x31: {  	[smem:$0x3FB9] =	sst s10  }
0x32: {  	s10 =	sld [smem:$0x3FB7];
	_ =	sdelay $0x3  }
0x33: {  	p0 =	seq.s32 s10, $0x1;
	s10 =	sld [smem:$0x3FB9];
	_ =	sdelay $0x3  }
0x34: {  	[smem:$0x3FB9] =	sst s10  }
0x35: {  	s10 =	sld [smem:$0x3FB8];
	_ =	sdelay $0x3  }
0x36: {  	p1 =	seq.s32 s10, $0x1;
	s10 =	sld [smem:$0x3FB9];
	_ =	sdelay $0x3  }
0x37: {  	[smem:$0x3FB9] =	sst s10  }
0x38: {  	s10 =	sld [smem:$0x3FBA]  }
0x39: {  	_ = 	snop;
	(pc) =	sbr.ind lr, $3  }
0x3a: {  	_ = 	snop  }
0x3b: {  	_ = 	snop  }
0x3c: {  	p2 =	seq.s32 s10, $0x1;
	s10 =	sld [smem:$0x3FB9]  }
0x3d: {  	_ =	shalt  }
0x3e: {  	_ =	shalt  }
0x3f: {  	_ =	shalt  }
0x40: {  	_ =	shalt  }
0x41: {  	_ =	shalt  }
0x42: {  	_ =	shalt  }
0x43: {  	_ =	shalt  }
0x44: {  	_ =	shalt  }
0x45: {  	_ =	shalt  }
0x46: {  	_ =	shalt  }
0x47: {  	_ =	shalt  }
0x48: {  	_ =	shalt  }
0x49: {  	_ =	shalt  }
0x4a: {  	_ =	shalt  }
0x4b: {  	_ =	shalt  }
0x4c: {  	_ =	shalt  }
0x4d: {  	_ =	shalt  }
0x4e: {  	_ =	shalt  }
0x4f: {  	_ =	shalt  }
0x50: {  	_ =	shalt  }
0x51: {  	_ =	shalt  }
0x52: {  	_ =	shalt  }
0x53: {  	_ =	shalt  }
0x54: {  	_ =	shalt  }
0x55: {  	_ =	shalt  }
0x56: {  	_ =	shalt  }
0x57: {  	_ =	shalt  }
0x58: {  	_ =	shalt  }
0x59: {  	_ =	shalt  }
0x5a: {  	_ =	shalt  }
0x5b: {  	_ =	shalt  }
0x5c: {  	_ =	shalt  }
0x5d: {  	_ =	shalt  }
0x5e: {  	_ =	shalt  }
0x5f: {  	_ =	shalt  }
0x60: {  	_ =	shalt  }
0x61: {  	_ =	shalt  }
0x62: {  	_ =	shalt  }
0x63: {  	_ =	shalt  }
0x64: {  	_ =	shalt  }
0x65: {  	_ =	shalt  }
0x66: {  	_ =	shalt  }
0x67: {  	_ =	shalt  }
0x68: {  	_ =	shalt  }
0x69: {  	_ =	shalt  }
0x6a: {  	_ =	shalt  }
0x6b: {  	_ =	shalt  }
0x6c: {  	_ =	shalt  }
0x6d: {  	_ =	shalt  }
0x6e: {  	_ =	shalt  }
0x6f: {  	_ =	shalt  }
0x70: {  	_ =	shalt  }
0x71: {  	_ =	shalt  }
0x72: {  	_ =	shalt  }
0x73: {  	_ =	shalt  }
0x74: {  	_ =	shalt  }
0x75: {  	_ =	shalt  }
0x76: {  	_ =	shalt  }
0x77: {  	_ =	shalt  }
0x78: {  	_ =	shalt  }
0x79: {  	_ =	shalt  }
0x7a: {  	_ =	shalt  }
0x7b: {  	_ =	shalt  }
0x7c: {  	_ =	shalt  }
0x7d: {  	_ =	shalt  }
0x7e: {  	_ =	shalt  }
0x7f: {  	_ =	shalt  }
0x80: {  	_ =	shalt  }
0x81: {  	_ =	shalt  }
0x82: {  	_ =	shalt  }
0x83: {  	_ =	shalt  }
0x84: {  	_ =	shalt  }
0x85: {  	_ =	shalt  }
0x86: {  	_ =	shalt  }
0x87: {  	_ =	shalt  }
.Lfunc_end0:
.L_simem_size_0:
called_computation.1_lowered:
.L_overlay_start_0:
0x88: {  	s2 =	sld [smem:$0x3FD9]  }
0x89: {  	s3 =	sld [smem:$0x3FFE];
	_ =	sdelay $0x1  }
0x8a: {  	s1 =	srdreg.scid  }
0x8b: {  	s0 =	sand.u32 $0x1, s1  }
0x8c: {  	s14 =	sshll.u32 s0, $0xA;
	s2 =	sadd.s32 s3, s2  }
0x8d: {  	s2 =	sadd.s32 s2, s14  }
0x8e: {  	[smem:$0x3FC5] =	sst s2  }
0x8f: {  	_ = 	snop  }
0x90: {  	s2 =	sld [smem:$0x3FD0]  }
0x91: {  	s15 =	sld [smem:$0x3FC9]  }
0x92: {  	s4 =	sld [smem:$0x3FC8]  }
0x93: {  	s6 =	simm.s32 $0xA;
	s7 =	simm.s32 $0x10;
	s5 =	sld [smem:$0x3FC7]  }
0x94: {  	[smem:s7], [sflag:s6] =	dma.local [hbm:s2], $0x1  }
0x95: {  	_ =	swait.eq [sflag:s6], $0x1  }
0x96: {  	[sflag:s6] =	ssyncset.done $0x0  }
0x97: {  	[sflag:s6] =	ssyncadd.s32 $0xFFFFFFFF  }
0x98: {  	s16 =	sld [smem:$0x10];
	(tm) =	ssettm $0x1  }
0x99: {  	s17 =	sld [smem:$0x3FFB];
	_ =	sdelay $0x3  }
0x9a: {  	_ =	strace s17  }
0x9b: {  	s6 =	sld [smem:$0x3FFC];
	_ =	sdelay $0x3  }
0x9c: {  	_ =	strace s6  }
0x9d: {  	s6 =	sld [smem:$0x3FFD];
	_ =	sdelay $0x3  }
0x9e: {  	_ =	strace s6  }
0x9f: {  	_ =	strace $0x8FFFFFFF  }
0xa0: {  	s18 =	sld [smem:$0x3FDB];
	_ =	sdelay $0x1  }
0xa1: {  	s19 =	simm.s32 $_scs_section_size  }
0xa2: {  	s8 =	simm.s32 $_size__tile_overlayer_lowered;
	s9 =	simm.s32 $_tile_overlayer_lowered  }
0xa3: {  	s22 =	simm.s32 $0x1BFF;
	s21 =	sshll.u32 s9, $0x1;
	s6 =	sadd.s32 s19, s18  }
0xa4: {  	s10 =	simm.s32 $0x0;
	s20 =	sshll.u32 s8, $0x1;
	s8 =	sadd.s32 s21, s6  }
0xa5: {  	[timem:s10], [sflag:s22] =	dma.local [hbm:s8], s20  }
0xa6: {  	_ =	swait.ge [sflag:s22], s20  }
0xa7: {  	s7 =	ssub.s32 $0x0, s20;
	[sflag:s22] =	ssyncset.done $0x0  }
0xa8: {  	[sflag:s22] =	ssyncadd.s32 s7;
	_ =	sdelay $0x1  }
0xa9: {  	s23 =	simm.s32 $0x1B8B  }
0xaa: {  	_ =	swait.ge [sflag:s23], $0x1  }
0xab: {  	[sflag:s23] =	ssyncset.done $0x0  }
0xac: {  	s25 =	simm.s32 $0x1B8E;
	s24 =	sld [smem:$0x3FFE];
	[sflag:s23] =	ssyncadd.s32 $0xFFFFFFFF  }
0xad: {  	s26 =	simm.s32 $execute0_lowered;
	[smem:$0x3FD2] =	sst s25  }
0xae: {  	s8 =	sshll.u32 s26, $0x1;
	_ =	strace $0x80000049;
	[dreg:$0x1] =	wrdreg $0xFFFFFFFF  }
0xaf: {  	s28 =	simm.s32 $_size_execute0_lowered;
	s6 =	sadd.s32 s6, s8;
	[dreg:$0x0] =	wrdreg $0x0  }
0xb0: {  	s8 =	sshll.u32 s28, $0x1;
	[dreg:$0x2] =	wrdreg s6  }
0xb1: {  	[dreg:$0x3] =	wrdreg s8  }
0xb2: {  	[dreg:$0x4] =	wrdreg $0xC0  }
0xb3: {  	_ =	task [dreg:s10], $0x5FFFF  }
0xb4: {  	[dreg:$0x1] =	wrdreg $0xFFFFFFFF  }
0xb5: {  	[dreg:$0x0] =	wrdreg $0x60  }
0xb6: {  	[dreg:$0x2] =	wrdreg s5  }
0xb7: {  	[dreg:$0x3] =	wrdreg s4  }
0xb8: {  	[dreg:$0x4] =	wrdreg s15  }
0xb9: {  	[dreg:$0x5] =	wrdreg s24  }
0xba: {  	[dreg:$0x6] =	wrdreg s16  }
0xbb: {  	[dreg:$0x7] =	wrdreg $0x11C800  }
0xbc: {  	[dreg:$0x8] =	wrdreg $0x9  }
0xbd: {  	_ =	task.clear_ibuf [dreg:s10], $0x9FFFF;
	_ =	strace $0x90000049  }
0xbe: {  	s29 =	simm.s32 $0x9;
	_ =	strace $0x8000004B  }
0xbf: {  	_ =	swait.ge [sflag:s29], $0x1  }
0xc0: {  	[sflag:s29] =	ssyncadd.s32 $0xFFFFFFFF  }
0xc1: {  	_ =	strace $0x9000004B  }
0xc2: {  	_ =	sfence  }
0xc3: {  	s30 =	sld [smem:$0x0];
	_ =	sdelay $0x2  }
0xc4: {  	s31 =	sshll.u32 s1, $0xD;
	s1 =	sshrl.u32 s1, $0x2  }
0xc5: {  	s3 =	sand.u32 $0x4000, s31;
	s1 =	sadd.s32 s1, s30  }
0xc6: {  	s0 =	sor.u32 s3, s0;
	s1 =	sshll.u32 s1, $0x11  }
0xc7: {  	s0 =	sor.u32 s1, s0  }
0xc8: {  	s0 =	sadd.s32 $0x8F2B, s0  }
0xc9: {  	[sflag:s0] =	ssyncadd.remote.s32 $0x1  }
0xca: {  	_ =	sfence.sel $0xFFFF  }
0xcb: {  	[dreg:$0x0] =	wrdreg $0xFFFFFFFF;
	(pc) =	sbr.abs _section_cstart, $3  }
0xcc: {  	[dreg:$0x1] =	wrdreg $0xFFFFFFFF  }
0xcd: {  	_ =	task.clear_ibuf [dreg:s10], $0x2FFFF;
	_ =	strace $0x9FFFFFFF  }
0xce: {  	(tm) =	ssettm $0x7FFFFFFF  }
0xcf: {  	_ =	shalt  }
tec
execute0_lowered:
.L_overlay_start_1:
0x0: {  	(tag) =	ssettag $0x1  }
0x1: {  	s10 =	rddreg [dreg:$0x0]  }
0x2: {  	s11 =	rddreg [dreg:$0x1]  }
0x3: {  	s0 =	rddreg [dreg:$0x3]  }
0x4: {  	s1 =	rddreg [dreg:$0x4]  }
0x5: {  	s4 =	rddreg [dreg:$0x5];
	s5 =	simm.s32 $0x0;
	s2 =	srdreg.scid  }
0x6: {  	s8 =	stileid.u32;
	[smem:$0x7FF] =	sst s5  }
0x7: {  	s2 =	sand.u32 $0x1, s2;
	s3 =	sadd.s32 $0xC00, s0;
	s6 =	sadd.s32 $0x62A00, s0  }
0x8: {  	s26 =	smul.u32 $0x30D40, s8;
	_ =	strace $0x8000004A;
	[dreg:$0x7] =	wrdreg s3  }
0x9: {  	s7 =	sadd.s32 $0x31C00, s0;
	s0 =	sadd.s32 $0xE00, s0;
	[dreg:$0x8] =	wrdreg s6  }
0xa: {  	s25 =	sshll.u32 s2, $0x4;
	[dreg:$0x9] =	wrdreg s7;
	s30 =	smul.u32 $0xC3500, s2  }
0xb: {  	s28 =	ssub.s32 $0x2, s2;
	[dreg:$0xb] =	wrdreg s0;
	s2 =	smul.u32 $0x30D400, s2  }
0xc: {  	s3 =	sor.u32 s8, s25;
	s29 =	sshrl.u32 s28, $0x1;
	s8 =	smul.u32 $0xC350, s8  }
0xd: {  	s9 =	sshrl.u32 s26, $0x2;
	s13 =	smul.u32 $0xC350, s3;
	s0 =	ssub.s32 s28, s29  }
0xe: {  	s12 =	sadd.s32 s9, s4;
	s2 =	sadd.s32 s26, s2;
	s9 =	sadd.s32 s8, s30  }
0xf: {  	s0 =	smax.u32 s0, $0x1;
	s15 =	sadd.s32 $0x200, s2;
	[smem:$0x7FD] =	sst s12  }
0x10: {  	s6 =	sadd.s32 $0x600, s2;
	s21 =	sadd.s32 $0xC00, s2;
	[dreg:$0xa] =	wrdreg s13  }
0x11: {  	s31 =	sshrl.u32 s13, $0x2;
	[dreg:$0x10] =	wrdreg s0;
	s0 =	sshrl.u32 s15, $0x2  }
0x12: {  	s6 =	sshrl.u32 s6, $0x2;
	[dreg:$0xd] =	wrdreg s9;
	s0 =	sadd.s32 $0xC350, s0  }
0x13: {  	s7 =	sand.u32 $0x7FFE0, s31;
	s18 =	sadd.s32 $0xC350, s6;
	[dreg:$0x12] =	wrdreg s0  }
0x14: {  	s6 =	sshrl.u32 s21, $0x2;
	s21 =	sadd.s32 $0x300, s9;
	[dreg:$0x14] =	wrdreg s18  }
0x15: {  	s19 =	sadd.s32 $0x800, s2;
	s7 =	sadd.s32 s10, s7;
	[smem:$0x7F3] =	sst s21  }
0x16: {  	s26 =	sadd.s32 $0x1200, s2;
	s23 =	sadd.s32 $0xC350, s6;
	[dreg:$0xc] =	wrdreg s7  }
0x17: {  	s10 =	sshrl.u32 s9, $0x3;
	s18 =	sadd.s32 $0x180, s9;
	[dreg:$0x17] =	wrdreg s23  }
0x18: {  	s0 =	sshrl.u32 s19, $0x2;
	s19 =	sadd.s32 $0x200, s9;
	[smem:$0x7F0] =	sst s18  }
0x19: {  	s6 =	sshrl.u32 s26, $0x2;
	s26 =	sadd.s32 $0x580, s9;
	[smem:$0x7F1] =	sst s19  }
0x1a: {  	s16 =	sadd.s32 $0x400, s2;
	s1 =	sadd.s32 s1, s10;
	[smem:$0x7F8] =	sst s26  }
0x1b: {  	s20 =	sadd.s32 $0xA00, s2;
	s0 =	sadd.s32 $0xC350, s0;
	[dreg:$0xf] =	wrdreg s1  }
0x1c: {  	s24 =	sadd.s32 $0xE00, s2;
	s29 =	sadd.s32 $0xC350, s6;
	[dreg:$0x15] =	wrdreg s0  }
0x1d: {  	s7 =	sshrl.u32 s13, $0x3;
	s23 =	sadd.s32 $0x400, s9;
	[dreg:$0x1a] =	wrdreg s29  }
0x1e: {  	s13 =	sshrl.u32 s2, $0x2;
	s3 =	sadd.s32 s11, s7;
	[smem:$0x7F5] =	sst s23  }
0x1f: {  	s25 =	sadd.s32 $0x1000, s2;
	s14 =	sadd.s32 $0xC350, s13;
	[dreg:$0xe] =	wrdreg s3  }
0x20: {  	s1 =	sshrl.u32 s16, $0x2;
	s16 =	sadd.s32 $0x80, s9;
	[dreg:$0x11] =	wrdreg s14  }
0x21: {  	s0 =	sshrl.u32 s24, $0x2;
	s24 =	sadd.s32 $0x480, s9;
	[smem:$0x7EE] =	sst s16  }
0x22: {  	s30 =	sadd.s32 $0x1400, s2;
	s29 =	sadd.s32 $0x680, s9;
	[smem:$0x7F6] =	sst s24  }
0x23: {  	s31 =	sadd.s32 $0x1600, s2;
	s17 =	sadd.s32 $0xC350, s1;
	[smem:$0x7FA] =	sst s29  }
0x24: {  	s10 =	sadd.s32 $0x1A00, s2;
	s0 =	sadd.s32 $0xC350, s0;
	[dreg:$0x13] =	wrdreg s17  }
0x25: {  	s1 =	sshrl.u32 s20, $0x2;
	s20 =	sadd.s32 $0x280, s9;
	[dreg:$0x18] =	wrdreg s0  }
0x26: {  	s3 =	sadd.s32 s8, s4;
	s22 =	sadd.s32 $0xC350, s1;
	[smem:$0x7F2] =	sst s20  }
0x27: {  	s11 =	sadd.s32 $0x1C00, s2;
	s15 =	sshrl.u32 s3, $0x3;
	[dreg:$0x16] =	wrdreg s22  }
0x28: {  	s4 =	sadd.s32 $0x1800, s2;
	s17 =	sadd.s32 $0x100, s9;
	[smem:$0x7ED] =	sst s15  }
0x29: {  	s1 =	sshrl.u32 s25, $0x2;
	s25 =	sadd.s32 $0x500, s9;
	[smem:$0x7EF] =	sst s17  }
0x2a: {  	s0 =	sshrl.u32 s30, $0x2;
	s30 =	sadd.s32 $0x700, s9;
	[smem:$0x7F7] =	sst s25  }
0x2b: {  	s2 =	sadd.s32 $0x1E00, s2;
	s28 =	sadd.s32 $0xC350, s1;
	[smem:$0x7FB] =	sst s30  }
0x2c: {  	s6 =	sshrl.u32 s4, $0x2;
	s0 =	sadd.s32 $0xC350, s0;
	[dreg:$0x19] =	wrdreg s28  }
0x2d: {  	s2 =	sshrl.u32 s2, $0x2;
	s8 =	sadd.s32 $0xC350, s6;
	[dreg:$0x1b] =	wrdreg s0  }
0x2e: {  	s14 =	sadd.s32 $0xC350, s2;
	[dreg:$0x1d] =	wrdreg s8  }
0x2f: {  	s22 =	sadd.s32 $0x380, s9;
	[smem:$0x7EC] =	sst s14  }
0x30: {  	s1 =	sshrl.u32 s31, $0x2;
	s31 =	sadd.s32 $0x780, s9;
	[smem:$0x7F4] =	sst s22  }
0x31: {  	s7 =	sadd.s32 $0xC350, s1;
	[smem:$0x7FC] =	sst s31  }
0x32: {  	s0 =	sshrl.u32 s10, $0x2;
	s28 =	sadd.s32 $0x600, s9;
	[dreg:$0x1c] =	wrdreg s7  }
0x33: {  	s1 =	sshrl.u32 s11, $0x2;
	s0 =	sadd.s32 $0xC350, s0;
	[smem:$0x7F9] =	sst s28  }
0x34: {  	s4 =	simm.s32 $0x4;
	s13 =	sadd.s32 $0xC350, s1;
	[dreg:$0x1e] =	wrdreg s0  }
0x35: {  	v0 =	vimm.s32 $0x0;
	v1 =	vimm.f32 $1.000000000e+00;
	v2 =	vimm.f32 $0.0e+00;
	s2 =	simm.s32 $0x0;
	[dreg:$0x1f] =	wrdreg s13;
	s0 =	simm.s32 $0xF4F0  }
.LBB2_1:
0x36: {  	[smem:$0x7EB] =	sst s2  }
0x37: {  	s1 =	rddreg [dreg:$0x2]  }
0x38: {  	[tilespmem:s5], [sflag:$0x4] =	stream.linear.gather [hbm4b:s1+s5], $0xC350, $0x38;
	[tilespmem:$0x1DFD0] =	vst v63  }
0x39: {  	_ =	swait.ge [sflag:s4], $0xC350  }
0x3a: {  	[sflag:s4] =	ssyncset.done $0x0  }
0x3b: {  	s29 =	simm.s32 $0x11C60;
	s28 =	rddreg [dreg:$0x7];
	[sflag:s4] =	ssyncadd.s32 $0xFFFF3CB0  }
0x3c: {  	[tilespmem:s29], [sflag:$0x4] =	stream.linear.gather [hbm4b:s28+s5], $0x20, $0x38;
	[tilespmem:$0x1DFD0] =	vst v63  }
0x3d: {  	_ =	swait.ge [sflag:s4], $0x20  }
0x3e: {  	[sflag:s4] =	ssyncset.done $0x0  }
0x3f: {  	p0 =	por $0x1, $0x1;
	s30 =	simm.s32 $0x10C60;
	[sflag:s4] =	ssyncadd.s32 $0xFFFFFFE0  }
0x40: {  	s31 =	simm.s32 $0x11460;
	v3 =	vpsel !p0, $0x0, v1;
	[tilespmem:s30+$0x0] =	vst v0  }
0x41: {  	s2 =	simm.s32 $0x10C70;
	s3 =	simm.s32 $0x11460;
	s1 =	simm.s32 $0x10;
	[tilespmem:s31+$0x0] =	vst v3  }
.LBB2_2:
0x42: {  	p0 =	slt.u32 s1, $0x7D0;
	p1 =	sne.s32 s1, $0x7F0;
	s1 =	sadd.s32 $0x10, s1  }
.Ltmp0:
0x43: {  	s3 =	sadd.s32 $0x10, s3;
	[tilespmem:s2+$0x0] =	vst v0;
	v3 =	vpsel !p0, $0x0, v1;
	(pc) =	sbr.rel @p1 .LBB2_2-.Ltmp0, $2  }
0x44: {  	[tilespmem:s3+$0x0] =	vst v3;
	_ =	sdelay $0x2  }
0x45: {  	s2 =	sadd.s32 $0x10, s2  }
0x46: {  	s1 =	simm.s32 $0x40;
	s2 =	simm.s32 $0x0  }
.LBB2_4:
0x47: {  	p0 =	sne.s32 s1, $0x1F00;
	[tilespmem:s2+$0xF4F0] =	vst v2;
	s2 =	smov.u32 s1;
	s1 =	sadd.s32 $0x40, s1  }
.Ltmp1:
0x48: {  	(pc) =	sbr.rel @p0 .LBB2_4-.Ltmp1, $2  }
0x49: {  	_ =	sdelay $0x2  }
0x4a: {  	s2 =	sshra.s32 s2, $0x2  }
0x4b: {  	[tilespmem:s2+$0xF4F0] =	vst v2;
	s1 =	sadd.s32 $0x0, s12  }
0x4c: {  	[spmem:s1] =	stream.linear.scatter [tilespmem:s0], [sflag:$0x4], $0x7D0, $0x38;
	[tilespmem:$0x1DFD0] =	vst v63  }
0x4d: {  	s1 =	simm.s32 $0x1F40;
	_ =	swait.ge [sflag:s4], $0x7D0  }
.LBB2_6:
0x4e: {  	s2 =	sshra.s32 s1, $0x2;
	[sflag:s4] =	ssyncset.done $0x0;
	p0 =	sne.s32 s1, $0x2EE00  }
.Ltmp2:
0x4f: {  	s2 =	sadd.s32 s2, s12;
	[sflag:s4] =	ssyncadd.s32 $0xFFFFF830;
	(pc) =	sbr.rel @p0 .LBB2_6-.Ltmp2, $3  }
0x50: {  	[spmem:s2] =	stream.linear.scatter [tilespmem:s0], [sflag:$0x4], $0x7D0, $0x38;
	[tilespmem:$0x1DFD0] =	vst v63  }
0x51: {  	s1 =	sadd.s32 $0x1F40, s1;
	_ =	sdelay $0x1  }
0x52: {  	_ =	swait.ge [sflag:s4], $0x7D0  }
0x53: {  	[sflag:s4] =	ssyncset.done $0x0;
	s11 =	simm.s32 $0x0  }
0x54: {  	s1 =	rddreg [dreg:$0xc];
	s2 =	simm.s32 $0xC350;
	[sflag:s4] =	ssyncadd.s32 $0xFFFFF830  }
0x55: {  	[tilespmem:s2], [sflag:$0x1] =	stream.linear.gather [hbm4b:s1+s11], $0x1100, $0x38;
	[tilespmem:$0x1DFD0] =	vst v63  }
0x56: {  	s6 =	rddreg [dreg:$0xe];
	s7 =	simm.s32 $0xE550  }
0x57: {  	[tilespmem:s7], [sflag:$0x1] =	stream.linear.gather [hbm4b:s6+s11], $0x7D0, $0x38;
	[tilespmem:$0x1DFD0] =	vst v63  }
0x58: {  	[bflag:$0x0] =	sbarrier.arrive $0xFFFF  }
0x59: {  	s13 =	sld [smem:$0x7EC]  }
0x5a: {  	s30 =	sld [smem:$0x7FC]  }
0x5b: {  	s12 =	rddreg [dreg:$0x1f]  }
0x5c: {  	s29 =	sld [smem:$0x7FB]  }
0x5d: {  	s10 =	rddreg [dreg:$0x1e]  }
0x5e: {  	s25 =	sld [smem:$0x7FA]  }
0x5f: {  	s22 =	rddreg [dreg:$0x1d]  }
0x60: {  	s7 =	sld [smem:$0x7F9]  }
0x61: {  	s6 =	rddreg [dreg:$0x1c]  }
0x62: {  	s3 =	sld [smem:$0x7F8]  }
0x63: {  	s0 =	rddreg [dreg:$0x1b]  }
0x64: {  	s4 =	sld [smem:$0x7F7]  }
0x65: {  	s15 =	rddreg [dreg:$0x1a]  }
0x66: {  	s21 =	sld [smem:$0x7F6]  }
0x67: {  	s18 =	rddreg [dreg:$0x19]  }
0x68: {  	s17 =	sld [smem:$0x7F5]  }
0x69: {  	s31 =	rddreg [dreg:$0x18]  }
0x6a: {  	s16 =	sld [smem:$0x7F4]  }
0x6b: {  	s14 =	rddreg [dreg:$0x17]  }
0x6c: {  	s20 =	sld [smem:$0x7F3]  }
0x6d: {  	s8 =	rddreg [dreg:$0x16]  }
0x6e: {  	s26 =	sld [smem:$0x7F2]  }
0x6f: {  	s9 =	rddreg [dreg:$0x15]  }
0x70: {  	s1 =	sld [smem:$0x7F1]  }
0x71: {  	s28 =	rddreg [dreg:$0x14]  }
0x72: {  	s24 =	sld [smem:$0x7F0]  }
0x73: {  	s23 =	sld [smem:$0x7EF]  }
0x74: {  	s19 =	sld [smem:$0x7EE]  }
0x75: {  	s2 =	rddreg [dreg:$0xd]  }
0x76: {  	[smem:$0x7E7] =	sst s0  }
0x77: {  	[smem:$0x7E8] =	sst s8  }
0x78: {  	[smem:$0x7E9] =	sst s9  }
0x79: {  	s9 =	rddreg [dreg:$0x13]  }
0x7a: {  	s8 =	rddreg [dreg:$0x12]  }
0x7b: {  	[smem:$0x7EA] =	sst s19  }
0x7c: {  	p0 =	por $0x0, $0x0;
	s19 =	rddreg [dreg:$0x11]  }
.LBB2_8:
0x7d: {  	[smem:$0x7D5] =	sst s17  }
0x7e: {  	[smem:$0x7E4] =	sst s9  }
0x7f: {  	[smem:$0x7D9] =	sst s1  }
0x80: {  	[smem:$0x7E5] =	sst s8  }
0x81: {  	[smem:$0x7E3] =	sst s28  }
0x82: {  	[smem:$0x7DE] =	sst s18  }
0x83: {  	[smem:$0x7E1] =	sst s14  }
0x84: {  	[smem:$0x7E0] =	sst s31  }
0x85: {  	[smem:$0x7DC] =	sst s15;
	s28 =	smov.u32 s4  }
0x86: {  	s31 =	smov.u32 s16;
	s1 =	simm.s32 $0x1;
	s18 =	sld [smem:$0x7E7]  }
0x87: {  	s15 =	smov.u32 s2;
	s4 =	sshrl.u32 s2, $0x7;
	s17 =	smov.u32 s3  }
0x88: {  	s16 =	smov.u32 s10;
	s0 =	smov.u32 s13;
	s13 =	simm.s32 $0x1  }
0x89: {  	p1 =	seq.s32 s11, $0x18;
	s3 =	smin.u32 s4, $0x30C3;
	_ =	swait.ge [sflag:s13], $0x1100  }
0x8a: {  	s4 =	smov.u32 s7;
	s7 =	sadd.s32 $0x1, s11;
	[sflag:s13] =	ssyncset.done $0x0  }
0x8b: {  	s14 =	smov.u32 s6;
	[smem:$0x7BC] =	sst s7;
	[sflag:s13] =	ssyncadd.s32 $0xFFFFEF00  }
0x8c: {  	s6 =	sand.u32 $0x1, s11;
	s10 =	rddreg [dreg:$0xa];
	_ =	swait.ge [sflag:s13], $0x7D0  }
0x8d: {  	s1 =	simm.s32 @!p0 $0x0;
	s7 =	smul.u32 @!p1 $0x7D0, s7;
	[smem:$0x7BD] =	sst s15  }
0x8e: {  	s6 =	sxor.u32 @!p1 $0x1, s6;
	s8 =	smul.u32 $0x4400, s1;
	[smem:$0x7BE] =	sst s19  }
0x8f: {  	s2 =	sshll.u32 s3, $0x7;
	s9 =	smul.u32 @!p1 $0x4400, s6;
	[smem:$0x7BF] =	sst s30  }
0x90: {  	s3 =	sshll.u32 s3, $0x9;
	s6 =	smul.u32 @!p1 $0x1F40, s6;
	[smem:$0x7C1] =	sst s0  }
0x91: {  	s7 =	sadd.s32 @!p1 s10, s7;
	s9 =	sshrl.u32 @!p1 s9, $0x2;
	[smem:$0x7C3] =	sst s29  }
0x92: {  	s3 =	ssub.s32 s8, s3;
	s6 =	sshrl.u32 @!p1 s6, $0x2;
	[smem:$0x7C5] =	sst s12  }
0x93: {  	s10 =	sshrl.u32 @!p1 s7, $0x7;
	[sflag:s13] =	ssyncset.done $0x0;
	[smem:$0x7C7] =	sst s25  }
0x94: {  	[smem:$0x7C9] =	sst s4;
	s10 =	smin.u32 @!p1 s10, $0x30C3;
	[sflag:s13] =	ssyncadd.s32 $0xFFFFF830  }
0x95: {  	s9 =	sadd.s32 @!p1 $0xC350, s9;
	s10 =	sshll.u32 @!p1 s10, $0x5;
	s13 =	rddreg [dreg:$0x0]  }
0x96: {  	[smem:$0x7CB] =	sst s22;
	s10 =	sadd.s32 @!p1 s13, s10;
	s13 =	simm.s32 @!p1 $0x0  }
0x97: {  	[tilespmem:s9], [sflag:$0x1] =	stream.linear.gather @!p1 [hbm4b:s10+s13], $0x1100, $0x38;
	[tilespmem:$0x1DFD0] =	vst v63  }
0x98: {  	s8 =	ssub.s32 s15, s2;
	s7 =	sshrl.u32 @!p1 s7, $0x3;
	s9 =	rddreg [dreg:$0x1]  }
0x99: {  	s6 =	sadd.s32 @!p1 $0xE550, s6;
	[smem:$0x7CD] =	sst s17;
	s7 =	sadd.s32 @!p1 s9, s7  }
0x9a: {  	[tilespmem:s6], [sflag:$0x1] =	stream.linear.gather @!p1 [hbm4b:s7+s13], $0x7D0, $0x38;
	[tilespmem:$0x1DFD0] =	vst v63  }
0x9b: {  	p4 =	slt.s32 s8, $0x1;
	[smem:$0x7CF] =	sst s14;
	s7 =	sand.u32 $0x70, s8  }
0x9c: {  	s9 =	sshra.s32 s8, $0x1F;
	s13 =	sshra.s32 s3, $0x2;
	p2 =	sne.s32 s7, $0x0  }
0x9d: {  	s6 =	sshrl.u32 s9, $0x19;
	s10 =	sadd.s32 s13, s19;
	p1 =	por !p4, !p2  }
0x9e: {  	s6 =	sadd.s32 s6, s8;
	s7 =	simm.s32 $0x1;
	p1 =	por !p1, !p1  }
0x9f: {  	[smem:$0x7D1] =	sst s28;
	v4 =	vmov s10;
	s15 =	sshrl.u32 s6, $0x7;
	s7 =	simm.s32 @!p1 $0x0  }
0xa0: {  	[smem:$0x7E7] =	sst s18;
	s3 =	ssub.s32 s15, s7  }
0xa1: {  	[smem:$0x7D4] =	sst s21;
	s3 =	sshll.u32 s3, $0x9  }
0xa2: {  	[smem:$0x7D6] =	sst s31;
	s3 =	sadd.s32 $0x0, s3  }
0xa3: {  	s1 =	smul.u32 $0x1F40, s1;
	[smem:$0x7D7] =	sst s20;
	s3 =	sshra.s32 s3, $0x2  }
0xa4: {  	[smem:$0x7D8] =	sst s26;
	v5 =	vld.idx.msk [tilespmem:v4+s3+$0x0 ss:$0x1], $0xffff  }
0xa5: {  	s1 =	sshrl.u32 s1, $0x2;
	[smem:$0x7DA] =	sst s24;
	v6 =	vld.idx.msk [tilespmem:v4+s3+$0x80 ss:$0x1], $0xffff  }
0xa6: {  	s1 =	sadd.s32 $0xE550, s1;
	[smem:$0x7DB] =	sst s23  }
0xa7: {  	v3 =	vmov s1;
	s1 =	ssub.s32 s23, s2;
	s23 =	sld [smem:$0x7EA];
	s9 =	ssub.s32 s4, s2  }
0xa8: {  	s19 =	ssub.s32 s30, s2;
	[smem:$0x7CA] =	sst s9  }
0xa9: {  	s30 =	sadd.s32 s13, s0;
	[smem:$0x7C0] =	sst s19  }
0xaa: {  	s0 =	ssub.s32 s29, s2;
	[smem:$0x7C2] =	sst s30  }
0xab: {  	[smem:$0x7C4] =	sst s0  }
0xac: {  	s10 =	sadd.s32 s13, s22;
	s22 =	sld [smem:$0x7D9];
	v5 =	vld.idx.msk [tilespmem:v5+s5+$0x0], $0xffff  }
0xad: {  	s6 =	sadd.s32 s13, s16;
	s30 =	sld [smem:$0x7DE];
	v7 =	vld.idx.msk [tilespmem:v6+s5+$0x0], $0xffff  }
0xae: {  	v9 =	vld [tilespmem:$0x11C60];
	s19 =	sadd.s32 s13, s18;
	s18 =	sld [smem:$0x7E3];
	s15 =	simm.s32 $0x0  }
0xaf: {  	[smem:$0x7C8] =	sst s6;
	v8 =	vld.idx.msk [tilespmem:v3+s15+$0x0 ss:$0x1], $0xffff  }
0xb0: {  	[smem:$0x7CC] =	sst s10  }
0xb1: {  	[smem:$0x7D3] =	sst s19;
	v5 =	vadd.s32 $0x1, v5  }
0xb2: {  	v10 =	vld [tilespmem:$0x11C70];
	s6 =	ssub.s32 s20, s2;
	s10 =	ssub.s32 s24, s2;
	s20 =	sld [smem:$0x7E8];
	v7 =	vadd.s32 $0x1, v7;
	v5 =	vcvt.s32.f32 v5  }
0xb3: {  	s24 =	sld [smem:$0x7E4];
	s7 =	smov.u32 s16;
	s16 =	sadd.s32 s13, s14;
	v7 =	vcvt.s32.f32 v7  }
0xb4: {  	[smem:$0x7D0] =	sst s16;
	s16 =	sadd.s32 $0x10, s8;
	v11 =	vmul.f32 v5, v9;
	v5 =	vadd.s32 $0x1, v8  }
0xb5: {  	s8 =	ssub.s32 s26, s2;
	s26 =	sld [smem:$0x7DC];
	s14 =	sadd.s32 s13, s20;
	v9 =	vmul.f32 v7, v9;
	v5 =	vcvt.s32.f32 v5  }
0xb6: {  	s29 =	ssub.s32 s21, s2;
	s21 =	sand.u32 $0x70, s16;
	[smem:$0x7E2] =	sst s14  }
0xb7: {  	p5 =	sne.s32 s21, $0x0;
	s21 =	rddreg [dreg:$0xa];
	s3 =	sadd.s32 s13, s12;
	v7 =	vadd.f32 v9, v11;
	v5 =	vmul.f32 v5, v10  }
0xb8: {  	s12 =	ssub.s32 s17, s2;
	s17 =	ssub.s32 s28, s2;
	s28 =	sld [smem:$0x7D5]  }
0xb9: {  	s0 =	sadd.s32 s13, s26;
	s26 =	sld [smem:$0x7E9];
	v7 =	vadd.f32 v7, v5  }
0xba: {  	[smem:$0x7C6] =	sst s3  }
0xbb: {  	s25 =	ssub.s32 s25, s2;
	s9 =	ssub.s32 s22, s2;
	[smem:$0x7CE] =	sst s12;
	(erf) = vrcp.f32 v7  }
0xbc: {  	s14 =	sadd.s32 s13, s24;
	p6 =	slt.s32 s16, $0x1;
	[smem:$0x7D2] =	sst s17  }
0xbd: {  	s19 =	sshra.s32 s16, $0x1F;
	p1 =	por !p6, !p5;
	[smem:$0x7DD] =	sst s0  }
0xbe: {  	s3 =	ssub.s32 s31, s2;
	s17 =	smul.u32 $0x7D0, s11;
	s11 =	sld [smem:$0x7E0]  }
0xbf: {  	s0 =	sadd.s32 s13, s30;
	s12 =	sld [smem:$0x7E1];
	s31 =	sadd.s32 s13, s18  }
0xc0: {  	s18 =	sshrl.u32 s19, $0x19;
	p1 =	por !p1, !p1;
	[smem:$0x7DF] =	sst s0  }
0xc1: {  	s30 =	sadd.s32 s18, s16;
	s18 =	simm.s32 $0x80;
	s4 =	ssub.s32 s28, s2  }
0xc2: {  	s2 =	ssub.s32 s23, s2;
	s28 =	sld [smem:$0x7E5];
	s0 =	sadd.s32 s21, s17  }
0xc3: {  	s19 =	sshrl.u32 s30, $0x7;
	s21 =	simm.s32 $0x1;
	s17 =	simm.s32 $0x40;
	v6 =	vshll.u32 v6, $0x4  }
0xc4: {  	s22 =	sadd.s32 s13, s11;
	s12 =	sadd.s32 s13, s12;
	s11 =	sadd.s32 s13, s26;
	v6 =	vadd.s32 v8, v6;
	v7 =	vpop (erf)  }
0xc5: {  	[smem:$0x7E6] =	sst s0;
	s21 =	simm.s32 @!p1 $0x0;
	s13 =	sadd.s32 s13, s28;
	[tilespmem:s15+$0x10C60] =	vst v6;
	v8 =	vmul.f32 v7, v11;
	v6 =	vmul.f32 v7, v9  }
.LBB2_9:
0xc6: {  	p1 =	sne.s32 s18, $0x1C0  }
0xc7: {  	s19 =	ssub.s32 s19, s21;
	v5 =	vmul.f32 v7, v5;
	s21 =	smov.u32 s18;
	s18 =	sadd.s32 $0x40, s18  }
0xc8: {  	s19 =	sshll.u32 s19, $0x9;
	[tilespmem:s15+$0xF4F0] =	vst v8  }
0xc9: {  	s19 =	sadd.s32 s19, s17;
	[tilespmem:s15+$0x10490] =	vst v5  }
0xca: {  	s19 =	sshra.s32 s19, $0x2;
	[tilespmem:s15+$0xFCC0] =	vst v6  }
0xcb: {  	v5 =	vld.idx.msk [tilespmem:v4+s19+$0x0 ss:$0x1], $0xffff  }
0xcc: {  	v6 =	vld.idx.msk [tilespmem:v4+s19+$0x80 ss:$0x1], $0xffff;
	_ =	sdelay $0x6  }
0xcd: {  	v5 =	vld.idx.msk [tilespmem:v5+s5+$0x0], $0xffff  }
0xce: {  	v7 =	vld.idx.msk [tilespmem:v6+s5+$0x0], $0xffff  }
0xcf: {  	s15 =	sshra.s32 s17, $0x2;
	s17 =	smov.u32 s21  }
0xd0: {  	v8 =	vld.idx.msk [tilespmem:v3+s15+$0x0 ss:$0x1], $0xffff  }
0xd1: {  	v9 =	vld [tilespmem:$0x11C60];
	_ =	sdelay $0x1  }
0xd2: {  	v5 =	vadd.s32 $0x1, v5  }
0xd3: {  	v7 =	vadd.s32 $0x1, v7;
	v5 =	vcvt.s32.f32 v5;
	v10 =	vld [tilespmem:$0x11C70]  }
0xd4: {  	v6 =	vshll.u32 v6, $0x4;
	v7 =	vcvt.s32.f32 v7  }
0xd5: {  	v6 =	vadd.s32 v8, v6;
	v11 =	vmul.f32 v5, v9;
	v5 =	vadd.s32 $0x1, v8  }
0xd6: {  	v9 =	vmul.f32 v7, v9;
	v5 =	vcvt.s32.f32 v5;
	[tilespmem:s15+$0x10C60] =	vst v6;
	_ =	sdelay $0x1  }
0xd7: {  	v6 =	vadd.f32 v9, v11;
	v5 =	vmul.f32 v5, v10;
	_ =	sdelay $0x1  }
0xd8: {  	v6 =	vadd.f32 v6, v5;
	_ =	sdelay $0x1  }
0xd9: {  	(erf) = vrcp.f32 v6;
	_ =	sdelay $0x4  }
0xda: {  	s16 =	sadd.s32 $0x10, s16  }
.Ltmp3:
0xdb: {  	s19 =	sand.u32 $0x70, s16;
	(pc) =	sbr.rel @p1 .LBB2_9-.Ltmp3, $4  }
0xdc: {  	p2 =	slt.s32 s16, $0x1;
	s21 =	sshra.s32 s16, $0x1F;
	p3 =	sne.s32 s19, $0x0  }
0xdd: {  	s19 =	sshrl.u32 s21, $0x19;
	p2 =	por !p2, !p3  }
0xde: {  	s21 =	simm.s32 $0x1;
	s19 =	sadd.s32 s19, s16;
	p2 =	por !p2, !p2;
	v7 =	vpop (erf)  }
0xdf: {  	s19 =	sshrl.u32 s19, $0x7;
	s21 =	simm.s32 @!p2 $0x0;
	v8 =	vmul.f32 v7, v11;
	v6 =	vmul.f32 v7, v9  }
0xe0: {  	s16 =	ssub.s32 s19, s21  }
0xe1: {  	v5 =	vmul.f32 v7, v5;
	s16 =	sshll.u32 s16, $0x9;
	[tilespmem:s15+$0xF4F0] =	vst v8  }
0xe2: {  	[tilespmem:s15+$0xFCC0] =	vst v6;
	s16 =	sadd.s32 s16, s17  }
0xe3: {  	[tilespmem:s15+$0x10490] =	vst v5;
	s16 =	sshra.s32 s16, $0x2  }
0xe4: {  	v5 =	vld.idx.msk [tilespmem:v4+s16+$0x0 ss:$0x1], $0xffff  }
0xe5: {  	v4 =	vld.idx.msk [tilespmem:v4+s16+$0x80 ss:$0x1], $0xffff;
	_ =	sdelay $0x6  }
0xe6: {  	v5 =	vld.idx.msk [tilespmem:v5+s5+$0x0], $0xffff  }
0xe7: {  	s19 =	sshra.s32 s17, $0x2;
	v6 =	vld.idx.msk [tilespmem:v4+s5+$0x0], $0xffff  }
0xe8: {  	v7 =	vld.idx.msk [tilespmem:v3+s19+$0x0 ss:$0x1], $0xffff  }
0xe9: {  	v8 =	vld [tilespmem:$0x11C60];
	_ =	sdelay $0x1  }
0xea: {  	v5 =	vadd.s32 $0x1, v5  }
0xeb: {  	v9 =	vld [tilespmem:$0x11C70];
	v6 =	vadd.s32 $0x1, v6;
	v5 =	vcvt.s32.f32 v5  }
0xec: {  	v6 =	vcvt.s32.f32 v6  }
0xed: {  	v10 =	vadd.s32 $0x1, v7;
	v5 =	vmul.f32 v5, v8  }
0xee: {  	v6 =	vmul.f32 v6, v8;
	v8 =	vcvt.s32.f32 v10;
	_ =	sdelay $0x1  }
0xef: {  	v8 =	vmul.f32 v8, v9;
	v9 =	vadd.f32 v6, v5;
	_ =	sdelay $0x1  }
0xf0: {  	v9 =	vadd.f32 v9, v8;
	_ =	sdelay $0x1  }
0xf1: {  	(erf) = vrcp.f32 v9;
	_ =	sdelay $0x8  }
0xf2: {  	v4 =	vshll.u32 v4, $0x4;
	v9 =	vpop (erf)  }
0xf3: {  	s21 =	simm.s32 $0x10C60;
	v4 =	vadd.s32 v7, v4;
	v5 =	vmul.f32 v9, v5  }
0xf4: {  	s30 =	simm.s32 $0x11460;
	s17 =	sshra.s32 s2, $0x1F;
	s16 =	sand.u32 $0x70, s2;
	[tilespmem:s19+$0x10C60] =	vst v4;
	v4 =	vmul.f32 v9, v8  }
0xf5: {  	p1 =	slt.s32 s2, $0x1;
	s18 =	sshrl.u32 s17, $0x19;
	p2 =	sne.s32 s16, $0x0;
	v6 =	vmul.f32 v9, v6;
	[tilespmem:s19+$0xF4F0] =	vst v5  }
0xf6: {  	s0 =	simm.s32 $0x80;
	s15 =	sadd.s32 s18, s2;
	p1 =	por !p1, !p2;
	[tilespmem:s19+$0x10490] =	vst v4  }
0xf7: {  	s16 =	simm.s32 $0x1;
	p1 =	por !p1, !p1;
	[tilespmem:s19+$0xFCC0] =	vst v6;
	s19 =	rddreg [dreg:$0x5]  }
0xf8: {  	[spmem:s19] =	stream.indirect.scatter.add.f32 [tilespmem:s30], [sflag:$0x2], $0x1, s21, s0, $0xb8;
	[tilespmem:$0x1DFD0] =	vst v63  }
0xf9: {  	s16 =	simm.s32 @!p1 $0x0;
	v4 =	vmov s13;
	s21 =	sshrl.u32 s15, $0x7  }
0xfa: {  	s13 =	ssub.s32 s21, s16  }
0xfb: {  	s13 =	sshll.u32 s13, $0x9  }
0xfc: {  	s13 =	sadd.s32 $0x200, s13  }
0xfd: {  	s13 =	sshra.s32 s13, $0x2  }
0xfe: {  	v5 =	vld.idx.msk [tilespmem:v4+s13+$0xFFFFFF80 ss:$0x1], $0xffff  }
0xff: {  	v6 =	vld.idx.msk [tilespmem:v4+s13+$0x0 ss:$0x1], $0xffff;
	_ =	sdelay $0x6  }
0x100: {  	v5 =	vld.idx.msk [tilespmem:v5+s5+$0x0], $0xffff  }
0x101: {  	v7 =	vld.idx.msk [tilespmem:v6+s5+$0x0], $0xffff  }
0x102: {  	v9 =	vld [tilespmem:$0x11C60];
	s13 =	simm.s32 $0x80  }
0x103: {  	v8 =	vld.idx.msk [tilespmem:v3+s13+$0x0 ss:$0x1], $0xffff;
	_ =	sdelay $0x1  }
0x104: {  	v5 =	vadd.s32 $0x1, v5  }
0x105: {  	v10 =	vld [tilespmem:$0x11C70];
	v7 =	vadd.s32 $0x1, v7;
	v5 =	vcvt.s32.f32 v5  }
0x106: {  	v7 =	vcvt.s32.f32 v7  }
0x107: {  	v11 =	vmul.f32 v5, v9;
	v5 =	vadd.s32 $0x1, v8  }
0x108: {  	v9 =	vmul.f32 v7, v9;
	v5 =	vcvt.s32.f32 v5;
	_ =	sdelay $0x1  }
0x109: {  	v7 =	vadd.f32 v9, v11;
	v5 =	vmul.f32 v5, v10;
	_ =	sdelay $0x1  }
0x10a: {  	v7 =	vadd.f32 v7, v5;
	_ =	sdelay $0x1  }
0x10b: {  	(erf) = vrcp.f32 v7;
	_ =	sdelay $0x4  }
0x10c: {  	s15 =	sadd.s32 $0x10, s2  }
0x10d: {  	s2 =	sand.u32 $0x70, s15  }
0x10e: {  	s30 =	sshra.s32 s15, $0x1F;
	p5 =	slt.s32 s15, $0x1;
	p6 =	sne.s32 s2, $0x0  }
0x10f: {  	s17 =	simm.s32 $0x1;
	s16 =	sshrl.u32 s30, $0x19;
	p1 =	por !p5, !p6;
	v6 =	vshll.u32 v6, $0x4  }
0x110: {  	s2 =	simm.s32 $0x240;
	s18 =	sadd.s32 s16, s15;
	p1 =	por !p1, !p1;
	v6 =	vadd.s32 v8, v6;
	v7 =	vpop (erf)  }
0x111: {  	s16 =	simm.s32 $0x280;
	s18 =	sshrl.u32 s18, $0x7;
	s17 =	simm.s32 @!p1 $0x0;
	[tilespmem:s13+$0x10C60] =	vst v6;
	v8 =	vmul.f32 v7, v11;
	v6 =	vmul.f32 v7, v9  }
.LBB2_11:
0x112: {  	p1 =	sne.s32 s16, $0x3C0  }
0x113: {  	s17 =	ssub.s32 s18, s17;
	v5 =	vmul.f32 v7, v5;
	s18 =	smov.u32 s16;
	s16 =	sadd.s32 $0x40, s16  }
0x114: {  	s17 =	sshll.u32 s17, $0x9;
	[tilespmem:s13+$0xF4F0] =	vst v8  }
0x115: {  	s17 =	sadd.s32 s17, s2;
	[tilespmem:s13+$0x10490] =	vst v5  }
0x116: {  	s17 =	sshra.s32 s17, $0x2;
	[tilespmem:s13+$0xFCC0] =	vst v6  }
0x117: {  	v5 =	vld.idx.msk [tilespmem:v4+s17+$0xFFFFFF80 ss:$0x1], $0xffff  }
0x118: {  	v6 =	vld.idx.msk [tilespmem:v4+s17+$0x0 ss:$0x1], $0xffff;
	_ =	sdelay $0x6  }
0x119: {  	v5 =	vld.idx.msk [tilespmem:v5+s5+$0x0], $0xffff  }
0x11a: {  	v7 =	vld.idx.msk [tilespmem:v6+s5+$0x0], $0xffff  }
0x11b: {  	s13 =	sshra.s32 s2, $0x2;
	s2 =	smov.u32 s18  }
0x11c: {  	v8 =	vld.idx.msk [tilespmem:v3+s13+$0x0 ss:$0x1], $0xffff  }
0x11d: {  	v9 =	vld [tilespmem:$0x11C60];
	_ =	sdelay $0x1  }
0x11e: {  	v5 =	vadd.s32 $0x1, v5  }
0x11f: {  	v7 =	vadd.s32 $0x1, v7;
	v5 =	vcvt.s32.f32 v5;
	v10 =	vld [tilespmem:$0x11C70]  }
0x120: {  	v6 =	vshll.u32 v6, $0x4;
	v7 =	vcvt.s32.f32 v7  }
0x121: {  	v6 =	vadd.s32 v8, v6;
	v11 =	vmul.f32 v5, v9;
	v5 =	vadd.s32 $0x1, v8  }
0x122: {  	v9 =	vmul.f32 v7, v9;
	v5 =	vcvt.s32.f32 v5;
	[tilespmem:s13+$0x10C60] =	vst v6;
	_ =	sdelay $0x1  }
0x123: {  	v6 =	vadd.f32 v9, v11;
	v5 =	vmul.f32 v5, v10;
	_ =	sdelay $0x1  }
0x124: {  	v6 =	vadd.f32 v6, v5;
	_ =	sdelay $0x1  }
0x125: {  	(erf) = vrcp.f32 v6;
	_ =	sdelay $0x4  }
0x126: {  	s15 =	sadd.s32 $0x10, s15  }
.Ltmp4:
0x127: {  	s18 =	sshra.s32 s15, $0x1F;
	s17 =	sand.u32 $0x70, s15;
	(pc) =	sbr.rel @p1 .LBB2_11-.Ltmp4, $4  }
0x128: {  	p2 =	slt.s32 s15, $0x1;
	p3 =	sne.s32 s17, $0x0;
	s17 =	sshrl.u32 s18, $0x19  }
0x129: {  	p2 =	por !p2, !p3;
	s17 =	sadd.s32 s17, s15  }
0x12a: {  	p2 =	por !p2, !p2;
	s18 =	sshrl.u32 s17, $0x7;
	s17 =	simm.s32 $0x1;
	v7 =	vpop (erf)  }
0x12b: {  	s17 =	simm.s32 @!p2 $0x0;
	v8 =	vmul.f32 v7, v11;
	v6 =	vmul.f32 v7, v9  }
0x12c: {  	s15 =	ssub.s32 s18, s17  }
0x12d: {  	v5 =	vmul.f32 v7, v5;
	s15 =	sshll.u32 s15, $0x9;
	[tilespmem:s13+$0xF4F0] =	vst v8  }
0x12e: {  	[tilespmem:s13+$0xFCC0] =	vst v6;
	s15 =	sadd.s32 s15, s2  }
0x12f: {  	[tilespmem:s13+$0x10490] =	vst v5;
	s15 =	sshra.s32 s15, $0x2  }
0x130: {  	v5 =	vld.idx.msk [tilespmem:v4+s15+$0xFFFFFF80 ss:$0x1], $0xffff  }
0x131: {  	v4 =	vld.idx.msk [tilespmem:v4+s15+$0x0 ss:$0x1], $0xffff;
	_ =	sdelay $0x6  }
0x132: {  	v5 =	vld.idx.msk [tilespmem:v5+s5+$0x0], $0xffff  }
0x133: {  	s13 =	sshra.s32 s2, $0x2;
	v6 =	vld.idx.msk [tilespmem:v4+s5+$0x0], $0xffff  }
0x134: {  	v7 =	vld.idx.msk [tilespmem:v3+s13+$0x0 ss:$0x1], $0xffff  }
0x135: {  	v8 =	vld [tilespmem:$0x11C60];
	_ =	sdelay $0x1  }
0x136: {  	v5 =	vadd.s32 $0x1, v5  }
0x137: {  	v9 =	vld [tilespmem:$0x11C70];
	v6 =	vadd.s32 $0x1, v6;
	v5 =	vcvt.s32.f32 v5  }
0x138: {  	v6 =	vcvt.s32.f32 v6  }
0x139: {  	v10 =	vadd.s32 $0x1, v7;
	v5 =	vmul.f32 v5, v8  }
0x13a: {  	v6 =	vmul.f32 v6, v8;
	v8 =	vcvt.s32.f32 v10;
	_ =	sdelay $0x1  }
0x13b: {  	v8 =	vmul.f32 v8, v9;
	v9 =	vadd.f32 v6, v5;
	_ =	sdelay $0x1  }
0x13c: {  	v9 =	vadd.f32 v9, v8;
	_ =	sdelay $0x1  }
0x13d: {  	(erf) = vrcp.f32 v9;
	_ =	sdelay $0x8  }
0x13e: {  	v4 =	vshll.u32 v4, $0x4;
	v9 =	vpop (erf)  }
0x13f: {  	v4 =	vadd.s32 v7, v4;
	v5 =	vmul.f32 v9, v5  }
0x140: {  	s17 =	sand.u32 $0x70, s1;
	s18 =	sshra.s32 s1, $0x1F;
	[tilespmem:s13+$0x10C60] =	vst v4;
	v4 =	vmul.f32 v9, v8  }
0x141: {  	p1 =	slt.s32 s1, $0x1;
	p2 =	sne.s32 s17, $0x0;
	s21 =	sshrl.u32 s18, $0x19;
	v6 =	vmul.f32 v9, v6;
	[tilespmem:s13+$0xF4F0] =	vst v5  }
0x142: {  	s16 =	simm.s32 $0x114E0;
	p1 =	por !p1, !p2;
	s2 =	sadd.s32 s21, s1;
	[tilespmem:s13+$0x10490] =	vst v4  }
0x143: {  	p1 =	por !p1, !p1;
	s15 =	simm.s32 $0x10CE0;
	[tilespmem:s13+$0xFCC0] =	vst v6;
	s13 =	simm.s32 $0x1  }
0x144: {  	[spmem:s19] =	stream.indirect.scatter.add.f32 [tilespmem:s16], [sflag:$0x2], $0x1, s15, s0, $0xb8;
	[tilespmem:$0x1DFD0] =	vst v63  }
0x145: {  	s2 =	sshrl.u32 s2, $0x7;
	v4 =	vmov s14;
	s13 =	simm.s32 @!p1 $0x0  }
0x146: {  	s2 =	ssub.s32 s2, s13  }
0x147: {  	s2 =	sshll.u32 s2, $0x9  }
0x148: {  	s2 =	sadd.s32 $0x400, s2  }
0x149: {  	s2 =	sshra.s32 s2, $0x2  }
0x14a: {  	v5 =	vld.idx.msk [tilespmem:v4+s2+$0xFFFFFF00 ss:$0x1], $0xffff  }
0x14b: {  	v6 =	vld.idx.msk [tilespmem:v4+s2+$0xFFFFFF80 ss:$0x1], $0xffff;
	_ =	sdelay $0x6  }
0x14c: {  	v5 =	vld.idx.msk [tilespmem:v5+s5+$0x0], $0xffff  }
0x14d: {  	v7 =	vld.idx.msk [tilespmem:v6+s5+$0x0], $0xffff  }
0x14e: {  	v9 =	vld [tilespmem:$0x11C60];
	s2 =	simm.s32 $0x100  }
0x14f: {  	v8 =	vld.idx.msk [tilespmem:v3+s2+$0x0 ss:$0x1], $0xffff;
	_ =	sdelay $0x1  }
0x150: {  	v5 =	vadd.s32 $0x1, v5  }
0x151: {  	v10 =	vld [tilespmem:$0x11C70];
	v7 =	vadd.s32 $0x1, v7;
	v5 =	vcvt.s32.f32 v5  }
0x152: {  	v7 =	vcvt.s32.f32 v7  }
0x153: {  	v11 =	vmul.f32 v5, v9;
	v5 =	vadd.s32 $0x1, v8  }
0x154: {  	v9 =	vmul.f32 v7, v9;
	v5 =	vcvt.s32.f32 v5;
	_ =	sdelay $0x1  }
0x155: {  	v7 =	vadd.f32 v9, v11;
	v5 =	vmul.f32 v5, v10;
	_ =	sdelay $0x1  }
0x156: {  	v7 =	vadd.f32 v7, v5;
	_ =	sdelay $0x1  }
0x157: {  	(erf) = vrcp.f32 v7;
	_ =	sdelay $0x4  }
0x158: {  	s13 =	sadd.s32 $0x10, s1  }
0x159: {  	s1 =	sand.u32 $0x70, s13  }
0x15a: {  	s30 =	sshra.s32 s13, $0x1F;
	p5 =	slt.s32 s13, $0x1;
	p6 =	sne.s32 s1, $0x0  }
0x15b: {  	s15 =	simm.s32 $0x1;
	s14 =	sshrl.u32 s30, $0x19;
	p1 =	por !p5, !p6;
	v6 =	vshll.u32 v6, $0x4  }
0x15c: {  	s1 =	simm.s32 $0x440;
	s16 =	sadd.s32 s14, s13;
	p1 =	por !p1, !p1;
	v6 =	vadd.s32 v8, v6;
	v7 =	vpop (erf)  }
0x15d: {  	s14 =	simm.s32 $0x480;
	s16 =	sshrl.u32 s16, $0x7;
	s15 =	simm.s32 @!p1 $0x0;
	[tilespmem:s2+$0x10C60] =	vst v6;
	v8 =	vmul.f32 v7, v11;
	v6 =	vmul.f32 v7, v9  }
.LBB2_13:
0x15e: {  	p1 =	sne.s32 s14, $0x5C0  }
0x15f: {  	s15 =	ssub.s32 s16, s15;
	v5 =	vmul.f32 v7, v5;
	s16 =	smov.u32 s14;
	s14 =	sadd.s32 $0x40, s14  }
0x160: {  	s15 =	sshll.u32 s15, $0x9;
	[tilespmem:s2+$0xF4F0] =	vst v8  }
0x161: {  	s15 =	sadd.s32 s15, s1;
	[tilespmem:s2+$0x10490] =	vst v5  }
0x162: {  	s15 =	sshra.s32 s15, $0x2;
	[tilespmem:s2+$0xFCC0] =	vst v6  }
0x163: {  	v5 =	vld.idx.msk [tilespmem:v4+s15+$0xFFFFFF00 ss:$0x1], $0xffff  }
0x164: {  	v6 =	vld.idx.msk [tilespmem:v4+s15+$0xFFFFFF80 ss:$0x1], $0xffff;
	_ =	sdelay $0x6  }
0x165: {  	v5 =	vld.idx.msk [tilespmem:v5+s5+$0x0], $0xffff  }
0x166: {  	v7 =	vld.idx.msk [tilespmem:v6+s5+$0x0], $0xffff  }
0x167: {  	s2 =	sshra.s32 s1, $0x2;
	s1 =	smov.u32 s16  }
0x168: {  	v8 =	vld.idx.msk [tilespmem:v3+s2+$0x0 ss:$0x1], $0xffff  }
0x169: {  	v9 =	vld [tilespmem:$0x11C60];
	_ =	sdelay $0x1  }
0x16a: {  	v5 =	vadd.s32 $0x1, v5  }
0x16b: {  	v7 =	vadd.s32 $0x1, v7;
	v5 =	vcvt.s32.f32 v5;
	v10 =	vld [tilespmem:$0x11C70]  }
0x16c: {  	v6 =	vshll.u32 v6, $0x4;
	v7 =	vcvt.s32.f32 v7  }
0x16d: {  	v6 =	vadd.s32 v8, v6;
	v11 =	vmul.f32 v5, v9;
	v5 =	vadd.s32 $0x1, v8  }
0x16e: {  	v9 =	vmul.f32 v7, v9;
	v5 =	vcvt.s32.f32 v5;
	[tilespmem:s2+$0x10C60] =	vst v6;
	_ =	sdelay $0x1  }
0x16f: {  	v6 =	vadd.f32 v9, v11;
	v5 =	vmul.f32 v5, v10;
	_ =	sdelay $0x1  }
0x170: {  	v6 =	vadd.f32 v6, v5;
	_ =	sdelay $0x1  }
0x171: {  	(erf) = vrcp.f32 v6;
	_ =	sdelay $0x4  }
0x172: {  	s13 =	sadd.s32 $0x10, s13  }
.Ltmp5:
0x173: {  	s16 =	sshra.s32 s13, $0x1F;
	s15 =	sand.u32 $0x70, s13;
	(pc) =	sbr.rel @p1 .LBB2_13-.Ltmp5, $4  }
0x174: {  	p2 =	slt.s32 s13, $0x1;
	p3 =	sne.s32 s15, $0x0;
	s15 =	sshrl.u32 s16, $0x19  }
0x175: {  	p2 =	por !p2, !p3;
	s15 =	sadd.s32 s15, s13  }
0x176: {  	p2 =	por !p2, !p2;
	s16 =	sshrl.u32 s15, $0x7;
	s15 =	simm.s32 $0x1;
	v7 =	vpop (erf)  }
0x177: {  	s15 =	simm.s32 @!p2 $0x0;
	v8 =	vmul.f32 v7, v11;
	v6 =	vmul.f32 v7, v9  }
0x178: {  	s13 =	ssub.s32 s16, s15  }
0x179: {  	v5 =	vmul.f32 v7, v5;
	s13 =	sshll.u32 s13, $0x9;
	[tilespmem:s2+$0xF4F0] =	vst v8  }
0x17a: {  	[tilespmem:s2+$0xFCC0] =	vst v6;
	s13 =	sadd.s32 s13, s1  }
0x17b: {  	[tilespmem:s2+$0x10490] =	vst v5;
	s13 =	sshra.s32 s13, $0x2  }
0x17c: {  	v5 =	vld.idx.msk [tilespmem:v4+s13+$0xFFFFFF00 ss:$0x1], $0xffff  }
0x17d: {  	v4 =	vld.idx.msk [tilespmem:v4+s13+$0xFFFFFF80 ss:$0x1], $0xffff;
	_ =	sdelay $0x6  }
0x17e: {  	v5 =	vld.idx.msk [tilespmem:v5+s5+$0x0], $0xffff  }
0x17f: {  	v6 =	vld.idx.msk [tilespmem:v4+s5+$0x0], $0xffff  }
0x180: {  	v8 =	vld [tilespmem:$0x11C60];
	s13 =	sshra.s32 s1, $0x2  }
0x181: {  	v7 =	vld.idx.msk [tilespmem:v3+s13+$0x0 ss:$0x1], $0xffff;
	_ =	sdelay $0x1  }
0x182: {  	v5 =	vadd.s32 $0x1, v5  }
0x183: {  	v9 =	vld [tilespmem:$0x11C70];
	v6 =	vadd.s32 $0x1, v6;
	v5 =	vcvt.s32.f32 v5  }
0x184: {  	v6 =	vcvt.s32.f32 v6  }
0x185: {  	v10 =	vadd.s32 $0x1, v7;
	v5 =	vmul.f32 v5, v8  }
0x186: {  	v6 =	vmul.f32 v6, v8;
	v8 =	vcvt.s32.f32 v10;
	_ =	sdelay $0x1  }
0x187: {  	v8 =	vmul.f32 v8, v9;
	v9 =	vadd.f32 v6, v5;
	_ =	sdelay $0x1  }
0x188: {  	v9 =	vadd.f32 v9, v8;
	_ =	sdelay $0x1  }
0x189: {  	(erf) = vrcp.f32 v9;
	_ =	sdelay $0x6  }
0x18a: {  	s16 =	sand.u32 $0x70, s10  }
0x18b: {  	s17 =	sshra.s32 s10, $0x1F;
	p1 =	slt.s32 s10, $0x1;
	p2 =	sne.s32 s16, $0x0;
	v4 =	vshll.u32 v4, $0x4  }
0x18c: {  	s18 =	sshrl.u32 s17, $0x19;
	p1 =	por !p1, !p2;
	v4 =	vadd.s32 v7, v4;
	v9 =	vpop (erf)  }
0x18d: {  	s2 =	simm.s32 $0x1;
	p1 =	por !p1, !p1;
	s1 =	sadd.s32 s18, s10;
	[tilespmem:s13+$0x10C60] =	vst v4;
	v4 =	vmul.f32 v9, v8  }
0x18e: {  	s2 =	simm.s32 @!p1 $0x0;
	s1 =	sshrl.u32 s1, $0x7  }
0x18f: {  	s1 =	ssub.s32 s1, s2;
	v5 =	vmul.f32 v9, v5;
	[tilespmem:s13+$0x10490] =	vst v4;
	v4 =	vmov s31  }
0x190: {  	s1 =	sshll.u32 s1, $0x9;
	v6 =	vmul.f32 v9, v6  }
0x191: {  	s1 =	sadd.s32 $0x600, s1;
	[tilespmem:s13+$0xF4F0] =	vst v5  }
0x192: {  	s14 =	simm.s32 $0x10D60;
	s15 =	simm.s32 $0x11560;
	s1 =	sshra.s32 s1, $0x2;
	[tilespmem:s13+$0xFCC0] =	vst v6  }
0x193: {  	[spmem:s19] =	stream.indirect.scatter.add.f32 [tilespmem:s15], [sflag:$0x2], $0x1, s14, s0, $0xb8;
	[tilespmem:$0x1DFD0] =	vst v63  }
0x194: {  	v5 =	vld.idx.msk [tilespmem:v4+s1+$0xFFFFFE80 ss:$0x1], $0xffff  }
0x195: {  	v6 =	vld.idx.msk [tilespmem:v4+s1+$0xFFFFFF00 ss:$0x1], $0xffff;
	_ =	sdelay $0x6  }
0x196: {  	v5 =	vld.idx.msk [tilespmem:v5+s5+$0x0], $0xffff  }
0x197: {  	v7 =	vld.idx.msk [tilespmem:v6+s5+$0x0], $0xffff  }
0x198: {  	v9 =	vld [tilespmem:$0x11C60];
	s1 =	simm.s32 $0x180  }
0x199: {  	v8 =	vld.idx.msk [tilespmem:v3+s1+$0x0 ss:$0x1], $0xffff;
	_ =	sdelay $0x1  }
0x19a: {  	v5 =	vadd.s32 $0x1, v5  }
0x19b: {  	v10 =	vld [tilespmem:$0x11C70];
	v7 =	vadd.s32 $0x1, v7;
	v5 =	vcvt.s32.f32 v5  }
0x19c: {  	v7 =	vcvt.s32.f32 v7  }
0x19d: {  	v11 =	vmul.f32 v5, v9;
	v5 =	vadd.s32 $0x1, v8  }
0x19e: {  	v9 =	vmul.f32 v7, v9;
	v5 =	vcvt.s32.f32 v5;
	_ =	sdelay $0x1  }
0x19f: {  	v7 =	vadd.f32 v9, v11;
	v5 =	vmul.f32 v5, v10;
	_ =	sdelay $0x1  }
0x1a0: {  	v7 =	vadd.f32 v7, v5;
	_ =	sdelay $0x1  }
0x1a1: {  	(erf) = vrcp.f32 v7;
	_ =	sdelay $0x4  }
0x1a2: {  	s10 =	sadd.s32 $0x10, s10  }
0x1a3: {  	s21 =	sand.u32 $0x70, s10  }
0x1a4: {  	s30 =	sshra.s32 s10, $0x1F;
	p5 =	slt.s32 s10, $0x1;
	p6 =	sne.s32 s21, $0x0  }
0x1a5: {  	s2 =	simm.s32 $0x640;
	p1 =	por !p5, !p6;
	s13 =	sshrl.u32 s30, $0x19;
	v6 =	vshll.u32 v6, $0x4  }
0x1a6: {  	p1 =	por !p1, !p1;
	s31 =	sadd.s32 s13, s10;
	s14 =	simm.s32 $0x1;
	v6 =	vadd.s32 v8, v6;
	v7 =	vpop (erf)  }
0x1a7: {  	s13 =	simm.s32 $0x680;
	s15 =	sshrl.u32 s31, $0x7;
	s14 =	simm.s32 @!p1 $0x0;
	[tilespmem:s1+$0x10C60] =	vst v6;
	v8 =	vmul.f32 v7, v11;
	v6 =	vmul.f32 v7, v9  }
.LBB2_15:
0x1a8: {  	p1 =	sne.s32 s13, $0x7C0  }
0x1a9: {  	s14 =	ssub.s32 s15, s14;
	v5 =	vmul.f32 v7, v5;
	s15 =	smov.u32 s13;
	s13 =	sadd.s32 $0x40, s13  }
0x1aa: {  	s14 =	sshll.u32 s14, $0x9;
	[tilespmem:s1+$0xF4F0] =	vst v8  }
0x1ab: {  	s14 =	sadd.s32 s14, s2;
	[tilespmem:s1+$0x10490] =	vst v5  }
0x1ac: {  	s14 =	sshra.s32 s14, $0x2;
	[tilespmem:s1+$0xFCC0] =	vst v6  }
0x1ad: {  	v5 =	vld.idx.msk [tilespmem:v4+s14+$0xFFFFFE80 ss:$0x1], $0xffff  }
0x1ae: {  	v6 =	vld.idx.msk [tilespmem:v4+s14+$0xFFFFFF00 ss:$0x1], $0xffff;
	_ =	sdelay $0x6  }
0x1af: {  	v5 =	vld.idx.msk [tilespmem:v5+s5+$0x0], $0xffff  }
0x1b0: {  	v7 =	vld.idx.msk [tilespmem:v6+s5+$0x0], $0xffff  }
0x1b1: {  	s1 =	sshra.s32 s2, $0x2;
	s2 =	smov.u32 s15  }
0x1b2: {  	v8 =	vld.idx.msk [tilespmem:v3+s1+$0x0 ss:$0x1], $0xffff  }
0x1b3: {  	v9 =	vld [tilespmem:$0x11C60];
	_ =	sdelay $0x1  }
0x1b4: {  	v5 =	vadd.s32 $0x1, v5  }
0x1b5: {  	v7 =	vadd.s32 $0x1, v7;
	v5 =	vcvt.s32.f32 v5;
	v10 =	vld [tilespmem:$0x11C70]  }
0x1b6: {  	v6 =	vshll.u32 v6, $0x4;
	v7 =	vcvt.s32.f32 v7  }
0x1b7: {  	v6 =	vadd.s32 v8, v6;
	v11 =	vmul.f32 v5, v9;
	v5 =	vadd.s32 $0x1, v8  }
0x1b8: {  	v9 =	vmul.f32 v7, v9;
	v5 =	vcvt.s32.f32 v5;
	[tilespmem:s1+$0x10C60] =	vst v6;
	_ =	sdelay $0x1  }
0x1b9: {  	v6 =	vadd.f32 v9, v11;
	v5 =	vmul.f32 v5, v10;
	_ =	sdelay $0x1  }
0x1ba: {  	v6 =	vadd.f32 v6, v5;
	_ =	sdelay $0x1  }
0x1bb: {  	(erf) = vrcp.f32 v6;
	_ =	sdelay $0x4  }
0x1bc: {  	s10 =	sadd.s32 $0x10, s10  }
.Ltmp6:
0x1bd: {  	s15 =	sshra.s32 s10, $0x1F;
	s14 =	sand.u32 $0x70, s10;
	(pc) =	sbr.rel @p1 .LBB2_15-.Ltmp6, $4  }
0x1be: {  	p2 =	slt.s32 s10, $0x1;
	p3 =	sne.s32 s14, $0x0;
	s14 =	sshrl.u32 s15, $0x19  }
0x1bf: {  	p2 =	por !p2, !p3;
	s14 =	sadd.s32 s14, s10  }
0x1c0: {  	p2 =	por !p2, !p2;
	s15 =	sshrl.u32 s14, $0x7;
	s14 =	simm.s32 $0x1;
	v7 =	vpop (erf)  }
0x1c1: {  	s14 =	simm.s32 @!p2 $0x0;
	v8 =	vmul.f32 v7, v11;
	v6 =	vmul.f32 v7, v9  }
0x1c2: {  	s10 =	ssub.s32 s15, s14  }
0x1c3: {  	v5 =	vmul.f32 v7, v5;
	s10 =	sshll.u32 s10, $0x9;
	[tilespmem:s1+$0xF4F0] =	vst v8  }
0x1c4: {  	[tilespmem:s1+$0xFCC0] =	vst v6;
	s10 =	sadd.s32 s10, s2  }
0x1c5: {  	[tilespmem:s1+$0x10490] =	vst v5;
	s10 =	sshra.s32 s10, $0x2  }
0x1c6: {  	v5 =	vld.idx.msk [tilespmem:v4+s10+$0xFFFFFE80 ss:$0x1], $0xffff  }
0x1c7: {  	v4 =	vld.idx.msk [tilespmem:v4+s10+$0xFFFFFF00 ss:$0x1], $0xffff;
	_ =	sdelay $0x6  }
0x1c8: {  	v5 =	vld.idx.msk [tilespmem:v5+s5+$0x0], $0xffff  }
0x1c9: {  	s13 =	sshra.s32 s2, $0x2;
	v6 =	vld.idx.msk [tilespmem:v4+s5+$0x0], $0xffff  }
0x1ca: {  	v7 =	vld.idx.msk [tilespmem:v3+s13+$0x0 ss:$0x1], $0xffff  }
0x1cb: {  	v8 =	vld [tilespmem:$0x11C60];
	_ =	sdelay $0x1  }
0x1cc: {  	v5 =	vadd.s32 $0x1, v5  }
0x1cd: {  	v9 =	vld [tilespmem:$0x11C70];
	v6 =	vadd.s32 $0x1, v6;
	v5 =	vcvt.s32.f32 v5  }
0x1ce: {  	v6 =	vcvt.s32.f32 v6  }
0x1cf: {  	v10 =	vadd.s32 $0x1, v7;
	v5 =	vmul.f32 v5, v8  }
0x1d0: {  	v6 =	vmul.f32 v6, v8;
	v8 =	vcvt.s32.f32 v10;
	_ =	sdelay $0x1  }
0x1d1: {  	v8 =	vmul.f32 v8, v9;
	v9 =	vadd.f32 v6, v5;
	_ =	sdelay $0x1  }
0x1d2: {  	v9 =	vadd.f32 v9, v8;
	_ =	sdelay $0x1  }
0x1d3: {  	(erf) = vrcp.f32 v9;
	_ =	sdelay $0x6  }
0x1d4: {  	s16 =	sand.u32 $0x70, s9  }
0x1d5: {  	s17 =	sshra.s32 s9, $0x1F;
	p1 =	slt.s32 s9, $0x1;
	p2 =	sne.s32 s16, $0x0;
	v4 =	vshll.u32 v4, $0x4  }
0x1d6: {  	s18 =	sshrl.u32 s17, $0x19;
	p1 =	por !p1, !p2;
	v4 =	vadd.s32 v7, v4;
	v9 =	vpop (erf)  }
0x1d7: {  	s1 =	sadd.s32 s18, s9;
	s2 =	simm.s32 $0x1;
	p1 =	por !p1, !p1;
	[tilespmem:s13+$0x10C60] =	vst v4;
	v4 =	vmul.f32 v9, v8  }
0x1d8: {  	s1 =	sshrl.u32 s1, $0x7;
	s2 =	simm.s32 @!p1 $0x0  }
0x1d9: {  	s1 =	ssub.s32 s1, s2;
	v5 =	vmul.f32 v9, v5;
	[tilespmem:s13+$0x10490] =	vst v4;
	v4 =	vmov s11  }
0x1da: {  	s1 =	sshll.u32 s1, $0x9;
	v6 =	vmul.f32 v9, v6  }
0x1db: {  	s1 =	sadd.s32 $0x800, s1;
	[tilespmem:s13+$0xF4F0] =	vst v5  }
0x1dc: {  	s14 =	simm.s32 $0x10DE0;
	s15 =	simm.s32 $0x115E0;
	s1 =	sshra.s32 s1, $0x2;
	[tilespmem:s13+$0xFCC0] =	vst v6  }
0x1dd: {  	[spmem:s19] =	stream.indirect.scatter.add.f32 [tilespmem:s15], [sflag:$0x2], $0x1, s14, s0, $0xb8;
	[tilespmem:$0x1DFD0] =	vst v63  }
0x1de: {  	v5 =	vld.idx.msk [tilespmem:v4+s1+$0xFFFFFE00 ss:$0x1], $0xffff  }
0x1df: {  	v6 =	vld.idx.msk [tilespmem:v4+s1+$0xFFFFFE80 ss:$0x1], $0xffff;
	_ =	sdelay $0x6  }
0x1e0: {  	v5 =	vld.idx.msk [tilespmem:v5+s5+$0x0], $0xffff  }
0x1e1: {  	v7 =	vld.idx.msk [tilespmem:v6+s5+$0x0], $0xffff  }
0x1e2: {  	v9 =	vld [tilespmem:$0x11C60];
	s1 =	simm.s32 $0x200  }
0x1e3: {  	v8 =	vld.idx.msk [tilespmem:v3+s1+$0x0 ss:$0x1], $0xffff;
	_ =	sdelay $0x1  }
0x1e4: {  	v5 =	vadd.s32 $0x1, v5  }
0x1e5: {  	v10 =	vld [tilespmem:$0x11C70];
	v7 =	vadd.s32 $0x1, v7;
	v5 =	vcvt.s32.f32 v5  }
0x1e6: {  	v7 =	vcvt.s32.f32 v7  }
0x1e7: {  	v11 =	vmul.f32 v5, v9;
	v5 =	vadd.s32 $0x1, v8  }
0x1e8: {  	v9 =	vmul.f32 v7, v9;
	v5 =	vcvt.s32.f32 v5;
	_ =	sdelay $0x1  }
0x1e9: {  	v7 =	vadd.f32 v9, v11;
	v5 =	vmul.f32 v5, v10;
	_ =	sdelay $0x1  }
0x1ea: {  	v7 =	vadd.f32 v7, v5;
	_ =	sdelay $0x1  }
0x1eb: {  	(erf) = vrcp.f32 v7;
	_ =	sdelay $0x4  }
0x1ec: {  	s9 =	sadd.s32 $0x10, s9  }
0x1ed: {  	s30 =	sld [smem:$0x7BF];
	s21 =	sand.u32 $0x70, s9  }
0x1ee: {  	s31 =	sshra.s32 s9, $0x1F;
	p5 =	slt.s32 s9, $0x1;
	p6 =	sne.s32 s21, $0x0  }
0x1ef: {  	s10 =	sshrl.u32 s31, $0x19;
	s2 =	simm.s32 $0x840;
	p1 =	por !p5, !p6;
	v6 =	vshll.u32 v6, $0x4  }
0x1f0: {  	p1 =	por !p1, !p1;
	s13 =	sadd.s32 s10, s9;
	s11 =	simm.s32 $0x1;
	v6 =	vadd.s32 v8, v6;
	v7 =	vpop (erf)  }
0x1f1: {  	s10 =	simm.s32 $0x880;
	s13 =	sshrl.u32 s13, $0x7;
	s11 =	simm.s32 @!p1 $0x0;
	[tilespmem:s1+$0x10C60] =	vst v6;
	v8 =	vmul.f32 v7, v11;
	v6 =	vmul.f32 v7, v9  }
.LBB2_17:
0x1f2: {  	p1 =	sne.s32 s10, $0x9C0  }
0x1f3: {  	s11 =	ssub.s32 s13, s11;
	v5 =	vmul.f32 v7, v5;
	s13 =	smov.u32 s10;
	s10 =	sadd.s32 $0x40, s10  }
0x1f4: {  	s11 =	sshll.u32 s11, $0x9;
	[tilespmem:s1+$0xF4F0] =	vst v8  }
0x1f5: {  	s11 =	sadd.s32 s11, s2;
	[tilespmem:s1+$0x10490] =	vst v5  }
0x1f6: {  	s11 =	sshra.s32 s11, $0x2;
	[tilespmem:s1+$0xFCC0] =	vst v6  }
0x1f7: {  	v5 =	vld.idx.msk [tilespmem:v4+s11+$0xFFFFFE00 ss:$0x1], $0xffff  }
0x1f8: {  	v6 =	vld.idx.msk [tilespmem:v4+s11+$0xFFFFFE80 ss:$0x1], $0xffff;
	_ =	sdelay $0x6  }
0x1f9: {  	v5 =	vld.idx.msk [tilespmem:v5+s5+$0x0], $0xffff  }
0x1fa: {  	v7 =	vld.idx.msk [tilespmem:v6+s5+$0x0], $0xffff  }
0x1fb: {  	s1 =	sshra.s32 s2, $0x2;
	s2 =	smov.u32 s13  }
0x1fc: {  	v8 =	vld.idx.msk [tilespmem:v3+s1+$0x0 ss:$0x1], $0xffff  }
0x1fd: {  	v9 =	vld [tilespmem:$0x11C60];
	_ =	sdelay $0x1  }
0x1fe: {  	v5 =	vadd.s32 $0x1, v5  }
0x1ff: {  	v7 =	vadd.s32 $0x1, v7;
	v5 =	vcvt.s32.f32 v5;
	v10 =	vld [tilespmem:$0x11C70]  }
0x200: {  	v6 =	vshll.u32 v6, $0x4;
	v7 =	vcvt.s32.f32 v7  }
0x201: {  	v6 =	vadd.s32 v8, v6;
	v11 =	vmul.f32 v5, v9;
	v5 =	vadd.s32 $0x1, v8  }
0x202: {  	v9 =	vmul.f32 v7, v9;
	v5 =	vcvt.s32.f32 v5;
	[tilespmem:s1+$0x10C60] =	vst v6;
	_ =	sdelay $0x1  }
0x203: {  	v6 =	vadd.f32 v9, v11;
	v5 =	vmul.f32 v5, v10;
	_ =	sdelay $0x1  }
0x204: {  	v6 =	vadd.f32 v6, v5;
	_ =	sdelay $0x1  }
0x205: {  	(erf) = vrcp.f32 v6;
	_ =	sdelay $0x4  }
0x206: {  	s9 =	sadd.s32 $0x10, s9  }
.Ltmp7:
0x207: {  	s13 =	sshra.s32 s9, $0x1F;
	s11 =	sand.u32 $0x70, s9;
	(pc) =	sbr.rel @p1 .LBB2_17-.Ltmp7, $4  }
0x208: {  	p2 =	slt.s32 s9, $0x1;
	p3 =	sne.s32 s11, $0x0;
	s11 =	sshrl.u32 s13, $0x19  }
0x209: {  	p2 =	por !p2, !p3;
	s11 =	sadd.s32 s11, s9  }
0x20a: {  	p2 =	por !p2, !p2;
	s13 =	sshrl.u32 s11, $0x7;
	s11 =	simm.s32 $0x1;
	v7 =	vpop (erf)  }
0x20b: {  	s11 =	simm.s32 @!p2 $0x0;
	v8 =	vmul.f32 v7, v11;
	v6 =	vmul.f32 v7, v9  }
0x20c: {  	s9 =	ssub.s32 s13, s11  }
0x20d: {  	v5 =	vmul.f32 v7, v5;
	s9 =	sshll.u32 s9, $0x9;
	[tilespmem:s1+$0xF4F0] =	vst v8  }
0x20e: {  	[tilespmem:s1+$0xFCC0] =	vst v6;
	s9 =	sadd.s32 s9, s2  }
0x20f: {  	[tilespmem:s1+$0x10490] =	vst v5;
	s9 =	sshra.s32 s9, $0x2  }
0x210: {  	v5 =	vld.idx.msk [tilespmem:v4+s9+$0xFFFFFE00 ss:$0x1], $0xffff  }
0x211: {  	v4 =	vld.idx.msk [tilespmem:v4+s9+$0xFFFFFE80 ss:$0x1], $0xffff;
	_ =	sdelay $0x6  }
0x212: {  	v5 =	vld.idx.msk [tilespmem:v5+s5+$0x0], $0xffff  }
0x213: {  	s10 =	sshra.s32 s2, $0x2;
	v6 =	vld.idx.msk [tilespmem:v4+s5+$0x0], $0xffff  }
0x214: {  	v7 =	vld.idx.msk [tilespmem:v3+s10+$0x0 ss:$0x1], $0xffff  }
0x215: {  	v8 =	vld [tilespmem:$0x11C60];
	_ =	sdelay $0x1  }
0x216: {  	v5 =	vadd.s32 $0x1, v5  }
0x217: {  	v9 =	vld [tilespmem:$0x11C70];
	v6 =	vadd.s32 $0x1, v6;
	v5 =	vcvt.s32.f32 v5  }
0x218: {  	v6 =	vcvt.s32.f32 v6  }
0x219: {  	v10 =	vadd.s32 $0x1, v7;
	v5 =	vmul.f32 v5, v8  }
0x21a: {  	v6 =	vmul.f32 v6, v8;
	v8 =	vcvt.s32.f32 v10;
	_ =	sdelay $0x1  }
0x21b: {  	v8 =	vmul.f32 v8, v9;
	v9 =	vadd.f32 v6, v5;
	_ =	sdelay $0x1  }
0x21c: {  	v9 =	vadd.f32 v9, v8;
	_ =	sdelay $0x1  }
0x21d: {  	(erf) = vrcp.f32 v9;
	_ =	sdelay $0x6  }
0x21e: {  	s14 =	sand.u32 $0x70, s8  }
0x21f: {  	s15 =	sshra.s32 s8, $0x1F;
	p1 =	slt.s32 s8, $0x1;
	p2 =	sne.s32 s14, $0x0;
	v4 =	vshll.u32 v4, $0x4  }
0x220: {  	s17 =	sld [smem:$0x7E2];
	s16 =	sshrl.u32 s15, $0x19;
	p1 =	por !p1, !p2;
	v4 =	vadd.s32 v7, v4;
	v9 =	vpop (erf)  }
0x221: {  	s1 =	sadd.s32 s16, s8;
	s2 =	simm.s32 $0x1;
	p1 =	por !p1, !p1;
	[tilespmem:s10+$0x10C60] =	vst v4;
	v4 =	vmul.f32 v9, v8  }
0x222: {  	s1 =	sshrl.u32 s1, $0x7;
	s2 =	simm.s32 @!p1 $0x0  }
0x223: {  	s1 =	ssub.s32 s1, s2;
	v5 =	vmul.f32 v9, v5;
	[tilespmem:s10+$0x10490] =	vst v4;
	v4 =	vmov s17  }
0x224: {  	s1 =	sshll.u32 s1, $0x9;
	v6 =	vmul.f32 v9, v6  }
0x225: {  	s1 =	sadd.s32 $0xA00, s1;
	[tilespmem:s10+$0xF4F0] =	vst v5  }
0x226: {  	s11 =	simm.s32 $0x10E60;
	s13 =	simm.s32 $0x11660;
	s1 =	sshra.s32 s1, $0x2;
	[tilespmem:s10+$0xFCC0] =	vst v6  }
0x227: {  	[spmem:s19] =	stream.indirect.scatter.add.f32 [tilespmem:s13], [sflag:$0x2], $0x1, s11, s0, $0xb8;
	[tilespmem:$0x1DFD0] =	vst v63  }
0x228: {  	v5 =	vld.idx.msk [tilespmem:v4+s1+$0xFFFFFD80 ss:$0x1], $0xffff  }
0x229: {  	v6 =	vld.idx.msk [tilespmem:v4+s1+$0xFFFFFE00 ss:$0x1], $0xffff;
	_ =	sdelay $0x6  }
0x22a: {  	v5 =	vld.idx.msk [tilespmem:v5+s5+$0x0], $0xffff  }
0x22b: {  	v7 =	vld.idx.msk [tilespmem:v6+s5+$0x0], $0xffff  }
0x22c: {  	v9 =	vld [tilespmem:$0x11C60];
	s1 =	simm.s32 $0x280  }
0x22d: {  	v8 =	vld.idx.msk [tilespmem:v3+s1+$0x0 ss:$0x1], $0xffff;
	_ =	sdelay $0x1  }
0x22e: {  	v5 =	vadd.s32 $0x1, v5  }
0x22f: {  	v10 =	vld [tilespmem:$0x11C70];
	v7 =	vadd.s32 $0x1, v7;
	v5 =	vcvt.s32.f32 v5  }
0x230: {  	v7 =	vcvt.s32.f32 v7  }
0x231: {  	v11 =	vmul.f32 v5, v9;
	v5 =	vadd.s32 $0x1, v8  }
0x232: {  	v9 =	vmul.f32 v7, v9;
	v5 =	vcvt.s32.f32 v5;
	_ =	sdelay $0x1  }
0x233: {  	v7 =	vadd.f32 v9, v11;
	v5 =	vmul.f32 v5, v10;
	_ =	sdelay $0x1  }
0x234: {  	v7 =	vadd.f32 v7, v5;
	_ =	sdelay $0x1  }
0x235: {  	(erf) = vrcp.f32 v7;
	_ =	sdelay $0x4  }
0x236: {  	s8 =	sadd.s32 $0x10, s8  }
0x237: {  	s14 =	sld [smem:$0x7BE];
	s18 =	sand.u32 $0x70, s8;
	s21 =	sshra.s32 s8, $0x1F  }
0x238: {  	p5 =	slt.s32 s8, $0x1;
	p6 =	sne.s32 s18, $0x0;
	s9 =	sshrl.u32 s21, $0x19  }
0x239: {  	s2 =	simm.s32 $0xA40;
	p1 =	por !p5, !p6;
	s31 =	sadd.s32 s9, s8;
	v6 =	vshll.u32 v6, $0x4  }
0x23a: {  	s9 =	simm.s32 $0xA80;
	p1 =	por !p1, !p1;
	s10 =	simm.s32 $0x1;
	v6 =	vadd.s32 v8, v6;
	v7 =	vpop (erf)  }
0x23b: {  	s11 =	sshrl.u32 s31, $0x7;
	s10 =	simm.s32 @!p1 $0x0;
	s13 =	sld [smem:$0x7C1];
	[tilespmem:s1+$0x10C60] =	vst v6;
	v8 =	vmul.f32 v7, v11;
	v6 =	vmul.f32 v7, v9  }
.LBB2_19:
0x23c: {  	p1 =	sne.s32 s9, $0xBC0  }
0x23d: {  	s10 =	ssub.s32 s11, s10;
	v5 =	vmul.f32 v7, v5;
	s11 =	smov.u32 s9;
	s9 =	sadd.s32 $0x40, s9  }
0x23e: {  	s10 =	sshll.u32 s10, $0x9;
	[tilespmem:s1+$0xF4F0] =	vst v8  }
0x23f: {  	s10 =	sadd.s32 s10, s2;
	[tilespmem:s1+$0x10490] =	vst v5  }
0x240: {  	s10 =	sshra.s32 s10, $0x2;
	[tilespmem:s1+$0xFCC0] =	vst v6  }
0x241: {  	v5 =	vld.idx.msk [tilespmem:v4+s10+$0xFFFFFD80 ss:$0x1], $0xffff  }
0x242: {  	v6 =	vld.idx.msk [tilespmem:v4+s10+$0xFFFFFE00 ss:$0x1], $0xffff;
	_ =	sdelay $0x6  }
0x243: {  	v5 =	vld.idx.msk [tilespmem:v5+s5+$0x0], $0xffff  }
0x244: {  	v7 =	vld.idx.msk [tilespmem:v6+s5+$0x0], $0xffff  }
0x245: {  	s1 =	sshra.s32 s2, $0x2;
	s2 =	smov.u32 s11  }
0x246: {  	v8 =	vld.idx.msk [tilespmem:v3+s1+$0x0 ss:$0x1], $0xffff  }
0x247: {  	v9 =	vld [tilespmem:$0x11C60];
	_ =	sdelay $0x1  }
0x248: {  	v5 =	vadd.s32 $0x1, v5  }
0x249: {  	v7 =	vadd.s32 $0x1, v7;
	v5 =	vcvt.s32.f32 v5;
	v10 =	vld [tilespmem:$0x11C70]  }
0x24a: {  	v6 =	vshll.u32 v6, $0x4;
	v7 =	vcvt.s32.f32 v7  }
0x24b: {  	v6 =	vadd.s32 v8, v6;
	v11 =	vmul.f32 v5, v9;
	v5 =	vadd.s32 $0x1, v8  }
0x24c: {  	v9 =	vmul.f32 v7, v9;
	v5 =	vcvt.s32.f32 v5;
	[tilespmem:s1+$0x10C60] =	vst v6;
	_ =	sdelay $0x1  }
0x24d: {  	v6 =	vadd.f32 v9, v11;
	v5 =	vmul.f32 v5, v10;
	_ =	sdelay $0x1  }
0x24e: {  	v6 =	vadd.f32 v6, v5;
	_ =	sdelay $0x1  }
0x24f: {  	(erf) = vrcp.f32 v6;
	_ =	sdelay $0x4  }
0x250: {  	s8 =	sadd.s32 $0x10, s8  }
.Ltmp8:
0x251: {  	s11 =	sshra.s32 s8, $0x1F;
	s10 =	sand.u32 $0x70, s8;
	(pc) =	sbr.rel @p1 .LBB2_19-.Ltmp8, $4  }
0x252: {  	p2 =	slt.s32 s8, $0x1;
	p3 =	sne.s32 s10, $0x0;
	s10 =	sshrl.u32 s11, $0x19  }
0x253: {  	p2 =	por !p2, !p3;
	s10 =	sadd.s32 s10, s8  }
0x254: {  	p2 =	por !p2, !p2;
	s11 =	sshrl.u32 s10, $0x7;
	s10 =	simm.s32 $0x1;
	v7 =	vpop (erf)  }
0x255: {  	s10 =	simm.s32 @!p2 $0x0;
	v8 =	vmul.f32 v7, v11;
	v6 =	vmul.f32 v7, v9  }
0x256: {  	s8 =	ssub.s32 s11, s10  }
0x257: {  	v5 =	vmul.f32 v7, v5;
	s8 =	sshll.u32 s8, $0x9;
	[tilespmem:s1+$0xF4F0] =	vst v8  }
0x258: {  	[tilespmem:s1+$0xFCC0] =	vst v6;
	s8 =	sadd.s32 s8, s2  }
0x259: {  	[tilespmem:s1+$0x10490] =	vst v5;
	s8 =	sshra.s32 s8, $0x2  }
0x25a: {  	v5 =	vld.idx.msk [tilespmem:v4+s8+$0xFFFFFD80 ss:$0x1], $0xffff  }
0x25b: {  	v4 =	vld.idx.msk [tilespmem:v4+s8+$0xFFFFFE00 ss:$0x1], $0xffff;
	_ =	sdelay $0x6  }
0x25c: {  	v5 =	vld.idx.msk [tilespmem:v5+s5+$0x0], $0xffff  }
0x25d: {  	s9 =	sshra.s32 s2, $0x2;
	v6 =	vld.idx.msk [tilespmem:v4+s5+$0x0], $0xffff  }
0x25e: {  	v7 =	vld.idx.msk [tilespmem:v3+s9+$0x0 ss:$0x1], $0xffff  }
0x25f: {  	v8 =	vld [tilespmem:$0x11C60];
	_ =	sdelay $0x1  }
0x260: {  	v5 =	vadd.s32 $0x1, v5  }
0x261: {  	v9 =	vld [tilespmem:$0x11C70];
	v6 =	vadd.s32 $0x1, v6;
	v5 =	vcvt.s32.f32 v5  }
0x262: {  	v6 =	vcvt.s32.f32 v6  }
0x263: {  	v10 =	vadd.s32 $0x1, v7;
	v5 =	vmul.f32 v5, v8  }
0x264: {  	v6 =	vmul.f32 v6, v8;
	v8 =	vcvt.s32.f32 v10;
	_ =	sdelay $0x1  }
0x265: {  	v8 =	vmul.f32 v8, v9;
	v9 =	vadd.f32 v6, v5;
	_ =	sdelay $0x1  }
0x266: {  	v9 =	vadd.f32 v9, v8;
	_ =	sdelay $0x1  }
0x267: {  	(erf) = vrcp.f32 v9;
	_ =	sdelay $0x6  }
0x268: {  	s15 =	sand.u32 $0x70, s6  }
0x269: {  	s16 =	sshra.s32 s6, $0x1F;
	p1 =	slt.s32 s6, $0x1;
	p2 =	sne.s32 s15, $0x0;
	v4 =	vshll.u32 v4, $0x4  }
0x26a: {  	s17 =	sshrl.u32 s16, $0x19;
	p1 =	por !p1, !p2;
	v4 =	vadd.s32 v7, v4;
	v9 =	vpop (erf)  }
0x26b: {  	s1 =	sadd.s32 s17, s6;
	s2 =	simm.s32 $0x1;
	p1 =	por !p1, !p1;
	[tilespmem:s9+$0x10C60] =	vst v4;
	v4 =	vmul.f32 v9, v8  }
0x26c: {  	s1 =	sshrl.u32 s1, $0x7;
	s2 =	simm.s32 @!p1 $0x0  }
0x26d: {  	s1 =	ssub.s32 s1, s2;
	v5 =	vmul.f32 v9, v5;
	[tilespmem:s9+$0x10490] =	vst v4;
	v4 =	vmov s12  }
0x26e: {  	s1 =	sshll.u32 s1, $0x9;
	v6 =	vmul.f32 v9, v6  }
0x26f: {  	s1 =	sadd.s32 $0xC00, s1;
	[tilespmem:s9+$0xF4F0] =	vst v5  }
0x270: {  	s10 =	simm.s32 $0x10EE0;
	s11 =	simm.s32 $0x116E0;
	s1 =	sshra.s32 s1, $0x2;
	[tilespmem:s9+$0xFCC0] =	vst v6  }
0x271: {  	[spmem:s19] =	stream.indirect.scatter.add.f32 [tilespmem:s11], [sflag:$0x2], $0x1, s10, s0, $0xb8;
	[tilespmem:$0x1DFD0] =	vst v63  }
0x272: {  	v5 =	vld.idx.msk [tilespmem:v4+s1+$0xFFFFFD00 ss:$0x1], $0xffff  }
0x273: {  	v6 =	vld.idx.msk [tilespmem:v4+s1+$0xFFFFFD80 ss:$0x1], $0xffff;
	_ =	sdelay $0x6  }
0x274: {  	v5 =	vld.idx.msk [tilespmem:v5+s5+$0x0], $0xffff  }
0x275: {  	v7 =	vld.idx.msk [tilespmem:v6+s5+$0x0], $0xffff  }
0x276: {  	v9 =	vld [tilespmem:$0x11C60];
	s1 =	simm.s32 $0x300  }
0x277: {  	v8 =	vld.idx.msk [tilespmem:v3+s1+$0x0 ss:$0x1], $0xffff;
	_ =	sdelay $0x1  }
0x278: {  	v5 =	vadd.s32 $0x1, v5  }
0x279: {  	v10 =	vld [tilespmem:$0x11C70];
	v7 =	vadd.s32 $0x1, v7;
	v5 =	vcvt.s32.f32 v5  }
0x27a: {  	v7 =	vcvt.s32.f32 v7  }
0x27b: {  	v11 =	vmul.f32 v5, v9;
	v5 =	vadd.s32 $0x1, v8  }
0x27c: {  	v9 =	vmul.f32 v7, v9;
	v5 =	vcvt.s32.f32 v5;
	_ =	sdelay $0x1  }
0x27d: {  	v7 =	vadd.f32 v9, v11;
	v5 =	vmul.f32 v5, v10;
	_ =	sdelay $0x1  }
0x27e: {  	v7 =	vadd.f32 v7, v5;
	_ =	sdelay $0x1  }
0x27f: {  	(erf) = vrcp.f32 v7;
	_ =	sdelay $0x4  }
0x280: {  	s6 =	sadd.s32 $0x10, s6  }
0x281: {  	s18 =	sand.u32 $0x70, s6  }
0x282: {  	s21 =	sshra.s32 s6, $0x1F;
	p5 =	slt.s32 s6, $0x1;
	p6 =	sne.s32 s18, $0x0  }
0x283: {  	s8 =	sshrl.u32 s21, $0x19;
	s2 =	simm.s32 $0xC40;
	p1 =	por !p5, !p6;
	v6 =	vshll.u32 v6, $0x4  }
0x284: {  	s31 =	sadd.s32 s8, s6;
	p1 =	por !p1, !p1;
	s9 =	simm.s32 $0x1;
	v6 =	vadd.s32 v8, v6;
	v7 =	vpop (erf)  }
0x285: {  	s8 =	simm.s32 $0xC80;
	s10 =	sshrl.u32 s31, $0x7;
	s9 =	simm.s32 @!p1 $0x0;
	[tilespmem:s1+$0x10C60] =	vst v6;
	v8 =	vmul.f32 v7, v11;
	v6 =	vmul.f32 v7, v9  }
.LBB2_21:
0x286: {  	p1 =	sne.s32 s8, $0xDC0  }
0x287: {  	s9 =	ssub.s32 s10, s9;
	v5 =	vmul.f32 v7, v5;
	s10 =	smov.u32 s8;
	s8 =	sadd.s32 $0x40, s8  }
0x288: {  	s9 =	sshll.u32 s9, $0x9;
	[tilespmem:s1+$0xF4F0] =	vst v8  }
0x289: {  	s9 =	sadd.s32 s9, s2;
	[tilespmem:s1+$0x10490] =	vst v5  }
0x28a: {  	s9 =	sshra.s32 s9, $0x2;
	[tilespmem:s1+$0xFCC0] =	vst v6  }
0x28b: {  	v5 =	vld.idx.msk [tilespmem:v4+s9+$0xFFFFFD00 ss:$0x1], $0xffff  }
0x28c: {  	v6 =	vld.idx.msk [tilespmem:v4+s9+$0xFFFFFD80 ss:$0x1], $0xffff;
	_ =	sdelay $0x6  }
0x28d: {  	v5 =	vld.idx.msk [tilespmem:v5+s5+$0x0], $0xffff  }
0x28e: {  	v7 =	vld.idx.msk [tilespmem:v6+s5+$0x0], $0xffff  }
0x28f: {  	s1 =	sshra.s32 s2, $0x2;
	s2 =	smov.u32 s10  }
0x290: {  	v8 =	vld.idx.msk [tilespmem:v3+s1+$0x0 ss:$0x1], $0xffff  }
0x291: {  	v9 =	vld [tilespmem:$0x11C60];
	_ =	sdelay $0x1  }
0x292: {  	v5 =	vadd.s32 $0x1, v5  }
0x293: {  	v7 =	vadd.s32 $0x1, v7;
	v5 =	vcvt.s32.f32 v5;
	v10 =	vld [tilespmem:$0x11C70]  }
0x294: {  	v6 =	vshll.u32 v6, $0x4;
	v7 =	vcvt.s32.f32 v7  }
0x295: {  	v6 =	vadd.s32 v8, v6;
	v11 =	vmul.f32 v5, v9;
	v5 =	vadd.s32 $0x1, v8  }
0x296: {  	v9 =	vmul.f32 v7, v9;
	v5 =	vcvt.s32.f32 v5;
	[tilespmem:s1+$0x10C60] =	vst v6;
	_ =	sdelay $0x1  }
0x297: {  	v6 =	vadd.f32 v9, v11;
	v5 =	vmul.f32 v5, v10;
	_ =	sdelay $0x1  }
0x298: {  	v6 =	vadd.f32 v6, v5;
	_ =	sdelay $0x1  }
0x299: {  	(erf) = vrcp.f32 v6;
	_ =	sdelay $0x4  }
0x29a: {  	s6 =	sadd.s32 $0x10, s6  }
.Ltmp9:
0x29b: {  	s10 =	sshra.s32 s6, $0x1F;
	s9 =	sand.u32 $0x70, s6;
	(pc) =	sbr.rel @p1 .LBB2_21-.Ltmp9, $4  }
0x29c: {  	p2 =	slt.s32 s6, $0x1;
	p3 =	sne.s32 s9, $0x0;
	s9 =	sshrl.u32 s10, $0x19  }
0x29d: {  	p2 =	por !p2, !p3;
	s9 =	sadd.s32 s9, s6  }
0x29e: {  	p2 =	por !p2, !p2;
	s10 =	sshrl.u32 s9, $0x7;
	s9 =	simm.s32 $0x1;
	v7 =	vpop (erf)  }
0x29f: {  	s9 =	simm.s32 @!p2 $0x0;
	v8 =	vmul.f32 v7, v11;
	v6 =	vmul.f32 v7, v9  }
0x2a0: {  	s6 =	ssub.s32 s10, s9  }
0x2a1: {  	v5 =	vmul.f32 v7, v5;
	s6 =	sshll.u32 s6, $0x9;
	[tilespmem:s1+$0xF4F0] =	vst v8  }
0x2a2: {  	[tilespmem:s1+$0xFCC0] =	vst v6;
	s6 =	sadd.s32 s6, s2  }
0x2a3: {  	[tilespmem:s1+$0x10490] =	vst v5;
	s6 =	sshra.s32 s6, $0x2  }
0x2a4: {  	v5 =	vld.idx.msk [tilespmem:v4+s6+$0xFFFFFD00 ss:$0x1], $0xffff  }
0x2a5: {  	v4 =	vld.idx.msk [tilespmem:v4+s6+$0xFFFFFD80 ss:$0x1], $0xffff;
	_ =	sdelay $0x6  }
0x2a6: {  	v5 =	vld.idx.msk [tilespmem:v5+s5+$0x0], $0xffff  }
0x2a7: {  	s11 =	sshra.s32 s2, $0x2;
	v6 =	vld.idx.msk [tilespmem:v4+s5+$0x0], $0xffff  }
0x2a8: {  	v7 =	vld.idx.msk [tilespmem:v3+s11+$0x0 ss:$0x1], $0xffff  }
0x2a9: {  	v8 =	vld [tilespmem:$0x11C60];
	_ =	sdelay $0x1  }
0x2aa: {  	v5 =	vadd.s32 $0x1, v5  }
0x2ab: {  	v9 =	vld [tilespmem:$0x11C70];
	v6 =	vadd.s32 $0x1, v6;
	v5 =	vcvt.s32.f32 v5  }
0x2ac: {  	v6 =	vcvt.s32.f32 v6  }
0x2ad: {  	v10 =	vadd.s32 $0x1, v7;
	v5 =	vmul.f32 v5, v8  }
0x2ae: {  	v6 =	vmul.f32 v6, v8;
	v8 =	vcvt.s32.f32 v10;
	_ =	sdelay $0x1  }
0x2af: {  	v8 =	vmul.f32 v8, v9;
	v9 =	vadd.f32 v6, v5;
	_ =	sdelay $0x1  }
0x2b0: {  	v9 =	vadd.f32 v9, v8;
	_ =	sdelay $0x1  }
0x2b1: {  	(erf) = vrcp.f32 v9;
	_ =	sdelay $0x6  }
0x2b2: {  	s16 =	sand.u32 $0x70, s3  }
0x2b3: {  	s17 =	sshra.s32 s3, $0x1F;
	p1 =	slt.s32 s3, $0x1;
	p2 =	sne.s32 s16, $0x0;
	v4 =	vshll.u32 v4, $0x4  }
0x2b4: {  	s18 =	sshrl.u32 s17, $0x19;
	p1 =	por !p1, !p2;
	v4 =	vadd.s32 v7, v4;
	v9 =	vpop (erf)  }
0x2b5: {  	s1 =	sadd.s32 s18, s3;
	s2 =	simm.s32 $0x1;
	p1 =	por !p1, !p1;
	[tilespmem:s11+$0x10C60] =	vst v4;
	v4 =	vmul.f32 v9, v8  }
0x2b6: {  	s1 =	sshrl.u32 s1, $0x7;
	s2 =	simm.s32 @!p1 $0x0  }
0x2b7: {  	s1 =	ssub.s32 s1, s2;
	v5 =	vmul.f32 v9, v5;
	[tilespmem:s11+$0x10490] =	vst v4;
	v4 =	vmov s22  }
0x2b8: {  	s1 =	sshll.u32 s1, $0x9;
	v6 =	vmul.f32 v9, v6  }
0x2b9: {  	s1 =	sadd.s32 $0xE00, s1;
	[tilespmem:s11+$0xF4F0] =	vst v5  }
0x2ba: {  	s12 =	simm.s32 $0x10F60;
	s15 =	simm.s32 $0x11760;
	s1 =	sshra.s32 s1, $0x2;
	[tilespmem:s11+$0xFCC0] =	vst v6  }
0x2bb: {  	[spmem:s19] =	stream.indirect.scatter.add.f32 [tilespmem:s15], [sflag:$0x2], $0x1, s12, s0, $0xb8;
	[tilespmem:$0x1DFD0] =	vst v63  }
0x2bc: {  	v5 =	vld.idx.msk [tilespmem:v4+s1+$0xFFFFFC80 ss:$0x1], $0xffff  }
0x2bd: {  	v6 =	vld.idx.msk [tilespmem:v4+s1+$0xFFFFFD00 ss:$0x1], $0xffff;
	_ =	sdelay $0x6  }
0x2be: {  	v5 =	vld.idx.msk [tilespmem:v5+s5+$0x0], $0xffff  }
0x2bf: {  	v7 =	vld.idx.msk [tilespmem:v6+s5+$0x0], $0xffff  }
0x2c0: {  	v9 =	vld [tilespmem:$0x11C60];
	s1 =	simm.s32 $0x380  }
0x2c1: {  	v8 =	vld.idx.msk [tilespmem:v3+s1+$0x0 ss:$0x1], $0xffff;
	_ =	sdelay $0x1  }
0x2c2: {  	v5 =	vadd.s32 $0x1, v5  }
0x2c3: {  	v10 =	vld [tilespmem:$0x11C70];
	v7 =	vadd.s32 $0x1, v7;
	v5 =	vcvt.s32.f32 v5  }
0x2c4: {  	v7 =	vcvt.s32.f32 v7  }
0x2c5: {  	v11 =	vmul.f32 v5, v9;
	v5 =	vadd.s32 $0x1, v8  }
0x2c6: {  	v9 =	vmul.f32 v7, v9;
	v5 =	vcvt.s32.f32 v5;
	_ =	sdelay $0x1  }
0x2c7: {  	v7 =	vadd.f32 v9, v11;
	v5 =	vmul.f32 v5, v10;
	_ =	sdelay $0x1  }
0x2c8: {  	v7 =	vadd.f32 v7, v5;
	_ =	sdelay $0x1  }
0x2c9: {  	(erf) = vrcp.f32 v7;
	_ =	sdelay $0x3  }
0x2ca: {  	s3 =	sadd.s32 $0x10, s3  }
0x2cb: {  	s21 =	sand.u32 $0x70, s3  }
0x2cc: {  	p5 =	slt.s32 s3, $0x1;
	p6 =	sne.s32 s21, $0x0  }
0x2cd: {  	p1 =	por !p5, !p6;
	s22 =	sshra.s32 s3, $0x1F  }
0x2ce: {  	s8 =	simm.s32 $0x1;
	p1 =	por !p1, !p1;
	s6 =	sshrl.u32 s22, $0x19;
	v6 =	vshll.u32 v6, $0x4  }
0x2cf: {  	s2 =	simm.s32 $0xE40;
	s8 =	simm.s32 @!p1 $0x0;
	s31 =	sadd.s32 s6, s3;
	v6 =	vadd.s32 v8, v6;
	v7 =	vpop (erf)  }
0x2d0: {  	s11 =	sld [smem:$0x7BC];
	s6 =	simm.s32 $0xE80;
	s9 =	sshrl.u32 s31, $0x7;
	[tilespmem:s1+$0x10C60] =	vst v6;
	v8 =	vmul.f32 v7, v11;
	v6 =	vmul.f32 v7, v9  }
.LBB2_23:
0x2d1: {  	p1 =	sne.s32 s6, $0xFC0  }
0x2d2: {  	s8 =	ssub.s32 s9, s8;
	v5 =	vmul.f32 v7, v5;
	s9 =	smov.u32 s6;
	s6 =	sadd.s32 $0x40, s6  }
0x2d3: {  	s8 =	sshll.u32 s8, $0x9;
	[tilespmem:s1+$0xF4F0] =	vst v8  }
0x2d4: {  	s8 =	sadd.s32 s8, s2;
	[tilespmem:s1+$0x10490] =	vst v5  }
0x2d5: {  	s8 =	sshra.s32 s8, $0x2;
	[tilespmem:s1+$0xFCC0] =	vst v6  }
0x2d6: {  	v5 =	vld.idx.msk [tilespmem:v4+s8+$0xFFFFFC80 ss:$0x1], $0xffff  }
0x2d7: {  	v6 =	vld.idx.msk [tilespmem:v4+s8+$0xFFFFFD00 ss:$0x1], $0xffff;
	_ =	sdelay $0x6  }
0x2d8: {  	v5 =	vld.idx.msk [tilespmem:v5+s5+$0x0], $0xffff  }
0x2d9: {  	v7 =	vld.idx.msk [tilespmem:v6+s5+$0x0], $0xffff  }
0x2da: {  	s1 =	sshra.s32 s2, $0x2;
	s2 =	smov.u32 s9  }
0x2db: {  	v8 =	vld.idx.msk [tilespmem:v3+s1+$0x0 ss:$0x1], $0xffff  }
0x2dc: {  	v9 =	vld [tilespmem:$0x11C60];
	_ =	sdelay $0x1  }
0x2dd: {  	v5 =	vadd.s32 $0x1, v5  }
0x2de: {  	v7 =	vadd.s32 $0x1, v7;
	v5 =	vcvt.s32.f32 v5;
	v10 =	vld [tilespmem:$0x11C70]  }
0x2df: {  	v6 =	vshll.u32 v6, $0x4;
	v7 =	vcvt.s32.f32 v7  }
0x2e0: {  	v6 =	vadd.s32 v8, v6;
	v11 =	vmul.f32 v5, v9;
	v5 =	vadd.s32 $0x1, v8  }
0x2e1: {  	v9 =	vmul.f32 v7, v9;
	v5 =	vcvt.s32.f32 v5;
	[tilespmem:s1+$0x10C60] =	vst v6;
	_ =	sdelay $0x1  }
0x2e2: {  	v6 =	vadd.f32 v9, v11;
	v5 =	vmul.f32 v5, v10;
	_ =	sdelay $0x1  }
0x2e3: {  	v6 =	vadd.f32 v6, v5;
	_ =	sdelay $0x1  }
0x2e4: {  	(erf) = vrcp.f32 v6;
	_ =	sdelay $0x4  }
0x2e5: {  	s3 =	sadd.s32 $0x10, s3  }
.Ltmp10:
0x2e6: {  	s9 =	sshra.s32 s3, $0x1F;
	s8 =	sand.u32 $0x70, s3;
	(pc) =	sbr.rel @p1 .LBB2_23-.Ltmp10, $4  }
0x2e7: {  	p2 =	slt.s32 s3, $0x1;
	p3 =	sne.s32 s8, $0x0;
	s8 =	sshrl.u32 s9, $0x19  }
0x2e8: {  	p2 =	por !p2, !p3;
	s8 =	sadd.s32 s8, s3  }
0x2e9: {  	p2 =	por !p2, !p2;
	s9 =	sshrl.u32 s8, $0x7;
	s8 =	simm.s32 $0x1;
	v7 =	vpop (erf)  }
0x2ea: {  	s8 =	simm.s32 @!p2 $0x0;
	v8 =	vmul.f32 v7, v11;
	v6 =	vmul.f32 v7, v9  }
0x2eb: {  	s3 =	ssub.s32 s9, s8  }
0x2ec: {  	v5 =	vmul.f32 v7, v5;
	s3 =	sshll.u32 s3, $0x9;
	[tilespmem:s1+$0xF4F0] =	vst v8  }
0x2ed: {  	[tilespmem:s1+$0xFCC0] =	vst v6;
	s3 =	sadd.s32 s3, s2  }
0x2ee: {  	[tilespmem:s1+$0x10490] =	vst v5;
	s3 =	sshra.s32 s3, $0x2  }
0x2ef: {  	v5 =	vld.idx.msk [tilespmem:v4+s3+$0xFFFFFC80 ss:$0x1], $0xffff  }
0x2f0: {  	v4 =	vld.idx.msk [tilespmem:v4+s3+$0xFFFFFD00 ss:$0x1], $0xffff;
	_ =	sdelay $0x6  }
0x2f1: {  	v5 =	vld.idx.msk [tilespmem:v5+s5+$0x0], $0xffff  }
0x2f2: {  	s10 =	sshra.s32 s2, $0x2;
	v6 =	vld.idx.msk [tilespmem:v4+s5+$0x0], $0xffff  }
0x2f3: {  	v7 =	vld.idx.msk [tilespmem:v3+s10+$0x0 ss:$0x1], $0xffff  }
0x2f4: {  	v8 =	vld [tilespmem:$0x11C60];
	_ =	sdelay $0x1  }
0x2f5: {  	v5 =	vadd.s32 $0x1, v5  }
0x2f6: {  	v9 =	vld [tilespmem:$0x11C70];
	v6 =	vadd.s32 $0x1, v6;
	v5 =	vcvt.s32.f32 v5  }
0x2f7: {  	v6 =	vcvt.s32.f32 v6  }
0x2f8: {  	v10 =	vadd.s32 $0x1, v7;
	v5 =	vmul.f32 v5, v8  }
0x2f9: {  	v6 =	vmul.f32 v6, v8;
	v8 =	vcvt.s32.f32 v10;
	_ =	sdelay $0x1  }
0x2fa: {  	v8 =	vmul.f32 v8, v9;
	v9 =	vadd.f32 v6, v5;
	_ =	sdelay $0x1  }
0x2fb: {  	v9 =	vadd.f32 v9, v8;
	_ =	sdelay $0x1  }
0x2fc: {  	(erf) = vrcp.f32 v9;
	_ =	sdelay $0x6  }
0x2fd: {  	s16 =	sand.u32 $0x70, s4  }
0x2fe: {  	s17 =	sshra.s32 s4, $0x1F;
	p1 =	slt.s32 s4, $0x1;
	p2 =	sne.s32 s16, $0x0;
	v4 =	vshll.u32 v4, $0x4  }
0x2ff: {  	s21 =	sld [smem:$0x7DF];
	s18 =	sshrl.u32 s17, $0x19;
	p1 =	por !p1, !p2;
	v4 =	vadd.s32 v7, v4;
	v9 =	vpop (erf)  }
0x300: {  	s1 =	sadd.s32 s18, s4;
	s2 =	simm.s32 $0x1;
	p1 =	por !p1, !p1;
	[tilespmem:s10+$0x10C60] =	vst v4;
	v4 =	vmul.f32 v9, v8  }
0x301: {  	s1 =	sshrl.u32 s1, $0x7;
	s2 =	simm.s32 @!p1 $0x0  }
0x302: {  	s1 =	ssub.s32 s1, s2;
	v5 =	vmul.f32 v9, v5;
	[tilespmem:s10+$0x10490] =	vst v4;
	v4 =	vmov s21  }
0x303: {  	s1 =	sshll.u32 s1, $0x9;
	v6 =	vmul.f32 v9, v6  }
0x304: {  	s1 =	sadd.s32 $0x1000, s1;
	[tilespmem:s10+$0xF4F0] =	vst v5  }
0x305: {  	s12 =	simm.s32 $0x10FE0;
	s15 =	simm.s32 $0x117E0;
	s1 =	sshra.s32 s1, $0x2;
	[tilespmem:s10+$0xFCC0] =	vst v6  }
0x306: {  	[spmem:s19] =	stream.indirect.scatter.add.f32 [tilespmem:s15], [sflag:$0x2], $0x1, s12, s0, $0xb8;
	[tilespmem:$0x1DFD0] =	vst v63  }
0x307: {  	v5 =	vld.idx.msk [tilespmem:v4+s1+$0xFFFFFC00 ss:$0x1], $0xffff  }
0x308: {  	v6 =	vld.idx.msk [tilespmem:v4+s1+$0xFFFFFC80 ss:$0x1], $0xffff;
	_ =	sdelay $0x6  }
0x309: {  	v5 =	vld.idx.msk [tilespmem:v5+s5+$0x0], $0xffff  }
0x30a: {  	v7 =	vld.idx.msk [tilespmem:v6+s5+$0x0], $0xffff  }
0x30b: {  	v9 =	vld [tilespmem:$0x11C60];
	s1 =	simm.s32 $0x400  }
0x30c: {  	v8 =	vld.idx.msk [tilespmem:v3+s1+$0x0 ss:$0x1], $0xffff;
	_ =	sdelay $0x1  }
0x30d: {  	v5 =	vadd.s32 $0x1, v5  }
0x30e: {  	v10 =	vld [tilespmem:$0x11C70];
	v7 =	vadd.s32 $0x1, v7;
	v5 =	vcvt.s32.f32 v5  }
0x30f: {  	v7 =	vcvt.s32.f32 v7  }
0x310: {  	v11 =	vmul.f32 v5, v9;
	v5 =	vadd.s32 $0x1, v8  }
0x311: {  	v9 =	vmul.f32 v7, v9;
	v5 =	vcvt.s32.f32 v5;
	_ =	sdelay $0x1  }
0x312: {  	v7 =	vadd.f32 v9, v11;
	v5 =	vmul.f32 v5, v10;
	_ =	sdelay $0x1  }
0x313: {  	v7 =	vadd.f32 v7, v5;
	_ =	sdelay $0x1  }
0x314: {  	(erf) = vrcp.f32 v7;
	_ =	sdelay $0x4  }
0x315: {  	s3 =	sadd.s32 $0x10, s4  }
0x316: {  	s22 =	sand.u32 $0x70, s3  }
0x317: {  	s6 =	sshra.s32 s3, $0x1F;
	p5 =	slt.s32 s3, $0x1;
	p6 =	sne.s32 s22, $0x0  }
0x318: {  	s8 =	simm.s32 $0x1;
	s6 =	sshrl.u32 s6, $0x19;
	p1 =	por !p5, !p6;
	v6 =	vshll.u32 v6, $0x4  }
0x319: {  	s2 =	simm.s32 $0x1040;
	s31 =	sadd.s32 s6, s3;
	p1 =	por !p1, !p1;
	v6 =	vadd.s32 v8, v6;
	v7 =	vpop (erf)  }
0x31a: {  	s6 =	simm.s32 $0x1080;
	s9 =	sshrl.u32 s31, $0x7;
	s8 =	simm.s32 @!p1 $0x0;
	[tilespmem:s1+$0x10C60] =	vst v6;
	v8 =	vmul.f32 v7, v11;
	v6 =	vmul.f32 v7, v9  }
.LBB2_25:
0x31b: {  	p1 =	sne.s32 s6, $0x11C0  }
0x31c: {  	s8 =	ssub.s32 s9, s8;
	v5 =	vmul.f32 v7, v5;
	s9 =	smov.u32 s6;
	s6 =	sadd.s32 $0x40, s6  }
0x31d: {  	s8 =	sshll.u32 s8, $0x9;
	[tilespmem:s1+$0xF4F0] =	vst v8  }
0x31e: {  	s8 =	sadd.s32 s8, s2;
	[tilespmem:s1+$0x10490] =	vst v5  }
0x31f: {  	s8 =	sshra.s32 s8, $0x2;
	[tilespmem:s1+$0xFCC0] =	vst v6  }
0x320: {  	v5 =	vld.idx.msk [tilespmem:v4+s8+$0xFFFFFC00 ss:$0x1], $0xffff  }
0x321: {  	v6 =	vld.idx.msk [tilespmem:v4+s8+$0xFFFFFC80 ss:$0x1], $0xffff;
	_ =	sdelay $0x6  }
0x322: {  	v5 =	vld.idx.msk [tilespmem:v5+s5+$0x0], $0xffff  }
0x323: {  	v7 =	vld.idx.msk [tilespmem:v6+s5+$0x0], $0xffff  }
0x324: {  	s1 =	sshra.s32 s2, $0x2;
	s2 =	smov.u32 s9  }
0x325: {  	v8 =	vld.idx.msk [tilespmem:v3+s1+$0x0 ss:$0x1], $0xffff  }
0x326: {  	v9 =	vld [tilespmem:$0x11C60];
	_ =	sdelay $0x1  }
0x327: {  	v5 =	vadd.s32 $0x1, v5  }
0x328: {  	v7 =	vadd.s32 $0x1, v7;
	v5 =	vcvt.s32.f32 v5;
	v10 =	vld [tilespmem:$0x11C70]  }
0x329: {  	v6 =	vshll.u32 v6, $0x4;
	v7 =	vcvt.s32.f32 v7  }
0x32a: {  	v6 =	vadd.s32 v8, v6;
	v11 =	vmul.f32 v5, v9;
	v5 =	vadd.s32 $0x1, v8  }
0x32b: {  	v9 =	vmul.f32 v7, v9;
	v5 =	vcvt.s32.f32 v5;
	[tilespmem:s1+$0x10C60] =	vst v6;
	_ =	sdelay $0x1  }
0x32c: {  	v6 =	vadd.f32 v9, v11;
	v5 =	vmul.f32 v5, v10;
	_ =	sdelay $0x1  }
0x32d: {  	v6 =	vadd.f32 v6, v5;
	_ =	sdelay $0x1  }
0x32e: {  	(erf) = vrcp.f32 v6;
	_ =	sdelay $0x4  }
0x32f: {  	s3 =	sadd.s32 $0x10, s3  }
.Ltmp11:
0x330: {  	s9 =	sshra.s32 s3, $0x1F;
	s8 =	sand.u32 $0x70, s3;
	(pc) =	sbr.rel @p1 .LBB2_25-.Ltmp11, $4  }
0x331: {  	p2 =	slt.s32 s3, $0x1;
	p3 =	sne.s32 s8, $0x0;
	s8 =	sshrl.u32 s9, $0x19  }
0x332: {  	p2 =	por !p2, !p3;
	s8 =	sadd.s32 s8, s3  }
0x333: {  	p2 =	por !p2, !p2;
	s9 =	sshrl.u32 s8, $0x7;
	s8 =	simm.s32 $0x1;
	v7 =	vpop (erf)  }
0x334: {  	s8 =	simm.s32 @!p2 $0x0;
	v8 =	vmul.f32 v7, v11;
	v6 =	vmul.f32 v7, v9  }
0x335: {  	s3 =	ssub.s32 s9, s8  }
0x336: {  	v5 =	vmul.f32 v7, v5;
	s3 =	sshll.u32 s3, $0x9;
	[tilespmem:s1+$0xF4F0] =	vst v8  }
0x337: {  	[tilespmem:s1+$0xFCC0] =	vst v6;
	s3 =	sadd.s32 s3, s2  }
0x338: {  	[tilespmem:s1+$0x10490] =	vst v5;
	s3 =	sshra.s32 s3, $0x2  }
0x339: {  	v5 =	vld.idx.msk [tilespmem:v4+s3+$0xFFFFFC00 ss:$0x1], $0xffff  }
0x33a: {  	v4 =	vld.idx.msk [tilespmem:v4+s3+$0xFFFFFC80 ss:$0x1], $0xffff;
	_ =	sdelay $0x6  }
0x33b: {  	v5 =	vld.idx.msk [tilespmem:v5+s5+$0x0], $0xffff  }
0x33c: {  	s12 =	sshra.s32 s2, $0x2;
	v6 =	vld.idx.msk [tilespmem:v4+s5+$0x0], $0xffff  }
0x33d: {  	v7 =	vld.idx.msk [tilespmem:v3+s12+$0x0 ss:$0x1], $0xffff  }
0x33e: {  	v8 =	vld [tilespmem:$0x11C60];
	_ =	sdelay $0x1  }
0x33f: {  	v5 =	vadd.s32 $0x1, v5  }
0x340: {  	v9 =	vld [tilespmem:$0x11C70];
	v6 =	vadd.s32 $0x1, v6;
	v5 =	vcvt.s32.f32 v5  }
0x341: {  	v6 =	vcvt.s32.f32 v6  }
0x342: {  	v10 =	vadd.s32 $0x1, v7;
	v5 =	vmul.f32 v5, v8  }
0x343: {  	v6 =	vmul.f32 v6, v8;
	v8 =	vcvt.s32.f32 v10;
	_ =	sdelay $0x1  }
0x344: {  	v8 =	vmul.f32 v8, v9;
	v9 =	vadd.f32 v6, v5;
	_ =	sdelay $0x1  }
0x345: {  	v9 =	vadd.f32 v9, v8;
	_ =	sdelay $0x1  }
0x346: {  	(erf) = vrcp.f32 v9;
	_ =	sdelay $0x6  }
0x347: {  	s17 =	sand.u32 $0x70, s29  }
0x348: {  	s18 =	sshra.s32 s29, $0x1F;
	p1 =	slt.s32 s29, $0x1;
	p2 =	sne.s32 s17, $0x0;
	v4 =	vshll.u32 v4, $0x4  }
0x349: {  	s22 =	sld [smem:$0x7DD];
	s21 =	sshrl.u32 s18, $0x19;
	p1 =	por !p1, !p2;
	v4 =	vadd.s32 v7, v4;
	v9 =	vpop (erf)  }
0x34a: {  	s1 =	sadd.s32 s21, s29;
	s2 =	simm.s32 $0x1;
	p1 =	por !p1, !p1;
	[tilespmem:s12+$0x10C60] =	vst v4;
	v4 =	vmul.f32 v9, v8  }
0x34b: {  	s1 =	sshrl.u32 s1, $0x7;
	s2 =	simm.s32 @!p1 $0x0  }
0x34c: {  	s1 =	ssub.s32 s1, s2;
	v5 =	vmul.f32 v9, v5;
	[tilespmem:s12+$0x10490] =	vst v4;
	v4 =	vmov s22  }
0x34d: {  	s1 =	sshll.u32 s1, $0x9;
	v6 =	vmul.f32 v9, v6  }
0x34e: {  	s1 =	sadd.s32 $0x1200, s1;
	[tilespmem:s12+$0xF4F0] =	vst v5  }
0x34f: {  	s15 =	simm.s32 $0x11060;
	s16 =	simm.s32 $0x11860;
	s1 =	sshra.s32 s1, $0x2;
	[tilespmem:s12+$0xFCC0] =	vst v6  }
0x350: {  	[spmem:s19] =	stream.indirect.scatter.add.f32 [tilespmem:s16], [sflag:$0x2], $0x1, s15, s0, $0xb8;
	[tilespmem:$0x1DFD0] =	vst v63  }
0x351: {  	v5 =	vld.idx.msk [tilespmem:v4+s1+$0xFFFFFB80 ss:$0x1], $0xffff  }
0x352: {  	v6 =	vld.idx.msk [tilespmem:v4+s1+$0xFFFFFC00 ss:$0x1], $0xffff;
	_ =	sdelay $0x6  }
0x353: {  	v5 =	vld.idx.msk [tilespmem:v5+s5+$0x0], $0xffff  }
0x354: {  	v7 =	vld.idx.msk [tilespmem:v6+s5+$0x0], $0xffff  }
0x355: {  	v9 =	vld [tilespmem:$0x11C60];
	s1 =	simm.s32 $0x480  }
0x356: {  	v8 =	vld.idx.msk [tilespmem:v3+s1+$0x0 ss:$0x1], $0xffff;
	_ =	sdelay $0x1  }
0x357: {  	v5 =	vadd.s32 $0x1, v5  }
0x358: {  	v10 =	vld [tilespmem:$0x11C70];
	v7 =	vadd.s32 $0x1, v7;
	v5 =	vcvt.s32.f32 v5  }
0x359: {  	v7 =	vcvt.s32.f32 v7  }
0x35a: {  	v11 =	vmul.f32 v5, v9;
	v5 =	vadd.s32 $0x1, v8  }
0x35b: {  	v9 =	vmul.f32 v7, v9;
	v5 =	vcvt.s32.f32 v5;
	_ =	sdelay $0x1  }
0x35c: {  	v7 =	vadd.f32 v9, v11;
	v5 =	vmul.f32 v5, v10;
	_ =	sdelay $0x1  }
0x35d: {  	v7 =	vadd.f32 v7, v5;
	_ =	sdelay $0x1  }
0x35e: {  	(erf) = vrcp.f32 v7;
	_ =	sdelay $0x4  }
0x35f: {  	s3 =	sadd.s32 $0x10, s29  }
0x360: {  	s29 =	sand.u32 $0x70, s3  }
0x361: {  	s6 =	sshra.s32 s3, $0x1F;
	p5 =	slt.s32 s3, $0x1;
	p6 =	sne.s32 s29, $0x0  }
0x362: {  	s8 =	simm.s32 $0x1;
	s6 =	sshrl.u32 s6, $0x19;
	p1 =	por !p5, !p6;
	v6 =	vshll.u32 v6, $0x4  }
0x363: {  	s2 =	simm.s32 $0x1240;
	s31 =	sadd.s32 s6, s3;
	p1 =	por !p1, !p1;
	v6 =	vadd.s32 v8, v6;
	v7 =	vpop (erf)  }
0x364: {  	s6 =	simm.s32 $0x1280;
	s9 =	sshrl.u32 s31, $0x7;
	s8 =	simm.s32 @!p1 $0x0;
	[tilespmem:s1+$0x10C60] =	vst v6;
	v8 =	vmul.f32 v7, v11;
	v6 =	vmul.f32 v7, v9  }
.LBB2_27:
0x365: {  	p1 =	sne.s32 s6, $0x13C0  }
0x366: {  	s8 =	ssub.s32 s9, s8;
	v5 =	vmul.f32 v7, v5;
	s9 =	smov.u32 s6;
	s6 =	sadd.s32 $0x40, s6  }
0x367: {  	s8 =	sshll.u32 s8, $0x9;
	[tilespmem:s1+$0xF4F0] =	vst v8  }
0x368: {  	s8 =	sadd.s32 s8, s2;
	[tilespmem:s1+$0x10490] =	vst v5  }
0x369: {  	s8 =	sshra.s32 s8, $0x2;
	[tilespmem:s1+$0xFCC0] =	vst v6  }
0x36a: {  	v5 =	vld.idx.msk [tilespmem:v4+s8+$0xFFFFFB80 ss:$0x1], $0xffff  }
0x36b: {  	v6 =	vld.idx.msk [tilespmem:v4+s8+$0xFFFFFC00 ss:$0x1], $0xffff;
	_ =	sdelay $0x6  }
0x36c: {  	v5 =	vld.idx.msk [tilespmem:v5+s5+$0x0], $0xffff  }
0x36d: {  	v7 =	vld.idx.msk [tilespmem:v6+s5+$0x0], $0xffff  }
0x36e: {  	s1 =	sshra.s32 s2, $0x2;
	s2 =	smov.u32 s9  }
0x36f: {  	v8 =	vld.idx.msk [tilespmem:v3+s1+$0x0 ss:$0x1], $0xffff  }
0x370: {  	v9 =	vld [tilespmem:$0x11C60];
	_ =	sdelay $0x1  }
0x371: {  	v5 =	vadd.s32 $0x1, v5  }
0x372: {  	v7 =	vadd.s32 $0x1, v7;
	v5 =	vcvt.s32.f32 v5;
	v10 =	vld [tilespmem:$0x11C70]  }
0x373: {  	v6 =	vshll.u32 v6, $0x4;
	v7 =	vcvt.s32.f32 v7  }
0x374: {  	v6 =	vadd.s32 v8, v6;
	v11 =	vmul.f32 v5, v9;
	v5 =	vadd.s32 $0x1, v8  }
0x375: {  	v9 =	vmul.f32 v7, v9;
	v5 =	vcvt.s32.f32 v5;
	[tilespmem:s1+$0x10C60] =	vst v6;
	_ =	sdelay $0x1  }
0x376: {  	v6 =	vadd.f32 v9, v11;
	v5 =	vmul.f32 v5, v10;
	_ =	sdelay $0x1  }
0x377: {  	v6 =	vadd.f32 v6, v5;
	_ =	sdelay $0x1  }
0x378: {  	(erf) = vrcp.f32 v6;
	_ =	sdelay $0x4  }
0x379: {  	s3 =	sadd.s32 $0x10, s3  }
.Ltmp12:
0x37a: {  	s9 =	sshra.s32 s3, $0x1F;
	s8 =	sand.u32 $0x70, s3;
	(pc) =	sbr.rel @p1 .LBB2_27-.Ltmp12, $4  }
0x37b: {  	p2 =	slt.s32 s3, $0x1;
	p3 =	sne.s32 s8, $0x0;
	s8 =	sshrl.u32 s9, $0x19  }
0x37c: {  	p2 =	por !p2, !p3;
	s8 =	sadd.s32 s8, s3  }
0x37d: {  	p2 =	por !p2, !p2;
	s9 =	sshrl.u32 s8, $0x7;
	s8 =	simm.s32 $0x1;
	v7 =	vpop (erf)  }
0x37e: {  	s8 =	simm.s32 @!p2 $0x0;
	v8 =	vmul.f32 v7, v11;
	v6 =	vmul.f32 v7, v9  }
0x37f: {  	s3 =	ssub.s32 s9, s8  }
0x380: {  	v5 =	vmul.f32 v7, v5;
	s3 =	sshll.u32 s3, $0x9;
	[tilespmem:s1+$0xF4F0] =	vst v8  }
0x381: {  	[tilespmem:s1+$0xFCC0] =	vst v6;
	s3 =	sadd.s32 s3, s2  }
0x382: {  	[tilespmem:s1+$0x10490] =	vst v5;
	s3 =	sshra.s32 s3, $0x2  }
0x383: {  	v5 =	vld.idx.msk [tilespmem:v4+s3+$0xFFFFFB80 ss:$0x1], $0xffff  }
0x384: {  	v4 =	vld.idx.msk [tilespmem:v4+s3+$0xFFFFFC00 ss:$0x1], $0xffff;
	_ =	sdelay $0x6  }
0x385: {  	v5 =	vld.idx.msk [tilespmem:v5+s5+$0x0], $0xffff  }
0x386: {  	s12 =	sshra.s32 s2, $0x2;
	v6 =	vld.idx.msk [tilespmem:v4+s5+$0x0], $0xffff  }
0x387: {  	v7 =	vld.idx.msk [tilespmem:v3+s12+$0x0 ss:$0x1], $0xffff  }
0x388: {  	v8 =	vld [tilespmem:$0x11C60];
	_ =	sdelay $0x1  }
0x389: {  	v5 =	vadd.s32 $0x1, v5  }
0x38a: {  	v9 =	vld [tilespmem:$0x11C70];
	v6 =	vadd.s32 $0x1, v6;
	v5 =	vcvt.s32.f32 v5  }
0x38b: {  	v6 =	vcvt.s32.f32 v6  }
0x38c: {  	v10 =	vadd.s32 $0x1, v7;
	v5 =	vmul.f32 v5, v8  }
0x38d: {  	v6 =	vmul.f32 v6, v8;
	v8 =	vcvt.s32.f32 v10;
	_ =	sdelay $0x1  }
0x38e: {  	v8 =	vmul.f32 v8, v9;
	v9 =	vadd.f32 v6, v5;
	_ =	sdelay $0x1  }
0x38f: {  	v9 =	vadd.f32 v9, v8;
	_ =	sdelay $0x1  }
0x390: {  	(erf) = vrcp.f32 v9;
	_ =	sdelay $0x3  }
0x391: {  	s29 =	sld [smem:$0x7D2];
	_ =	sdelay $0x2  }
0x392: {  	s17 =	sand.u32 $0x70, s29  }
0x393: {  	s18 =	sshra.s32 s29, $0x1F;
	p1 =	slt.s32 s29, $0x1;
	p2 =	sne.s32 s17, $0x0;
	v4 =	vshll.u32 v4, $0x4  }
0x394: {  	s22 =	sld [smem:$0x7D3];
	s21 =	sshrl.u32 s18, $0x19;
	p1 =	por !p1, !p2;
	v4 =	vadd.s32 v7, v4;
	v9 =	vpop (erf)  }
0x395: {  	s2 =	simm.s32 $0x1;
	s1 =	sadd.s32 s21, s29;
	p1 =	por !p1, !p1;
	[tilespmem:s12+$0x10C60] =	vst v4;
	v4 =	vmul.f32 v9, v8  }
0x396: {  	s1 =	sshrl.u32 s1, $0x7;
	s2 =	simm.s32 @!p1 $0x0  }
0x397: {  	s1 =	ssub.s32 s1, s2;
	v5 =	vmul.f32 v9, v5;
	[tilespmem:s12+$0x10490] =	vst v4;
	v4 =	vmov s22  }
0x398: {  	s1 =	sshll.u32 s1, $0x9;
	v6 =	vmul.f32 v9, v6  }
0x399: {  	s1 =	sadd.s32 $0x1400, s1;
	[tilespmem:s12+$0xF4F0] =	vst v5  }
0x39a: {  	s15 =	simm.s32 $0x110E0;
	s16 =	simm.s32 $0x118E0;
	s1 =	sshra.s32 s1, $0x2;
	[tilespmem:s12+$0xFCC0] =	vst v6  }
0x39b: {  	[spmem:s19] =	stream.indirect.scatter.add.f32 [tilespmem:s16], [sflag:$0x2], $0x1, s15, s0, $0xb8;
	[tilespmem:$0x1DFD0] =	vst v63  }
0x39c: {  	v5 =	vld.idx.msk [tilespmem:v4+s1+$0xFFFFFB00 ss:$0x1], $0xffff  }
0x39d: {  	v6 =	vld.idx.msk [tilespmem:v4+s1+$0xFFFFFB80 ss:$0x1], $0xffff;
	_ =	sdelay $0x6  }
0x39e: {  	v5 =	vld.idx.msk [tilespmem:v5+s5+$0x0], $0xffff  }
0x39f: {  	v7 =	vld.idx.msk [tilespmem:v6+s5+$0x0], $0xffff  }
0x3a0: {  	v9 =	vld [tilespmem:$0x11C60];
	s1 =	simm.s32 $0x500  }
0x3a1: {  	v8 =	vld.idx.msk [tilespmem:v3+s1+$0x0 ss:$0x1], $0xffff;
	_ =	sdelay $0x1  }
0x3a2: {  	v5 =	vadd.s32 $0x1, v5  }
0x3a3: {  	v10 =	vld [tilespmem:$0x11C70];
	v7 =	vadd.s32 $0x1, v7;
	v5 =	vcvt.s32.f32 v5  }
0x3a4: {  	v7 =	vcvt.s32.f32 v7  }
0x3a5: {  	v11 =	vmul.f32 v5, v9;
	v5 =	vadd.s32 $0x1, v8  }
0x3a6: {  	v9 =	vmul.f32 v7, v9;
	v5 =	vcvt.s32.f32 v5;
	_ =	sdelay $0x1  }
0x3a7: {  	v7 =	vadd.f32 v9, v11;
	v5 =	vmul.f32 v5, v10;
	_ =	sdelay $0x1  }
0x3a8: {  	v7 =	vadd.f32 v7, v5;
	_ =	sdelay $0x1  }
0x3a9: {  	(erf) = vrcp.f32 v7;
	_ =	sdelay $0x4  }
0x3aa: {  	s3 =	sadd.s32 $0x10, s29  }
0x3ab: {  	s29 =	sand.u32 $0x70, s3;
	s6 =	sshra.s32 s3, $0x1F  }
0x3ac: {  	p5 =	slt.s32 s3, $0x1;
	p6 =	sne.s32 s29, $0x0;
	s6 =	sshrl.u32 s6, $0x19  }
0x3ad: {  	s8 =	simm.s32 $0x1;
	p1 =	por !p5, !p6;
	s31 =	sadd.s32 s6, s3;
	v6 =	vshll.u32 v6, $0x4  }
0x3ae: {  	s6 =	simm.s32 $0x1480;
	s2 =	simm.s32 $0x1440;
	p1 =	por !p1, !p1;
	v6 =	vadd.s32 v8, v6;
	v7 =	vpop (erf)  }
0x3af: {  	s9 =	sshrl.u32 s31, $0x7;
	s8 =	simm.s32 @!p1 $0x0;
	s12 =	sld [smem:$0x7CF];
	[tilespmem:s1+$0x10C60] =	vst v6;
	v8 =	vmul.f32 v7, v11;
	v6 =	vmul.f32 v7, v9  }
.LBB2_29:
0x3b0: {  	p1 =	sne.s32 s6, $0x15C0  }
0x3b1: {  	s8 =	ssub.s32 s9, s8;
	v5 =	vmul.f32 v7, v5;
	s9 =	smov.u32 s6;
	s6 =	sadd.s32 $0x40, s6  }
0x3b2: {  	s8 =	sshll.u32 s8, $0x9;
	[tilespmem:s1+$0xF4F0] =	vst v8  }
0x3b3: {  	s8 =	sadd.s32 s8, s2;
	[tilespmem:s1+$0x10490] =	vst v5  }
0x3b4: {  	s8 =	sshra.s32 s8, $0x2;
	[tilespmem:s1+$0xFCC0] =	vst v6  }
0x3b5: {  	v5 =	vld.idx.msk [tilespmem:v4+s8+$0xFFFFFB00 ss:$0x1], $0xffff  }
0x3b6: {  	v6 =	vld.idx.msk [tilespmem:v4+s8+$0xFFFFFB80 ss:$0x1], $0xffff;
	_ =	sdelay $0x6  }
0x3b7: {  	v5 =	vld.idx.msk [tilespmem:v5+s5+$0x0], $0xffff  }
0x3b8: {  	v7 =	vld.idx.msk [tilespmem:v6+s5+$0x0], $0xffff  }
0x3b9: {  	s1 =	sshra.s32 s2, $0x2;
	s2 =	smov.u32 s9  }
0x3ba: {  	v8 =	vld.idx.msk [tilespmem:v3+s1+$0x0 ss:$0x1], $0xffff  }
0x3bb: {  	v9 =	vld [tilespmem:$0x11C60];
	_ =	sdelay $0x1  }
0x3bc: {  	v5 =	vadd.s32 $0x1, v5  }
0x3bd: {  	v7 =	vadd.s32 $0x1, v7;
	v5 =	vcvt.s32.f32 v5;
	v10 =	vld [tilespmem:$0x11C70]  }
0x3be: {  	v6 =	vshll.u32 v6, $0x4;
	v7 =	vcvt.s32.f32 v7  }
0x3bf: {  	v6 =	vadd.s32 v8, v6;
	v11 =	vmul.f32 v5, v9;
	v5 =	vadd.s32 $0x1, v8  }
0x3c0: {  	v9 =	vmul.f32 v7, v9;
	v5 =	vcvt.s32.f32 v5;
	[tilespmem:s1+$0x10C60] =	vst v6;
	_ =	sdelay $0x1  }
0x3c1: {  	v6 =	vadd.f32 v9, v11;
	v5 =	vmul.f32 v5, v10;
	_ =	sdelay $0x1  }
0x3c2: {  	v6 =	vadd.f32 v6, v5;
	_ =	sdelay $0x1  }
0x3c3: {  	(erf) = vrcp.f32 v6;
	_ =	sdelay $0x4  }
0x3c4: {  	s3 =	sadd.s32 $0x10, s3  }
.Ltmp13:
0x3c5: {  	s9 =	sshra.s32 s3, $0x1F;
	s8 =	sand.u32 $0x70, s3;
	(pc) =	sbr.rel @p1 .LBB2_29-.Ltmp13, $4  }
0x3c6: {  	p2 =	slt.s32 s3, $0x1;
	p3 =	sne.s32 s8, $0x0;
	s8 =	sshrl.u32 s9, $0x19  }
0x3c7: {  	p2 =	por !p2, !p3;
	s8 =	sadd.s32 s8, s3  }
0x3c8: {  	p2 =	por !p2, !p2;
	s9 =	sshrl.u32 s8, $0x7;
	s8 =	simm.s32 $0x1;
	v7 =	vpop (erf)  }
0x3c9: {  	s8 =	simm.s32 @!p2 $0x0;
	v8 =	vmul.f32 v7, v11;
	v6 =	vmul.f32 v7, v9  }
0x3ca: {  	s3 =	ssub.s32 s9, s8  }
0x3cb: {  	v5 =	vmul.f32 v7, v5;
	s3 =	sshll.u32 s3, $0x9;
	[tilespmem:s1+$0xF4F0] =	vst v8  }
0x3cc: {  	[tilespmem:s1+$0xFCC0] =	vst v6;
	s3 =	sadd.s32 s3, s2  }
0x3cd: {  	[tilespmem:s1+$0x10490] =	vst v5;
	s3 =	sshra.s32 s3, $0x2  }
0x3ce: {  	v5 =	vld.idx.msk [tilespmem:v4+s3+$0xFFFFFB00 ss:$0x1], $0xffff  }
0x3cf: {  	v4 =	vld.idx.msk [tilespmem:v4+s3+$0xFFFFFB80 ss:$0x1], $0xffff;
	_ =	sdelay $0x6  }
0x3d0: {  	v5 =	vld.idx.msk [tilespmem:v5+s5+$0x0], $0xffff  }
0x3d1: {  	s10 =	sshra.s32 s2, $0x2;
	v6 =	vld.idx.msk [tilespmem:v4+s5+$0x0], $0xffff  }
0x3d2: {  	v7 =	vld.idx.msk [tilespmem:v3+s10+$0x0 ss:$0x1], $0xffff  }
0x3d3: {  	v8 =	vld [tilespmem:$0x11C60];
	_ =	sdelay $0x1  }
0x3d4: {  	v5 =	vadd.s32 $0x1, v5  }
0x3d5: {  	v9 =	vld [tilespmem:$0x11C70];
	v6 =	vadd.s32 $0x1, v6;
	v5 =	vcvt.s32.f32 v5  }
0x3d6: {  	v6 =	vcvt.s32.f32 v6  }
0x3d7: {  	v10 =	vadd.s32 $0x1, v7;
	v5 =	vmul.f32 v5, v8  }
0x3d8: {  	v6 =	vmul.f32 v6, v8;
	v8 =	vcvt.s32.f32 v10;
	_ =	sdelay $0x1  }
0x3d9: {  	v8 =	vmul.f32 v8, v9;
	v9 =	vadd.f32 v6, v5;
	_ =	sdelay $0x1  }
0x3da: {  	v9 =	vadd.f32 v9, v8;
	_ =	sdelay $0x1  }
0x3db: {  	(erf) = vrcp.f32 v9;
	_ =	sdelay $0x3  }
0x3dc: {  	s29 =	sld [smem:$0x7CE];
	_ =	sdelay $0x2  }
0x3dd: {  	s17 =	sand.u32 $0x70, s29  }
0x3de: {  	s18 =	sshra.s32 s29, $0x1F;
	p1 =	slt.s32 s29, $0x1;
	p2 =	sne.s32 s17, $0x0;
	v4 =	vshll.u32 v4, $0x4  }
0x3df: {  	s22 =	sld [smem:$0x7D0];
	s21 =	sshrl.u32 s18, $0x19;
	p1 =	por !p1, !p2;
	v4 =	vadd.s32 v7, v4;
	v9 =	vpop (erf)  }
0x3e0: {  	s2 =	simm.s32 $0x1;
	s1 =	sadd.s32 s21, s29;
	p1 =	por !p1, !p1;
	[tilespmem:s10+$0x10C60] =	vst v4;
	v4 =	vmul.f32 v9, v8  }
0x3e1: {  	s1 =	sshrl.u32 s1, $0x7;
	s2 =	simm.s32 @!p1 $0x0  }
0x3e2: {  	s1 =	ssub.s32 s1, s2;
	v5 =	vmul.f32 v9, v5;
	[tilespmem:s10+$0x10490] =	vst v4;
	v4 =	vmov s22  }
0x3e3: {  	s1 =	sshll.u32 s1, $0x9;
	v6 =	vmul.f32 v9, v6  }
0x3e4: {  	s1 =	sadd.s32 $0x1600, s1;
	[tilespmem:s10+$0xF4F0] =	vst v5  }
0x3e5: {  	s15 =	simm.s32 $0x11160;
	s16 =	simm.s32 $0x11960;
	s1 =	sshra.s32 s1, $0x2;
	[tilespmem:s10+$0xFCC0] =	vst v6  }
0x3e6: {  	[spmem:s19] =	stream.indirect.scatter.add.f32 [tilespmem:s16], [sflag:$0x2], $0x1, s15, s0, $0xb8;
	[tilespmem:$0x1DFD0] =	vst v63  }
0x3e7: {  	v5 =	vld.idx.msk [tilespmem:v4+s1+$0xFFFFFA80 ss:$0x1], $0xffff  }
0x3e8: {  	v6 =	vld.idx.msk [tilespmem:v4+s1+$0xFFFFFB00 ss:$0x1], $0xffff;
	_ =	sdelay $0x6  }
0x3e9: {  	v5 =	vld.idx.msk [tilespmem:v5+s5+$0x0], $0xffff  }
0x3ea: {  	v7 =	vld.idx.msk [tilespmem:v6+s5+$0x0], $0xffff  }
0x3eb: {  	v9 =	vld [tilespmem:$0x11C60];
	s1 =	simm.s32 $0x580  }
0x3ec: {  	v8 =	vld.idx.msk [tilespmem:v3+s1+$0x0 ss:$0x1], $0xffff;
	_ =	sdelay $0x1  }
0x3ed: {  	v5 =	vadd.s32 $0x1, v5  }
0x3ee: {  	v10 =	vld [tilespmem:$0x11C70];
	v7 =	vadd.s32 $0x1, v7;
	v5 =	vcvt.s32.f32 v5  }
0x3ef: {  	v7 =	vcvt.s32.f32 v7  }
0x3f0: {  	v11 =	vmul.f32 v5, v9;
	v5 =	vadd.s32 $0x1, v8  }
0x3f1: {  	v9 =	vmul.f32 v7, v9;
	v5 =	vcvt.s32.f32 v5;
	_ =	sdelay $0x1  }
0x3f2: {  	v7 =	vadd.f32 v9, v11;
	v5 =	vmul.f32 v5, v10;
	_ =	sdelay $0x1  }
0x3f3: {  	v7 =	vadd.f32 v7, v5;
	_ =	sdelay $0x1  }
0x3f4: {  	(erf) = vrcp.f32 v7;
	_ =	sdelay $0x4  }
0x3f5: {  	s3 =	sadd.s32 $0x10, s29  }
0x3f6: {  	s29 =	sand.u32 $0x70, s3;
	s6 =	sshra.s32 s3, $0x1F  }
0x3f7: {  	p5 =	slt.s32 s3, $0x1;
	p6 =	sne.s32 s29, $0x0;
	s6 =	sshrl.u32 s6, $0x19  }
0x3f8: {  	s8 =	simm.s32 $0x1;
	p1 =	por !p5, !p6;
	s31 =	sadd.s32 s6, s3;
	v6 =	vshll.u32 v6, $0x4  }
0x3f9: {  	s6 =	simm.s32 $0x1680;
	s2 =	simm.s32 $0x1640;
	p1 =	por !p1, !p1;
	v6 =	vadd.s32 v8, v6;
	v7 =	vpop (erf)  }
0x3fa: {  	s9 =	sshrl.u32 s31, $0x7;
	s8 =	simm.s32 @!p1 $0x0;
	s22 =	sld [smem:$0x7C9];
	[tilespmem:s1+$0x10C60] =	vst v6;
	v8 =	vmul.f32 v7, v11;
	v6 =	vmul.f32 v7, v9  }
.LBB2_31:
0x3fb: {  	p1 =	sne.s32 s6, $0x17C0  }
0x3fc: {  	s8 =	ssub.s32 s9, s8;
	v5 =	vmul.f32 v7, v5;
	s9 =	smov.u32 s6;
	s6 =	sadd.s32 $0x40, s6  }
0x3fd: {  	s8 =	sshll.u32 s8, $0x9;
	[tilespmem:s1+$0xF4F0] =	vst v8  }
0x3fe: {  	s8 =	sadd.s32 s8, s2;
	[tilespmem:s1+$0x10490] =	vst v5  }
0x3ff: {  	s8 =	sshra.s32 s8, $0x2;
	[tilespmem:s1+$0xFCC0] =	vst v6  }
0x400: {  	v5 =	vld.idx.msk [tilespmem:v4+s8+$0xFFFFFA80 ss:$0x1], $0xffff  }
0x401: {  	v6 =	vld.idx.msk [tilespmem:v4+s8+$0xFFFFFB00 ss:$0x1], $0xffff;
	_ =	sdelay $0x6  }
0x402: {  	v5 =	vld.idx.msk [tilespmem:v5+s5+$0x0], $0xffff  }
0x403: {  	v7 =	vld.idx.msk [tilespmem:v6+s5+$0x0], $0xffff  }
0x404: {  	s1 =	sshra.s32 s2, $0x2;
	s2 =	smov.u32 s9  }
0x405: {  	v8 =	vld.idx.msk [tilespmem:v3+s1+$0x0 ss:$0x1], $0xffff  }
0x406: {  	v9 =	vld [tilespmem:$0x11C60];
	_ =	sdelay $0x1  }
0x407: {  	v5 =	vadd.s32 $0x1, v5  }
0x408: {  	v7 =	vadd.s32 $0x1, v7;
	v5 =	vcvt.s32.f32 v5;
	v10 =	vld [tilespmem:$0x11C70]  }
0x409: {  	v6 =	vshll.u32 v6, $0x4;
	v7 =	vcvt.s32.f32 v7  }
0x40a: {  	v6 =	vadd.s32 v8, v6;
	v11 =	vmul.f32 v5, v9;
	v5 =	vadd.s32 $0x1, v8  }
0x40b: {  	v9 =	vmul.f32 v7, v9;
	v5 =	vcvt.s32.f32 v5;
	[tilespmem:s1+$0x10C60] =	vst v6;
	_ =	sdelay $0x1  }
0x40c: {  	v6 =	vadd.f32 v9, v11;
	v5 =	vmul.f32 v5, v10;
	_ =	sdelay $0x1  }
0x40d: {  	v6 =	vadd.f32 v6, v5;
	_ =	sdelay $0x1  }
0x40e: {  	(erf) = vrcp.f32 v6;
	_ =	sdelay $0x4  }
0x40f: {  	s3 =	sadd.s32 $0x10, s3  }
.Ltmp14:
0x410: {  	s9 =	sshra.s32 s3, $0x1F;
	s8 =	sand.u32 $0x70, s3;
	(pc) =	sbr.rel @p1 .LBB2_31-.Ltmp14, $4  }
0x411: {  	p2 =	slt.s32 s3, $0x1;
	p3 =	sne.s32 s8, $0x0;
	s8 =	sshrl.u32 s9, $0x19  }
0x412: {  	p2 =	por !p2, !p3;
	s8 =	sadd.s32 s8, s3  }
0x413: {  	p2 =	por !p2, !p2;
	s9 =	sshrl.u32 s8, $0x7;
	s8 =	simm.s32 $0x1;
	v7 =	vpop (erf)  }
0x414: {  	s8 =	simm.s32 @!p2 $0x0;
	v8 =	vmul.f32 v7, v11;
	v6 =	vmul.f32 v7, v9  }
0x415: {  	s3 =	ssub.s32 s9, s8  }
0x416: {  	v5 =	vmul.f32 v7, v5;
	s3 =	sshll.u32 s3, $0x9;
	[tilespmem:s1+$0xF4F0] =	vst v8  }
0x417: {  	[tilespmem:s1+$0xFCC0] =	vst v6;
	s3 =	sadd.s32 s3, s2  }
0x418: {  	[tilespmem:s1+$0x10490] =	vst v5;
	s3 =	sshra.s32 s3, $0x2  }
0x419: {  	v5 =	vld.idx.msk [tilespmem:v4+s3+$0xFFFFFA80 ss:$0x1], $0xffff  }
0x41a: {  	v4 =	vld.idx.msk [tilespmem:v4+s3+$0xFFFFFB00 ss:$0x1], $0xffff;
	_ =	sdelay $0x6  }
0x41b: {  	v5 =	vld.idx.msk [tilespmem:v5+s5+$0x0], $0xffff  }
0x41c: {  	s10 =	smov.u32 s7;
	s7 =	sshra.s32 s2, $0x2;
	v6 =	vld.idx.msk [tilespmem:v4+s5+$0x0], $0xffff  }
0x41d: {  	v7 =	vld.idx.msk [tilespmem:v3+s7+$0x0 ss:$0x1], $0xffff  }
0x41e: {  	v8 =	vld [tilespmem:$0x11C60];
	_ =	sdelay $0x1  }
0x41f: {  	v5 =	vadd.s32 $0x1, v5  }
0x420: {  	v9 =	vld [tilespmem:$0x11C70];
	v6 =	vadd.s32 $0x1, v6;
	v5 =	vcvt.s32.f32 v5  }
0x421: {  	v6 =	vcvt.s32.f32 v6  }
0x422: {  	v10 =	vadd.s32 $0x1, v7;
	v5 =	vmul.f32 v5, v8  }
0x423: {  	v6 =	vmul.f32 v6, v8;
	v8 =	vcvt.s32.f32 v10;
	_ =	sdelay $0x1  }
0x424: {  	v8 =	vmul.f32 v8, v9;
	v9 =	vadd.f32 v6, v5;
	_ =	sdelay $0x1  }
0x425: {  	v9 =	vadd.f32 v9, v8;
	_ =	sdelay $0x1  }
0x426: {  	(erf) = vrcp.f32 v9;
	_ =	sdelay $0x3  }
0x427: {  	s29 =	sld [smem:$0x7CA];
	_ =	sdelay $0x2  }
0x428: {  	s15 =	sand.u32 $0x70, s29  }
0x429: {  	s16 =	sshra.s32 s29, $0x1F;
	p1 =	slt.s32 s29, $0x1;
	p2 =	sne.s32 s15, $0x0;
	v4 =	vshll.u32 v4, $0x4  }
0x42a: {  	s18 =	sld [smem:$0x7CC];
	s17 =	sshrl.u32 s16, $0x19;
	p1 =	por !p1, !p2;
	v4 =	vadd.s32 v7, v4;
	v9 =	vpop (erf)  }
0x42b: {  	s2 =	simm.s32 $0x1;
	s1 =	sadd.s32 s17, s29;
	p1 =	por !p1, !p1;
	[tilespmem:s7+$0x10C60] =	vst v4;
	v4 =	vmul.f32 v9, v8  }
0x42c: {  	s1 =	sshrl.u32 s1, $0x7;
	s2 =	simm.s32 @!p1 $0x0  }
0x42d: {  	s1 =	ssub.s32 s1, s2;
	v5 =	vmul.f32 v9, v5;
	[tilespmem:s7+$0x10490] =	vst v4;
	v4 =	vmov s18  }
0x42e: {  	s1 =	sshll.u32 s1, $0x9;
	v6 =	vmul.f32 v9, v6  }
0x42f: {  	s1 =	sadd.s32 $0x1800, s1;
	[tilespmem:s7+$0xF4F0] =	vst v5  }
0x430: {  	s8 =	simm.s32 $0x111E0;
	s9 =	simm.s32 $0x119E0;
	s1 =	sshra.s32 s1, $0x2;
	[tilespmem:s7+$0xFCC0] =	vst v6  }
0x431: {  	[spmem:s19] =	stream.indirect.scatter.add.f32 [tilespmem:s9], [sflag:$0x2], $0x1, s8, s0, $0xb8;
	[tilespmem:$0x1DFD0] =	vst v63  }
0x432: {  	v5 =	vld.idx.msk [tilespmem:v4+s1+$0xFFFFFA00 ss:$0x1], $0xffff  }
0x433: {  	v6 =	vld.idx.msk [tilespmem:v4+s1+$0xFFFFFA80 ss:$0x1], $0xffff;
	_ =	sdelay $0x6  }
0x434: {  	v5 =	vld.idx.msk [tilespmem:v5+s5+$0x0], $0xffff  }
0x435: {  	v7 =	vld.idx.msk [tilespmem:v6+s5+$0x0], $0xffff  }
0x436: {  	v9 =	vld [tilespmem:$0x11C60];
	s1 =	simm.s32 $0x600  }
0x437: {  	v8 =	vld.idx.msk [tilespmem:v3+s1+$0x0 ss:$0x1], $0xffff;
	_ =	sdelay $0x1  }
0x438: {  	v5 =	vadd.s32 $0x1, v5  }
0x439: {  	v10 =	vld [tilespmem:$0x11C70];
	v7 =	vadd.s32 $0x1, v7;
	v5 =	vcvt.s32.f32 v5  }
0x43a: {  	v7 =	vcvt.s32.f32 v7  }
0x43b: {  	v11 =	vmul.f32 v5, v9;
	v5 =	vadd.s32 $0x1, v8  }
0x43c: {  	v9 =	vmul.f32 v7, v9;
	v5 =	vcvt.s32.f32 v5;
	_ =	sdelay $0x1  }
0x43d: {  	v7 =	vadd.f32 v9, v11;
	v5 =	vmul.f32 v5, v10;
	_ =	sdelay $0x1  }
0x43e: {  	v7 =	vadd.f32 v7, v5;
	_ =	sdelay $0x1  }
0x43f: {  	(erf) = vrcp.f32 v7;
	_ =	sdelay $0x4  }
0x440: {  	s3 =	sadd.s32 $0x10, s29  }
0x441: {  	s21 =	sand.u32 $0x70, s3;
	s6 =	sshra.s32 s3, $0x1F  }
0x442: {  	p5 =	slt.s32 s3, $0x1;
	p6 =	sne.s32 s21, $0x0;
	s6 =	sshrl.u32 s6, $0x19  }
0x443: {  	s29 =	sld [smem:$0x7CB];
	p1 =	por !p5, !p6;
	s31 =	sadd.s32 s6, s3;
	v6 =	vshll.u32 v6, $0x4  }
0x444: {  	s6 =	simm.s32 $0x1880;
	p1 =	por !p1, !p1;
	s8 =	simm.s32 $0x1;
	v6 =	vadd.s32 v8, v6;
	v7 =	vpop (erf)  }
0x445: {  	s2 =	simm.s32 $0x1840;
	s9 =	sshrl.u32 s31, $0x7;
	s8 =	simm.s32 @!p1 $0x0;
	[tilespmem:s1+$0x10C60] =	vst v6;
	v8 =	vmul.f32 v7, v11;
	v6 =	vmul.f32 v7, v9  }
.LBB2_33:
0x446: {  	p1 =	sne.s32 s6, $0x19C0  }
0x447: {  	s8 =	ssub.s32 s9, s8;
	v5 =	vmul.f32 v7, v5;
	s9 =	smov.u32 s6;
	s6 =	sadd.s32 $0x40, s6  }
0x448: {  	s8 =	sshll.u32 s8, $0x9;
	[tilespmem:s1+$0xF4F0] =	vst v8  }
0x449: {  	s8 =	sadd.s32 s8, s2;
	[tilespmem:s1+$0x10490] =	vst v5  }
0x44a: {  	s8 =	sshra.s32 s8, $0x2;
	[tilespmem:s1+$0xFCC0] =	vst v6  }
0x44b: {  	v5 =	vld.idx.msk [tilespmem:v4+s8+$0xFFFFFA00 ss:$0x1], $0xffff  }
0x44c: {  	v6 =	vld.idx.msk [tilespmem:v4+s8+$0xFFFFFA80 ss:$0x1], $0xffff;
	_ =	sdelay $0x6  }
0x44d: {  	v5 =	vld.idx.msk [tilespmem:v5+s5+$0x0], $0xffff  }
0x44e: {  	v7 =	vld.idx.msk [tilespmem:v6+s5+$0x0], $0xffff  }
0x44f: {  	s1 =	sshra.s32 s2, $0x2;
	s2 =	smov.u32 s9  }
0x450: {  	v8 =	vld.idx.msk [tilespmem:v3+s1+$0x0 ss:$0x1], $0xffff  }
0x451: {  	v9 =	vld [tilespmem:$0x11C60];
	_ =	sdelay $0x1  }
0x452: {  	v5 =	vadd.s32 $0x1, v5  }
0x453: {  	v7 =	vadd.s32 $0x1, v7;
	v5 =	vcvt.s32.f32 v5;
	v10 =	vld [tilespmem:$0x11C70]  }
0x454: {  	v6 =	vshll.u32 v6, $0x4;
	v7 =	vcvt.s32.f32 v7  }
0x455: {  	v6 =	vadd.s32 v8, v6;
	v11 =	vmul.f32 v5, v9;
	v5 =	vadd.s32 $0x1, v8  }
0x456: {  	v9 =	vmul.f32 v7, v9;
	v5 =	vcvt.s32.f32 v5;
	[tilespmem:s1+$0x10C60] =	vst v6;
	_ =	sdelay $0x1  }
0x457: {  	v6 =	vadd.f32 v9, v11;
	v5 =	vmul.f32 v5, v10;
	_ =	sdelay $0x1  }
0x458: {  	v6 =	vadd.f32 v6, v5;
	_ =	sdelay $0x1  }
0x459: {  	(erf) = vrcp.f32 v6;
	_ =	sdelay $0x4  }
0x45a: {  	s3 =	sadd.s32 $0x10, s3  }
.Ltmp15:
0x45b: {  	s9 =	sshra.s32 s3, $0x1F;
	s8 =	sand.u32 $0x70, s3;
	(pc) =	sbr.rel @p1 .LBB2_33-.Ltmp15, $4  }
0x45c: {  	p2 =	slt.s32 s3, $0x1;
	p3 =	sne.s32 s8, $0x0;
	s8 =	sshrl.u32 s9, $0x19  }
0x45d: {  	p2 =	por !p2, !p3;
	s8 =	sadd.s32 s8, s3  }
0x45e: {  	p2 =	por !p2, !p2;
	s9 =	sshrl.u32 s8, $0x7;
	s8 =	simm.s32 $0x1;
	v7 =	vpop (erf)  }
0x45f: {  	s8 =	simm.s32 @!p2 $0x0;
	v8 =	vmul.f32 v7, v11;
	v6 =	vmul.f32 v7, v9  }
0x460: {  	s3 =	ssub.s32 s9, s8  }
0x461: {  	v5 =	vmul.f32 v7, v5;
	s3 =	sshll.u32 s3, $0x9;
	[tilespmem:s1+$0xF4F0] =	vst v8  }
0x462: {  	[tilespmem:s1+$0xFCC0] =	vst v6;
	s3 =	sadd.s32 s3, s2  }
0x463: {  	[tilespmem:s1+$0x10490] =	vst v5;
	s3 =	sshra.s32 s3, $0x2  }
0x464: {  	v5 =	vld.idx.msk [tilespmem:v4+s3+$0xFFFFFA00 ss:$0x1], $0xffff  }
0x465: {  	v4 =	vld.idx.msk [tilespmem:v4+s3+$0xFFFFFA80 ss:$0x1], $0xffff;
	_ =	sdelay $0x6  }
0x466: {  	v5 =	vld.idx.msk [tilespmem:v5+s5+$0x0], $0xffff  }
0x467: {  	s8 =	sshra.s32 s2, $0x2;
	v6 =	vld.idx.msk [tilespmem:v4+s5+$0x0], $0xffff  }
0x468: {  	v7 =	vld.idx.msk [tilespmem:v3+s8+$0x0 ss:$0x1], $0xffff  }
0x469: {  	v8 =	vld [tilespmem:$0x11C60];
	_ =	sdelay $0x1  }
0x46a: {  	v5 =	vadd.s32 $0x1, v5  }
0x46b: {  	v9 =	vld [tilespmem:$0x11C70];
	v6 =	vadd.s32 $0x1, v6;
	v5 =	vcvt.s32.f32 v5  }
0x46c: {  	v6 =	vcvt.s32.f32 v6  }
0x46d: {  	v10 =	vadd.s32 $0x1, v7;
	v5 =	vmul.f32 v5, v8  }
0x46e: {  	v6 =	vmul.f32 v6, v8;
	v8 =	vcvt.s32.f32 v10;
	_ =	sdelay $0x1  }
0x46f: {  	v8 =	vmul.f32 v8, v9;
	v9 =	vadd.f32 v6, v5;
	_ =	sdelay $0x1  }
0x470: {  	v9 =	vadd.f32 v9, v8;
	_ =	sdelay $0x1  }
0x471: {  	(erf) = vrcp.f32 v9;
	_ =	sdelay $0x6  }
0x472: {  	s16 =	sand.u32 $0x70, s25  }
0x473: {  	s17 =	sshra.s32 s25, $0x1F;
	p1 =	slt.s32 s25, $0x1;
	p2 =	sne.s32 s16, $0x0;
	v4 =	vshll.u32 v4, $0x4  }
0x474: {  	s21 =	sld [smem:$0x7C8];
	s18 =	sshrl.u32 s17, $0x19;
	p1 =	por !p1, !p2;
	v4 =	vadd.s32 v7, v4;
	v9 =	vpop (erf)  }
0x475: {  	s1 =	sadd.s32 s18, s25;
	s2 =	simm.s32 $0x1;
	p1 =	por !p1, !p1;
	[tilespmem:s8+$0x10C60] =	vst v4;
	v4 =	vmul.f32 v9, v8  }
0x476: {  	s1 =	sshrl.u32 s1, $0x7;
	s2 =	simm.s32 @!p1 $0x0  }
0x477: {  	s1 =	ssub.s32 s1, s2;
	v5 =	vmul.f32 v9, v5;
	[tilespmem:s8+$0x10490] =	vst v4;
	v4 =	vmov s21  }
0x478: {  	s1 =	sshll.u32 s1, $0x9;
	v6 =	vmul.f32 v9, v6  }
0x479: {  	s1 =	sadd.s32 $0x1A00, s1;
	[tilespmem:s8+$0xF4F0] =	vst v5  }
0x47a: {  	s9 =	simm.s32 $0x11260;
	s15 =	simm.s32 $0x11A60;
	s1 =	sshra.s32 s1, $0x2;
	[tilespmem:s8+$0xFCC0] =	vst v6  }
0x47b: {  	[spmem:s19] =	stream.indirect.scatter.add.f32 [tilespmem:s15], [sflag:$0x2], $0x1, s9, s0, $0xb8;
	[tilespmem:$0x1DFD0] =	vst v63  }
0x47c: {  	v5 =	vld.idx.msk [tilespmem:v4+s1+$0xFFFFF980 ss:$0x1], $0xffff  }
0x47d: {  	v6 =	vld.idx.msk [tilespmem:v4+s1+$0xFFFFFA00 ss:$0x1], $0xffff;
	_ =	sdelay $0x6  }
0x47e: {  	v5 =	vld.idx.msk [tilespmem:v5+s5+$0x0], $0xffff  }
0x47f: {  	v7 =	vld.idx.msk [tilespmem:v6+s5+$0x0], $0xffff  }
0x480: {  	v9 =	vld [tilespmem:$0x11C60];
	s1 =	simm.s32 $0x680  }
0x481: {  	v8 =	vld.idx.msk [tilespmem:v3+s1+$0x0 ss:$0x1], $0xffff;
	_ =	sdelay $0x1  }
0x482: {  	v5 =	vadd.s32 $0x1, v5  }
0x483: {  	v10 =	vld [tilespmem:$0x11C70];
	v7 =	vadd.s32 $0x1, v7;
	v5 =	vcvt.s32.f32 v5  }
0x484: {  	v7 =	vcvt.s32.f32 v7  }
0x485: {  	v11 =	vmul.f32 v5, v9;
	v5 =	vadd.s32 $0x1, v8  }
0x486: {  	v9 =	vmul.f32 v7, v9;
	v5 =	vcvt.s32.f32 v5;
	_ =	sdelay $0x1  }
0x487: {  	v7 =	vadd.f32 v9, v11;
	v5 =	vmul.f32 v5, v10;
	_ =	sdelay $0x1  }
0x488: {  	v7 =	vadd.f32 v7, v5;
	_ =	sdelay $0x1  }
0x489: {  	(erf) = vrcp.f32 v7;
	_ =	sdelay $0x4  }
0x48a: {  	s3 =	sadd.s32 $0x10, s25  }
0x48b: {  	s25 =	sand.u32 $0x70, s3  }
0x48c: {  	s6 =	sshra.s32 s3, $0x1F;
	p5 =	slt.s32 s3, $0x1;
	p6 =	sne.s32 s25, $0x0  }
0x48d: {  	s7 =	simm.s32 $0x1;
	s6 =	sshrl.u32 s6, $0x19;
	p1 =	por !p5, !p6;
	v6 =	vshll.u32 v6, $0x4  }
0x48e: {  	s2 =	simm.s32 $0x1A40;
	s31 =	sadd.s32 s6, s3;
	p1 =	por !p1, !p1;
	v6 =	vadd.s32 v8, v6;
	v7 =	vpop (erf)  }
0x48f: {  	s6 =	simm.s32 $0x1A80;
	s7 =	simm.s32 @!p1 $0x0;
	s8 =	sshrl.u32 s31, $0x7;
	[tilespmem:s1+$0x10C60] =	vst v6;
	v8 =	vmul.f32 v7, v11;
	v6 =	vmul.f32 v7, v9  }
.LBB2_35:
0x490: {  	p1 =	sne.s32 s6, $0x1BC0  }
0x491: {  	s7 =	ssub.s32 s8, s7;
	v5 =	vmul.f32 v7, v5;
	s8 =	smov.u32 s6;
	s6 =	sadd.s32 $0x40, s6  }
0x492: {  	s7 =	sshll.u32 s7, $0x9;
	[tilespmem:s1+$0xF4F0] =	vst v8  }
0x493: {  	s7 =	sadd.s32 s7, s2;
	[tilespmem:s1+$0x10490] =	vst v5  }
0x494: {  	s7 =	sshra.s32 s7, $0x2;
	[tilespmem:s1+$0xFCC0] =	vst v6  }
0x495: {  	v5 =	vld.idx.msk [tilespmem:v4+s7+$0xFFFFF980 ss:$0x1], $0xffff  }
0x496: {  	v6 =	vld.idx.msk [tilespmem:v4+s7+$0xFFFFFA00 ss:$0x1], $0xffff;
	_ =	sdelay $0x6  }
0x497: {  	v5 =	vld.idx.msk [tilespmem:v5+s5+$0x0], $0xffff  }
0x498: {  	v7 =	vld.idx.msk [tilespmem:v6+s5+$0x0], $0xffff  }
0x499: {  	s1 =	sshra.s32 s2, $0x2;
	s2 =	smov.u32 s8  }
0x49a: {  	v8 =	vld.idx.msk [tilespmem:v3+s1+$0x0 ss:$0x1], $0xffff  }
0x49b: {  	v9 =	vld [tilespmem:$0x11C60];
	_ =	sdelay $0x1  }
0x49c: {  	v5 =	vadd.s32 $0x1, v5  }
0x49d: {  	v7 =	vadd.s32 $0x1, v7;
	v5 =	vcvt.s32.f32 v5;
	v10 =	vld [tilespmem:$0x11C70]  }
0x49e: {  	v6 =	vshll.u32 v6, $0x4;
	v7 =	vcvt.s32.f32 v7  }
0x49f: {  	v6 =	vadd.s32 v8, v6;
	v11 =	vmul.f32 v5, v9;
	v5 =	vadd.s32 $0x1, v8  }
0x4a0: {  	v9 =	vmul.f32 v7, v9;
	v5 =	vcvt.s32.f32 v5;
	[tilespmem:s1+$0x10C60] =	vst v6;
	_ =	sdelay $0x1  }
0x4a1: {  	v6 =	vadd.f32 v9, v11;
	v5 =	vmul.f32 v5, v10;
	_ =	sdelay $0x1  }
0x4a2: {  	v6 =	vadd.f32 v6, v5;
	_ =	sdelay $0x1  }
0x4a3: {  	(erf) = vrcp.f32 v6;
	_ =	sdelay $0x4  }
0x4a4: {  	s3 =	sadd.s32 $0x10, s3  }
.Ltmp16:
0x4a5: {  	s8 =	sshra.s32 s3, $0x1F;
	s7 =	sand.u32 $0x70, s3;
	(pc) =	sbr.rel @p1 .LBB2_35-.Ltmp16, $4  }
0x4a6: {  	p2 =	slt.s32 s3, $0x1;
	p3 =	sne.s32 s7, $0x0;
	s7 =	sshrl.u32 s8, $0x19  }
0x4a7: {  	p2 =	por !p2, !p3;
	s7 =	sadd.s32 s7, s3  }
0x4a8: {  	p2 =	por !p2, !p2;
	s8 =	sshrl.u32 s7, $0x7;
	s7 =	simm.s32 $0x1;
	v7 =	vpop (erf)  }
0x4a9: {  	s7 =	simm.s32 @!p2 $0x0;
	v8 =	vmul.f32 v7, v11;
	v6 =	vmul.f32 v7, v9  }
0x4aa: {  	s3 =	ssub.s32 s8, s7  }
0x4ab: {  	v5 =	vmul.f32 v7, v5;
	s3 =	sshll.u32 s3, $0x9;
	[tilespmem:s1+$0xF4F0] =	vst v8  }
0x4ac: {  	[tilespmem:s1+$0xFCC0] =	vst v6;
	s3 =	sadd.s32 s3, s2  }
0x4ad: {  	[tilespmem:s1+$0x10490] =	vst v5;
	s3 =	sshra.s32 s3, $0x2  }
0x4ae: {  	v5 =	vld.idx.msk [tilespmem:v4+s3+$0xFFFFF980 ss:$0x1], $0xffff  }
0x4af: {  	v4 =	vld.idx.msk [tilespmem:v4+s3+$0xFFFFFA00 ss:$0x1], $0xffff;
	_ =	sdelay $0x6  }
0x4b0: {  	v5 =	vld.idx.msk [tilespmem:v5+s5+$0x0], $0xffff  }
0x4b1: {  	s8 =	sshra.s32 s2, $0x2;
	v6 =	vld.idx.msk [tilespmem:v4+s5+$0x0], $0xffff  }
0x4b2: {  	v7 =	vld.idx.msk [tilespmem:v3+s8+$0x0 ss:$0x1], $0xffff  }
0x4b3: {  	v8 =	vld [tilespmem:$0x11C60];
	_ =	sdelay $0x1  }
0x4b4: {  	v5 =	vadd.s32 $0x1, v5  }
0x4b5: {  	v9 =	vld [tilespmem:$0x11C70];
	v6 =	vadd.s32 $0x1, v6;
	v5 =	vcvt.s32.f32 v5  }
0x4b6: {  	v6 =	vcvt.s32.f32 v6  }
0x4b7: {  	v10 =	vadd.s32 $0x1, v7;
	v5 =	vmul.f32 v5, v8  }
0x4b8: {  	v6 =	vmul.f32 v6, v8;
	v8 =	vcvt.s32.f32 v10;
	_ =	sdelay $0x1  }
0x4b9: {  	v8 =	vmul.f32 v8, v9;
	v9 =	vadd.f32 v6, v5;
	_ =	sdelay $0x1  }
0x4ba: {  	v9 =	vadd.f32 v9, v8;
	_ =	sdelay $0x1  }
0x4bb: {  	(erf) = vrcp.f32 v9;
	_ =	sdelay $0x3  }
0x4bc: {  	s16 =	sld [smem:$0x7C4];
	_ =	sdelay $0x2  }
0x4bd: {  	s17 =	sand.u32 $0x70, s16  }
0x4be: {  	s18 =	sshra.s32 s16, $0x1F;
	p1 =	slt.s32 s16, $0x1;
	p2 =	sne.s32 s17, $0x0;
	v4 =	vshll.u32 v4, $0x4  }
0x4bf: {  	s4 =	sld [smem:$0x7C6];
	s21 =	sshrl.u32 s18, $0x19;
	p1 =	por !p1, !p2;
	v4 =	vadd.s32 v7, v4;
	v9 =	vpop (erf)  }
0x4c0: {  	s2 =	simm.s32 $0x1;
	s1 =	sadd.s32 s21, s16;
	p1 =	por !p1, !p1;
	[tilespmem:s8+$0x10C60] =	vst v4;
	v4 =	vmul.f32 v9, v8  }
0x4c1: {  	s1 =	sshrl.u32 s1, $0x7;
	s2 =	simm.s32 @!p1 $0x0  }
0x4c2: {  	s1 =	ssub.s32 s1, s2;
	v5 =	vmul.f32 v9, v5;
	[tilespmem:s8+$0x10490] =	vst v4;
	v4 =	vmov s4  }
0x4c3: {  	s1 =	sshll.u32 s1, $0x9;
	v6 =	vmul.f32 v9, v6  }
0x4c4: {  	s1 =	sadd.s32 $0x1C00, s1;
	[tilespmem:s8+$0xF4F0] =	vst v5  }
0x4c5: {  	s9 =	simm.s32 $0x112E0;
	s15 =	simm.s32 $0x11AE0;
	s1 =	sshra.s32 s1, $0x2;
	[tilespmem:s8+$0xFCC0] =	vst v6  }
0x4c6: {  	[spmem:s19] =	stream.indirect.scatter.add.f32 [tilespmem:s15], [sflag:$0x2], $0x1, s9, s0, $0xb8;
	[tilespmem:$0x1DFD0] =	vst v63  }
0x4c7: {  	v5 =	vld.idx.msk [tilespmem:v4+s1+$0xFFFFF900 ss:$0x1], $0xffff  }
0x4c8: {  	v6 =	vld.idx.msk [tilespmem:v4+s1+$0xFFFFF980 ss:$0x1], $0xffff;
	_ =	sdelay $0x6  }
0x4c9: {  	v5 =	vld.idx.msk [tilespmem:v5+s5+$0x0], $0xffff  }
0x4ca: {  	v7 =	vld.idx.msk [tilespmem:v6+s5+$0x0], $0xffff  }
0x4cb: {  	v9 =	vld [tilespmem:$0x11C60];
	s1 =	simm.s32 $0x700  }
0x4cc: {  	v8 =	vld.idx.msk [tilespmem:v3+s1+$0x0 ss:$0x1], $0xffff;
	_ =	sdelay $0x1  }
0x4cd: {  	v5 =	vadd.s32 $0x1, v5  }
0x4ce: {  	v10 =	vld [tilespmem:$0x11C70];
	v7 =	vadd.s32 $0x1, v7;
	v5 =	vcvt.s32.f32 v5  }
0x4cf: {  	v7 =	vcvt.s32.f32 v7  }
0x4d0: {  	v11 =	vmul.f32 v5, v9;
	v5 =	vadd.s32 $0x1, v8  }
0x4d1: {  	v9 =	vmul.f32 v7, v9;
	v5 =	vcvt.s32.f32 v5;
	_ =	sdelay $0x1  }
0x4d2: {  	v7 =	vadd.f32 v9, v11;
	v5 =	vmul.f32 v5, v10;
	_ =	sdelay $0x1  }
0x4d3: {  	v7 =	vadd.f32 v7, v5;
	_ =	sdelay $0x1  }
0x4d4: {  	(erf) = vrcp.f32 v7;
	_ =	sdelay $0x4  }
0x4d5: {  	s3 =	sadd.s32 $0x10, s16  }
0x4d6: {  	s25 =	sand.u32 $0x70, s3  }
0x4d7: {  	s6 =	sshra.s32 s3, $0x1F;
	p5 =	slt.s32 s3, $0x1;
	p6 =	sne.s32 s25, $0x0  }
0x4d8: {  	s7 =	simm.s32 $0x1;
	s6 =	sshrl.u32 s6, $0x19;
	p1 =	por !p5, !p6;
	v6 =	vshll.u32 v6, $0x4  }
0x4d9: {  	s31 =	sadd.s32 s6, s3;
	s6 =	simm.s32 $0x1C80;
	p1 =	por !p1, !p1;
	v6 =	vadd.s32 v8, v6;
	v7 =	vpop (erf)  }
0x4da: {  	s2 =	simm.s32 $0x1C40;
	s7 =	simm.s32 @!p1 $0x0;
	s8 =	sshrl.u32 s31, $0x7;
	[tilespmem:s1+$0x10C60] =	vst v6;
	v8 =	vmul.f32 v7, v11;
	v6 =	vmul.f32 v7, v9  }
.LBB2_37:
0x4db: {  	p1 =	sne.s32 s6, $0x1DC0  }
0x4dc: {  	s7 =	ssub.s32 s8, s7;
	v5 =	vmul.f32 v7, v5;
	s8 =	smov.u32 s6;
	s6 =	sadd.s32 $0x40, s6  }
0x4dd: {  	s7 =	sshll.u32 s7, $0x9;
	[tilespmem:s1+$0xF4F0] =	vst v8  }
0x4de: {  	s7 =	sadd.s32 s7, s2;
	[tilespmem:s1+$0x10490] =	vst v5  }
0x4df: {  	s7 =	sshra.s32 s7, $0x2;
	[tilespmem:s1+$0xFCC0] =	vst v6  }
0x4e0: {  	v5 =	vld.idx.msk [tilespmem:v4+s7+$0xFFFFF900 ss:$0x1], $0xffff  }
0x4e1: {  	v6 =	vld.idx.msk [tilespmem:v4+s7+$0xFFFFF980 ss:$0x1], $0xffff;
	_ =	sdelay $0x6  }
0x4e2: {  	v5 =	vld.idx.msk [tilespmem:v5+s5+$0x0], $0xffff  }
0x4e3: {  	v7 =	vld.idx.msk [tilespmem:v6+s5+$0x0], $0xffff  }
0x4e4: {  	s1 =	sshra.s32 s2, $0x2;
	s2 =	smov.u32 s8  }
0x4e5: {  	v8 =	vld.idx.msk [tilespmem:v3+s1+$0x0 ss:$0x1], $0xffff  }
0x4e6: {  	v9 =	vld [tilespmem:$0x11C60];
	_ =	sdelay $0x1  }
0x4e7: {  	v5 =	vadd.s32 $0x1, v5  }
0x4e8: {  	v7 =	vadd.s32 $0x1, v7;
	v5 =	vcvt.s32.f32 v5;
	v10 =	vld [tilespmem:$0x11C70]  }
0x4e9: {  	v6 =	vshll.u32 v6, $0x4;
	v7 =	vcvt.s32.f32 v7  }
0x4ea: {  	v6 =	vadd.s32 v8, v6;
	v11 =	vmul.f32 v5, v9;
	v5 =	vadd.s32 $0x1, v8  }
0x4eb: {  	v9 =	vmul.f32 v7, v9;
	v5 =	vcvt.s32.f32 v5;
	[tilespmem:s1+$0x10C60] =	vst v6;
	_ =	sdelay $0x1  }
0x4ec: {  	v6 =	vadd.f32 v9, v11;
	v5 =	vmul.f32 v5, v10;
	_ =	sdelay $0x1  }
0x4ed: {  	v6 =	vadd.f32 v6, v5;
	_ =	sdelay $0x1  }
0x4ee: {  	(erf) = vrcp.f32 v6;
	_ =	sdelay $0x4  }
0x4ef: {  	s3 =	sadd.s32 $0x10, s3  }
.Ltmp17:
0x4f0: {  	s8 =	sshra.s32 s3, $0x1F;
	s7 =	sand.u32 $0x70, s3;
	(pc) =	sbr.rel @p1 .LBB2_37-.Ltmp17, $4  }
0x4f1: {  	p2 =	slt.s32 s3, $0x1;
	p3 =	sne.s32 s7, $0x0;
	s7 =	sshrl.u32 s8, $0x19  }
0x4f2: {  	p2 =	por !p2, !p3;
	s7 =	sadd.s32 s7, s3  }
0x4f3: {  	p2 =	por !p2, !p2;
	s8 =	sshrl.u32 s7, $0x7;
	s7 =	simm.s32 $0x1;
	v7 =	vpop (erf)  }
0x4f4: {  	s7 =	simm.s32 @!p2 $0x0;
	v8 =	vmul.f32 v7, v11;
	v6 =	vmul.f32 v7, v9  }
0x4f5: {  	s3 =	ssub.s32 s8, s7  }
0x4f6: {  	v5 =	vmul.f32 v7, v5;
	s3 =	sshll.u32 s3, $0x9;
	[tilespmem:s1+$0xF4F0] =	vst v8  }
0x4f7: {  	[tilespmem:s1+$0xFCC0] =	vst v6;
	s3 =	sadd.s32 s3, s2  }
0x4f8: {  	[tilespmem:s1+$0x10490] =	vst v5;
	s3 =	sshra.s32 s3, $0x2  }
0x4f9: {  	v5 =	vld.idx.msk [tilespmem:v4+s3+$0xFFFFF900 ss:$0x1], $0xffff  }
0x4fa: {  	v4 =	vld.idx.msk [tilespmem:v4+s3+$0xFFFFF980 ss:$0x1], $0xffff;
	_ =	sdelay $0x6  }
0x4fb: {  	v5 =	vld.idx.msk [tilespmem:v5+s5+$0x0], $0xffff  }
0x4fc: {  	s8 =	sshra.s32 s2, $0x2;
	v6 =	vld.idx.msk [tilespmem:v4+s5+$0x0], $0xffff  }
0x4fd: {  	v7 =	vld.idx.msk [tilespmem:v3+s8+$0x0 ss:$0x1], $0xffff  }
0x4fe: {  	v8 =	vld [tilespmem:$0x11C60];
	_ =	sdelay $0x1  }
0x4ff: {  	v5 =	vadd.s32 $0x1, v5  }
0x500: {  	v9 =	vld [tilespmem:$0x11C70];
	v6 =	vadd.s32 $0x1, v6;
	v5 =	vcvt.s32.f32 v5  }
0x501: {  	v6 =	vcvt.s32.f32 v6  }
0x502: {  	v10 =	vadd.s32 $0x1, v7;
	v5 =	vmul.f32 v5, v8  }
0x503: {  	v6 =	vmul.f32 v6, v8;
	v8 =	vcvt.s32.f32 v10;
	_ =	sdelay $0x1  }
0x504: {  	v8 =	vmul.f32 v8, v9;
	v9 =	vadd.f32 v6, v5;
	_ =	sdelay $0x1  }
0x505: {  	v9 =	vadd.f32 v9, v8;
	_ =	sdelay $0x1  }
0x506: {  	(erf) = vrcp.f32 v9;
	_ =	sdelay $0x3  }
0x507: {  	s16 =	sld [smem:$0x7C0];
	_ =	sdelay $0x2  }
0x508: {  	s17 =	sand.u32 $0x70, s16  }
0x509: {  	s18 =	sshra.s32 s16, $0x1F;
	p1 =	slt.s32 s16, $0x1;
	p2 =	sne.s32 s17, $0x0;
	v4 =	vshll.u32 v4, $0x4  }
0x50a: {  	s4 =	sld [smem:$0x7C2];
	s21 =	sshrl.u32 s18, $0x19;
	p1 =	por !p1, !p2;
	v4 =	vadd.s32 v7, v4;
	v9 =	vpop (erf)  }
0x50b: {  	s2 =	simm.s32 $0x1;
	s1 =	sadd.s32 s21, s16;
	p1 =	por !p1, !p1;
	[tilespmem:s8+$0x10C60] =	vst v4;
	v4 =	vmul.f32 v9, v8  }
0x50c: {  	s1 =	sshrl.u32 s1, $0x7;
	s2 =	simm.s32 @!p1 $0x0  }
0x50d: {  	s1 =	ssub.s32 s1, s2;
	v5 =	vmul.f32 v9, v5;
	[tilespmem:s8+$0x10490] =	vst v4;
	v4 =	vmov s4  }
0x50e: {  	s1 =	sshll.u32 s1, $0x9;
	v6 =	vmul.f32 v9, v6  }
0x50f: {  	s1 =	sadd.s32 $0x1E00, s1;
	[tilespmem:s8+$0xF4F0] =	vst v5  }
0x510: {  	s9 =	simm.s32 $0x11360;
	s15 =	simm.s32 $0x11B60;
	s1 =	sshra.s32 s1, $0x2;
	[tilespmem:s8+$0xFCC0] =	vst v6  }
0x511: {  	[spmem:s19] =	stream.indirect.scatter.add.f32 [tilespmem:s15], [sflag:$0x2], $0x1, s9, s0, $0xb8;
	[tilespmem:$0x1DFD0] =	vst v63  }
0x512: {  	v5 =	vld.idx.msk [tilespmem:v4+s1+$0xFFFFF880 ss:$0x1], $0xffff  }
0x513: {  	v6 =	vld.idx.msk [tilespmem:v4+s1+$0xFFFFF900 ss:$0x1], $0xffff;
	_ =	sdelay $0x6  }
0x514: {  	v5 =	vld.idx.msk [tilespmem:v5+s5+$0x0], $0xffff  }
0x515: {  	s2 =	simm.s32 $0x780;
	v7 =	vld.idx.msk [tilespmem:v6+s5+$0x0], $0xffff  }
0x516: {  	v8 =	vld.idx.msk [tilespmem:v3+s2+$0x0 ss:$0x1], $0xffff  }
0x517: {  	v9 =	vld [tilespmem:$0x11C60];
	_ =	sdelay $0x1  }
0x518: {  	v5 =	vadd.s32 $0x1, v5  }
0x519: {  	v10 =	vld [tilespmem:$0x11C70];
	v7 =	vadd.s32 $0x1, v7;
	v5 =	vcvt.s32.f32 v5  }
0x51a: {  	v7 =	vcvt.s32.f32 v7  }
0x51b: {  	v11 =	vmul.f32 v5, v9;
	v5 =	vadd.s32 $0x1, v8  }
0x51c: {  	v9 =	vmul.f32 v7, v9;
	v5 =	vcvt.s32.f32 v5;
	_ =	sdelay $0x1  }
0x51d: {  	v7 =	vadd.f32 v9, v11;
	v5 =	vmul.f32 v5, v10;
	_ =	sdelay $0x1  }
0x51e: {  	v7 =	vadd.f32 v7, v5;
	_ =	sdelay $0x1  }
0x51f: {  	(erf) = vrcp.f32 v7;
	_ =	sdelay $0x4  }
0x520: {  	s3 =	sadd.s32 $0x10, s16  }
0x521: {  	s25 =	sand.u32 $0x70, s3  }
0x522: {  	s6 =	sshra.s32 s3, $0x1F;
	p5 =	slt.s32 s3, $0x1;
	p6 =	sne.s32 s25, $0x0  }
0x523: {  	s7 =	simm.s32 $0x1;
	s6 =	sshrl.u32 s6, $0x19;
	p1 =	por !p5, !p6;
	v6 =	vshll.u32 v6, $0x4  }
0x524: {  	s31 =	sadd.s32 s6, s3;
	s6 =	simm.s32 $0x1E80;
	p1 =	por !p1, !p1;
	v6 =	vadd.s32 v8, v6;
	v7 =	vpop (erf)  }
0x525: {  	s7 =	simm.s32 @!p1 $0x0;
	s8 =	sshrl.u32 s31, $0x7;
	s1 =	simm.s32 $0x1E40;
	[tilespmem:s2+$0x10C60] =	vst v6;
	v8 =	vmul.f32 v7, v11;
	v6 =	vmul.f32 v7, v9  }
.LBB2_39:
0x526: {  	p1 =	sne.s32 s6, $0x1F00  }
0x527: {  	s7 =	ssub.s32 s8, s7;
	v5 =	vmul.f32 v7, v5;
	s8 =	smov.u32 s6;
	s6 =	sadd.s32 $0x40, s6  }
0x528: {  	s7 =	sshll.u32 s7, $0x9;
	[tilespmem:s2+$0xF4F0] =	vst v8  }
0x529: {  	s7 =	sadd.s32 s7, s1;
	[tilespmem:s2+$0x10490] =	vst v5  }
0x52a: {  	s7 =	sshra.s32 s7, $0x2;
	[tilespmem:s2+$0xFCC0] =	vst v6  }
0x52b: {  	v5 =	vld.idx.msk [tilespmem:v4+s7+$0xFFFFF880 ss:$0x1], $0xffff  }
0x52c: {  	v6 =	vld.idx.msk [tilespmem:v4+s7+$0xFFFFF900 ss:$0x1], $0xffff;
	_ =	sdelay $0x6  }
0x52d: {  	v5 =	vld.idx.msk [tilespmem:v5+s5+$0x0], $0xffff  }
0x52e: {  	v7 =	vld.idx.msk [tilespmem:v6+s5+$0x0], $0xffff  }
0x52f: {  	s2 =	sshra.s32 s1, $0x2;
	s1 =	smov.u32 s8  }
0x530: {  	v8 =	vld.idx.msk [tilespmem:v3+s2+$0x0 ss:$0x1], $0xffff  }
0x531: {  	v9 =	vld [tilespmem:$0x11C60];
	_ =	sdelay $0x1  }
0x532: {  	v5 =	vadd.s32 $0x1, v5  }
0x533: {  	v7 =	vadd.s32 $0x1, v7;
	v5 =	vcvt.s32.f32 v5;
	v10 =	vld [tilespmem:$0x11C70]  }
0x534: {  	v6 =	vshll.u32 v6, $0x4;
	v7 =	vcvt.s32.f32 v7  }
0x535: {  	v6 =	vadd.s32 v8, v6;
	v11 =	vmul.f32 v5, v9;
	v5 =	vadd.s32 $0x1, v8  }
0x536: {  	v9 =	vmul.f32 v7, v9;
	v5 =	vcvt.s32.f32 v5;
	[tilespmem:s2+$0x10C60] =	vst v6;
	_ =	sdelay $0x1  }
0x537: {  	v6 =	vadd.f32 v9, v11;
	v5 =	vmul.f32 v5, v10;
	_ =	sdelay $0x1  }
0x538: {  	v6 =	vadd.f32 v6, v5;
	_ =	sdelay $0x1  }
0x539: {  	(erf) = vrcp.f32 v6;
	_ =	sdelay $0x4  }
0x53a: {  	s3 =	sadd.s32 $0x10, s3  }
.Ltmp18:
0x53b: {  	s8 =	sshra.s32 s3, $0x1F;
	s7 =	sand.u32 $0x70, s3;
	(pc) =	sbr.rel @p1 .LBB2_39-.Ltmp18, $4  }
0x53c: {  	p2 =	slt.s32 s3, $0x1;
	p3 =	sne.s32 s7, $0x0;
	s7 =	sshrl.u32 s8, $0x19  }
0x53d: {  	p2 =	por !p2, !p3;
	s7 =	sadd.s32 s7, s3  }
0x53e: {  	p2 =	por !p2, !p2;
	s8 =	sshrl.u32 s7, $0x7;
	s7 =	simm.s32 $0x1;
	v7 =	vpop (erf)  }
0x53f: {  	s7 =	simm.s32 @!p2 $0x0;
	v8 =	vmul.f32 v7, v11;
	v6 =	vmul.f32 v7, v9  }
0x540: {  	s3 =	ssub.s32 s8, s7  }
0x541: {  	v5 =	vmul.f32 v7, v5;
	s3 =	sshll.u32 s3, $0x9;
	[tilespmem:s2+$0xF4F0] =	vst v8  }
0x542: {  	[tilespmem:s2+$0xFCC0] =	vst v6;
	s3 =	sadd.s32 s3, s1  }
0x543: {  	[tilespmem:s2+$0x10490] =	vst v5;
	s15 =	sshra.s32 s3, $0x2  }
0x544: {  	v5 =	vld.idx.msk [tilespmem:v4+s15+$0xFFFFF880 ss:$0x1], $0xffff  }
0x545: {  	v58 =	vld.idx.msk [tilespmem:v4+s15+$0xFFFFF900 ss:$0x1], $0xffff;
	_ =	sdelay $0x6  }
0x546: {  	v5 =	vld.idx.msk [tilespmem:v5+s5+$0x0], $0xffff  }
0x547: {  	s16 =	sshra.s32 s1, $0x2;
	v6 =	vld.idx.msk [tilespmem:v58+s5+$0x0], $0xffff  }
0x548: {  	v3 =	vld.idx.msk [tilespmem:v3+s16+$0x0 ss:$0x1], $0xffff;
	_ =	sdelay $0x1  }
0x549: {  	v59 =	vld [tilespmem:$0x11C60];
	_ =	sdelay $0x1  }
0x54a: {  	v8 =	vld [tilespmem:$0x11C70];
	v5 =	vadd.s32 $0x1, v5;
	v6 =	vadd.s32 $0x1, v6  }
0x54b: {  	v9 =	vadd.s32 $0x1, v3;
	v5 =	vcvt.s32.f32 v5;
	v6 =	vcvt.s32.f32 v6  }
0x54c: {  	v60 =	vcvt.s32.f32 v9  }
0x54d: {  	v5 =	vmul.f32 v5, v59;
	v6 =	vmul.f32 v6, v59;
	_ =	sdelay $0x1  }
0x54e: {  	v7 =	vmul.f32 v60, v8;
	v61 =	vadd.f32 v6, v5;
	_ =	sdelay $0x1  }
0x54f: {  	v8 =	vadd.f32 v61, v7;
	_ =	sdelay $0x1  }
0x550: {  	(erf) = vrcp.f32 v8;
	_ =	sdelay $0x8  }
0x551: {  	v4 =	vshll.u32 v58, $0x4;
	v8 =	vpop (erf)  }
0x552: {  	v3 =	vadd.s32 v3, v4;
	v62 =	vmul.f32 v8, v5  }
0x553: {  	s21 =	sld [smem:$0x7E6];
	[tilespmem:s16+$0x10C60] =	vst v3;
	v3 =	vmul.f32 v8, v7  }
0x554: {  	v63 =	vmul.f32 v8, v6;
	[tilespmem:s16+$0xF4F0] =	vst v62  }
0x555: {  	s17 =	simm.s32 $0x113E0;
	[tilespmem:s16+$0x10490] =	vst v3  }
0x556: {  	s18 =	simm.s32 $0x11BE0;
	s4 =	rddreg [dreg:$0x8];
	s25 =	sshrl.u32 s21, $0x3;
	[tilespmem:s16+$0xFCC0] =	vst v63  }
0x557: {  	[spmem:s19] =	stream.indirect.scatter.add.f32 [tilespmem:s18], [sflag:$0x2], $0x1, s17, s0, $0xb8;
	[tilespmem:$0x1DFD0] =	vst v63  }
0x558: {  	s6 =	rddreg [dreg:$0x9];
	s2 =	sadd.s32 s4, s25;
	s0 =	simm.s32 $0xF4F0  }
0x559: {  	[hbm4b:s2+s5] =	stream.linear.scatter [tilespmem:s0], [sflag:$0x3], $0x7D0, $0x38;
	[tilespmem:$0x1DFD0] =	vst v63  }
0x55a: {  	s7 =	simm.s32 $0xFCC0;
	s8 =	rddreg [dreg:$0xb];
	s2 =	sadd.s32 s6, s25  }
0x55b: {  	[hbm4b:s2+s5] =	stream.linear.scatter [tilespmem:s7], [sflag:$0x3], $0x7D0, $0x38;
	[tilespmem:$0x1DFD0] =	vst v63  }
0x55c: {  	s9 =	simm.s32 $0x10490;
	s1 =	sadd.s32 s8, s25;
	s15 =	simm.s32 $0x2  }
0x55d: {  	[hbm4b:s1+s5] =	stream.linear.scatter [tilespmem:s9], [sflag:$0x3], $0x7D0, $0x38;
	[tilespmem:$0x1DFD0] =	vst v63  }
0x55e: {  	_ =	swait.ge [sflag:s15], $0x80  }
0x55f: {  	[sflag:s15] =	ssyncset.done $0x0  }
0x560: {  	[sflag:s15] =	ssyncadd.s32 $0xFFFFFF80  }
0x561: {  	_ =	swait.ge [sflag:s15], $0x80  }
0x562: {  	[sflag:s15] =	ssyncset.done $0x0  }
0x563: {  	[sflag:s15] =	ssyncadd.s32 $0xFFFFFF80  }
0x564: {  	_ =	swait.ge [sflag:s15], $0x80  }
0x565: {  	[sflag:s15] =	ssyncset.done $0x0  }
0x566: {  	[sflag:s15] =	ssyncadd.s32 $0xFFFFFF80  }
0x567: {  	_ =	swait.ge [sflag:s15], $0x80  }
0x568: {  	[sflag:s15] =	ssyncset.done $0x0  }
0x569: {  	[sflag:s15] =	ssyncadd.s32 $0xFFFFFF80  }
0x56a: {  	_ =	swait.ge [sflag:s15], $0x80  }
0x56b: {  	[sflag:s15] =	ssyncset.done $0x0  }
0x56c: {  	[sflag:s15] =	ssyncadd.s32 $0xFFFFFF80  }
0x56d: {  	_ =	swait.ge [sflag:s15], $0x80  }
0x56e: {  	[sflag:s15] =	ssyncset.done $0x0  }
0x56f: {  	[sflag:s15] =	ssyncadd.s32 $0xFFFFFF80  }
0x570: {  	_ =	swait.ge [sflag:s15], $0x80  }
0x571: {  	[sflag:s15] =	ssyncset.done $0x0  }
0x572: {  	[sflag:s15] =	ssyncadd.s32 $0xFFFFFF80  }
0x573: {  	_ =	swait.ge [sflag:s15], $0x80  }
0x574: {  	[sflag:s15] =	ssyncset.done $0x0  }
0x575: {  	[sflag:s15] =	ssyncadd.s32 $0xFFFFFF80  }
0x576: {  	_ =	swait.ge [sflag:s15], $0x80  }
0x577: {  	[sflag:s15] =	ssyncset.done $0x0  }
0x578: {  	[sflag:s15] =	ssyncadd.s32 $0xFFFFFF80  }
0x579: {  	_ =	swait.ge [sflag:s15], $0x80  }
0x57a: {  	[sflag:s15] =	ssyncset.done $0x0  }
0x57b: {  	[sflag:s15] =	ssyncadd.s32 $0xFFFFFF80  }
0x57c: {  	_ =	swait.ge [sflag:s15], $0x80  }
0x57d: {  	[sflag:s15] =	ssyncset.done $0x0  }
0x57e: {  	[sflag:s15] =	ssyncadd.s32 $0xFFFFFF80  }
0x57f: {  	_ =	swait.ge [sflag:s15], $0x80  }
0x580: {  	[sflag:s15] =	ssyncset.done $0x0  }
0x581: {  	[sflag:s15] =	ssyncadd.s32 $0xFFFFFF80  }
0x582: {  	_ =	swait.ge [sflag:s15], $0x80  }
0x583: {  	[sflag:s15] =	ssyncset.done $0x0  }
0x584: {  	[sflag:s15] =	ssyncadd.s32 $0xFFFFFF80  }
0x585: {  	_ =	swait.ge [sflag:s15], $0x80  }
0x586: {  	[sflag:s15] =	ssyncset.done $0x0  }
0x587: {  	[sflag:s15] =	ssyncadd.s32 $0xFFFFFF80  }
0x588: {  	_ =	swait.ge [sflag:s15], $0x80  }
0x589: {  	[sflag:s15] =	ssyncset.done $0x0  }
0x58a: {  	[sflag:s15] =	ssyncadd.s32 $0xFFFFFF80  }
0x58b: {  	_ =	swait.ge [sflag:s15], $0x80  }
0x58c: {  	[sflag:s15] =	ssyncset.done $0x0  }
0x58d: {  	s16 =	simm.s32 $0x3;
	[sflag:s15] =	ssyncadd.s32 $0xFFFFFF80  }
0x58e: {  	_ =	swait.ge [sflag:s16], $0x7D0  }
0x58f: {  	[sflag:s16] =	ssyncset.done $0x0  }
0x590: {  	[sflag:s16] =	ssyncadd.s32 $0xFFFFF830  }
0x591: {  	_ =	swait.ge [sflag:s16], $0x7D0  }
0x592: {  	[sflag:s16] =	ssyncset.done $0x0  }
0x593: {  	[sflag:s16] =	ssyncadd.s32 $0xFFFFF830  }
0x594: {  	_ =	swait.ge [sflag:s16], $0x7D0  }
0x595: {  	s23 =	sadd.s32 $0x7D0, s23;
	s17 =	sld [smem:$0x7BD]  }
0x596: {  	[smem:$0x7EA] =	sst s23  }
0x597: {  	s18 =	sld [smem:$0x7DB]  }
0x598: {  	s21 =	sld [smem:$0x7DA]  }
0x599: {  	s8 =	sadd.s32 $0x7D0, s28;
	s28 =	sld [smem:$0x7E3]  }
0x59a: {  	s26 =	sadd.s32 $0x7D0, s26;
	s25 =	sld [smem:$0x7D9]  }
0x59b: {  	[smem:$0x7E9] =	sst s26  }
0x59c: {  	s20 =	sadd.s32 $0x7D0, s20;
	s3 =	sld [smem:$0x7D8]  }
0x59d: {  	[smem:$0x7E8] =	sst s20  }
0x59e: {  	s4 =	sld [smem:$0x7D7]  }
0x59f: {  	s6 =	sld [smem:$0x7E1]  }
0x5a0: {  	s31 =	sld [smem:$0x7E0]  }
0x5a1: {  	p0 =	por !p0, !p0;
	s10 =	sadd.s32 $0x7D0, s10;
	s15 =	sld [smem:$0x7DC]  }
0x5a2: {  	p1 =	sne.s32 s11, $0x19;
	[sflag:s16] =	ssyncset.done $0x0;
	s7 =	sld [smem:$0x7E7]  }
0x5a3: {  	s30 =	sadd.s32 $0x7D0, s30;
	[sflag:s16] =	ssyncadd.s32 $0xFFFFF830;
	s16 =	sld [smem:$0x7D6]  }
0x5a4: {  	s13 =	sadd.s32 $0x7D0, s13;
	s2 =	sadd.s32 $0x7D0, s17;
	s17 =	sld [smem:$0x7D5]  }
0x5a5: {  	s19 =	sadd.s32 $0x7D0, s14;
	s23 =	sadd.s32 $0x7D0, s18;
	s18 =	sld [smem:$0x7DE]  }
0x5a6: {  	s9 =	sadd.s32 $0x7D0, s24;
	s24 =	sadd.s32 $0x7D0, s21;
	s21 =	sld [smem:$0x7D4]  }
0x5a7: {  	s1 =	sadd.s32 $0x7D0, s25;
	s20 =	sadd.s32 $0x7D0, s4;
	s4 =	sld [smem:$0x7D1]  }
0x5a8: {  	s26 =	sadd.s32 $0x7D0, s3;
	s3 =	sadd.s32 $0x7D0, s7;
	s25 =	sld [smem:$0x7CD]  }
0x5a9: {  	s7 =	sadd.s32 $0x7D0, s22;
	s22 =	sadd.s32 $0x7D0, s29;
	s29 =	sld [smem:$0x7C3]  }
0x5aa: {  	s14 =	sadd.s32 $0x7D0, s6;
	s6 =	sadd.s32 $0x7D0, s12;
	s12 =	sld [smem:$0x7C5]  }
.Ltmp19:
0x5ab: {  	s28 =	sadd.s32 $0x7D0, s28;
	[smem:$0x7E7] =	sst s3;
	(pc) =	sbr.rel @p1 .LBB2_8-.Ltmp19, $4  }
0x5ac: {  	s31 =	sadd.s32 $0x7D0, s31;
	s3 =	sadd.s32 $0x7D0, s25;
	s25 =	sld [smem:$0x7C7]  }
0x5ad: {  	s15 =	sadd.s32 $0x7D0, s15;
	s16 =	sadd.s32 $0x7D0, s16;
	s17 =	sadd.s32 $0x7D0, s17  }
0x5ae: {  	s18 =	sadd.s32 $0x7D0, s18;
	s21 =	sadd.s32 $0x7D0, s21;
	s4 =	sadd.s32 $0x7D0, s4  }
0x5af: {  	s29 =	sadd.s32 $0x7D0, s29;
	s12 =	sadd.s32 $0x7D0, s12;
	s25 =	sadd.s32 $0x7D0, s25  }
0x5b0: {  	[bflag:$0x0] =	sbarrier.arrive $0xFFFF  }
0x5b1: {  	s1 =	stileid.u32;
	s3 =	sld [smem:$0x7ED]  }
0x5b2: {  	s1 =	sshll.u32 s1, $0x6  }
0x5b3: {  	s4 =	simm.s32 $0x4;
	s2 =	rddreg [dreg:$0xf];
	s1 =	sor.u32 $0x1C04, s1  }
0x5b4: {  	[hbm:s2], [sflag:s1] =	dma.local [spmem:s3], $0x186A  }
0x5b5: {  	_ =	swait.ge [sflag:s4], $0x186A  }
0x5b6: {  	s30 =	sld [smem:$0x7EB];
	_ =	sdelay $0x2  }
0x5b7: {  	s31 =	rddreg [dreg:$0x10];
	s2 =	sadd.s32 $0x1, s30  }
0x5b8: {  	p0 =	sne.s32 s2, s31  }
.Ltmp20:
0x5b9: {  	_ = 	snop;
	(pc) =	sbr.rel @p0 .LBB2_1-.Ltmp20, $3  }
0x5ba: {  	_ =	sdelay $0x1  }
0x5bb: {  	[sflag:s4] =	ssyncset.done $0x0;
	s12 =	sld [smem:$0x7FD]  }
0x5bc: {  	[sflag:s4] =	ssyncadd.s32 $0xFFFFE796  }
0x5bd: {  	_ =	sfence.sel $0x180000  }
0x5be: {  	[bflag:$0x0] =	sbarrier.arrive $0xFFFF  }
0x5bf: {  	_ =	strace $0x9000004A  }
0x5c0: {  	s0 =	stileid.u32;
	[bflag:$0x2] =	sbarrier.arrive $0xFFFF  }
0x5c1: {  	p0 =	sne.s32 s0, $0x0;
	s0 =	rddreg [dreg:$0x6]  }
0x5c2: {  	s0 =	sadd.s32 @!p0 $0x100000, s0  }
0x5c3: {  	[sflag:s0] =	ssyncadd.tile.s32 @!p0 $0x1;
	_ =	shalt  }
.Lfunc_end2:
_tile_overlayer_lowered:
.L_overlay_start_2:
0x5c4: {  	(tag) =	ssettag $0x2  }
0x5c5: {  	s0 =	rddreg [dreg:$0x0];
	s2 =	stileid.u32  }
0x5c6: {  	s1 =	rddreg [dreg:$0x1];
	p0 =	sne.s32 s2, $0x0  }
0x5c7: {  	s3 =	rddreg [dreg:$0x2];
	[bflag:$0x3] =	sbarrier.arrive $0xFFFF;
	s2 =	simm.s32 @!p0 $0x1C04  }
0x5c8: {  	[timem:s3], [sflag:s2] =	dma.local @!p0 [hbm:s0], s1  }
0x5c9: {  	s0 =	simm.s32 @!p0 $0x4  }
0x5ca: {  	_ =	swait.ge @!p0 [sflag:s0], s1  }
0x5cb: {  	s1 =	ssub.s32 @!p0 $0x0, s1;
	[sflag:s0] =	ssyncset.done @!p0 $0x0  }
0x5cc: {  	[sflag:s0] =	ssyncadd.s32 @!p0 s1  }
0x5cd: {  	[bflag:$0x3] =	sbarrier.arrive $0xFFFF  }
0x5ce: {  	_ =	shalt  }

</sc_bundles>
